<compile_context>
chip_gen: v7x
topology: tpu7x:2x2x1
jax: 0.10.2.dev20260603
libtpu: 0.0.44.dev20260713+nightly
codegen_flags: <defaults>
</compile_context>

<pallas_src>
import functools

import jax
import jax.numpy as jnp
from jax import lax
from jax.experimental import pallas as pl
from jax.experimental.pallas import tpu as pltpu
from jax.experimental.pallas import tpu_sc as plsc

N = 10000
E = 320000
D = 128
B = 64
ED = 3 * D

NC = 2
NS = 16
NW = NC * NS
EW = E // NW
K = 80
NCHUNK = EW // K
DH = D // NC
ET = E // NS
NCH2 = ET // K
NB = 5
NRND = NCH2 // NB
NP = 10240
RPT = NP // NS
ZR = 128

_f32 = jnp.float32


def _sc_mesh():
    return plsc.VectorSubcoreMesh(
        core_axis_name="c", subcore_axis_name="s", num_cores=NC, num_subcores=NS
    )


def _zero_vmem_2d(ref, nrows, ncols):
    z = jnp.zeros((16,), _f32)

    @pl.loop(0, nrows)
    def _(i):
        for j in range(ncols // 16):
            ref[i, pl.ds(j * 16, 16)] = z


@functools.cache
def _sc_degree_kernel():
    return functools.partial(
        pl.kernel,
        out_type=jax.ShapeDtypeStruct((NW, NP), _f32),
        mesh=_sc_mesh(),
        scratch_types=[
            pltpu.VMEM((NCHUNK, K), jnp.int32),
            pltpu.VMEM((NP,), _f32),
        ],
        compiler_params=pltpu.CompilerParams(needs_layout_passes=False),
    )(_sc_degree_body)


def _sc_degree(ei4d):
    return _sc_degree_kernel()(ei4d)


def _sc_degree_body(ei_hbm, out_hbm, didx, hist):
    c = lax.axis_index("c")
    s = lax.axis_index("s")
    wid = c * NS + s

    pltpu.sync_copy(ei_hbm.at[1, wid], didx)

    z = jnp.zeros((16,), _f32)

    @pl.loop(0, NP // 16)
    def _(i):
        hist[pl.ds(i * 16, 16)] = z

    one = jnp.ones((16,), _f32)

    @pl.loop(0, NCHUNK)
    def _(i):
        for j in range(K // 16):
            d16 = didx[i, pl.ds(j * 16, 16)]
            plsc.addupdate_scatter(hist, [d16], one)

    pltpu.sync_copy(hist, out_hbm.at[wid])


@functools.cache
def _sc_scatter_kernel():
    return functools.partial(
        pl.kernel,
        out_type=jax.ShapeDtypeStruct((NC, NP, DH), _f32),
        mesh=_sc_mesh(),
        scratch_types=[
            pltpu.VMEM((NCH2, K), jnp.int32),
            pltpu.VMEM((NCH2, K), jnp.int32),
            pltpu.VMEM((NB, K, DH), _f32),
            pltpu.VMEM((ZR, DH), _f32),
            pltpu.VMEM_SHARED((NP, DH), _f32),
        ] + [pltpu.SemaphoreType.DMA] * NB,
        compiler_params=pltpu.CompilerParams(use_tc_tiling_on_sc=False),
    )(_sc_scatter_body)


def _sc_scatter(ei4, m2):
    return _sc_scatter_kernel()(ei4, m2)


def _sc_scatter_body(ei_hbm, m_hbm, out_hbm, sidx, didx, rows,
                     zbuf, acc, *sems):
    c = lax.axis_index("c")
    s = lax.axis_index("s")

    pltpu.sync_copy(ei_hbm.at[0, s], sidx)
    pltpu.sync_copy(ei_hbm.at[1, s], didx)

    _zero_vmem_2d(zbuf, ZR, DH)

    @pl.loop(0, RPT // ZR)
    def _(t):
        pltpu.sync_copy(zbuf, acc.at[pl.ds(s * RPT + t * ZR, ZR)])

    plsc.subcore_barrier()

    for i in range(NB):
        pltpu.async_copy(m_hbm.at[c].at[sidx.at[i]], rows.at[i], sems[i])

    @pl.loop(0, NRND)
    def _(t):
        for i in range(NB):
            j = t * NB + i
            pltpu.make_async_copy(m_hbm.at[c].at[sidx.at[0]],
                                  rows.at[i], sems[i]).wait()
            pltpu.async_copy(rows.at[i], acc.at[didx.at[j]], sems[i],
                             add=True)
            pltpu.make_async_copy(m_hbm.at[c].at[sidx.at[0]],
                                  rows.at[i], sems[i]).wait()
            jn = j + NB

            @pl.when(jn < NCH2)
            def _():
                pltpu.async_copy(m_hbm.at[c].at[sidx.at[jn]],
                                 rows.at[i], sems[i])

    plsc.subcore_barrier()
    pltpu.sync_copy(acc.at[pl.ds(s * RPT, RPT)], out_hbm.at[c, pl.ds(s * RPT, RPT)])


def _dot(a, b):
    return jnp.dot(a, b)


def _expproj(t):
    n = jnp.maximum(jnp.sqrt(jnp.sum(t * t, axis=1, keepdims=True)), 1e-15)
    y = jnp.tanh(n) * t / n
    n2 = jnp.maximum(jnp.sqrt(jnp.sum(y * y, axis=1, keepdims=True)), 1e-15)
    maxn = 1.0 - 4e-3
    return jnp.where(n2 > maxn, y * (maxn / n2), y)


R = 2000
G = N // R
RD = 1024
GD = NP // RD


def _tc_dinv_body(hist_ref, dinv_ref):
    ones = jnp.ones((NW, 1), _f32)
    deg = lax.dot_general(hist_ref[...], ones, (((0,), (0,)), ((), ())),
                          precision=lax.Precision.HIGHEST,
                          preferred_element_type=_f32)
    dinv_ref[...] = lax.rsqrt(deg + 1.0)


def _tc_dinv(hist):
    return pl.pallas_call(
        _tc_dinv_body,
        grid=(GD,),
        in_specs=[pl.BlockSpec((NW, RD), lambda i: (0, i))],
        out_specs=pl.BlockSpec((RD, 1), lambda i: (i, 0)),
        out_shape=jax.ShapeDtypeStruct((NP, 1), _f32),
    )(hist)


def _tc_pre_body(x_ref, dinv_ref, w1_ref, m1_ref):
    x = x_ref[...]
    n = jnp.maximum(jnp.sqrt(jnp.sum(x * x, axis=1, keepdims=True)), 1e-15)
    z = jnp.clip(n, -1.0 + 1e-7, 1.0 - 1e-7)
    artanh = 0.5 * jnp.log((1.0 + z) / (1.0 - z))
    h0 = artanh * x / n
    mh = dinv_ref[...] * _dot(h0, w1_ref[...])
    m1_ref[0] = mh[:, :DH]
    m1_ref[1] = mh[:, DH:]


def _tc_pre(x, dinv, W1):
    return pl.pallas_call(
        _tc_pre_body,
        grid=(G,),
        in_specs=[
            pl.BlockSpec((R, D), lambda i: (i, 0)),
            pl.BlockSpec((R, 1), lambda i: (i, 0)),
            pl.BlockSpec((D, D), lambda i: (0, 0)),
        ],
        out_specs=pl.BlockSpec((NC, R, DH), lambda i: (0, i, 0)),
        out_shape=jax.ShapeDtypeStruct((NC, N, DH), _f32),
    )(x, dinv, W1)


def _cat2(r):
    return jnp.concatenate([r[0], r[1]], axis=1)


def _tc_layer_body(acc_ref, m_ref, dinv_ref, w_ref, h_ref, mn_ref):
    dinv = dinv_ref[...]
    h = jnp.maximum(dinv * (_cat2(acc_ref) + _cat2(m_ref)), 0.0)
    h_ref[...] = h
    mh = dinv * _dot(h, w_ref[...])
    mn_ref[0] = mh[:, :DH]
    mn_ref[1] = mh[:, DH:]


def _tc_layer(acc, m, dinv, Wn):
    return pl.pallas_call(
        _tc_layer_body,
        grid=(G,),
        in_specs=[
            pl.BlockSpec((NC, R, DH), lambda i: (0, i, 0)),
            pl.BlockSpec((NC, R, DH), lambda i: (0, i, 0)),
            pl.BlockSpec((R, 1), lambda i: (i, 0)),
            pl.BlockSpec((D, D), lambda i: (0, 0)),
        ],
        out_specs=[
            pl.BlockSpec((R, D), lambda i: (i, 0)),
            pl.BlockSpec((NC, R, DH), lambda i: (0, i, 0)),
        ],
        out_shape=[
            jax.ShapeDtypeStruct((N, D), _f32),
            jax.ShapeDtypeStruct((NC, N, DH), _f32),
        ],
    )(acc, m, dinv, Wn)


def _tc_final_body(acc_ref, m_ref, dinv_ref, h1_ref, h2_ref, b_ref, p1_ref,
                   p2_ref, hypn_ref, gtan_ref, hypg_ref):
    i = pl.program_id(0)

    @pl.when(i < G)
    def _():
        dinv = dinv_ref[...]
        h3 = jnp.maximum(dinv * (_cat2(acc_ref) + _cat2(m_ref)), 0.0)
        ncat = jnp.concatenate([h1_ref[...], h2_ref[...], h3], axis=1)
        t = _dot(jnp.maximum(_dot(ncat, p1_ref[...]), 0.0), p2_ref[...])
        hypn_ref[...] = _expproj(t)

        b = b_ref[0]
        rows = lax.broadcasted_iota(jnp.int32, (B, R), 0)
        oh = (rows == b).astype(_f32)
        gpart = _dot(oh, ncat)

        @pl.when(i == 0)
        def _():
            gtan_ref[...] = gpart

        @pl.when(i > 0)
        def _():
            gtan_ref[...] += gpart

    @pl.when(i == G)
    def _():
        g = gtan_ref[...]
        tg = _dot(jnp.maximum(_dot(g, p1_ref[...]), 0.0), p2_ref[...])
        hypg_ref[...] = _expproj(tg)


def _tc_final(acc, m3, dinv, h1, h2, batch3, P1, P2):
    cl = lambda i: jnp.minimum(i, G - 1)
    return pl.pallas_call(
        _tc_final_body,
        grid=(G + 1,),
        in_specs=[
            pl.BlockSpec((NC, R, DH), lambda i: (0, cl(i), 0)),
            pl.BlockSpec((NC, R, DH), lambda i: (0, cl(i), 0)),
            pl.BlockSpec((R, 1), lambda i: (cl(i), 0)),
            pl.BlockSpec((R, D), lambda i: (cl(i), 0)),
            pl.BlockSpec((R, D), lambda i: (cl(i), 0)),
            pl.BlockSpec((1, 1, R), lambda i: (cl(i), 0, 0)),
            pl.BlockSpec((ED, ED), lambda i: (0, 0)),
            pl.BlockSpec((ED, ED), lambda i: (0, 0)),
        ],
        out_specs=[
            pl.BlockSpec((R, ED), lambda i: (cl(i), 0)),
            pl.BlockSpec((B, ED), lambda i: (0, 0)),
            pl.BlockSpec((B, ED), lambda i: (0, 0)),
        ],
        out_shape=[
            jax.ShapeDtypeStruct((N, ED), _f32),
            jax.ShapeDtypeStruct((B, ED), _f32),
            jax.ShapeDtypeStruct((B, ED), _f32),
        ],
    )(acc, m3, dinv, h1, h2, batch3, P1, P2)


def _tc_head_body(g_ref, p1_ref, p2_ref, out_ref):
    t = _dot(jnp.maximum(_dot(g_ref[...], p1_ref[...]), 0.0), p2_ref[...])
    out_ref[...] = _expproj(t)


def _tc_head(gtan, P1, P2):
    return pl.pallas_call(
        _tc_head_body,
        out_shape=jax.ShapeDtypeStruct((B, ED), _f32),
    )(gtan, P1, P2)


def kernel(x, edge_index, batch, W1, W2, W3, P1, P2):
    ei4 = edge_index.reshape(2, NS, NCH2, K)
    ei4d = edge_index.reshape(2, NW, NCHUNK, K)
    batch3 = batch.reshape(G, 1, R)

    hist = _sc_degree(ei4d)
    dinv = _tc_dinv(hist)
    m1 = _tc_pre(x, dinv, W1)
    acc1 = _sc_scatter(ei4, m1)
    h1, m2 = _tc_layer(acc1, m1, dinv, W2)
    acc2 = _sc_scatter(ei4, m2)
    h2, m3 = _tc_layer(acc2, m2, dinv, W3)
    acc3 = _sc_scatter(ei4, m3)
    hyp_n, _gtan, hyp_g = _tc_final(acc3, m3, dinv, h1, h2, batch3, P1, P2)
    return (hyp_g, hyp_n)

# --- scband reference (transcript-rebuilt; emitter-appended) ---
"""Pipeline reference for scband-hyperbolic-graph-convolution-8770323218936 (READ-ONLY COPY).

The authoritative reference and input builder live on the scoring server;
editing this copy changes nothing except your own understanding.
"""

import jax, jax.numpy as jnp
import numpy as np

N = 10000
E = 320000
D = 128
L = 3
B = 64
C = 1.0
ED = L * D


def _artanh(x):
    x = jnp.clip(x, -1.0 + 1e-7, 1.0 - 1e-7)
    return jnp.arctanh(x)


def _logmap0(x, c):
    sc = c ** 0.5
    n = jnp.clip(jnp.linalg.norm(x, axis=-1, keepdims=True), 1e-15)
    return _artanh(sc * n) * x / (sc * n)


def _expmap0(u, c):
    sc = c ** 0.5
    n = jnp.clip(jnp.linalg.norm(u, axis=-1, keepdims=True), 1e-15)
    return jnp.tanh(sc * n) * u / (sc * n)


def _proj(x, c):
    sc = c ** 0.5
    maxn = (1.0 - 4e-3) / sc
    n = jnp.clip(jnp.linalg.norm(x, axis=-1, keepdims=True), 1e-15)
    return jnp.where(n > maxn, x * (maxn / n), x)


def _gcn(h, W, src, dst, n_nodes):
    h = h @ W
    loop = jnp.arange(n_nodes, dtype=src.dtype)
    s = jnp.concatenate([src, loop])
    d = jnp.concatenate([dst, loop])
    deg = jax.ops.segment_sum(jnp.ones_like(d, dtype=h.dtype), d, num_segments=n_nodes)
    dinv = jnp.where(deg > 0, deg ** -0.5, 0.0)
    msg = h[s] * (dinv[s] * dinv[d])[:, None]
    return jax.ops.segment_sum(msg, d, num_segments=n_nodes)


def setup_inputs(seed: int = 0):
    key = jax.random.key(seed)
    ks = jax.random.split(key, 8)
    x = jax.random.normal(ks[0], (N, D), dtype=jnp.float32)
    edge_index = jax.random.randint(ks[1], (2, E), 0, N, dtype=jnp.int32)
    batch = jnp.sort(jax.random.randint(ks[2], (N,), 0, B, dtype=jnp.int32))
    W1 = jax.random.normal(ks[3], (D, D), dtype=jnp.float32) / np.sqrt(D)
    W2 = jax.random.normal(ks[4], (D, D), dtype=jnp.float32) / np.sqrt(D)
    W3 = jax.random.normal(ks[5], (D, D), dtype=jnp.float32) / np.sqrt(D)
    P1 = jax.random.normal(ks[6], (ED, ED), dtype=jnp.float32) / np.sqrt(ED)
    P2 = jax.random.normal(ks[7], (ED, ED), dtype=jnp.float32) / np.sqrt(ED)
    return {"x": x, "edge_index": edge_index, "batch": batch, "W1": W1, "W2": W2, "W3": W3, "P1": P1, "P2": P2}


def reference(x, edge_index, batch, W1, W2, W3, P1, P2):
    # Hyperbolic graph convolution: log-map to tangent space, stacked GCN
    # aggregation (bias-free per init_emb), concat readout, shared projection
    # head (Linear-ReLU-Linear, no bias), then exp-map back + manifold proj.
    src, dst = edge_index[0], edge_index[1]
    h = _logmap0(x, C)
    xs = []
    for W in (W1, W2, W3):
        h = jax.nn.relu(_gcn(h, W, src, dst, N))
        xs.append(h)
    g_tan = jnp.concatenate([jax.ops.segment_sum(xi, batch, num_segments=B) for xi in xs], axis=1)
    n_tan = jnp.concatenate(xs, axis=1)
    g_proj = jax.nn.relu(g_tan @ P1) @ P2
    n_proj = jax.nn.relu(n_tan @ P1) @ P2
    hyp_g = _proj(_expmap0(g_proj, C), C)
    hyp_n = _proj(_expmap0(n_proj, C), C)
    return (hyp_g, hyp_n)

if __name__ == "__main__":
    import jax
    _d = setup_inputs()
    print(jax.jit(kernel)(*tuple(_d.values())))

</pallas_src>

<mosaic_0001>
#map = affine_map<(d0, d1) -> (0, 0, 0, 0)>
#map1 = affine_map<(d0, d1) -> (0, 0, 0)>
module attributes {stable_mosaic.version = 14 : i64} {
  func.func @_sc_scatter_body(%arg0: i32, %arg1: i32, %arg2: memref<2x16x250x80xi32, #tpu.memory_space<hbm>>, %arg3: memref<2x10000x64xf32, #tpu.memory_space<hbm>>, %arg4: memref<2x10240x64xf32, #tpu.memory_space<hbm>>, %arg5: memref<250x80xi32, #tpu.memory_space<vmem>>, %arg6: memref<250x80xi32, #tpu.memory_space<vmem>>, %arg7: memref<5x80x64xf32, #tpu.memory_space<vmem>>, %arg8: memref<128x64xf32, #tpu.memory_space<vmem>>, %arg9: memref<10240x64xf32, #tpu.memory_space<vmem_shared>>, %arg10: memref<!tpu.dma_semaphore, #tpu.memory_space<semaphore_mem>>, %arg11: memref<!tpu.dma_semaphore, #tpu.memory_space<semaphore_mem>>, %arg12: memref<!tpu.dma_semaphore, #tpu.memory_space<semaphore_mem>>, %arg13: memref<!tpu.dma_semaphore, #tpu.memory_space<semaphore_mem>>, %arg14: memref<!tpu.dma_semaphore, #tpu.memory_space<semaphore_mem>>) attributes {dimension_semantics = [#tpu.dimension_semantics<core_parallel>, #tpu.dimension_semantics<subcore_parallel>], iteration_bounds = array<i64: 2, 16>, scalar_prefetch = 0 : i64, scratch_operands = 10 : i64, tpu.core_type = #tpu.core_type<sc_vector_subcore>, window_params = [{transform_indices = #map}, {transform_indices = #map1}, {transform_indices = #map1}]} {
    %run_scoped3A = arith.constant 0 : i32
    "tpu.region"() ({
      %run_scoped3A_99 = tpu.sem_alloc : memref<!tpu.dma_semaphore, #tpu.memory_space<semaphore_mem>>
      %dma_start3A_100 = arith.constant 0 : i32
      %dma_start3A_101 = arith.constant 0 : i32
      %dma_start3A_102 = tpu.memref_slice %arg2[%run_scoped3A, %arg1, %dma_start3A_100, %dma_start3A_101] : memref<2x16x250x80xi32, #tpu.memory_space<hbm>> -> memref<1x1x250x80xi32, #tpu.memory_space<hbm>>
      %dma_start3A_103 = tpu.memref_squeeze %dma_start3A_102 : memref<1x1x250x80xi32, #tpu.memory_space<hbm>> -> memref<250x80xi32, #tpu.memory_space<hbm>>
      %dma_start3A_104 = arith.constant 0 : i32
      %dma_start3A_105 = arith.constant 0 : i32
      %dma_start3A_106 = tpu.memref_slice %arg2[%run_scoped3A, %arg1, %dma_start3A_104, %dma_start3A_105] : memref<2x16x250x80xi32, #tpu.memory_space<hbm>> -> memref<1x1x250x80xi32, #tpu.memory_space<hbm>>
      %dma_start3A_107 = tpu.memref_squeeze %dma_start3A_106 : memref<1x1x250x80xi32, #tpu.memory_space<hbm>> -> memref<250x80xi32, #tpu.memory_space<hbm>>
      tpu.enqueue_dma source(%dma_start3A_107 : memref<250x80xi32, #tpu.memory_space<hbm>>) target(%arg5 : memref<250x80xi32, #tpu.memory_space<vmem>>) target_semaphore(%run_scoped3A_99 : memref<!tpu.dma_semaphore, #tpu.memory_space<semaphore_mem>>)
      %dma_wait3A = arith.constant 0 : i32
      %dma_wait3A_108 = arith.constant 0 : i32
      %dma_wait3A_109 = tpu.memref_slice %arg2[%run_scoped3A, %arg1, %dma_wait3A, %dma_wait3A_108] : memref<2x16x250x80xi32, #tpu.memory_space<hbm>> -> memref<1x1x250x80xi32, #tpu.memory_space<hbm>>
      %dma_wait3A_110 = tpu.memref_squeeze %dma_wait3A_109 : memref<1x1x250x80xi32, #tpu.memory_space<hbm>> -> memref<250x80xi32, #tpu.memory_space<hbm>>
      %dma_wait3A_111 = arith.constant 0 : i32
      %dma_wait3A_112 = arith.constant 0 : i32
      %dma_wait3A_113 = tpu.memref_slice %arg2[%run_scoped3A, %arg1, %dma_wait3A_111, %dma_wait3A_112] : memref<2x16x250x80xi32, #tpu.memory_space<hbm>> -> memref<1x1x250x80xi32, #tpu.memory_space<hbm>>
      %dma_wait3A_114 = tpu.memref_squeeze %dma_wait3A_113 : memref<1x1x250x80xi32, #tpu.memory_space<hbm>> -> memref<250x80xi32, #tpu.memory_space<hbm>>
      tpu.wait_dma2 semaphore(%run_scoped3A_99 : memref<!tpu.dma_semaphore, #tpu.memory_space<semaphore_mem>>) src(%dma_wait3A_114 : memref<250x80xi32, #tpu.memory_space<hbm>>) dst(%arg5 : memref<250x80xi32, #tpu.memory_space<vmem>>)
      tpu.yield
    }) : () -> ()
    %run_scoped3A_0 = arith.constant 1 : i32
    "tpu.region"() ({
      %run_scoped3A_99 = tpu.sem_alloc : memref<!tpu.dma_semaphore, #tpu.memory_space<semaphore_mem>>
      %dma_start3A_100 = arith.constant 0 : i32
      %dma_start3A_101 = arith.constant 0 : i32
      %dma_start3A_102 = tpu.memref_slice %arg2[%run_scoped3A_0, %arg1, %dma_start3A_100, %dma_start3A_101] : memref<2x16x250x80xi32, #tpu.memory_space<hbm>> -> memref<1x1x250x80xi32, #tpu.memory_space<hbm>>
      %dma_start3A_103 = tpu.memref_squeeze %dma_start3A_102 : memref<1x1x250x80xi32, #tpu.memory_space<hbm>> -> memref<250x80xi32, #tpu.memory_space<hbm>>
      %dma_start3A_104 = arith.constant 0 : i32
      %dma_start3A_105 = arith.constant 0 : i32
      %dma_start3A_106 = tpu.memref_slice %arg2[%run_scoped3A_0, %arg1, %dma_start3A_104, %dma_start3A_105] : memref<2x16x250x80xi32, #tpu.memory_space<hbm>> -> memref<1x1x250x80xi32, #tpu.memory_space<hbm>>
      %dma_start3A_107 = tpu.memref_squeeze %dma_start3A_106 : memref<1x1x250x80xi32, #tpu.memory_space<hbm>> -> memref<250x80xi32, #tpu.memory_space<hbm>>
      tpu.enqueue_dma source(%dma_start3A_107 : memref<250x80xi32, #tpu.memory_space<hbm>>) target(%arg6 : memref<250x80xi32, #tpu.memory_space<vmem>>) target_semaphore(%run_scoped3A_99 : memref<!tpu.dma_semaphore, #tpu.memory_space<semaphore_mem>>)
      %dma_wait3A = arith.constant 0 : i32
      %dma_wait3A_108 = arith.constant 0 : i32
      %dma_wait3A_109 = tpu.memref_slice %arg2[%run_scoped3A_0, %arg1, %dma_wait3A, %dma_wait3A_108] : memref<2x16x250x80xi32, #tpu.memory_space<hbm>> -> memref<1x1x250x80xi32, #tpu.memory_space<hbm>>
      %dma_wait3A_110 = tpu.memref_squeeze %dma_wait3A_109 : memref<1x1x250x80xi32, #tpu.memory_space<hbm>> -> memref<250x80xi32, #tpu.memory_space<hbm>>
      %dma_wait3A_111 = arith.constant 0 : i32
      %dma_wait3A_112 = arith.constant 0 : i32
      %dma_wait3A_113 = tpu.memref_slice %arg2[%run_scoped3A_0, %arg1, %dma_wait3A_111, %dma_wait3A_112] : memref<2x16x250x80xi32, #tpu.memory_space<hbm>> -> memref<1x1x250x80xi32, #tpu.memory_space<hbm>>
      %dma_wait3A_114 = tpu.memref_squeeze %dma_wait3A_113 : memref<1x1x250x80xi32, #tpu.memory_space<hbm>> -> memref<250x80xi32, #tpu.memory_space<hbm>>
      tpu.wait_dma2 semaphore(%run_scoped3A_99 : memref<!tpu.dma_semaphore, #tpu.memory_space<semaphore_mem>>) src(%dma_wait3A_114 : memref<250x80xi32, #tpu.memory_space<hbm>>) dst(%arg6 : memref<250x80xi32, #tpu.memory_space<vmem>>)
      tpu.yield
    }) : () -> ()
    %broadcast_in_dim3A = arith.constant 0.000000e+00 : f32
    %broadcast_in_dim3A_1 = vector.broadcast %broadcast_in_dim3A : f32 to vector<16xf32>
    %scan3A = arith.constant 0 : i32
    %scan3A_2 = arith.constant 128 : i32
    %scan3A_3 = arith.addi %scan3A, %scan3A_2 : i32
    %scan3A_4 = arith.constant 1 : i32
    scf.for %scan3A_99 = %scan3A to %scan3A_3 step %scan3A_4  : i32 {
      %mul3A_100 = arith.constant 1 : i32
      %mul3A_101 = arith.muli %scan3A_99, %mul3A_100 : i32
      %add3A = arith.constant 0 : i32
      %add3A_102 = arith.addi %add3A, %mul3A_101 : i32
      %swap3A = arith.index_cast %add3A_102 : i32 to index
      %swap3A_103 = arith.constant 0 : index
      %swap3A_104 = tpu.vector_load %arg8[%swap3A, %swap3A_103] {strides = array<i32>} : memref<128x64xf32, #tpu.memory_space<vmem>>, vector<1x16xf32>,
      %swap3A_105 = vector.shape_cast %swap3A_104 : vector<1x16xf32> to vector<16xf32>
      %swap3A_106 = vector.shape_cast %broadcast_in_dim3A_1 : vector<16xf32> to vector<1x16xf32>
      tpu.vector_store %arg8[%swap3A, %swap3A_103], %swap3A_106 {strides = array<i32>} : memref<128x64xf32, #tpu.memory_space<vmem>>, vector<1x16xf32>,
      %swap3A_107 = arith.index_cast %add3A_102 : i32 to index
      %swap3A_108 = arith.constant 16 : index
      %swap3A_109 = tpu.vector_load %arg8[%swap3A_107, %swap3A_108] {strides = array<i32>} : memref<128x64xf32, #tpu.memory_space<vmem>>, vector<1x16xf32>,
      %swap3A_110 = vector.shape_cast %swap3A_109 : vector<1x16xf32> to vector<16xf32>
      %swap3A_111 = vector.shape_cast %broadcast_in_dim3A_1 : vector<16xf32> to vector<1x16xf32>
      tpu.vector_store %arg8[%swap3A_107, %swap3A_108], %swap3A_111 {strides = array<i32>} : memref<128x64xf32, #tpu.memory_space<vmem>>, vector<1x16xf32>,
      %swap3A_112 = arith.index_cast %add3A_102 : i32 to index
      %swap3A_113 = arith.constant 32 : index
      %swap3A_114 = tpu.vector_load %arg8[%swap3A_112, %swap3A_113] {strides = array<i32>} : memref<128x64xf32, #tpu.memory_space<vmem>>, vector<1x16xf32>,
      %swap3A_115 = vector.shape_cast %swap3A_114 : vector<1x16xf32> to vector<16xf32>
      %swap3A_116 = vector.shape_cast %broadcast_in_dim3A_1 : vector<16xf32> to vector<1x16xf32>
      tpu.vector_store %arg8[%swap3A_112, %swap3A_113], %swap3A_116 {strides = array<i32>} : memref<128x64xf32, #tpu.memory_space<vmem>>, vector<1x16xf32>,
      %swap3A_117 = arith.index_cast %add3A_102 : i32 to index
      %swap3A_118 = arith.constant 48 : index
      %swap3A_119 = tpu.vector_load %arg8[%swap3A_117, %swap3A_118] {strides = array<i32>} : memref<128x64xf32, #tpu.memory_space<vmem>>, vector<1x16xf32>,
      %swap3A_120 = vector.shape_cast %swap3A_119 : vector<1x16xf32> to vector<16xf32>
      %swap3A_121 = vector.shape_cast %broadcast_in_dim3A_1 : vector<16xf32> to vector<1x16xf32>
      tpu.vector_store %arg8[%swap3A_117, %swap3A_118], %swap3A_121 {strides = array<i32>} : memref<128x64xf32, #tpu.memory_space<vmem>>, vector<1x16xf32>,
    }
    %scan3A_5 = arith.constant 128 : i32
    %scan3A_6 = arith.constant 0 : i32
    %scan3A_7 = arith.constant 5 : i32
    %scan3A_8 = arith.addi %scan3A_6, %scan3A_7 : i32
    %scan3A_9 = arith.constant 1 : i32
    scf.for %scan3A_99 = %scan3A_6 to %scan3A_8 step %scan3A_9  : i32 {
      %mul3A_100 = arith.constant 1 : i32
      %mul3A_101 = arith.muli %scan3A_99, %mul3A_100 : i32
      %add3A = arith.constant 0 : i32
      %add3A_102 = arith.addi %add3A, %mul3A_101 : i32
      %mul3A_103 = arith.constant 640 : i32
      %mul3A_104 = arith.muli %arg1, %mul3A_103 : i32
      %mul3A_105 = arith.constant 128 : i32
      %mul3A_106 = arith.muli %add3A_102, %mul3A_105 : i32
      %add3A_107 = arith.addi %mul3A_104, %mul3A_106 : i32
      "tpu.region"() ({
        %run_scoped3A_108 = tpu.sem_alloc : memref<!tpu.dma_semaphore, #tpu.memory_space<semaphore_mem>>
        %dma_start3A_109 = arith.constant 0 : i32
        %dma_start3A_110 = tpu.memref_slice %arg9[%add3A_107, %dma_start3A_109] : memref<10240x64xf32, #tpu.memory_space<vmem_shared>> -> memref<128x64xf32, #tpu.memory_space<vmem_shared>>
        %dma_start3A_111 = arith.constant 0 : i32
        %dma_start3A_112 = tpu.memref_slice %arg9[%add3A_107, %dma_start3A_111] : memref<10240x64xf32, #tpu.memory_space<vmem_shared>> -> memref<128x64xf32, #tpu.memory_space<vmem_shared>>
        tpu.enqueue_dma source(%arg8 : memref<128x64xf32, #tpu.memory_space<vmem>>) target(%dma_start3A_112 : memref<128x64xf32, #tpu.memory_space<vmem_shared>>) target_semaphore(%run_scoped3A_108 : memref<!tpu.dma_semaphore, #tpu.memory_space<semaphore_mem>>)
        %dma_wait3A = arith.constant 0 : i32
        %dma_wait3A_113 = tpu.memref_slice %arg9[%add3A_107, %dma_wait3A] : memref<10240x64xf32, #tpu.memory_space<vmem_shared>> -> memref<128x64xf32, #tpu.memory_space<vmem_shared>>
        %dma_wait3A_114 = arith.constant 0 : i32
        %dma_wait3A_115 = tpu.memref_slice %arg9[%add3A_107, %dma_wait3A_114] : memref<10240x64xf32, #tpu.memory_space<vmem_shared>> -> memref<128x64xf32, #tpu.memory_space<vmem_shared>>
        tpu.wait_dma2 semaphore(%run_scoped3A_108 : memref<!tpu.dma_semaphore, #tpu.memory_space<semaphore_mem>>) src(%arg8 : memref<128x64xf32, #tpu.memory_space<vmem>>) dst(%dma_wait3A_115 : memref<128x64xf32, #tpu.memory_space<vmem_shared>>)
        tpu.yield
      }) : () -> ()
    }
    %scan3A_10 = arith.constant 5 : i32
    %barrier3A = arith.constant 0 : index
    tpu.barrier barrier_id(%barrier3A)
    %dma_start3A = arith.constant 0 : i32
    %dma_start3A_11 = arith.constant 0 : i32
    %dma_start3A_12 = arith.constant 0 : i32
    %dma_start3A_13 = arith.constant 0 : i32
    %dma_start3A_14 = tpu.memref_slice %arg7[%dma_start3A_11, %dma_start3A_12, %dma_start3A_13] : memref<5x80x64xf32, #tpu.memory_space<vmem>> -> memref<1x80x64xf32, #tpu.memory_space<vmem>>
    %dma_start3A_15 = tpu.memref_squeeze %dma_start3A_14 : memref<1x80x64xf32, #tpu.memory_space<vmem>> -> memref<80x64xf32, #tpu.memory_space<vmem>>
    %dma_start3A_16 = arith.constant 0 : i32
    %dma_start3A_17 = tpu.memref_slice %arg5[%dma_start3A, %dma_start3A_16] : memref<250x80xi32, #tpu.memory_space<vmem>> -> memref<1x80xi32, #tpu.memory_space<vmem>>
    %dma_start3A_18 = tpu.memref_squeeze %dma_start3A_17 : memref<1x80xi32, #tpu.memory_space<vmem>> -> memref<80xi32, #tpu.memory_space<vmem>>
    %dma_start3A_19 = arith.constant 0 : i32
    %dma_start3A_20 = arith.constant 0 : i32
    %dma_start3A_21 = tpu.memref_slice %arg3[%arg0, %dma_start3A_19, %dma_start3A_20] : memref<2x10000x64xf32, #tpu.memory_space<hbm>> -> memref<1x10000x64xf32, #tpu.memory_space<hbm>>
    %dma_start3A_22 = tpu.memref_squeeze %dma_start3A_21 : memref<1x10000x64xf32, #tpu.memory_space<hbm>> -> memref<10000x64xf32, #tpu.memory_space<hbm>>
    %dma_start3A_23 = arith.constant 0 : i32
    %dma_start3A_24 = arith.constant 0 : i32
    %dma_start3A_25 = tpu.memref_slice %dma_start3A_22[%dma_start3A_23, %dma_start3A_24] : memref<10000x64xf32, #tpu.memory_space<hbm>> -> memref<10000x64xf32, #tpu.memory_space<hbm>>
    tpu.enqueue_indirect_dma source(%dma_start3A_25 : memref<10000x64xf32, #tpu.memory_space<hbm>>) target(%dma_start3A_15 : memref<80x64xf32, #tpu.memory_space<vmem>>) offsets(%dma_start3A_18 : memref<80xi32, #tpu.memory_space<vmem>>) semaphore(%arg10 : memref<!tpu.dma_semaphore, #tpu.memory_space<semaphore_mem>>)
    %dma_start3A_26 = arith.constant 1 : i32
    %dma_start3A_27 = arith.constant 1 : i32
    %dma_start3A_28 = arith.constant 0 : i32
    %dma_start3A_29 = arith.constant 0 : i32
    %dma_start3A_30 = tpu.memref_slice %arg7[%dma_start3A_27, %dma_start3A_28, %dma_start3A_29] : memref<5x80x64xf32, #tpu.memory_space<vmem>> -> memref<1x80x64xf32, #tpu.memory_space<vmem>>
    %dma_start3A_31 = tpu.memref_squeeze %dma_start3A_30 : memref<1x80x64xf32, #tpu.memory_space<vmem>> -> memref<80x64xf32, #tpu.memory_space<vmem>>
    %dma_start3A_32 = arith.constant 0 : i32
    %dma_start3A_33 = tpu.memref_slice %arg5[%dma_start3A_26, %dma_start3A_32] : memref<250x80xi32, #tpu.memory_space<vmem>> -> memref<1x80xi32, #tpu.memory_space<vmem>>
    %dma_start3A_34 = tpu.memref_squeeze %dma_start3A_33 : memref<1x80xi32, #tpu.memory_space<vmem>> -> memref<80xi32, #tpu.memory_space<vmem>>
    %dma_start3A_35 = arith.constant 0 : i32
    %dma_start3A_36 = arith.constant 0 : i32
    %dma_start3A_37 = tpu.memref_slice %arg3[%arg0, %dma_start3A_35, %dma_start3A_36] : memref<2x10000x64xf32, #tpu.memory_space<hbm>> -> memref<1x10000x64xf32, #tpu.memory_space<hbm>>
    %dma_start3A_38 = tpu.memref_squeeze %dma_start3A_37 : memref<1x10000x64xf32, #tpu.memory_space<hbm>> -> memref<10000x64xf32, #tpu.memory_space<hbm>>
    %dma_start3A_39 = arith.constant 0 : i32
    %dma_start3A_40 = arith.constant 0 : i32
    %dma_start3A_41 = tpu.memref_slice %dma_start3A_38[%dma_start3A_39, %dma_start3A_40] : memref<10000x64xf32, #tpu.memory_space<hbm>> -> memref<10000x64xf32, #tpu.memory_space<hbm>>
    tpu.enqueue_indirect_dma source(%dma_start3A_41 : memref<10000x64xf32, #tpu.memory_space<hbm>>) target(%dma_start3A_31 : memref<80x64xf32, #tpu.memory_space<vmem>>) offsets(%dma_start3A_34 : memref<80xi32, #tpu.memory_space<vmem>>) semaphore(%arg11 : memref<!tpu.dma_semaphore, #tpu.memory_space<semaphore_mem>>)
    %dma_start3A_42 = arith.constant 2 : i32
    %dma_start3A_43 = arith.constant 2 : i32
    %dma_start3A_44 = arith.constant 0 : i32
    %dma_start3A_45 = arith.constant 0 : i32
    %dma_start3A_46 = tpu.memref_slice %arg7[%dma_start3A_43, %dma_start3A_44, %dma_start3A_45] : memref<5x80x64xf32, #tpu.memory_space<vmem>> -> memref<1x80x64xf32, #tpu.memory_space<vmem>>
    %dma_start3A_47 = tpu.memref_squeeze %dma_start3A_46 : memref<1x80x64xf32, #tpu.memory_space<vmem>> -> memref<80x64xf32, #tpu.memory_space<vmem>>
    %dma_start3A_48 = arith.constant 0 : i32
    %dma_start3A_49 = tpu.memref_slice %arg5[%dma_start3A_42, %dma_start3A_48] : memref<250x80xi32, #tpu.memory_space<vmem>> -> memref<1x80xi32, #tpu.memory_space<vmem>>
    %dma_start3A_50 = tpu.memref_squeeze %dma_start3A_49 : memref<1x80xi32, #tpu.memory_space<vmem>> -> memref<80xi32, #tpu.memory_space<vmem>>
    %dma_start3A_51 = arith.constant 0 : i32
    %dma_start3A_52 = arith.constant 0 : i32
    %dma_start3A_53 = tpu.memref_slice %arg3[%arg0, %dma_start3A_51, %dma_start3A_52] : memref<2x10000x64xf32, #tpu.memory_space<hbm>> -> memref<1x10000x64xf32, #tpu.memory_space<hbm>>
    %dma_start3A_54 = tpu.memref_squeeze %dma_start3A_53 : memref<1x10000x64xf32, #tpu.memory_space<hbm>> -> memref<10000x64xf32, #tpu.memory_space<hbm>>
    %dma_start3A_55 = arith.constant 0 : i32
    %dma_start3A_56 = arith.constant 0 : i32
    %dma_start3A_57 = tpu.memref_slice %dma_start3A_54[%dma_start3A_55, %dma_start3A_56] : memref<10000x64xf32, #tpu.memory_space<hbm>> -> memref<10000x64xf32, #tpu.memory_space<hbm>>
    tpu.enqueue_indirect_dma source(%dma_start3A_57 : memref<10000x64xf32, #tpu.memory_space<hbm>>) target(%dma_start3A_47 : memref<80x64xf32, #tpu.memory_space<vmem>>) offsets(%dma_start3A_50 : memref<80xi32, #tpu.memory_space<vmem>>) semaphore(%arg12 : memref<!tpu.dma_semaphore, #tpu.memory_space<semaphore_mem>>)
    %dma_start3A_58 = arith.constant 3 : i32
    %dma_start3A_59 = arith.constant 3 : i32
    %dma_start3A_60 = arith.constant 0 : i32
    %dma_start3A_61 = arith.constant 0 : i32
    %dma_start3A_62 = tpu.memref_slice %arg7[%dma_start3A_59, %dma_start3A_60, %dma_start3A_61] : memref<5x80x64xf32, #tpu.memory_space<vmem>> -> memref<1x80x64xf32, #tpu.memory_space<vmem>>
    %dma_start3A_63 = tpu.memref_squeeze %dma_start3A_62 : memref<1x80x64xf32, #tpu.memory_space<vmem>> -> memref<80x64xf32, #tpu.memory_space<vmem>>
    %dma_start3A_64 = arith.constant 0 : i32
    %dma_start3A_65 = tpu.memref_slice %arg5[%dma_start3A_58, %dma_start3A_64] : memref<250x80xi32, #tpu.memory_space<vmem>> -> memref<1x80xi32, #tpu.memory_space<vmem>>
    %dma_start3A_66 = tpu.memref_squeeze %dma_start3A_65 : memref<1x80xi32, #tpu.memory_space<vmem>> -> memref<80xi32, #tpu.memory_space<vmem>>
    %dma_start3A_67 = arith.constant 0 : i32
    %dma_start3A_68 = arith.constant 0 : i32
    %dma_start3A_69 = tpu.memref_slice %arg3[%arg0, %dma_start3A_67, %dma_start3A_68] : memref<2x10000x64xf32, #tpu.memory_space<hbm>> -> memref<1x10000x64xf32, #tpu.memory_space<hbm>>
    %dma_start3A_70 = tpu.memref_squeeze %dma_start3A_69 : memref<1x10000x64xf32, #tpu.memory_space<hbm>> -> memref<10000x64xf32, #tpu.memory_space<hbm>>
    %dma_start3A_71 = arith.constant 0 : i32
    %dma_start3A_72 = arith.constant 0 : i32
    %dma_start3A_73 = tpu.memref_slice %dma_start3A_70[%dma_start3A_71, %dma_start3A_72] : memref<10000x64xf32, #tpu.memory_space<hbm>> -> memref<10000x64xf32, #tpu.memory_space<hbm>>
    tpu.enqueue_indirect_dma source(%dma_start3A_73 : memref<10000x64xf32, #tpu.memory_space<hbm>>) target(%dma_start3A_63 : memref<80x64xf32, #tpu.memory_space<vmem>>) offsets(%dma_start3A_66 : memref<80xi32, #tpu.memory_space<vmem>>) semaphore(%arg13 : memref<!tpu.dma_semaphore, #tpu.memory_space<semaphore_mem>>)
    %dma_start3A_74 = arith.constant 4 : i32
    %dma_start3A_75 = arith.constant 4 : i32
    %dma_start3A_76 = arith.constant 0 : i32
    %dma_start3A_77 = arith.constant 0 : i32
    %dma_start3A_78 = tpu.memref_slice %arg7[%dma_start3A_75, %dma_start3A_76, %dma_start3A_77] : memref<5x80x64xf32, #tpu.memory_space<vmem>> -> memref<1x80x64xf32, #tpu.memory_space<vmem>>
    %dma_start3A_79 = tpu.memref_squeeze %dma_start3A_78 : memref<1x80x64xf32, #tpu.memory_space<vmem>> -> memref<80x64xf32, #tpu.memory_space<vmem>>
    %dma_start3A_80 = arith.constant 0 : i32
    %dma_start3A_81 = tpu.memref_slice %arg5[%dma_start3A_74, %dma_start3A_80] : memref<250x80xi32, #tpu.memory_space<vmem>> -> memref<1x80xi32, #tpu.memory_space<vmem>>
    %dma_start3A_82 = tpu.memref_squeeze %dma_start3A_81 : memref<1x80xi32, #tpu.memory_space<vmem>> -> memref<80xi32, #tpu.memory_space<vmem>>
    %dma_start3A_83 = arith.constant 0 : i32
    %dma_start3A_84 = arith.constant 0 : i32
    %dma_start3A_85 = tpu.memref_slice %arg3[%arg0, %dma_start3A_83, %dma_start3A_84] : memref<2x10000x64xf32, #tpu.memory_space<hbm>> -> memref<1x10000x64xf32, #tpu.memory_space<hbm>>
    %dma_start3A_86 = tpu.memref_squeeze %dma_start3A_85 : memref<1x10000x64xf32, #tpu.memory_space<hbm>> -> memref<10000x64xf32, #tpu.memory_space<hbm>>
    %dma_start3A_87 = arith.constant 0 : i32
    %dma_start3A_88 = arith.constant 0 : i32
    %dma_start3A_89 = tpu.memref_slice %dma_start3A_86[%dma_start3A_87, %dma_start3A_88] : memref<10000x64xf32, #tpu.memory_space<hbm>> -> memref<10000x64xf32, #tpu.memory_space<hbm>>
    tpu.enqueue_indirect_dma source(%dma_start3A_89 : memref<10000x64xf32, #tpu.memory_space<hbm>>) target(%dma_start3A_79 : memref<80x64xf32, #tpu.memory_space<vmem>>) offsets(%dma_start3A_82 : memref<80xi32, #tpu.memory_space<vmem>>) semaphore(%arg14 : memref<!tpu.dma_semaphore, #tpu.memory_space<semaphore_mem>>)
    %scan3A_90 = arith.constant 0 : i32
    %scan3A_91 = arith.constant 50 : i32
    %scan3A_92 = arith.addi %scan3A_90, %scan3A_91 : i32
    %scan3A_93 = arith.constant 1 : i32
    scf.for %scan3A_99 = %scan3A_90 to %scan3A_92 step %scan3A_93  : i32 {
      %mul3A_100 = arith.constant 1 : i32
      %mul3A_101 = arith.muli %scan3A_99, %mul3A_100 : i32
      %add3A = arith.constant 0 : i32
      %add3A_102 = arith.addi %add3A, %mul3A_101 : i32
      %mul3A_103 = arith.constant 5 : i32
      %mul3A_104 = arith.muli %add3A_102, %mul3A_103 : i32
      %add3A_105 = arith.constant 0 : i32
      %add3A_106 = arith.addi %mul3A_104, %add3A_105 : i32
      %dma_wait3A = arith.constant 0 : i32
      %dma_wait3A_107 = arith.constant 0 : i32
      %dma_wait3A_108 = arith.constant 0 : i32
      %dma_wait3A_109 = arith.constant 0 : i32
      %dma_wait3A_110 = tpu.memref_slice %arg7[%dma_wait3A_107, %dma_wait3A_108, %dma_wait3A_109] : memref<5x80x64xf32, #tpu.memory_space<vmem>> -> memref<1x80x64xf32, #tpu.memory_space<vmem>>
      %dma_wait3A_111 = tpu.memref_squeeze %dma_wait3A_110 : memref<1x80x64xf32, #tpu.memory_space<vmem>> -> memref<80x64xf32, #tpu.memory_space<vmem>>
      %dma_wait3A_112 = arith.constant 0 : i32
      %dma_wait3A_113 = tpu.memref_slice %arg5[%dma_wait3A, %dma_wait3A_112] : memref<250x80xi32, #tpu.memory_space<vmem>> -> memref<1x80xi32, #tpu.memory_space<vmem>>
      %dma_wait3A_114 = tpu.memref_squeeze %dma_wait3A_113 : memref<1x80xi32, #tpu.memory_space<vmem>> -> memref<80xi32, #tpu.memory_space<vmem>>
      %dma_wait3A_115 = arith.constant 0 : i32
      %dma_wait3A_116 = arith.constant 0 : i32
      %dma_wait3A_117 = tpu.memref_slice %arg3[%arg0, %dma_wait3A_115, %dma_wait3A_116] : memref<2x10000x64xf32, #tpu.memory_space<hbm>> -> memref<1x10000x64xf32, #tpu.memory_space<hbm>>
      %dma_wait3A_118 = tpu.memref_squeeze %dma_wait3A_117 : memref<1x10000x64xf32, #tpu.memory_space<hbm>> -> memref<10000x64xf32, #tpu.memory_space<hbm>>
      %dma_wait3A_119 = arith.constant 0 : i32
      %dma_wait3A_120 = arith.constant 0 : i32
      %dma_wait3A_121 = tpu.memref_slice %dma_wait3A_118[%dma_wait3A_119, %dma_wait3A_120] : memref<10000x64xf32, #tpu.memory_space<hbm>> -> memref<10000x64xf32, #tpu.memory_space<hbm>>
      tpu.wait_indirect_dma semaphore(%arg10 : memref<!tpu.dma_semaphore, #tpu.memory_space<semaphore_mem>>) src(%dma_wait3A_121 : memref<10000x64xf32, #tpu.memory_space<hbm>>) dst(%dma_wait3A_111 : memref<80x64xf32, #tpu.memory_space<vmem>>)
      %dma_start3A_122 = arith.constant 0 : i32
      %dma_start3A_123 = arith.constant 0 : i32
      %dma_start3A_124 = arith.constant 0 : i32
      %dma_start3A_125 = tpu.memref_slice %arg7[%dma_start3A_122, %dma_start3A_123, %dma_start3A_124] : memref<5x80x64xf32, #tpu.memory_space<vmem>> -> memref<1x80x64xf32, #tpu.memory_space<vmem>>
      %dma_start3A_126 = tpu.memref_squeeze %dma_start3A_125 : memref<1x80x64xf32, #tpu.memory_space<vmem>> -> memref<80x64xf32, #tpu.memory_space<vmem>>
      %dma_start3A_127 = arith.constant 0 : i32
      %dma_start3A_128 = tpu.memref_slice %arg6[%add3A_106, %dma_start3A_127] : memref<250x80xi32, #tpu.memory_space<vmem>> -> memref<1x80xi32, #tpu.memory_space<vmem>>
      %dma_start3A_129 = tpu.memref_squeeze %dma_start3A_128 : memref<1x80xi32, #tpu.memory_space<vmem>> -> memref<80xi32, #tpu.memory_space<vmem>>
      %dma_start3A_130 = arith.constant 0 : i32
      %dma_start3A_131 = arith.constant 0 : i32
      %dma_start3A_132 = tpu.memref_slice %arg9[%dma_start3A_130, %dma_start3A_131] : memref<10240x64xf32, #tpu.memory_space<vmem_shared>> -> memref<10240x64xf32, #tpu.memory_space<vmem_shared>>
      tpu.enqueue_indirect_dma source(%dma_start3A_126 : memref<80x64xf32, #tpu.memory_space<vmem>>) target(%dma_start3A_132 : memref<10240x64xf32, #tpu.memory_space<vmem_shared>>) offsets(%dma_start3A_129 : memref<80xi32, #tpu.memory_space<vmem>>) semaphore(%arg10 : memref<!tpu.dma_semaphore, #tpu.memory_space<semaphore_mem>>) {add = true}
      %dma_wait3A_133 = arith.constant 0 : i32
      %dma_wait3A_134 = arith.constant 0 : i32
      %dma_wait3A_135 = arith.constant 0 : i32
      %dma_wait3A_136 = arith.constant 0 : i32
      %dma_wait3A_137 = tpu.memref_slice %arg7[%dma_wait3A_134, %dma_wait3A_135, %dma_wait3A_136] : memref<5x80x64xf32, #tpu.memory_space<vmem>> -> memref<1x80x64xf32, #tpu.memory_space<vmem>>
      %dma_wait3A_138 = tpu.memref_squeeze %dma_wait3A_137 : memref<1x80x64xf32, #tpu.memory_space<vmem>> -> memref<80x64xf32, #tpu.memory_space<vmem>>
      %dma_wait3A_139 = arith.constant 0 : i32
      %dma_wait3A_140 = tpu.memref_slice %arg5[%dma_wait3A_133, %dma_wait3A_139] : memref<250x80xi32, #tpu.memory_space<vmem>> -> memref<1x80xi32, #tpu.memory_space<vmem>>
      %dma_wait3A_141 = tpu.memref_squeeze %dma_wait3A_140 : memref<1x80xi32, #tpu.memory_space<vmem>> -> memref<80xi32, #tpu.memory_space<vmem>>
      %dma_wait3A_142 = arith.constant 0 : i32
      %dma_wait3A_143 = arith.constant 0 : i32
      %dma_wait3A_144 = tpu.memref_slice %arg3[%arg0, %dma_wait3A_142, %dma_wait3A_143] : memref<2x10000x64xf32, #tpu.memory_space<hbm>> -> memref<1x10000x64xf32, #tpu.memory_space<hbm>>
      %dma_wait3A_145 = tpu.memref_squeeze %dma_wait3A_144 : memref<1x10000x64xf32, #tpu.memory_space<hbm>> -> memref<10000x64xf32, #tpu.memory_space<hbm>>
      %dma_wait3A_146 = arith.constant 0 : i32
      %dma_wait3A_147 = arith.constant 0 : i32
      %dma_wait3A_148 = tpu.memref_slice %dma_wait3A_145[%dma_wait3A_146, %dma_wait3A_147] : memref<10000x64xf32, #tpu.memory_space<hbm>> -> memref<10000x64xf32, #tpu.memory_space<hbm>>
      tpu.wait_indirect_dma semaphore(%arg10 : memref<!tpu.dma_semaphore, #tpu.memory_space<semaphore_mem>>) src(%dma_wait3A_148 : memref<10000x64xf32, #tpu.memory_space<hbm>>) dst(%dma_wait3A_138 : memref<80x64xf32, #tpu.memory_space<vmem>>)
      %add3A_149 = arith.constant 5 : i32
      %add3A_150 = arith.addi %add3A_106, %add3A_149 : i32
      %lt3A = arith.constant 250 : i32
      %lt3A_151 = arith.cmpi slt, %add3A_150, %lt3A : i32
      %convert_element_type3A = arith.extui %lt3A_151 : i1 to i32
      %cond3A = arith.constant 0 : i32
      %cond3A_152 = arith.cmpi ne, %convert_element_type3A, %cond3A : i32
      scf.if %cond3A_152 {
        %dma_start3A_369 = arith.constant 0 : i32
        %dma_start3A_370 = arith.constant 0 : i32
        %dma_start3A_371 = arith.constant 0 : i32
        %dma_start3A_372 = tpu.memref_slice %arg7[%dma_start3A_369, %dma_start3A_370, %dma_start3A_371] : memref<5x80x64xf32, #tpu.memory_space<vmem>> -> memref<1x80x64xf32, #tpu.memory_space<vmem>>
        %dma_start3A_373 = tpu.memref_squeeze %dma_start3A_372 : memref<1x80x64xf32, #tpu.memory_space<vmem>> -> memref<80x64xf32, #tpu.memory_space<vmem>>
        %dma_start3A_374 = arith.constant 0 : i32
        %dma_start3A_375 = tpu.memref_slice %arg5[%add3A_150, %dma_start3A_374] : memref<250x80xi32, #tpu.memory_space<vmem>> -> memref<1x80xi32, #tpu.memory_space<vmem>>
        %dma_start3A_376 = tpu.memref_squeeze %dma_start3A_375 : memref<1x80xi32, #tpu.memory_space<vmem>> -> memref<80xi32, #tpu.memory_space<vmem>>
        %dma_start3A_377 = arith.constant 0 : i32
        %dma_start3A_378 = arith.constant 0 : i32
        %dma_start3A_379 = tpu.memref_slice %arg3[%arg0, %dma_start3A_377, %dma_start3A_378] : memref<2x10000x64xf32, #tpu.memory_space<hbm>> -> memref<1x10000x64xf32, #tpu.memory_space<hbm>>
        %dma_start3A_380 = tpu.memref_squeeze %dma_start3A_379 : memref<1x10000x64xf32, #tpu.memory_space<hbm>> -> memref<10000x64xf32, #tpu.memory_space<hbm>>
        %dma_start3A_381 = arith.constant 0 : i32
        %dma_start3A_382 = arith.constant 0 : i32
        %dma_start3A_383 = tpu.memref_slice %dma_start3A_380[%dma_start3A_381, %dma_start3A_382] : memref<10000x64xf32, #tpu.memory_space<hbm>> -> memref<10000x64xf32, #tpu.memory_space<hbm>>
        tpu.enqueue_indirect_dma source(%dma_start3A_383 : memref<10000x64xf32, #tpu.memory_space<hbm>>) target(%dma_start3A_373 : memref<80x64xf32, #tpu.memory_space<vmem>>) offsets(%dma_start3A_376 : memref<80xi32, #tpu.memory_space<vmem>>) semaphore(%arg10 : memref<!tpu.dma_semaphore, #tpu.memory_space<semaphore_mem>>)
      } else {
      }
      %mul3A_153 = arith.constant 5 : i32
      %mul3A_154 = arith.muli %add3A_102, %mul3A_153 : i32
      %add3A_155 = arith.constant 1 : i32
      %add3A_156 = arith.addi %mul3A_154, %add3A_155 : i32
      %dma_wait3A_157 = arith.constant 0 : i32
      %dma_wait3A_158 = arith.constant 1 : i32
      %dma_wait3A_159 = arith.constant 0 : i32
      %dma_wait3A_160 = arith.constant 0 : i32
      %dma_wait3A_161 = tpu.memref_slice %arg7[%dma_wait3A_158, %dma_wait3A_159, %dma_wait3A_160] : memref<5x80x64xf32, #tpu.memory_space<vmem>> -> memref<1x80x64xf32, #tpu.memory_space<vmem>>
      %dma_wait3A_162 = tpu.memref_squeeze %dma_wait3A_161 : memref<1x80x64xf32, #tpu.memory_space<vmem>> -> memref<80x64xf32, #tpu.memory_space<vmem>>
      %dma_wait3A_163 = arith.constant 0 : i32
      %dma_wait3A_164 = tpu.memref_slice %arg5[%dma_wait3A_157, %dma_wait3A_163] : memref<250x80xi32, #tpu.memory_space<vmem>> -> memref<1x80xi32, #tpu.memory_space<vmem>>
      %dma_wait3A_165 = tpu.memref_squeeze %dma_wait3A_164 : memref<1x80xi32, #tpu.memory_space<vmem>> -> memref<80xi32, #tpu.memory_space<vmem>>
      %dma_wait3A_166 = arith.constant 0 : i32
      %dma_wait3A_167 = arith.constant 0 : i32
      %dma_wait3A_168 = tpu.memref_slice %arg3[%arg0, %dma_wait3A_166, %dma_wait3A_167] : memref<2x10000x64xf32, #tpu.memory_space<hbm>> -> memref<1x10000x64xf32, #tpu.memory_space<hbm>>
      %dma_wait3A_169 = tpu.memref_squeeze %dma_wait3A_168 : memref<1x10000x64xf32, #tpu.memory_space<hbm>> -> memref<10000x64xf32, #tpu.memory_space<hbm>>
      %dma_wait3A_170 = arith.constant 0 : i32
      %dma_wait3A_171 = arith.constant 0 : i32
      %dma_wait3A_172 = tpu.memref_slice %dma_wait3A_169[%dma_wait3A_170, %dma_wait3A_171] : memref<10000x64xf32, #tpu.memory_space<hbm>> -> memref<10000x64xf32, #tpu.memory_space<hbm>>
      tpu.wait_indirect_dma semaphore(%arg11 : memref<!tpu.dma_semaphore, #tpu.memory_space<semaphore_mem>>) src(%dma_wait3A_172 : memref<10000x64xf32, #tpu.memory_space<hbm>>) dst(%dma_wait3A_162 : memref<80x64xf32, #tpu.memory_space<vmem>>)
      %dma_start3A_173 = arith.constant 1 : i32
      %dma_start3A_174 = arith.constant 0 : i32
      %dma_start3A_175 = arith.constant 0 : i32
      %dma_start3A_176 = tpu.memref_slice %arg7[%dma_start3A_173, %dma_start3A_174, %dma_start3A_175] : memref<5x80x64xf32, #tpu.memory_space<vmem>> -> memref<1x80x64xf32, #tpu.memory_space<vmem>>
      %dma_start3A_177 = tpu.memref_squeeze %dma_start3A_176 : memref<1x80x64xf32, #tpu.memory_space<vmem>> -> memref<80x64xf32, #tpu.memory_space<vmem>>
      %dma_start3A_178 = arith.constant 0 : i32
      %dma_start3A_179 = tpu.memref_slice %arg6[%add3A_156, %dma_start3A_178] : memref<250x80xi32, #tpu.memory_space<vmem>> -> memref<1x80xi32, #tpu.memory_space<vmem>>
      %dma_start3A_180 = tpu.memref_squeeze %dma_start3A_179 : memref<1x80xi32, #tpu.memory_space<vmem>> -> memref<80xi32, #tpu.memory_space<vmem>>
      %dma_start3A_181 = arith.constant 0 : i32
      %dma_start3A_182 = arith.constant 0 : i32
      %dma_start3A_183 = tpu.memref_slice %arg9[%dma_start3A_181, %dma_start3A_182] : memref<10240x64xf32, #tpu.memory_space<vmem_shared>> -> memref<10240x64xf32, #tpu.memory_space<vmem_shared>>
      tpu.enqueue_indirect_dma source(%dma_start3A_177 : memref<80x64xf32, #tpu.memory_space<vmem>>) target(%dma_start3A_183 : memref<10240x64xf32, #tpu.memory_space<vmem_shared>>) offsets(%dma_start3A_180 : memref<80xi32, #tpu.memory_space<vmem>>) semaphore(%arg11 : memref<!tpu.dma_semaphore, #tpu.memory_space<semaphore_mem>>) {add = true}
      %dma_wait3A_184 = arith.constant 0 : i32
      %dma_wait3A_185 = arith.constant 1 : i32
      %dma_wait3A_186 = arith.constant 0 : i32
      %dma_wait3A_187 = arith.constant 0 : i32
      %dma_wait3A_188 = tpu.memref_slice %arg7[%dma_wait3A_185, %dma_wait3A_186, %dma_wait3A_187] : memref<5x80x64xf32, #tpu.memory_space<vmem>> -> memref<1x80x64xf32, #tpu.memory_space<vmem>>
      %dma_wait3A_189 = tpu.memref_squeeze %dma_wait3A_188 : memref<1x80x64xf32, #tpu.memory_space<vmem>> -> memref<80x64xf32, #tpu.memory_space<vmem>>
      %dma_wait3A_190 = arith.constant 0 : i32
      %dma_wait3A_191 = tpu.memref_slice %arg5[%dma_wait3A_184, %dma_wait3A_190] : memref<250x80xi32, #tpu.memory_space<vmem>> -> memref<1x80xi32, #tpu.memory_space<vmem>>
      %dma_wait3A_192 = tpu.memref_squeeze %dma_wait3A_191 : memref<1x80xi32, #tpu.memory_space<vmem>> -> memref<80xi32, #tpu.memory_space<vmem>>
      %dma_wait3A_193 = arith.constant 0 : i32
      %dma_wait3A_194 = arith.constant 0 : i32
      %dma_wait3A_195 = tpu.memref_slice %arg3[%arg0, %dma_wait3A_193, %dma_wait3A_194] : memref<2x10000x64xf32, #tpu.memory_space<hbm>> -> memref<1x10000x64xf32, #tpu.memory_space<hbm>>
      %dma_wait3A_196 = tpu.memref_squeeze %dma_wait3A_195 : memref<1x10000x64xf32, #tpu.memory_space<hbm>> -> memref<10000x64xf32, #tpu.memory_space<hbm>>
      %dma_wait3A_197 = arith.constant 0 : i32
      %dma_wait3A_198 = arith.constant 0 : i32
      %dma_wait3A_199 = tpu.memref_slice %dma_wait3A_196[%dma_wait3A_197, %dma_wait3A_198] : memref<10000x64xf32, #tpu.memory_space<hbm>> -> memref<10000x64xf32, #tpu.memory_space<hbm>>
      tpu.wait_indirect_dma semaphore(%arg11 : memref<!tpu.dma_semaphore, #tpu.memory_space<semaphore_mem>>) src(%dma_wait3A_199 : memref<10000x64xf32, #tpu.memory_space<hbm>>) dst(%dma_wait3A_189 : memref<80x64xf32, #tpu.memory_space<vmem>>)
      %add3A_200 = arith.constant 5 : i32
      %add3A_201 = arith.addi %add3A_156, %add3A_200 : i32
      %lt3A_202 = arith.constant 250 : i32
      %lt3A_203 = arith.cmpi slt, %add3A_201, %lt3A_202 : i32
      %convert_element_type3A_204 = arith.extui %lt3A_203 : i1 to i32
      %cond3A_205 = arith.constant 0 : i32
      %cond3A_206 = arith.cmpi ne, %convert_element_type3A_204, %cond3A_205 : i32
      scf.if %cond3A_206 {
        %dma_start3A_369 = arith.constant 1 : i32
        %dma_start3A_370 = arith.constant 0 : i32
        %dma_start3A_371 = arith.constant 0 : i32
        %dma_start3A_372 = tpu.memref_slice %arg7[%dma_start3A_369, %dma_start3A_370, %dma_start3A_371] : memref<5x80x64xf32, #tpu.memory_space<vmem>> -> memref<1x80x64xf32, #tpu.memory_space<vmem>>
        %dma_start3A_373 = tpu.memref_squeeze %dma_start3A_372 : memref<1x80x64xf32, #tpu.memory_space<vmem>> -> memref<80x64xf32, #tpu.memory_space<vmem>>
        %dma_start3A_374 = arith.constant 0 : i32
        %dma_start3A_375 = tpu.memref_slice %arg5[%add3A_201, %dma_start3A_374] : memref<250x80xi32, #tpu.memory_space<vmem>> -> memref<1x80xi32, #tpu.memory_space<vmem>>
        %dma_start3A_376 = tpu.memref_squeeze %dma_start3A_375 : memref<1x80xi32, #tpu.memory_space<vmem>> -> memref<80xi32, #tpu.memory_space<vmem>>
        %dma_start3A_377 = arith.constant 0 : i32
        %dma_start3A_378 = arith.constant 0 : i32
        %dma_start3A_379 = tpu.memref_slice %arg3[%arg0, %dma_start3A_377, %dma_start3A_378] : memref<2x10000x64xf32, #tpu.memory_space<hbm>> -> memref<1x10000x64xf32, #tpu.memory_space<hbm>>
        %dma_start3A_380 = tpu.memref_squeeze %dma_start3A_379 : memref<1x10000x64xf32, #tpu.memory_space<hbm>> -> memref<10000x64xf32, #tpu.memory_space<hbm>>
        %dma_start3A_381 = arith.constant 0 : i32
        %dma_start3A_382 = arith.constant 0 : i32
        %dma_start3A_383 = tpu.memref_slice %dma_start3A_380[%dma_start3A_381, %dma_start3A_382] : memref<10000x64xf32, #tpu.memory_space<hbm>> -> memref<10000x64xf32, #tpu.memory_space<hbm>>
        tpu.enqueue_indirect_dma source(%dma_start3A_383 : memref<10000x64xf32, #tpu.memory_space<hbm>>) target(%dma_start3A_373 : memref<80x64xf32, #tpu.memory_space<vmem>>) offsets(%dma_start3A_376 : memref<80xi32, #tpu.memory_space<vmem>>) semaphore(%arg11 : memref<!tpu.dma_semaphore, #tpu.memory_space<semaphore_mem>>)
      } else {
      }
      %mul3A_207 = arith.constant 5 : i32
      %mul3A_208 = arith.muli %add3A_102, %mul3A_207 : i32
      %add3A_209 = arith.constant 2 : i32
      %add3A_210 = arith.addi %mul3A_208, %add3A_209 : i32
      %dma_wait3A_211 = arith.constant 0 : i32
      %dma_wait3A_212 = arith.constant 2 : i32
      %dma_wait3A_213 = arith.constant 0 : i32
      %dma_wait3A_214 = arith.constant 0 : i32
      %dma_wait3A_215 = tpu.memref_slice %arg7[%dma_wait3A_212, %dma_wait3A_213, %dma_wait3A_214] : memref<5x80x64xf32, #tpu.memory_space<vmem>> -> memref<1x80x64xf32, #tpu.memory_space<vmem>>
      %dma_wait3A_216 = tpu.memref_squeeze %dma_wait3A_215 : memref<1x80x64xf32, #tpu.memory_space<vmem>> -> memref<80x64xf32, #tpu.memory_space<vmem>>
      %dma_wait3A_217 = arith.constant 0 : i32
      %dma_wait3A_218 = tpu.memref_slice %arg5[%dma_wait3A_211, %dma_wait3A_217] : memref<250x80xi32, #tpu.memory_space<vmem>> -> memref<1x80xi32, #tpu.memory_space<vmem>>
      %dma_wait3A_219 = tpu.memref_squeeze %dma_wait3A_218 : memref<1x80xi32, #tpu.memory_space<vmem>> -> memref<80xi32, #tpu.memory_space<vmem>>
      %dma_wait3A_220 = arith.constant 0 : i32
      %dma_wait3A_221 = arith.constant 0 : i32
      %dma_wait3A_222 = tpu.memref_slice %arg3[%arg0, %dma_wait3A_220, %dma_wait3A_221] : memref<2x10000x64xf32, #tpu.memory_space<hbm>> -> memref<1x10000x64xf32, #tpu.memory_space<hbm>>
      %dma_wait3A_223 = tpu.memref_squeeze %dma_wait3A_222 : memref<1x10000x64xf32, #tpu.memory_space<hbm>> -> memref<10000x64xf32, #tpu.memory_space<hbm>>
      %dma_wait3A_224 = arith.constant 0 : i32
      %dma_wait3A_225 = arith.constant 0 : i32
      %dma_wait3A_226 = tpu.memref_slice %dma_wait3A_223[%dma_wait3A_224, %dma_wait3A_225] : memref<10000x64xf32, #tpu.memory_space<hbm>> -> memref<10000x64xf32, #tpu.memory_space<hbm>>
      tpu.wait_indirect_dma semaphore(%arg12 : memref<!tpu.dma_semaphore, #tpu.memory_space<semaphore_mem>>) src(%dma_wait3A_226 : memref<10000x64xf32, #tpu.memory_space<hbm>>) dst(%dma_wait3A_216 : memref<80x64xf32, #tpu.memory_space<vmem>>)
      %dma_start3A_227 = arith.constant 2 : i32
      %dma_start3A_228 = arith.constant 0 : i32
      %dma_start3A_229 = arith.constant 0 : i32
      %dma_start3A_230 = tpu.memref_slice %arg7[%dma_start3A_227, %dma_start3A_228, %dma_start3A_229] : memref<5x80x64xf32, #tpu.memory_space<vmem>> -> memref<1x80x64xf32, #tpu.memory_space<vmem>>
      %dma_start3A_231 = tpu.memref_squeeze %dma_start3A_230 : memref<1x80x64xf32, #tpu.memory_space<vmem>> -> memref<80x64xf32, #tpu.memory_space<vmem>>
      %dma_start3A_232 = arith.constant 0 : i32
      %dma_start3A_233 = tpu.memref_slice %arg6[%add3A_210, %dma_start3A_232] : memref<250x80xi32, #tpu.memory_space<vmem>> -> memref<1x80xi32, #tpu.memory_space<vmem>>
      %dma_start3A_234 = tpu.memref_squeeze %dma_start3A_233 : memref<1x80xi32, #tpu.memory_space<vmem>> -> memref<80xi32, #tpu.memory_space<vmem>>
      %dma_start3A_235 = arith.constant 0 : i32
      %dma_start3A_236 = arith.constant 0 : i32
      %dma_start3A_237 = tpu.memref_slice %arg9[%dma_start3A_235, %dma_start3A_236] : memref<10240x64xf32, #tpu.memory_space<vmem_shared>> -> memref<10240x64xf32, #tpu.memory_space<vmem_shared>>
      tpu.enqueue_indirect_dma source(%dma_start3A_231 : memref<80x64xf32, #tpu.memory_space<vmem>>) target(%dma_start3A_237 : memref<10240x64xf32, #tpu.memory_space<vmem_shared>>) offsets(%dma_start3A_234 : memref<80xi32, #tpu.memory_space<vmem>>) semaphore(%arg12 : memref<!tpu.dma_semaphore, #tpu.memory_space<semaphore_mem>>) {add = true}
      %dma_wait3A_238 = arith.constant 0 : i32
      %dma_wait3A_239 = arith.constant 2 : i32
      %dma_wait3A_240 = arith.constant 0 : i32
      %dma_wait3A_241 = arith.constant 0 : i32
      %dma_wait3A_242 = tpu.memref_slice %arg7[%dma_wait3A_239, %dma_wait3A_240, %dma_wait3A_241] : memref<5x80x64xf32, #tpu.memory_space<vmem>> -> memref<1x80x64xf32, #tpu.memory_space<vmem>>
      %dma_wait3A_243 = tpu.memref_squeeze %dma_wait3A_242 : memref<1x80x64xf32, #tpu.memory_space<vmem>> -> memref<80x64xf32, #tpu.memory_space<vmem>>
      %dma_wait3A_244 = arith.constant 0 : i32
      %dma_wait3A_245 = tpu.memref_slice %arg5[%dma_wait3A_238, %dma_wait3A_244] : memref<250x80xi32, #tpu.memory_space<vmem>> -> memref<1x80xi32, #tpu.memory_space<vmem>>
      %dma_wait3A_246 = tpu.memref_squeeze %dma_wait3A_245 : memref<1x80xi32, #tpu.memory_space<vmem>> -> memref<80xi32, #tpu.memory_space<vmem>>
      %dma_wait3A_247 = arith.constant 0 : i32
      %dma_wait3A_248 = arith.constant 0 : i32
      %dma_wait3A_249 = tpu.memref_slice %arg3[%arg0, %dma_wait3A_247, %dma_wait3A_248] : memref<2x10000x64xf32, #tpu.memory_space<hbm>> -> memref<1x10000x64xf32, #tpu.memory_space<hbm>>
      %dma_wait3A_250 = tpu.memref_squeeze %dma_wait3A_249 : memref<1x10000x64xf32, #tpu.memory_space<hbm>> -> memref<10000x64xf32, #tpu.memory_space<hbm>>
      %dma_wait3A_251 = arith.constant 0 : i32
      %dma_wait3A_252 = arith.constant 0 : i32
      %dma_wait3A_253 = tpu.memref_slice %dma_wait3A_250[%dma_wait3A_251, %dma_wait3A_252] : memref<10000x64xf32, #tpu.memory_space<hbm>> -> memref<10000x64xf32, #tpu.memory_space<hbm>>
      tpu.wait_indirect_dma semaphore(%arg12 : memref<!tpu.dma_semaphore, #tpu.memory_space<semaphore_mem>>) src(%dma_wait3A_253 : memref<10000x64xf32, #tpu.memory_space<hbm>>) dst(%dma_wait3A_243 : memref<80x64xf32, #tpu.memory_space<vmem>>)
      %add3A_254 = arith.constant 5 : i32
      %add3A_255 = arith.addi %add3A_210, %add3A_254 : i32
      %lt3A_256 = arith.constant 250 : i32
      %lt3A_257 = arith.cmpi slt, %add3A_255, %lt3A_256 : i32
      %convert_element_type3A_258 = arith.extui %lt3A_257 : i1 to i32
      %cond3A_259 = arith.constant 0 : i32
      %cond3A_260 = arith.cmpi ne, %convert_element_type3A_258, %cond3A_259 : i32
      scf.if %cond3A_260 {
        %dma_start3A_369 = arith.constant 2 : i32
        %dma_start3A_370 = arith.constant 0 : i32
        %dma_start3A_371 = arith.constant 0 : i32
        %dma_start3A_372 = tpu.memref_slice %arg7[%dma_start3A_369, %dma_start3A_370, %dma_start3A_371] : memref<5x80x64xf32, #tpu.memory_space<vmem>> -> memref<1x80x64xf32, #tpu.memory_space<vmem>>
        %dma_start3A_373 = tpu.memref_squeeze %dma_start3A_372 : memref<1x80x64xf32, #tpu.memory_space<vmem>> -> memref<80x64xf32, #tpu.memory_space<vmem>>
        %dma_start3A_374 = arith.constant 0 : i32
        %dma_start3A_375 = tpu.memref_slice %arg5[%add3A_255, %dma_start3A_374] : memref<250x80xi32, #tpu.memory_space<vmem>> -> memref<1x80xi32, #tpu.memory_space<vmem>>
        %dma_start3A_376 = tpu.memref_squeeze %dma_start3A_375 : memref<1x80xi32, #tpu.memory_space<vmem>> -> memref<80xi32, #tpu.memory_space<vmem>>
        %dma_start3A_377 = arith.constant 0 : i32
        %dma_start3A_378 = arith.constant 0 : i32
        %dma_start3A_379 = tpu.memref_slice %arg3[%arg0, %dma_start3A_377, %dma_start3A_378] : memref<2x10000x64xf32, #tpu.memory_space<hbm>> -> memref<1x10000x64xf32, #tpu.memory_space<hbm>>
        %dma_start3A_380 = tpu.memref_squeeze %dma_start3A_379 : memref<1x10000x64xf32, #tpu.memory_space<hbm>> -> memref<10000x64xf32, #tpu.memory_space<hbm>>
        %dma_start3A_381 = arith.constant 0 : i32
        %dma_start3A_382 = arith.constant 0 : i32
        %dma_start3A_383 = tpu.memref_slice %dma_start3A_380[%dma_start3A_381, %dma_start3A_382] : memref<10000x64xf32, #tpu.memory_space<hbm>> -> memref<10000x64xf32, #tpu.memory_space<hbm>>
        tpu.enqueue_indirect_dma source(%dma_start3A_383 : memref<10000x64xf32, #tpu.memory_space<hbm>>) target(%dma_start3A_373 : memref<80x64xf32, #tpu.memory_space<vmem>>) offsets(%dma_start3A_376 : memref<80xi32, #tpu.memory_space<vmem>>) semaphore(%arg12 : memref<!tpu.dma_semaphore, #tpu.memory_space<semaphore_mem>>)
      } else {
      }
      %mul3A_261 = arith.constant 5 : i32
      %mul3A_262 = arith.muli %add3A_102, %mul3A_261 : i32
      %add3A_263 = arith.constant 3 : i32
      %add3A_264 = arith.addi %mul3A_262, %add3A_263 : i32
      %dma_wait3A_265 = arith.constant 0 : i32
      %dma_wait3A_266 = arith.constant 3 : i32
      %dma_wait3A_267 = arith.constant 0 : i32
      %dma_wait3A_268 = arith.constant 0 : i32
      %dma_wait3A_269 = tpu.memref_slice %arg7[%dma_wait3A_266, %dma_wait3A_267, %dma_wait3A_268] : memref<5x80x64xf32, #tpu.memory_space<vmem>> -> memref<1x80x64xf32, #tpu.memory_space<vmem>>
      %dma_wait3A_270 = tpu.memref_squeeze %dma_wait3A_269 : memref<1x80x64xf32, #tpu.memory_space<vmem>> -> memref<80x64xf32, #tpu.memory_space<vmem>>
      %dma_wait3A_271 = arith.constant 0 : i32
      %dma_wait3A_272 = tpu.memref_slice %arg5[%dma_wait3A_265, %dma_wait3A_271] : memref<250x80xi32, #tpu.memory_space<vmem>> -> memref<1x80xi32, #tpu.memory_space<vmem>>
      %dma_wait3A_273 = tpu.memref_squeeze %dma_wait3A_272 : memref<1x80xi32, #tpu.memory_space<vmem>> -> memref<80xi32, #tpu.memory_space<vmem>>
      %dma_wait3A_274 = arith.constant 0 : i32
      %dma_wait3A_275 = arith.constant 0 : i32
      %dma_wait3A_276 = tpu.memref_slice %arg3[%arg0, %dma_wait3A_274, %dma_wait3A_275] : memref<2x10000x64xf32, #tpu.memory_space<hbm>> -> memref<1x10000x64xf32, #tpu.memory_space<hbm>>
      %dma_wait3A_277 = tpu.memref_squeeze %dma_wait3A_276 : memref<1x10000x64xf32, #tpu.memory_space<hbm>> -> memref<10000x64xf32, #tpu.memory_space<hbm>>
      %dma_wait3A_278 = arith.constant 0 : i32
      %dma_wait3A_279 = arith.constant 0 : i32
      %dma_wait3A_280 = tpu.memref_slice %dma_wait3A_277[%dma_wait3A_278, %dma_wait3A_279] : memref<10000x64xf32, #tpu.memory_space<hbm>> -> memref<10000x64xf32, #tpu.memory_space<hbm>>
      tpu.wait_indirect_dma semaphore(%arg13 : memref<!tpu.dma_semaphore, #tpu.memory_space<semaphore_mem>>) src(%dma_wait3A_280 : memref<10000x64xf32, #tpu.memory_space<hbm>>) dst(%dma_wait3A_270 : memref<80x64xf32, #tpu.memory_space<vmem>>)
      %dma_start3A_281 = arith.constant 3 : i32
      %dma_start3A_282 = arith.constant 0 : i32
      %dma_start3A_283 = arith.constant 0 : i32
      %dma_start3A_284 = tpu.memref_slice %arg7[%dma_start3A_281, %dma_start3A_282, %dma_start3A_283] : memref<5x80x64xf32, #tpu.memory_space<vmem>> -> memref<1x80x64xf32, #tpu.memory_space<vmem>>
      %dma_start3A_285 = tpu.memref_squeeze %dma_start3A_284 : memref<1x80x64xf32, #tpu.memory_space<vmem>> -> memref<80x64xf32, #tpu.memory_space<vmem>>
      %dma_start3A_286 = arith.constant 0 : i32
      %dma_start3A_287 = tpu.memref_slice %arg6[%add3A_264, %dma_start3A_286] : memref<250x80xi32, #tpu.memory_space<vmem>> -> memref<1x80xi32, #tpu.memory_space<vmem>>
      %dma_start3A_288 = tpu.memref_squeeze %dma_start3A_287 : memref<1x80xi32, #tpu.memory_space<vmem>> -> memref<80xi32, #tpu.memory_space<vmem>>
      %dma_start3A_289 = arith.constant 0 : i32
      %dma_start3A_290 = arith.constant 0 : i32
      %dma_start3A_291 = tpu.memref_slice %arg9[%dma_start3A_289, %dma_start3A_290] : memref<10240x64xf32, #tpu.memory_space<vmem_shared>> -> memref<10240x64xf32, #tpu.memory_space<vmem_shared>>
      tpu.enqueue_indirect_dma source(%dma_start3A_285 : memref<80x64xf32, #tpu.memory_space<vmem>>) target(%dma_start3A_291 : memref<10240x64xf32, #tpu.memory_space<vmem_shared>>) offsets(%dma_start3A_288 : memref<80xi32, #tpu.memory_space<vmem>>) semaphore(%arg13 : memref<!tpu.dma_semaphore, #tpu.memory_space<semaphore_mem>>) {add = true}
      %dma_wait3A_292 = arith.constant 0 : i32
      %dma_wait3A_293 = arith.constant 3 : i32
      %dma_wait3A_294 = arith.constant 0 : i32
      %dma_wait3A_295 = arith.constant 0 : i32
      %dma_wait3A_296 = tpu.memref_slice %arg7[%dma_wait3A_293, %dma_wait3A_294, %dma_wait3A_295] : memref<5x80x64xf32, #tpu.memory_space<vmem>> -> memref<1x80x64xf32, #tpu.memory_space<vmem>>
      %dma_wait3A_297 = tpu.memref_squeeze %dma_wait3A_296 : memref<1x80x64xf32, #tpu.memory_space<vmem>> -> memref<80x64xf32, #tpu.memory_space<vmem>>
      %dma_wait3A_298 = arith.constant 0 : i32
      %dma_wait3A_299 = tpu.memref_slice %arg5[%dma_wait3A_292, %dma_wait3A_298] : memref<250x80xi32, #tpu.memory_space<vmem>> -> memref<1x80xi32, #tpu.memory_space<vmem>>
      %dma_wait3A_300 = tpu.memref_squeeze %dma_wait3A_299 : memref<1x80xi32, #tpu.memory_space<vmem>> -> memref<80xi32, #tpu.memory_space<vmem>>
      %dma_wait3A_301 = arith.constant 0 : i32
      %dma_wait3A_302 = arith.constant 0 : i32
      %dma_wait3A_303 = tpu.memref_slice %arg3[%arg0, %dma_wait3A_301, %dma_wait3A_302] : memref<2x10000x64xf32, #tpu.memory_space<hbm>> -> memref<1x10000x64xf32, #tpu.memory_space<hbm>>
      %dma_wait3A_304 = tpu.memref_squeeze %dma_wait3A_303 : memref<1x10000x64xf32, #tpu.memory_space<hbm>> -> memref<10000x64xf32, #tpu.memory_space<hbm>>
      %dma_wait3A_305 = arith.constant 0 : i32
      %dma_wait3A_306 = arith.constant 0 : i32
      %dma_wait3A_307 = tpu.memref_slice %dma_wait3A_304[%dma_wait3A_305, %dma_wait3A_306] : memref<10000x64xf32, #tpu.memory_space<hbm>> -> memref<10000x64xf32, #tpu.memory_space<hbm>>
      tpu.wait_indirect_dma semaphore(%arg13 : memref<!tpu.dma_semaphore, #tpu.memory_space<semaphore_mem>>) src(%dma_wait3A_307 : memref<10000x64xf32, #tpu.memory_space<hbm>>) dst(%dma_wait3A_297 : memref<80x64xf32, #tpu.memory_space<vmem>>)
      %add3A_308 = arith.constant 5 : i32
      %add3A_309 = arith.addi %add3A_264, %add3A_308 : i32
      %lt3A_310 = arith.constant 250 : i32
      %lt3A_311 = arith.cmpi slt, %add3A_309, %lt3A_310 : i32
      %convert_element_type3A_312 = arith.extui %lt3A_311 : i1 to i32
      %cond3A_313 = arith.constant 0 : i32
      %cond3A_314 = arith.cmpi ne, %convert_element_type3A_312, %cond3A_313 : i32
      scf.if %cond3A_314 {
        %dma_start3A_369 = arith.constant 3 : i32
        %dma_start3A_370 = arith.constant 0 : i32
        %dma_start3A_371 = arith.constant 0 : i32
        %dma_start3A_372 = tpu.memref_slice %arg7[%dma_start3A_369, %dma_start3A_370, %dma_start3A_371] : memref<5x80x64xf32, #tpu.memory_space<vmem>> -> memref<1x80x64xf32, #tpu.memory_space<vmem>>
        %dma_start3A_373 = tpu.memref_squeeze %dma_start3A_372 : memref<1x80x64xf32, #tpu.memory_space<vmem>> -> memref<80x64xf32, #tpu.memory_space<vmem>>
        %dma_start3A_374 = arith.constant 0 : i32
        %dma_start3A_375 = tpu.memref_slice %arg5[%add3A_309, %dma_start3A_374] : memref<250x80xi32, #tpu.memory_space<vmem>> -> memref<1x80xi32, #tpu.memory_space<vmem>>
        %dma_start3A_376 = tpu.memref_squeeze %dma_start3A_375 : memref<1x80xi32, #tpu.memory_space<vmem>> -> memref<80xi32, #tpu.memory_space<vmem>>
        %dma_start3A_377 = arith.constant 0 : i32
        %dma_start3A_378 = arith.constant 0 : i32
        %dma_start3A_379 = tpu.memref_slice %arg3[%arg0, %dma_start3A_377, %dma_start3A_378] : memref<2x10000x64xf32, #tpu.memory_space<hbm>> -> memref<1x10000x64xf32, #tpu.memory_space<hbm>>
        %dma_start3A_380 = tpu.memref_squeeze %dma_start3A_379 : memref<1x10000x64xf32, #tpu.memory_space<hbm>> -> memref<10000x64xf32, #tpu.memory_space<hbm>>
        %dma_start3A_381 = arith.constant 0 : i32
        %dma_start3A_382 = arith.constant 0 : i32
        %dma_start3A_383 = tpu.memref_slice %dma_start3A_380[%dma_start3A_381, %dma_start3A_382] : memref<10000x64xf32, #tpu.memory_space<hbm>> -> memref<10000x64xf32, #tpu.memory_space<hbm>>
        tpu.enqueue_indirect_dma source(%dma_start3A_383 : memref<10000x64xf32, #tpu.memory_space<hbm>>) target(%dma_start3A_373 : memref<80x64xf32, #tpu.memory_space<vmem>>) offsets(%dma_start3A_376 : memref<80xi32, #tpu.memory_space<vmem>>) semaphore(%arg13 : memref<!tpu.dma_semaphore, #tpu.memory_space<semaphore_mem>>)
      } else {
      }
      %mul3A_315 = arith.constant 5 : i32
      %mul3A_316 = arith.muli %add3A_102, %mul3A_315 : i32
      %add3A_317 = arith.constant 4 : i32
      %add3A_318 = arith.addi %mul3A_316, %add3A_317 : i32
      %dma_wait3A_319 = arith.constant 0 : i32
      %dma_wait3A_320 = arith.constant 4 : i32
      %dma_wait3A_321 = arith.constant 0 : i32
      %dma_wait3A_322 = arith.constant 0 : i32
      %dma_wait3A_323 = tpu.memref_slice %arg7[%dma_wait3A_320, %dma_wait3A_321, %dma_wait3A_322] : memref<5x80x64xf32, #tpu.memory_space<vmem>> -> memref<1x80x64xf32, #tpu.memory_space<vmem>>
      %dma_wait3A_324 = tpu.memref_squeeze %dma_wait3A_323 : memref<1x80x64xf32, #tpu.memory_space<vmem>> -> memref<80x64xf32, #tpu.memory_space<vmem>>
      %dma_wait3A_325 = arith.constant 0 : i32
      %dma_wait3A_326 = tpu.memref_slice %arg5[%dma_wait3A_319, %dma_wait3A_325] : memref<250x80xi32, #tpu.memory_space<vmem>> -> memref<1x80xi32, #tpu.memory_space<vmem>>
      %dma_wait3A_327 = tpu.memref_squeeze %dma_wait3A_326 : memref<1x80xi32, #tpu.memory_space<vmem>> -> memref<80xi32, #tpu.memory_space<vmem>>
      %dma_wait3A_328 = arith.constant 0 : i32
      %dma_wait3A_329 = arith.constant 0 : i32
      %dma_wait3A_330 = tpu.memref_slice %arg3[%arg0, %dma_wait3A_328, %dma_wait3A_329] : memref<2x10000x64xf32, #tpu.memory_space<hbm>> -> memref<1x10000x64xf32, #tpu.memory_space<hbm>>
      %dma_wait3A_331 = tpu.memref_squeeze %dma_wait3A_330 : memref<1x10000x64xf32, #tpu.memory_space<hbm>> -> memref<10000x64xf32, #tpu.memory_space<hbm>>
      %dma_wait3A_332 = arith.constant 0 : i32
      %dma_wait3A_333 = arith.constant 0 : i32
      %dma_wait3A_334 = tpu.memref_slice %dma_wait3A_331[%dma_wait3A_332, %dma_wait3A_333] : memref<10000x64xf32, #tpu.memory_space<hbm>> -> memref<10000x64xf32, #tpu.memory_space<hbm>>
      tpu.wait_indirect_dma semaphore(%arg14 : memref<!tpu.dma_semaphore, #tpu.memory_space<semaphore_mem>>) src(%dma_wait3A_334 : memref<10000x64xf32, #tpu.memory_space<hbm>>) dst(%dma_wait3A_324 : memref<80x64xf32, #tpu.memory_space<vmem>>)
      %dma_start3A_335 = arith.constant 4 : i32
      %dma_start3A_336 = arith.constant 0 : i32
      %dma_start3A_337 = arith.constant 0 : i32
      %dma_start3A_338 = tpu.memref_slice %arg7[%dma_start3A_335, %dma_start3A_336, %dma_start3A_337] : memref<5x80x64xf32, #tpu.memory_space<vmem>> -> memref<1x80x64xf32, #tpu.memory_space<vmem>>
      %dma_start3A_339 = tpu.memref_squeeze %dma_start3A_338 : memref<1x80x64xf32, #tpu.memory_space<vmem>> -> memref<80x64xf32, #tpu.memory_space<vmem>>
      %dma_start3A_340 = arith.constant 0 : i32
      %dma_start3A_341 = tpu.memref_slice %arg6[%add3A_318, %dma_start3A_340] : memref<250x80xi32, #tpu.memory_space<vmem>> -> memref<1x80xi32, #tpu.memory_space<vmem>>
      %dma_start3A_342 = tpu.memref_squeeze %dma_start3A_341 : memref<1x80xi32, #tpu.memory_space<vmem>> -> memref<80xi32, #tpu.memory_space<vmem>>
      %dma_start3A_343 = arith.constant 0 : i32
      %dma_start3A_344 = arith.constant 0 : i32
      %dma_start3A_345 = tpu.memref_slice %arg9[%dma_start3A_343, %dma_start3A_344] : memref<10240x64xf32, #tpu.memory_space<vmem_shared>> -> memref<10240x64xf32, #tpu.memory_space<vmem_shared>>
      tpu.enqueue_indirect_dma source(%dma_start3A_339 : memref<80x64xf32, #tpu.memory_space<vmem>>) target(%dma_start3A_345 : memref<10240x64xf32, #tpu.memory_space<vmem_shared>>) offsets(%dma_start3A_342 : memref<80xi32, #tpu.memory_space<vmem>>) semaphore(%arg14 : memref<!tpu.dma_semaphore, #tpu.memory_space<semaphore_mem>>) {add = true}
      %dma_wait3A_346 = arith.constant 0 : i32
      %dma_wait3A_347 = arith.constant 4 : i32
      %dma_wait3A_348 = arith.constant 0 : i32
      %dma_wait3A_349 = arith.constant 0 : i32
      %dma_wait3A_350 = tpu.memref_slice %arg7[%dma_wait3A_347, %dma_wait3A_348, %dma_wait3A_349] : memref<5x80x64xf32, #tpu.memory_space<vmem>> -> memref<1x80x64xf32, #tpu.memory_space<vmem>>
      %dma_wait3A_351 = tpu.memref_squeeze %dma_wait3A_350 : memref<1x80x64xf32, #tpu.memory_space<vmem>> -> memref<80x64xf32, #tpu.memory_space<vmem>>
      %dma_wait3A_352 = arith.constant 0 : i32
      %dma_wait3A_353 = tpu.memref_slice %arg5[%dma_wait3A_346, %dma_wait3A_352] : memref<250x80xi32, #tpu.memory_space<vmem>> -> memref<1x80xi32, #tpu.memory_space<vmem>>
      %dma_wait3A_354 = tpu.memref_squeeze %dma_wait3A_353 : memref<1x80xi32, #tpu.memory_space<vmem>> -> memref<80xi32, #tpu.memory_space<vmem>>
      %dma_wait3A_355 = arith.constant 0 : i32
      %dma_wait3A_356 = arith.constant 0 : i32
      %dma_wait3A_357 = tpu.memref_slice %arg3[%arg0, %dma_wait3A_355, %dma_wait3A_356] : memref<2x10000x64xf32, #tpu.memory_space<hbm>> -> memref<1x10000x64xf32, #tpu.memory_space<hbm>>
      %dma_wait3A_358 = tpu.memref_squeeze %dma_wait3A_357 : memref<1x10000x64xf32, #tpu.memory_space<hbm>> -> memref<10000x64xf32, #tpu.memory_space<hbm>>
      %dma_wait3A_359 = arith.constant 0 : i32
      %dma_wait3A_360 = arith.constant 0 : i32
      %dma_wait3A_361 = tpu.memref_slice %dma_wait3A_358[%dma_wait3A_359, %dma_wait3A_360] : memref<10000x64xf32, #tpu.memory_space<hbm>> -> memref<10000x64xf32, #tpu.memory_space<hbm>>
      tpu.wait_indirect_dma semaphore(%arg14 : memref<!tpu.dma_semaphore, #tpu.memory_space<semaphore_mem>>) src(%dma_wait3A_361 : memref<10000x64xf32, #tpu.memory_space<hbm>>) dst(%dma_wait3A_351 : memref<80x64xf32, #tpu.memory_space<vmem>>)
      %add3A_362 = arith.constant 5 : i32
      %add3A_363 = arith.addi %add3A_318, %add3A_362 : i32
      %lt3A_364 = arith.constant 250 : i32
      %lt3A_365 = arith.cmpi slt, %add3A_363, %lt3A_364 : i32
      %convert_element_type3A_366 = arith.extui %lt3A_365 : i1 to i32
      %cond3A_367 = arith.constant 0 : i32
      %cond3A_368 = arith.cmpi ne, %convert_element_type3A_366, %cond3A_367 : i32
      scf.if %cond3A_368 {
        %dma_start3A_369 = arith.constant 4 : i32
        %dma_start3A_370 = arith.constant 0 : i32
        %dma_start3A_371 = arith.constant 0 : i32
        %dma_start3A_372 = tpu.memref_slice %arg7[%dma_start3A_369, %dma_start3A_370, %dma_start3A_371] : memref<5x80x64xf32, #tpu.memory_space<vmem>> -> memref<1x80x64xf32, #tpu.memory_space<vmem>>
        %dma_start3A_373 = tpu.memref_squeeze %dma_start3A_372 : memref<1x80x64xf32, #tpu.memory_space<vmem>> -> memref<80x64xf32, #tpu.memory_space<vmem>>
        %dma_start3A_374 = arith.constant 0 : i32
        %dma_start3A_375 = tpu.memref_slice %arg5[%add3A_363, %dma_start3A_374] : memref<250x80xi32, #tpu.memory_space<vmem>> -> memref<1x80xi32, #tpu.memory_space<vmem>>
        %dma_start3A_376 = tpu.memref_squeeze %dma_start3A_375 : memref<1x80xi32, #tpu.memory_space<vmem>> -> memref<80xi32, #tpu.memory_space<vmem>>
        %dma_start3A_377 = arith.constant 0 : i32
        %dma_start3A_378 = arith.constant 0 : i32
        %dma_start3A_379 = tpu.memref_slice %arg3[%arg0, %dma_start3A_377, %dma_start3A_378] : memref<2x10000x64xf32, #tpu.memory_space<hbm>> -> memref<1x10000x64xf32, #tpu.memory_space<hbm>>
        %dma_start3A_380 = tpu.memref_squeeze %dma_start3A_379 : memref<1x10000x64xf32, #tpu.memory_space<hbm>> -> memref<10000x64xf32, #tpu.memory_space<hbm>>
        %dma_start3A_381 = arith.constant 0 : i32
        %dma_start3A_382 = arith.constant 0 : i32
        %dma_start3A_383 = tpu.memref_slice %dma_start3A_380[%dma_start3A_381, %dma_start3A_382] : memref<10000x64xf32, #tpu.memory_space<hbm>> -> memref<10000x64xf32, #tpu.memory_space<hbm>>
        tpu.enqueue_indirect_dma source(%dma_start3A_383 : memref<10000x64xf32, #tpu.memory_space<hbm>>) target(%dma_start3A_373 : memref<80x64xf32, #tpu.memory_space<vmem>>) offsets(%dma_start3A_376 : memref<80xi32, #tpu.memory_space<vmem>>) semaphore(%arg14 : memref<!tpu.dma_semaphore, #tpu.memory_space<semaphore_mem>>)
      } else {
      }
    }
    %scan3A_94 = arith.constant 50 : i32
    %barrier3A_95 = arith.constant 0 : index
    tpu.barrier barrier_id(%barrier3A_95)
    %mul3A = arith.constant 640 : i32
    %mul3A_96 = arith.muli %arg1, %mul3A : i32
    %mul3A_97 = arith.constant 640 : i32
    %mul3A_98 = arith.muli %arg1, %mul3A_97 : i32
    "tpu.region"() ({
      %run_scoped3A_99 = tpu.sem_alloc : memref<!tpu.dma_semaphore, #tpu.memory_space<semaphore_mem>>
      %dma_start3A_100 = arith.constant 0 : i32
      %dma_start3A_101 = tpu.memref_slice %arg4[%arg0, %mul3A_98, %dma_start3A_100] : memref<2x10240x64xf32, #tpu.memory_space<hbm>> -> memref<1x640x64xf32, #tpu.memory_space<hbm>>
      %dma_start3A_102 = tpu.memref_squeeze %dma_start3A_101 : memref<1x640x64xf32, #tpu.memory_space<hbm>> -> memref<640x64xf32, #tpu.memory_space<hbm>>
      %dma_start3A_103 = arith.constant 0 : i32
      %dma_start3A_104 = tpu.memref_slice %arg9[%mul3A_96, %dma_start3A_103] : memref<10240x64xf32, #tpu.memory_space<vmem_shared>> -> memref<640x64xf32, #tpu.memory_space<vmem_shared>>
      tpu.enqueue_dma source(%dma_start3A_104 : memref<640x64xf32, #tpu.memory_space<vmem_shared>>) target(%dma_start3A_102 : memref<640x64xf32, #tpu.memory_space<hbm>>) target_semaphore(%run_scoped3A_99 : memref<!tpu.dma_semaphore, #tpu.memory_space<semaphore_mem>>)
      %dma_wait3A = arith.constant 0 : i32
      %dma_wait3A_105 = tpu.memref_slice %arg4[%arg0, %mul3A_98, %dma_wait3A] : memref<2x10240x64xf32, #tpu.memory_space<hbm>> -> memref<1x640x64xf32, #tpu.memory_space<hbm>>
      %dma_wait3A_106 = tpu.memref_squeeze %dma_wait3A_105 : memref<1x640x64xf32, #tpu.memory_space<hbm>> -> memref<640x64xf32, #tpu.memory_space<hbm>>
      %dma_wait3A_107 = arith.constant 0 : i32
      %dma_wait3A_108 = tpu.memref_slice %arg9[%mul3A_96, %dma_wait3A_107] : memref<10240x64xf32, #tpu.memory_space<vmem_shared>> -> memref<640x64xf32, #tpu.memory_space<vmem_shared>>
      tpu.wait_dma2 semaphore(%run_scoped3A_99 : memref<!tpu.dma_semaphore, #tpu.memory_space<semaphore_mem>>) src(%dma_wait3A_108 : memref<640x64xf32, #tpu.memory_space<vmem_shared>>) dst(%dma_wait3A_106 : memref<640x64xf32, #tpu.memory_space<hbm>>)
      tpu.yield
    }) : () -> ()
    return
  }
}

#map = affine_map<(d0, d1) -> (0, 0, 0, 0)>
#map1 = affine_map<(d0, d1) -> (0, 0)>
module attributes {stable_mosaic.version = 14 : i64} {
  func.func @_sc_degree_body(%arg0: i32, %arg1: i32, %arg2: memref<2x32x125x80xi32, #tpu.memory_space<hbm>>, %arg3: memref<32x10240xf32, #tpu.memory_space<hbm>>, %arg4: memref<125x80xi32, #tpu.memory_space<vmem>>, %arg5: memref<10240xf32, #tpu.memory_space<vmem>>) attributes {dimension_semantics = [#tpu.dimension_semantics<core_parallel>, #tpu.dimension_semantics<subcore_parallel>], iteration_bounds = array<i64: 2, 16>, scalar_prefetch = 0 : i64, scratch_operands = 2 : i64, tpu.core_type = #tpu.core_type<sc_vector_subcore>, window_params = [{transform_indices = #map}, {transform_indices = #map1}]} {
    %mul3A = arith.constant 16 : i32
    %mul3A_0 = arith.muli %arg0, %mul3A : i32
    %add3A = arith.addi %mul3A_0, %arg1 : i32
    %run_scoped3A = arith.constant 1 : i32
    "tpu.region"() ({
      %run_scoped3A_13 = tpu.sem_alloc : memref<!tpu.dma_semaphore, #tpu.memory_space<semaphore_mem>>
      %dma_start3A = arith.constant 0 : i32
      %dma_start3A_14 = arith.constant 0 : i32
      %dma_start3A_15 = tpu.memref_slice %arg2[%run_scoped3A, %add3A, %dma_start3A, %dma_start3A_14] : memref<2x32x125x80xi32, #tpu.memory_space<hbm>> -> memref<1x1x125x80xi32, #tpu.memory_space<hbm>>
      %dma_start3A_16 = tpu.memref_squeeze %dma_start3A_15 : memref<1x1x125x80xi32, #tpu.memory_space<hbm>> -> memref<125x80xi32, #tpu.memory_space<hbm>>
      %dma_start3A_17 = arith.constant 0 : i32
      %dma_start3A_18 = arith.constant 0 : i32
      %dma_start3A_19 = tpu.memref_slice %arg2[%run_scoped3A, %add3A, %dma_start3A_17, %dma_start3A_18] : memref<2x32x125x80xi32, #tpu.memory_space<hbm>> -> memref<1x1x125x80xi32, #tpu.memory_space<hbm>>
      %dma_start3A_20 = tpu.memref_squeeze %dma_start3A_19 : memref<1x1x125x80xi32, #tpu.memory_space<hbm>> -> memref<125x80xi32, #tpu.memory_space<hbm>>
      tpu.enqueue_dma source(%dma_start3A_20 : memref<125x80xi32, #tpu.memory_space<hbm>>) target(%arg4 : memref<125x80xi32, #tpu.memory_space<vmem>>) target_semaphore(%run_scoped3A_13 : memref<!tpu.dma_semaphore, #tpu.memory_space<semaphore_mem>>)
      %dma_wait3A = arith.constant 0 : i32
      %dma_wait3A_21 = arith.constant 0 : i32
      %dma_wait3A_22 = tpu.memref_slice %arg2[%run_scoped3A, %add3A, %dma_wait3A, %dma_wait3A_21] : memref<2x32x125x80xi32, #tpu.memory_space<hbm>> -> memref<1x1x125x80xi32, #tpu.memory_space<hbm>>
      %dma_wait3A_23 = tpu.memref_squeeze %dma_wait3A_22 : memref<1x1x125x80xi32, #tpu.memory_space<hbm>> -> memref<125x80xi32, #tpu.memory_space<hbm>>
      %dma_wait3A_24 = arith.constant 0 : i32
      %dma_wait3A_25 = arith.constant 0 : i32
      %dma_wait3A_26 = tpu.memref_slice %arg2[%run_scoped3A, %add3A, %dma_wait3A_24, %dma_wait3A_25] : memref<2x32x125x80xi32, #tpu.memory_space<hbm>> -> memref<1x1x125x80xi32, #tpu.memory_space<hbm>>
      %dma_wait3A_27 = tpu.memref_squeeze %dma_wait3A_26 : memref<1x1x125x80xi32, #tpu.memory_space<hbm>> -> memref<125x80xi32, #tpu.memory_space<hbm>>
      tpu.wait_dma2 semaphore(%run_scoped3A_13 : memref<!tpu.dma_semaphore, #tpu.memory_space<semaphore_mem>>) src(%dma_wait3A_27 : memref<125x80xi32, #tpu.memory_space<hbm>>) dst(%arg4 : memref<125x80xi32, #tpu.memory_space<vmem>>)
      tpu.yield
    }) : () -> ()
    %broadcast_in_dim3A = arith.constant 0.000000e+00 : f32
    %broadcast_in_dim3A_1 = vector.broadcast %broadcast_in_dim3A : f32 to vector<16xf32>
    %scan3A = arith.constant 0 : i32
    %scan3A_2 = arith.constant 640 : i32
    %scan3A_3 = arith.addi %scan3A, %scan3A_2 : i32
    %scan3A_4 = arith.constant 1 : i32
    scf.for %scan3A_13 = %scan3A to %scan3A_3 step %scan3A_4  : i32 {
      %mul3A_14 = arith.constant 1 : i32
      %mul3A_15 = arith.muli %scan3A_13, %mul3A_14 : i32
      %add3A_16 = arith.constant 0 : i32
      %add3A_17 = arith.addi %add3A_16, %mul3A_15 : i32
      %mul3A_18 = arith.constant 16 : i32
      %mul3A_19 = arith.muli %add3A_17, %mul3A_18 : i32
      %swap3A = arith.index_cast %mul3A_19 : i32 to index
      %swap3A_20 = tpu.vector_load %arg5[%swap3A] {strides = array<i32>} : memref<10240xf32, #tpu.memory_space<vmem>>, vector<16xf32>,
      tpu.vector_store %arg5[%swap3A], %broadcast_in_dim3A_1 {strides = array<i32>} : memref<10240xf32, #tpu.memory_space<vmem>>, vector<16xf32>,
    }
    %scan3A_5 = arith.constant 640 : i32
    %broadcast_in_dim3A_6 = arith.constant 1.000000e+00 : f32
    %broadcast_in_dim3A_7 = vector.broadcast %broadcast_in_dim3A_6 : f32 to vector<16xf32>
    %scan3A_8 = arith.constant 0 : i32
    %scan3A_9 = arith.constant 125 : i32
    %scan3A_10 = arith.addi %scan3A_8, %scan3A_9 : i32
    %scan3A_11 = arith.constant 1 : i32
    scf.for %scan3A_13 = %scan3A_8 to %scan3A_10 step %scan3A_11  : i32 {
      %mul3A_14 = arith.constant 1 : i32
      %mul3A_15 = arith.muli %scan3A_13, %mul3A_14 : i32
      %add3A_16 = arith.constant 0 : i32
      %add3A_17 = arith.addi %add3A_16, %mul3A_15 : i32
      %get3A = arith.index_cast %add3A_17 : i32 to index
      %get3A_18 = arith.constant 0 : index
      %get3A_19 = tpu.vector_load %arg4[%get3A, %get3A_18] {strides = array<i32>} : memref<125x80xi32, #tpu.memory_space<vmem>>, vector<16xi32>,
      tpu.vector_store_idx %arg5[%get3A_19], %broadcast_in_dim3A_7 {add = true} : memref<10240xf32, #tpu.memory_space<vmem>>[vector<16xi32>], vector<16xf32>,
      %get3A_20 = arith.index_cast %add3A_17 : i32 to index
      %get3A_21 = arith.constant 16 : index
      %get3A_22 = tpu.vector_load %arg4[%get3A_20, %get3A_21] {strides = array<i32>} : memref<125x80xi32, #tpu.memory_space<vmem>>, vector<16xi32>,
      tpu.vector_store_idx %arg5[%get3A_22], %broadcast_in_dim3A_7 {add = true} : memref<10240xf32, #tpu.memory_space<vmem>>[vector<16xi32>], vector<16xf32>,
      %get3A_23 = arith.index_cast %add3A_17 : i32 to index
      %get3A_24 = arith.constant 32 : index
      %get3A_25 = tpu.vector_load %arg4[%get3A_23, %get3A_24] {strides = array<i32>} : memref<125x80xi32, #tpu.memory_space<vmem>>, vector<16xi32>,
      tpu.vector_store_idx %arg5[%get3A_25], %broadcast_in_dim3A_7 {add = true} : memref<10240xf32, #tpu.memory_space<vmem>>[vector<16xi32>], vector<16xf32>,
      %get3A_26 = arith.index_cast %add3A_17 : i32 to index
      %get3A_27 = arith.constant 48 : index
      %get3A_28 = tpu.vector_load %arg4[%get3A_26, %get3A_27] {strides = array<i32>} : memref<125x80xi32, #tpu.memory_space<vmem>>, vector<16xi32>,
      tpu.vector_store_idx %arg5[%get3A_28], %broadcast_in_dim3A_7 {add = true} : memref<10240xf32, #tpu.memory_space<vmem>>[vector<16xi32>], vector<16xf32>,
      %get3A_29 = arith.index_cast %add3A_17 : i32 to index
      %get3A_30 = arith.constant 64 : index
      %get3A_31 = tpu.vector_load %arg4[%get3A_29, %get3A_30] {strides = array<i32>} : memref<125x80xi32, #tpu.memory_space<vmem>>, vector<16xi32>,
      tpu.vector_store_idx %arg5[%get3A_31], %broadcast_in_dim3A_7 {add = true} : memref<10240xf32, #tpu.memory_space<vmem>>[vector<16xi32>], vector<16xf32>,
    }
    %scan3A_12 = arith.constant 125 : i32
    "tpu.region"() ({
      %run_scoped3A_13 = tpu.sem_alloc : memref<!tpu.dma_semaphore, #tpu.memory_space<semaphore_mem>>
      %dma_start3A = arith.constant 0 : i32
      %dma_start3A_14 = tpu.memref_slice %arg3[%add3A, %dma_start3A] : memref<32x10240xf32, #tpu.memory_space<hbm>> -> memref<1x10240xf32, #tpu.memory_space<hbm>>
      %dma_start3A_15 = tpu.memref_squeeze %dma_start3A_14 : memref<1x10240xf32, #tpu.memory_space<hbm>> -> memref<10240xf32, #tpu.memory_space<hbm>>
      %dma_start3A_16 = arith.constant 0 : i32
      %dma_start3A_17 = tpu.memref_slice %arg3[%add3A, %dma_start3A_16] : memref<32x10240xf32, #tpu.memory_space<hbm>> -> memref<1x10240xf32, #tpu.memory_space<hbm>>
      %dma_start3A_18 = tpu.memref_squeeze %dma_start3A_17 : memref<1x10240xf32, #tpu.memory_space<hbm>> -> memref<10240xf32, #tpu.memory_space<hbm>>
      tpu.enqueue_dma source(%arg5 : memref<10240xf32, #tpu.memory_space<vmem>>) target(%dma_start3A_18 : memref<10240xf32, #tpu.memory_space<hbm>>) target_semaphore(%run_scoped3A_13 : memref<!tpu.dma_semaphore, #tpu.memory_space<semaphore_mem>>)
      %dma_wait3A = arith.constant 0 : i32
      %dma_wait3A_19 = tpu.memref_slice %arg3[%add3A, %dma_wait3A] : memref<32x10240xf32, #tpu.memory_space<hbm>> -> memref<1x10240xf32, #tpu.memory_space<hbm>>
      %dma_wait3A_20 = tpu.memref_squeeze %dma_wait3A_19 : memref<1x10240xf32, #tpu.memory_space<hbm>> -> memref<10240xf32, #tpu.memory_space<hbm>>
      %dma_wait3A_21 = arith.constant 0 : i32
      %dma_wait3A_22 = tpu.memref_slice %arg3[%add3A, %dma_wait3A_21] : memref<32x10240xf32, #tpu.memory_space<hbm>> -> memref<1x10240xf32, #tpu.memory_space<hbm>>
      %dma_wait3A_23 = tpu.memref_squeeze %dma_wait3A_22 : memref<1x10240xf32, #tpu.memory_space<hbm>> -> memref<10240xf32, #tpu.memory_space<hbm>>
      tpu.wait_dma2 semaphore(%run_scoped3A_13 : memref<!tpu.dma_semaphore, #tpu.memory_space<semaphore_mem>>) src(%arg5 : memref<10240xf32, #tpu.memory_space<vmem>>) dst(%dma_wait3A_23 : memref<10240xf32, #tpu.memory_space<hbm>>)
      tpu.yield
    }) : () -> ()
    return
  }
}

#map = affine_map<(d0, d1) -> (0, 0, 0, 0)>
#map1 = affine_map<(d0, d1) -> (0, 0, 0)>
module attributes {stable_mosaic.version = 14 : i64} {
  func.func @_sc_scatter_body(%arg0: i32, %arg1: i32, %arg2: memref<2x16x250x80xi32, #tpu.memory_space<hbm>>, %arg3: memref<2x10000x64xf32, #tpu.memory_space<hbm>>, %arg4: memref<2x10240x64xf32, #tpu.memory_space<hbm>>, %arg5: memref<250x80xi32, #tpu.memory_space<vmem>>, %arg6: memref<250x80xi32, #tpu.memory_space<vmem>>, %arg7: memref<5x80x64xf32, #tpu.memory_space<vmem>>, %arg8: memref<128x64xf32, #tpu.memory_space<vmem>>, %arg9: memref<10240x64xf32, #tpu.memory_space<vmem_shared>>, %arg10: memref<!tpu.dma_semaphore, #tpu.memory_space<semaphore_mem>>, %arg11: memref<!tpu.dma_semaphore, #tpu.memory_space<semaphore_mem>>, %arg12: memref<!tpu.dma_semaphore, #tpu.memory_space<semaphore_mem>>, %arg13: memref<!tpu.dma_semaphore, #tpu.memory_space<semaphore_mem>>, %arg14: memref<!tpu.dma_semaphore, #tpu.memory_space<semaphore_mem>>) attributes {dimension_semantics = [#tpu.dimension_semantics<core_parallel>, #tpu.dimension_semantics<subcore_parallel>], iteration_bounds = array<i64: 2, 16>, scalar_prefetch = 0 : i64, scratch_operands = 10 : i64, tpu.core_type = #tpu.core_type<sc_vector_subcore>, window_params = [{transform_indices = #map}, {transform_indices = #map1}, {transform_indices = #map1}]} {
    %run_scoped3A = arith.constant 0 : i32
    "tpu.region"() ({
      %run_scoped3A_99 = tpu.sem_alloc : memref<!tpu.dma_semaphore, #tpu.memory_space<semaphore_mem>>
      %dma_start3A_100 = arith.constant 0 : i32
      %dma_start3A_101 = arith.constant 0 : i32
      %dma_start3A_102 = tpu.memref_slice %arg2[%run_scoped3A, %arg1, %dma_start3A_100, %dma_start3A_101] : memref<2x16x250x80xi32, #tpu.memory_space<hbm>> -> memref<1x1x250x80xi32, #tpu.memory_space<hbm>>
      %dma_start3A_103 = tpu.memref_squeeze %dma_start3A_102 : memref<1x1x250x80xi32, #tpu.memory_space<hbm>> -> memref<250x80xi32, #tpu.memory_space<hbm>>
      %dma_start3A_104 = arith.constant 0 : i32
      %dma_start3A_105 = arith.constant 0 : i32
      %dma_start3A_106 = tpu.memref_slice %arg2[%run_scoped3A, %arg1, %dma_start3A_104, %dma_start3A_105] : memref<2x16x250x80xi32, #tpu.memory_space<hbm>> -> memref<1x1x250x80xi32, #tpu.memory_space<hbm>>
      %dma_start3A_107 = tpu.memref_squeeze %dma_start3A_106 : memref<1x1x250x80xi32, #tpu.memory_space<hbm>> -> memref<250x80xi32, #tpu.memory_space<hbm>>
      tpu.enqueue_dma source(%dma_start3A_107 : memref<250x80xi32, #tpu.memory_space<hbm>>) target(%arg5 : memref<250x80xi32, #tpu.memory_space<vmem>>) target_semaphore(%run_scoped3A_99 : memref<!tpu.dma_semaphore, #tpu.memory_space<semaphore_mem>>)
      %dma_wait3A = arith.constant 0 : i32
      %dma_wait3A_108 = arith.constant 0 : i32
      %dma_wait3A_109 = tpu.memref_slice %arg2[%run_scoped3A, %arg1, %dma_wait3A, %dma_wait3A_108] : memref<2x16x250x80xi32, #tpu.memory_space<hbm>> -> memref<1x1x250x80xi32, #tpu.memory_space<hbm>>
      %dma_wait3A_110 = tpu.memref_squeeze %dma_wait3A_109 : memref<1x1x250x80xi32, #tpu.memory_space<hbm>> -> memref<250x80xi32, #tpu.memory_space<hbm>>
      %dma_wait3A_111 = arith.constant 0 : i32
      %dma_wait3A_112 = arith.constant 0 : i32
      %dma_wait3A_113 = tpu.memref_slice %arg2[%run_scoped3A, %arg1, %dma_wait3A_111, %dma_wait3A_112] : memref<2x16x250x80xi32, #tpu.memory_space<hbm>> -> memref<1x1x250x80xi32, #tpu.memory_space<hbm>>
      %dma_wait3A_114 = tpu.memref_squeeze %dma_wait3A_113 : memref<1x1x250x80xi32, #tpu.memory_space<hbm>> -> memref<250x80xi32, #tpu.memory_space<hbm>>
      tpu.wait_dma2 semaphore(%run_scoped3A_99 : memref<!tpu.dma_semaphore, #tpu.memory_space<semaphore_mem>>) src(%dma_wait3A_114 : memref<250x80xi32, #tpu.memory_space<hbm>>) dst(%arg5 : memref<250x80xi32, #tpu.memory_space<vmem>>)
      tpu.yield
    }) : () -> ()
    %run_scoped3A_0 = arith.constant 1 : i32
    "tpu.region"() ({
      %run_scoped3A_99 = tpu.sem_alloc : memref<!tpu.dma_semaphore, #tpu.memory_space<semaphore_mem>>
      %dma_start3A_100 = arith.constant 0 : i32
      %dma_start3A_101 = arith.constant 0 : i32
      %dma_start3A_102 = tpu.memref_slice %arg2[%run_scoped3A_0, %arg1, %dma_start3A_100, %dma_start3A_101] : memref<2x16x250x80xi32, #tpu.memory_space<hbm>> -> memref<1x1x250x80xi32, #tpu.memory_space<hbm>>
      %dma_start3A_103 = tpu.memref_squeeze %dma_start3A_102 : memref<1x1x250x80xi32, #tpu.memory_space<hbm>> -> memref<250x80xi32, #tpu.memory_space<hbm>>
      %dma_start3A_104 = arith.constant 0 : i32
      %dma_start3A_105 = arith.constant 0 : i32
      %dma_start3A_106 = tpu.memref_slice %arg2[%run_scoped3A_0, %arg1, %dma_start3A_104, %dma_start3A_105] : memref<2x16x250x80xi32, #tpu.memory_space<hbm>> -> memref<1x1x250x80xi32, #tpu.memory_space<hbm>>
      %dma_start3A_107 = tpu.memref_squeeze %dma_start3A_106 : memref<1x1x250x80xi32, #tpu.memory_space<hbm>> -> memref<250x80xi32, #tpu.memory_space<hbm>>
      tpu.enqueue_dma source(%dma_start3A_107 : memref<250x80xi32, #tpu.memory_space<hbm>>) target(%arg6 : memref<250x80xi32, #tpu.memory_space<vmem>>) target_semaphore(%run_scoped3A_99 : memref<!tpu.dma_semaphore, #tpu.memory_space<semaphore_mem>>)
      %dma_wait3A = arith.constant 0 : i32
      %dma_wait3A_108 = arith.constant 0 : i32
      %dma_wait3A_109 = tpu.memref_slice %arg2[%run_scoped3A_0, %arg1, %dma_wait3A, %dma_wait3A_108] : memref<2x16x250x80xi32, #tpu.memory_space<hbm>> -> memref<1x1x250x80xi32, #tpu.memory_space<hbm>>
      %dma_wait3A_110 = tpu.memref_squeeze %dma_wait3A_109 : memref<1x1x250x80xi32, #tpu.memory_space<hbm>> -> memref<250x80xi32, #tpu.memory_space<hbm>>
      %dma_wait3A_111 = arith.constant 0 : i32
      %dma_wait3A_112 = arith.constant 0 : i32
      %dma_wait3A_113 = tpu.memref_slice %arg2[%run_scoped3A_0, %arg1, %dma_wait3A_111, %dma_wait3A_112] : memref<2x16x250x80xi32, #tpu.memory_space<hbm>> -> memref<1x1x250x80xi32, #tpu.memory_space<hbm>>
      %dma_wait3A_114 = tpu.memref_squeeze %dma_wait3A_113 : memref<1x1x250x80xi32, #tpu.memory_space<hbm>> -> memref<250x80xi32, #tpu.memory_space<hbm>>
      tpu.wait_dma2 semaphore(%run_scoped3A_99 : memref<!tpu.dma_semaphore, #tpu.memory_space<semaphore_mem>>) src(%dma_wait3A_114 : memref<250x80xi32, #tpu.memory_space<hbm>>) dst(%arg6 : memref<250x80xi32, #tpu.memory_space<vmem>>)
      tpu.yield
    }) : () -> ()
    %broadcast_in_dim3A = arith.constant 0.000000e+00 : f32
    %broadcast_in_dim3A_1 = vector.broadcast %broadcast_in_dim3A : f32 to vector<16xf32>
    %scan3A = arith.constant 0 : i32
    %scan3A_2 = arith.constant 128 : i32
    %scan3A_3 = arith.addi %scan3A, %scan3A_2 : i32
    %scan3A_4 = arith.constant 1 : i32
    scf.for %scan3A_99 = %scan3A to %scan3A_3 step %scan3A_4  : i32 {
      %mul3A_100 = arith.constant 1 : i32
      %mul3A_101 = arith.muli %scan3A_99, %mul3A_100 : i32
      %add3A = arith.constant 0 : i32
      %add3A_102 = arith.addi %add3A, %mul3A_101 : i32
      %swap3A = arith.index_cast %add3A_102 : i32 to index
      %swap3A_103 = arith.constant 0 : index
      %swap3A_104 = tpu.vector_load %arg8[%swap3A, %swap3A_103] {strides = array<i32>} : memref<128x64xf32, #tpu.memory_space<vmem>>, vector<1x16xf32>,
      %swap3A_105 = vector.shape_cast %swap3A_104 : vector<1x16xf32> to vector<16xf32>
      %swap3A_106 = vector.shape_cast %broadcast_in_dim3A_1 : vector<16xf32> to vector<1x16xf32>
      tpu.vector_store %arg8[%swap3A, %swap3A_103], %swap3A_106 {strides = array<i32>} : memref<128x64xf32, #tpu.memory_space<vmem>>, vector<1x16xf32>,
      %swap3A_107 = arith.index_cast %add3A_102 : i32 to index
      %swap3A_108 = arith.constant 16 : index
      %swap3A_109 = tpu.vector_load %arg8[%swap3A_107, %swap3A_108] {strides = array<i32>} : memref<128x64xf32, #tpu.memory_space<vmem>>, vector<1x16xf32>,
      %swap3A_110 = vector.shape_cast %swap3A_109 : vector<1x16xf32> to vector<16xf32>
      %swap3A_111 = vector.shape_cast %broadcast_in_dim3A_1 : vector<16xf32> to vector<1x16xf32>
      tpu.vector_store %arg8[%swap3A_107, %swap3A_108], %swap3A_111 {strides = array<i32>} : memref<128x64xf32, #tpu.memory_space<vmem>>, vector<1x16xf32>,
      %swap3A_112 = arith.index_cast %add3A_102 : i32 to index
      %swap3A_113 = arith.constant 32 : index
      %swap3A_114 = tpu.vector_load %arg8[%swap3A_112, %swap3A_113] {strides = array<i32>} : memref<128x64xf32, #tpu.memory_space<vmem>>, vector<1x16xf32>,
      %swap3A_115 = vector.shape_cast %swap3A_114 : vector<1x16xf32> to vector<16xf32>
      %swap3A_116 = vector.shape_cast %broadcast_in_dim3A_1 : vector<16xf32> to vector<1x16xf32>
      tpu.vector_store %arg8[%swap3A_112, %swap3A_113], %swap3A_116 {strides = array<i32>} : memref<128x64xf32, #tpu.memory_space<vmem>>, vector<1x16xf32>,
      %swap3A_117 = arith.index_cast %add3A_102 : i32 to index
      %swap3A_118 = arith.constant 48 : index
      %swap3A_119 = tpu.vector_load %arg8[%swap3A_117, %swap3A_118] {strides = array<i32>} : memref<128x64xf32, #tpu.memory_space<vmem>>, vector<1x16xf32>,
      %swap3A_120 = vector.shape_cast %swap3A_119 : vector<1x16xf32> to vector<16xf32>
      %swap3A_121 = vector.shape_cast %broadcast_in_dim3A_1 : vector<16xf32> to vector<1x16xf32>
      tpu.vector_store %arg8[%swap3A_117, %swap3A_118], %swap3A_121 {strides = array<i32>} : memref<128x64xf32, #tpu.memory_space<vmem>>, vector<1x16xf32>,
    }
    %scan3A_5 = arith.constant 128 : i32
    %scan3A_6 = arith.constant 0 : i32
    %scan3A_7 = arith.constant 5 : i32
    %scan3A_8 = arith.addi %scan3A_6, %scan3A_7 : i32
    %scan3A_9 = arith.constant 1 : i32
    scf.for %scan3A_99 = %scan3A_6 to %scan3A_8 step %scan3A_9  : i32 {
      %mul3A_100 = arith.constant 1 : i32
      %mul3A_101 = arith.muli %scan3A_99, %mul3A_100 : i32
      %add3A = arith.constant 0 : i32
      %add3A_102 = arith.addi %add3A, %mul3A_101 : i32
      %mul3A_103 = arith.constant 640 : i32
      %mul3A_104 = arith.muli %arg1, %mul3A_103 : i32
      %mul3A_105 = arith.constant 128 : i32
      %mul3A_106 = arith.muli %add3A_102, %mul3A_105 : i32
      %add3A_107 = arith.addi %mul3A_104, %mul3A_106 : i32
      "tpu.region"() ({
        %run_scoped3A_108 = tpu.sem_alloc : memref<!tpu.dma_semaphore, #tpu.memory_space<semaphore_mem>>
        %dma_start3A_109 = arith.constant 0 : i32
        %dma_start3A_110 = tpu.memref_slice %arg9[%add3A_107, %dma_start3A_109] : memref<10240x64xf32, #tpu.memory_space<vmem_shared>> -> memref<128x64xf32, #tpu.memory_space<vmem_shared>>
        %dma_start3A_111 = arith.constant 0 : i32
        %dma_start3A_112 = tpu.memref_slice %arg9[%add3A_107, %dma_start3A_111] : memref<10240x64xf32, #tpu.memory_space<vmem_shared>> -> memref<128x64xf32, #tpu.memory_space<vmem_shared>>
        tpu.enqueue_dma source(%arg8 : memref<128x64xf32, #tpu.memory_space<vmem>>) target(%dma_start3A_112 : memref<128x64xf32, #tpu.memory_space<vmem_shared>>) target_semaphore(%run_scoped3A_108 : memref<!tpu.dma_semaphore, #tpu.memory_space<semaphore_mem>>)
        %dma_wait3A = arith.constant 0 : i32
        %dma_wait3A_113 = tpu.memref_slice %arg9[%add3A_107, %dma_wait3A] : memref<10240x64xf32, #tpu.memory_space<vmem_shared>> -> memref<128x64xf32, #tpu.memory_space<vmem_shared>>
        %dma_wait3A_114 = arith.constant 0 : i32
        %dma_wait3A_115 = tpu.memref_slice %arg9[%add3A_107, %dma_wait3A_114] : memref<10240x64xf32, #tpu.memory_space<vmem_shared>> -> memref<128x64xf32, #tpu.memory_space<vmem_shared>>
        tpu.wait_dma2 semaphore(%run_scoped3A_108 : memref<!tpu.dma_semaphore, #tpu.memory_space<semaphore_mem>>) src(%arg8 : memref<128x64xf32, #tpu.memory_space<vmem>>) dst(%dma_wait3A_115 : memref<128x64xf32, #tpu.memory_space<vmem_shared>>)
        tpu.yield
      }) : () -> ()
    }
    %scan3A_10 = arith.constant 5 : i32
    %barrier3A = arith.constant 0 : index
    tpu.barrier barrier_id(%barrier3A)
    %dma_start3A = arith.constant 0 : i32
    %dma_start3A_11 = arith.constant 0 : i32
    %dma_start3A_12 = arith.constant 0 : i32
    %dma_start3A_13 = arith.constant 0 : i32
    %dma_start3A_14 = tpu.memref_slice %arg7[%dma_start3A_11, %dma_start3A_12, %dma_start3A_13] : memref<5x80x64xf32, #tpu.memory_space<vmem>> -> memref<1x80x64xf32, #tpu.memory_space<vmem>>
    %dma_start3A_15 = tpu.memref_squeeze %dma_start3A_14 : memref<1x80x64xf32, #tpu.memory_space<vmem>> -> memref<80x64xf32, #tpu.memory_space<vmem>>
    %dma_start3A_16 = arith.constant 0 : i32
    %dma_start3A_17 = tpu.memref_slice %arg5[%dma_start3A, %dma_start3A_16] : memref<250x80xi32, #tpu.memory_space<vmem>> -> memref<1x80xi32, #tpu.memory_space<vmem>>
    %dma_start3A_18 = tpu.memref_squeeze %dma_start3A_17 : memref<1x80xi32, #tpu.memory_space<vmem>> -> memref<80xi32, #tpu.memory_space<vmem>>
    %dma_start3A_19 = arith.constant 0 : i32
    %dma_start3A_20 = arith.constant 0 : i32
    %dma_start3A_21 = tpu.memref_slice %arg3[%arg0, %dma_start3A_19, %dma_start3A_20] : memref<2x10000x64xf32, #tpu.memory_space<hbm>> -> memref<1x10000x64xf32, #tpu.memory_space<hbm>>
    %dma_start3A_22 = tpu.memref_squeeze %dma_start3A_21 : memref<1x10000x64xf32, #tpu.memory_space<hbm>> -> memref<10000x64xf32, #tpu.memory_space<hbm>>
    %dma_start3A_23 = arith.constant 0 : i32
    %dma_start3A_24 = arith.constant 0 : i32
    %dma_start3A_25 = tpu.memref_slice %dma_start3A_22[%dma_start3A_23, %dma_start3A_24] : memref<10000x64xf32, #tpu.memory_space<hbm>> -> memref<10000x64xf32, #tpu.memory_space<hbm>>
    tpu.enqueue_indirect_dma source(%dma_start3A_25 : memref<10000x64xf32, #tpu.memory_space<hbm>>) target(%dma_start3A_15 : memref<80x64xf32, #tpu.memory_space<vmem>>) offsets(%dma_start3A_18 : memref<80xi32, #tpu.memory_space<vmem>>) semaphore(%arg10 : memref<!tpu.dma_semaphore, #tpu.memory_space<semaphore_mem>>)
    %dma_start3A_26 = arith.constant 1 : i32
    %dma_start3A_27 = arith.constant 1 : i32
    %dma_start3A_28 = arith.constant 0 : i32
    %dma_start3A_29 = arith.constant 0 : i32
    %dma_start3A_30 = tpu.memref_slice %arg7[%dma_start3A_27, %dma_start3A_28, %dma_start3A_29] : memref<5x80x64xf32, #tpu.memory_space<vmem>> -> memref<1x80x64xf32, #tpu.memory_space<vmem>>
    %dma_start3A_31 = tpu.memref_squeeze %dma_start3A_30 : memref<1x80x64xf32, #tpu.memory_space<vmem>> -> memref<80x64xf32, #tpu.memory_space<vmem>>
    %dma_start3A_32 = arith.constant 0 : i32
    %dma_start3A_33 = tpu.memref_slice %arg5[%dma_start3A_26, %dma_start3A_32] : memref<250x80xi32, #tpu.memory_space<vmem>> -> memref<1x80xi32, #tpu.memory_space<vmem>>
    %dma_start3A_34 = tpu.memref_squeeze %dma_start3A_33 : memref<1x80xi32, #tpu.memory_space<vmem>> -> memref<80xi32, #tpu.memory_space<vmem>>
    %dma_start3A_35 = arith.constant 0 : i32
    %dma_start3A_36 = arith.constant 0 : i32
    %dma_start3A_37 = tpu.memref_slice %arg3[%arg0, %dma_start3A_35, %dma_start3A_36] : memref<2x10000x64xf32, #tpu.memory_space<hbm>> -> memref<1x10000x64xf32, #tpu.memory_space<hbm>>
    %dma_start3A_38 = tpu.memref_squeeze %dma_start3A_37 : memref<1x10000x64xf32, #tpu.memory_space<hbm>> -> memref<10000x64xf32, #tpu.memory_space<hbm>>
    %dma_start3A_39 = arith.constant 0 : i32
    %dma_start3A_40 = arith.constant 0 : i32
    %dma_start3A_41 = tpu.memref_slice %dma_start3A_38[%dma_start3A_39, %dma_start3A_40] : memref<10000x64xf32, #tpu.memory_space<hbm>> -> memref<10000x64xf32, #tpu.memory_space<hbm>>
    tpu.enqueue_indirect_dma source(%dma_start3A_41 : memref<10000x64xf32, #tpu.memory_space<hbm>>) target(%dma_start3A_31 : memref<80x64xf32, #tpu.memory_space<vmem>>) offsets(%dma_start3A_34 : memref<80xi32, #tpu.memory_space<vmem>>) semaphore(%arg11 : memref<!tpu.dma_semaphore, #tpu.memory_space<semaphore_mem>>)
    %dma_start3A_42 = arith.constant 2 : i32
    %dma_start3A_43 = arith.constant 2 : i32
    %dma_start3A_44 = arith.constant 0 : i32
    %dma_start3A_45 = arith.constant 0 : i32
    %dma_start3A_46 = tpu.memref_slice %arg7[%dma_start3A_43, %dma_start3A_44, %dma_start3A_45] : memref<5x80x64xf32, #tpu.memory_space<vmem>> -> memref<1x80x64xf32, #tpu.memory_space<vmem>>
    %dma_start3A_47 = tpu.memref_squeeze %dma_start3A_46 : memref<1x80x64xf32, #tpu.memory_space<vmem>> -> memref<80x64xf32, #tpu.memory_space<vmem>>
    %dma_start3A_48 = arith.constant 0 : i32
    %dma_start3A_49 = tpu.memref_slice %arg5[%dma_start3A_42, %dma_start3A_48] : memref<250x80xi32, #tpu.memory_space<vmem>> -> memref<1x80xi32, #tpu.memory_space<vmem>>
    %dma_start3A_50 = tpu.memref_squeeze %dma_start3A_49 : memref<1x80xi32, #tpu.memory_space<vmem>> -> memref<80xi32, #tpu.memory_space<vmem>>
    %dma_start3A_51 = arith.constant 0 : i32
    %dma_start3A_52 = arith.constant 0 : i32
    %dma_start3A_53 = tpu.memref_slice %arg3[%arg0, %dma_start3A_51, %dma_start3A_52] : memref<2x10000x64xf32, #tpu.memory_space<hbm>> -> memref<1x10000x64xf32, #tpu.memory_space<hbm>>
    %dma_start3A_54 = tpu.memref_squeeze %dma_start3A_53 : memref<1x10000x64xf32, #tpu.memory_space<hbm>> -> memref<10000x64xf32, #tpu.memory_space<hbm>>
    %dma_start3A_55 = arith.constant 0 : i32
    %dma_start3A_56 = arith.constant 0 : i32
    %dma_start3A_57 = tpu.memref_slice %dma_start3A_54[%dma_start3A_55, %dma_start3A_56] : memref<10000x64xf32, #tpu.memory_space<hbm>> -> memref<10000x64xf32, #tpu.memory_space<hbm>>
    tpu.enqueue_indirect_dma source(%dma_start3A_57 : memref<10000x64xf32, #tpu.memory_space<hbm>>) target(%dma_start3A_47 : memref<80x64xf32, #tpu.memory_space<vmem>>) offsets(%dma_start3A_50 : memref<80xi32, #tpu.memory_space<vmem>>) semaphore(%arg12 : memref<!tpu.dma_semaphore, #tpu.memory_space<semaphore_mem>>)
    %dma_start3A_58 = arith.constant 3 : i32
    %dma_start3A_59 = arith.constant 3 : i32
    %dma_start3A_60 = arith.constant 0 : i32
    %dma_start3A_61 = arith.constant 0 : i32
    %dma_start3A_62 = tpu.memref_slice %arg7[%dma_start3A_59, %dma_start3A_60, %dma_start3A_61] : memref<5x80x64xf32, #tpu.memory_space<vmem>> -> memref<1x80x64xf32, #tpu.memory_space<vmem>>
    %dma_start3A_63 = tpu.memref_squeeze %dma_start3A_62 : memref<1x80x64xf32, #tpu.memory_space<vmem>> -> memref<80x64xf32, #tpu.memory_space<vmem>>
    %dma_start3A_64 = arith.constant 0 : i32
    %dma_start3A_65 = tpu.memref_slice %arg5[%dma_start3A_58, %dma_start3A_64] : memref<250x80xi32, #tpu.memory_space<vmem>> -> memref<1x80xi32, #tpu.memory_space<vmem>>
    %dma_start3A_66 = tpu.memref_squeeze %dma_start3A_65 : memref<1x80xi32, #tpu.memory_space<vmem>> -> memref<80xi32, #tpu.memory_space<vmem>>
    %dma_start3A_67 = arith.constant 0 : i32
    %dma_start3A_68 = arith.constant 0 : i32
    %dma_start3A_69 = tpu.memref_slice %arg3[%arg0, %dma_start3A_67, %dma_start3A_68] : memref<2x10000x64xf32, #tpu.memory_space<hbm>> -> memref<1x10000x64xf32, #tpu.memory_space<hbm>>
    %dma_start3A_70 = tpu.memref_squeeze %dma_start3A_69 : memref<1x10000x64xf32, #tpu.memory_space<hbm>> -> memref<10000x64xf32, #tpu.memory_space<hbm>>
    %dma_start3A_71 = arith.constant 0 : i32
    %dma_start3A_72 = arith.constant 0 : i32
    %dma_start3A_73 = tpu.memref_slice %dma_start3A_70[%dma_start3A_71, %dma_start3A_72] : memref<10000x64xf32, #tpu.memory_space<hbm>> -> memref<10000x64xf32, #tpu.memory_space<hbm>>
    tpu.enqueue_indirect_dma source(%dma_start3A_73 : memref<10000x64xf32, #tpu.memory_space<hbm>>) target(%dma_start3A_63 : memref<80x64xf32, #tpu.memory_space<vmem>>) offsets(%dma_start3A_66 : memref<80xi32, #tpu.memory_space<vmem>>) semaphore(%arg13 : memref<!tpu.dma_semaphore, #tpu.memory_space<semaphore_mem>>)
    %dma_start3A_74 = arith.constant 4 : i32
    %dma_start3A_75 = arith.constant 4 : i32
    %dma_start3A_76 = arith.constant 0 : i32
    %dma_start3A_77 = arith.constant 0 : i32
    %dma_start3A_78 = tpu.memref_slice %arg7[%dma_start3A_75, %dma_start3A_76, %dma_start3A_77] : memref<5x80x64xf32, #tpu.memory_space<vmem>> -> memref<1x80x64xf32, #tpu.memory_space<vmem>>
    %dma_start3A_79 = tpu.memref_squeeze %dma_start3A_78 : memref<1x80x64xf32, #tpu.memory_space<vmem>> -> memref<80x64xf32, #tpu.memory_space<vmem>>
    %dma_start3A_80 = arith.constant 0 : i32
    %dma_start3A_81 = tpu.memref_slice %arg5[%dma_start3A_74, %dma_start3A_80] : memref<250x80xi32, #tpu.memory_space<vmem>> -> memref<1x80xi32, #tpu.memory_space<vmem>>
    %dma_start3A_82 = tpu.memref_squeeze %dma_start3A_81 : memref<1x80xi32, #tpu.memory_space<vmem>> -> memref<80xi32, #tpu.memory_space<vmem>>
    %dma_start3A_83 = arith.constant 0 : i32
    %dma_start3A_84 = arith.constant 0 : i32
    %dma_start3A_85 = tpu.memref_slice %arg3[%arg0, %dma_start3A_83, %dma_start3A_84] : memref<2x10000x64xf32, #tpu.memory_space<hbm>> -> memref<1x10000x64xf32, #tpu.memory_space<hbm>>
    %dma_start3A_86 = tpu.memref_squeeze %dma_start3A_85 : memref<1x10000x64xf32, #tpu.memory_space<hbm>> -> memref<10000x64xf32, #tpu.memory_space<hbm>>
    %dma_start3A_87 = arith.constant 0 : i32
    %dma_start3A_88 = arith.constant 0 : i32
    %dma_start3A_89 = tpu.memref_slice %dma_start3A_86[%dma_start3A_87, %dma_start3A_88] : memref<10000x64xf32, #tpu.memory_space<hbm>> -> memref<10000x64xf32, #tpu.memory_space<hbm>>
    tpu.enqueue_indirect_dma source(%dma_start3A_89 : memref<10000x64xf32, #tpu.memory_space<hbm>>) target(%dma_start3A_79 : memref<80x64xf32, #tpu.memory_space<vmem>>) offsets(%dma_start3A_82 : memref<80xi32, #tpu.memory_space<vmem>>) semaphore(%arg14 : memref<!tpu.dma_semaphore, #tpu.memory_space<semaphore_mem>>)
    %scan3A_90 = arith.constant 0 : i32
    %scan3A_91 = arith.constant 50 : i32
    %scan3A_92 = arith.addi %scan3A_90, %scan3A_91 : i32
    %scan3A_93 = arith.constant 1 : i32
    scf.for %scan3A_99 = %scan3A_90 to %scan3A_92 step %scan3A_93  : i32 {
      %mul3A_100 = arith.constant 1 : i32
      %mul3A_101 = arith.muli %scan3A_99, %mul3A_100 : i32
      %add3A = arith.constant 0 : i32
      %add3A_102 = arith.addi %add3A, %mul3A_101 : i32
      %mul3A_103 = arith.constant 5 : i32
      %mul3A_104 = arith.muli %add3A_102, %mul3A_103 : i32
      %add3A_105 = arith.constant 0 : i32
      %add3A_106 = arith.addi %mul3A_104, %add3A_105 : i32
      %dma_wait3A = arith.constant 0 : i32
      %dma_wait3A_107 = arith.constant 0 : i32
      %dma_wait3A_108 = arith.constant 0 : i32
      %dma_wait3A_109 = arith.constant 0 : i32
      %dma_wait3A_110 = tpu.memref_slice %arg7[%dma_wait3A_107, %dma_wait3A_108, %dma_wait3A_109] : memref<5x80x64xf32, #tpu.memory_space<vmem>> -> memref<1x80x64xf32, #tpu.memory_space<vmem>>
      %dma_wait3A_111 = tpu.memref_squeeze %dma_wait3A_110 : memref<1x80x64xf32, #tpu.memory_space<vmem>> -> memref<80x64xf32, #tpu.memory_space<vmem>>
      %dma_wait3A_112 = arith.constant 0 : i32
      %dma_wait3A_113 = tpu.memref_slice %arg5[%dma_wait3A, %dma_wait3A_112] : memref<250x80xi32, #tpu.memory_space<vmem>> -> memref<1x80xi32, #tpu.memory_space<vmem>>
      %dma_wait3A_114 = tpu.memref_squeeze %dma_wait3A_113 : memref<1x80xi32, #tpu.memory_space<vmem>> -> memref<80xi32, #tpu.memory_space<vmem>>
      %dma_wait3A_115 = arith.constant 0 : i32
      %dma_wait3A_116 = arith.constant 0 : i32
      %dma_wait3A_117 = tpu.memref_slice %arg3[%arg0, %dma_wait3A_115, %dma_wait3A_116] : memref<2x10000x64xf32, #tpu.memory_space<hbm>> -> memref<1x10000x64xf32, #tpu.memory_space<hbm>>
      %dma_wait3A_118 = tpu.memref_squeeze %dma_wait3A_117 : memref<1x10000x64xf32, #tpu.memory_space<hbm>> -> memref<10000x64xf32, #tpu.memory_space<hbm>>
      %dma_wait3A_119 = arith.constant 0 : i32
      %dma_wait3A_120 = arith.constant 0 : i32
      %dma_wait3A_121 = tpu.memref_slice %dma_wait3A_118[%dma_wait3A_119, %dma_wait3A_120] : memref<10000x64xf32, #tpu.memory_space<hbm>> -> memref<10000x64xf32, #tpu.memory_space<hbm>>
      tpu.wait_indirect_dma semaphore(%arg10 : memref<!tpu.dma_semaphore, #tpu.memory_space<semaphore_mem>>) src(%dma_wait3A_121 : memref<10000x64xf32, #tpu.memory_space<hbm>>) dst(%dma_wait3A_111 : memref<80x64xf32, #tpu.memory_space<vmem>>)
      %dma_start3A_122 = arith.constant 0 : i32
      %dma_start3A_123 = arith.constant 0 : i32
      %dma_start3A_124 = arith.constant 0 : i32
      %dma_start3A_125 = tpu.memref_slice %arg7[%dma_start3A_122, %dma_start3A_123, %dma_start3A_124] : memref<5x80x64xf32, #tpu.memory_space<vmem>> -> memref<1x80x64xf32, #tpu.memory_space<vmem>>
      %dma_start3A_126 = tpu.memref_squeeze %dma_start3A_125 : memref<1x80x64xf32, #tpu.memory_space<vmem>> -> memref<80x64xf32, #tpu.memory_space<vmem>>
      %dma_start3A_127 = arith.constant 0 : i32
      %dma_start3A_128 = tpu.memref_slice %arg6[%add3A_106, %dma_start3A_127] : memref<250x80xi32, #tpu.memory_space<vmem>> -> memref<1x80xi32, #tpu.memory_space<vmem>>
      %dma_start3A_129 = tpu.memref_squeeze %dma_start3A_128 : memref<1x80xi32, #tpu.memory_space<vmem>> -> memref<80xi32, #tpu.memory_space<vmem>>
      %dma_start3A_130 = arith.constant 0 : i32
      %dma_start3A_131 = arith.constant 0 : i32
      %dma_start3A_132 = tpu.memref_slice %arg9[%dma_start3A_130, %dma_start3A_131] : memref<10240x64xf32, #tpu.memory_space<vmem_shared>> -> memref<10240x64xf32, #tpu.memory_space<vmem_shared>>
      tpu.enqueue_indirect_dma source(%dma_start3A_126 : memref<80x64xf32, #tpu.memory_space<vmem>>) target(%dma_start3A_132 : memref<10240x64xf32, #tpu.memory_space<vmem_shared>>) offsets(%dma_start3A_129 : memref<80xi32, #tpu.memory_space<vmem>>) semaphore(%arg10 : memref<!tpu.dma_semaphore, #tpu.memory_space<semaphore_mem>>) {add = true}
      %dma_wait3A_133 = arith.constant 0 : i32
      %dma_wait3A_134 = arith.constant 0 : i32
      %dma_wait3A_135 = arith.constant 0 : i32
      %dma_wait3A_136 = arith.constant 0 : i32
      %dma_wait3A_137 = tpu.memref_slice %arg7[%dma_wait3A_134, %dma_wait3A_135, %dma_wait3A_136] : memref<5x80x64xf32, #tpu.memory_space<vmem>> -> memref<1x80x64xf32, #tpu.memory_space<vmem>>
      %dma_wait3A_138 = tpu.memref_squeeze %dma_wait3A_137 : memref<1x80x64xf32, #tpu.memory_space<vmem>> -> memref<80x64xf32, #tpu.memory_space<vmem>>
      %dma_wait3A_139 = arith.constant 0 : i32
      %dma_wait3A_140 = tpu.memref_slice %arg5[%dma_wait3A_133, %dma_wait3A_139] : memref<250x80xi32, #tpu.memory_space<vmem>> -> memref<1x80xi32, #tpu.memory_space<vmem>>
      %dma_wait3A_141 = tpu.memref_squeeze %dma_wait3A_140 : memref<1x80xi32, #tpu.memory_space<vmem>> -> memref<80xi32, #tpu.memory_space<vmem>>
      %dma_wait3A_142 = arith.constant 0 : i32
      %dma_wait3A_143 = arith.constant 0 : i32
      %dma_wait3A_144 = tpu.memref_slice %arg3[%arg0, %dma_wait3A_142, %dma_wait3A_143] : memref<2x10000x64xf32, #tpu.memory_space<hbm>> -> memref<1x10000x64xf32, #tpu.memory_space<hbm>>
      %dma_wait3A_145 = tpu.memref_squeeze %dma_wait3A_144 : memref<1x10000x64xf32, #tpu.memory_space<hbm>> -> memref<10000x64xf32, #tpu.memory_space<hbm>>
      %dma_wait3A_146 = arith.constant 0 : i32
      %dma_wait3A_147 = arith.constant 0 : i32
      %dma_wait3A_148 = tpu.memref_slice %dma_wait3A_145[%dma_wait3A_146, %dma_wait3A_147] : memref<10000x64xf32, #tpu.memory_space<hbm>> -> memref<10000x64xf32, #tpu.memory_space<hbm>>
      tpu.wait_indirect_dma semaphore(%arg10 : memref<!tpu.dma_semaphore, #tpu.memory_space<semaphore_mem>>) src(%dma_wait3A_148 : memref<10000x64xf32, #tpu.memory_space<hbm>>) dst(%dma_wait3A_138 : memref<80x64xf32, #tpu.memory_space<vmem>>)
      %add3A_149 = arith.constant 5 : i32
      %add3A_150 = arith.addi %add3A_106, %add3A_149 : i32
      %lt3A = arith.constant 250 : i32
      %lt3A_151 = arith.cmpi slt, %add3A_150, %lt3A : i32
      %convert_element_type3A = arith.extui %lt3A_151 : i1 to i32
      %cond3A = arith.constant 0 : i32
      %cond3A_152 = arith.cmpi ne, %convert_element_type3A, %cond3A : i32
      scf.if %cond3A_152 {
        %dma_start3A_369 = arith.constant 0 : i32
        %dma_start3A_370 = arith.constant 0 : i32
        %dma_start3A_371 = arith.constant 0 : i32
        %dma_start3A_372 = tpu.memref_slice %arg7[%dma_start3A_369, %dma_start3A_370, %dma_start3A_371] : memref<5x80x64xf32, #tpu.memory_space<vmem>> -> memref<1x80x64xf32, #tpu.memory_space<vmem>>
        %dma_start3A_373 = tpu.memref_squeeze %dma_start3A_372 : memref<1x80x64xf32, #tpu.memory_space<vmem>> -> memref<80x64xf32, #tpu.memory_space<vmem>>
        %dma_start3A_374 = arith.constant 0 : i32
        %dma_start3A_375 = tpu.memref_slice %arg5[%add3A_150, %dma_start3A_374] : memref<250x80xi32, #tpu.memory_space<vmem>> -> memref<1x80xi32, #tpu.memory_space<vmem>>
        %dma_start3A_376 = tpu.memref_squeeze %dma_start3A_375 : memref<1x80xi32, #tpu.memory_space<vmem>> -> memref<80xi32, #tpu.memory_space<vmem>>
        %dma_start3A_377 = arith.constant 0 : i32
        %dma_start3A_378 = arith.constant 0 : i32
        %dma_start3A_379 = tpu.memref_slice %arg3[%arg0, %dma_start3A_377, %dma_start3A_378] : memref<2x10000x64xf32, #tpu.memory_space<hbm>> -> memref<1x10000x64xf32, #tpu.memory_space<hbm>>
        %dma_start3A_380 = tpu.memref_squeeze %dma_start3A_379 : memref<1x10000x64xf32, #tpu.memory_space<hbm>> -> memref<10000x64xf32, #tpu.memory_space<hbm>>
        %dma_start3A_381 = arith.constant 0 : i32
        %dma_start3A_382 = arith.constant 0 : i32
        %dma_start3A_383 = tpu.memref_slice %dma_start3A_380[%dma_start3A_381, %dma_start3A_382] : memref<10000x64xf32, #tpu.memory_space<hbm>> -> memref<10000x64xf32, #tpu.memory_space<hbm>>
        tpu.enqueue_indirect_dma source(%dma_start3A_383 : memref<10000x64xf32, #tpu.memory_space<hbm>>) target(%dma_start3A_373 : memref<80x64xf32, #tpu.memory_space<vmem>>) offsets(%dma_start3A_376 : memref<80xi32, #tpu.memory_space<vmem>>) semaphore(%arg10 : memref<!tpu.dma_semaphore, #tpu.memory_space<semaphore_mem>>)
      } else {
      }
      %mul3A_153 = arith.constant 5 : i32
      %mul3A_154 = arith.muli %add3A_102, %mul3A_153 : i32
      %add3A_155 = arith.constant 1 : i32
      %add3A_156 = arith.addi %mul3A_154, %add3A_155 : i32
      %dma_wait3A_157 = arith.constant 0 : i32
      %dma_wait3A_158 = arith.constant 1 : i32
      %dma_wait3A_159 = arith.constant 0 : i32
      %dma_wait3A_160 = arith.constant 0 : i32
      %dma_wait3A_161 = tpu.memref_slice %arg7[%dma_wait3A_158, %dma_wait3A_159, %dma_wait3A_160] : memref<5x80x64xf32, #tpu.memory_space<vmem>> -> memref<1x80x64xf32, #tpu.memory_space<vmem>>
      %dma_wait3A_162 = tpu.memref_squeeze %dma_wait3A_161 : memref<1x80x64xf32, #tpu.memory_space<vmem>> -> memref<80x64xf32, #tpu.memory_space<vmem>>
      %dma_wait3A_163 = arith.constant 0 : i32
      %dma_wait3A_164 = tpu.memref_slice %arg5[%dma_wait3A_157, %dma_wait3A_163] : memref<250x80xi32, #tpu.memory_space<vmem>> -> memref<1x80xi32, #tpu.memory_space<vmem>>
      %dma_wait3A_165 = tpu.memref_squeeze %dma_wait3A_164 : memref<1x80xi32, #tpu.memory_space<vmem>> -> memref<80xi32, #tpu.memory_space<vmem>>
      %dma_wait3A_166 = arith.constant 0 : i32
      %dma_wait3A_167 = arith.constant 0 : i32
      %dma_wait3A_168 = tpu.memref_slice %arg3[%arg0, %dma_wait3A_166, %dma_wait3A_167] : memref<2x10000x64xf32, #tpu.memory_space<hbm>> -> memref<1x10000x64xf32, #tpu.memory_space<hbm>>
      %dma_wait3A_169 = tpu.memref_squeeze %dma_wait3A_168 : memref<1x10000x64xf32, #tpu.memory_space<hbm>> -> memref<10000x64xf32, #tpu.memory_space<hbm>>
      %dma_wait3A_170 = arith.constant 0 : i32
      %dma_wait3A_171 = arith.constant 0 : i32
      %dma_wait3A_172 = tpu.memref_slice %dma_wait3A_169[%dma_wait3A_170, %dma_wait3A_171] : memref<10000x64xf32, #tpu.memory_space<hbm>> -> memref<10000x64xf32, #tpu.memory_space<hbm>>
      tpu.wait_indirect_dma semaphore(%arg11 : memref<!tpu.dma_semaphore, #tpu.memory_space<semaphore_mem>>) src(%dma_wait3A_172 : memref<10000x64xf32, #tpu.memory_space<hbm>>) dst(%dma_wait3A_162 : memref<80x64xf32, #tpu.memory_space<vmem>>)
      %dma_start3A_173 = arith.constant 1 : i32
      %dma_start3A_174 = arith.constant 0 : i32
      %dma_start3A_175 = arith.constant 0 : i32
      %dma_start3A_176 = tpu.memref_slice %arg7[%dma_start3A_173, %dma_start3A_174, %dma_start3A_175] : memref<5x80x64xf32, #tpu.memory_space<vmem>> -> memref<1x80x64xf32, #tpu.memory_space<vmem>>
      %dma_start3A_177 = tpu.memref_squeeze %dma_start3A_176 : memref<1x80x64xf32, #tpu.memory_space<vmem>> -> memref<80x64xf32, #tpu.memory_space<vmem>>
      %dma_start3A_178 = arith.constant 0 : i32
      %dma_start3A_179 = tpu.memref_slice %arg6[%add3A_156, %dma_start3A_178] : memref<250x80xi32, #tpu.memory_space<vmem>> -> memref<1x80xi32, #tpu.memory_space<vmem>>
      %dma_start3A_180 = tpu.memref_squeeze %dma_start3A_179 : memref<1x80xi32, #tpu.memory_space<vmem>> -> memref<80xi32, #tpu.memory_space<vmem>>
      %dma_start3A_181 = arith.constant 0 : i32
      %dma_start3A_182 = arith.constant 0 : i32
      %dma_start3A_183 = tpu.memref_slice %arg9[%dma_start3A_181, %dma_start3A_182] : memref<10240x64xf32, #tpu.memory_space<vmem_shared>> -> memref<10240x64xf32, #tpu.memory_space<vmem_shared>>
      tpu.enqueue_indirect_dma source(%dma_start3A_177 : memref<80x64xf32, #tpu.memory_space<vmem>>) target(%dma_start3A_183 : memref<10240x64xf32, #tpu.memory_space<vmem_shared>>) offsets(%dma_start3A_180 : memref<80xi32, #tpu.memory_space<vmem>>) semaphore(%arg11 : memref<!tpu.dma_semaphore, #tpu.memory_space<semaphore_mem>>) {add = true}
      %dma_wait3A_184 = arith.constant 0 : i32
      %dma_wait3A_185 = arith.constant 1 : i32
      %dma_wait3A_186 = arith.constant 0 : i32
      %dma_wait3A_187 = arith.constant 0 : i32
      %dma_wait3A_188 = tpu.memref_slice %arg7[%dma_wait3A_185, %dma_wait3A_186, %dma_wait3A_187] : memref<5x80x64xf32, #tpu.memory_space<vmem>> -> memref<1x80x64xf32, #tpu.memory_space<vmem>>
      %dma_wait3A_189 = tpu.memref_squeeze %dma_wait3A_188 : memref<1x80x64xf32, #tpu.memory_space<vmem>> -> memref<80x64xf32, #tpu.memory_space<vmem>>
      %dma_wait3A_190 = arith.constant 0 : i32
      %dma_wait3A_191 = tpu.memref_slice %arg5[%dma_wait3A_184, %dma_wait3A_190] : memref<250x80xi32, #tpu.memory_space<vmem>> -> memref<1x80xi32, #tpu.memory_space<vmem>>
      %dma_wait3A_192 = tpu.memref_squeeze %dma_wait3A_191 : memref<1x80xi32, #tpu.memory_space<vmem>> -> memref<80xi32, #tpu.memory_space<vmem>>
      %dma_wait3A_193 = arith.constant 0 : i32
      %dma_wait3A_194 = arith.constant 0 : i32
      %dma_wait3A_195 = tpu.memref_slice %arg3[%arg0, %dma_wait3A_193, %dma_wait3A_194] : memref<2x10000x64xf32, #tpu.memory_space<hbm>> -> memref<1x10000x64xf32, #tpu.memory_space<hbm>>
      %dma_wait3A_196 = tpu.memref_squeeze %dma_wait3A_195 : memref<1x10000x64xf32, #tpu.memory_space<hbm>> -> memref<10000x64xf32, #tpu.memory_space<hbm>>
      %dma_wait3A_197 = arith.constant 0 : i32
      %dma_wait3A_198 = arith.constant 0 : i32
      %dma_wait3A_199 = tpu.memref_slice %dma_wait3A_196[%dma_wait3A_197, %dma_wait3A_198] : memref<10000x64xf32, #tpu.memory_space<hbm>> -> memref<10000x64xf32, #tpu.memory_space<hbm>>
      tpu.wait_indirect_dma semaphore(%arg11 : memref<!tpu.dma_semaphore, #tpu.memory_space<semaphore_mem>>) src(%dma_wait3A_199 : memref<10000x64xf32, #tpu.memory_space<hbm>>) dst(%dma_wait3A_189 : memref<80x64xf32, #tpu.memory_space<vmem>>)
      %add3A_200 = arith.constant 5 : i32
      %add3A_201 = arith.addi %add3A_156, %add3A_200 : i32
      %lt3A_202 = arith.constant 250 : i32
      %lt3A_203 = arith.cmpi slt, %add3A_201, %lt3A_202 : i32
      %convert_element_type3A_204 = arith.extui %lt3A_203 : i1 to i32
      %cond3A_205 = arith.constant 0 : i32
      %cond3A_206 = arith.cmpi ne, %convert_element_type3A_204, %cond3A_205 : i32
      scf.if %cond3A_206 {
        %dma_start3A_369 = arith.constant 1 : i32
        %dma_start3A_370 = arith.constant 0 : i32
        %dma_start3A_371 = arith.constant 0 : i32
        %dma_start3A_372 = tpu.memref_slice %arg7[%dma_start3A_369, %dma_start3A_370, %dma_start3A_371] : memref<5x80x64xf32, #tpu.memory_space<vmem>> -> memref<1x80x64xf32, #tpu.memory_space<vmem>>
        %dma_start3A_373 = tpu.memref_squeeze %dma_start3A_372 : memref<1x80x64xf32, #tpu.memory_space<vmem>> -> memref<80x64xf32, #tpu.memory_space<vmem>>
        %dma_start3A_374 = arith.constant 0 : i32
        %dma_start3A_375 = tpu.memref_slice %arg5[%add3A_201, %dma_start3A_374] : memref<250x80xi32, #tpu.memory_space<vmem>> -> memref<1x80xi32, #tpu.memory_space<vmem>>
        %dma_start3A_376 = tpu.memref_squeeze %dma_start3A_375 : memref<1x80xi32, #tpu.memory_space<vmem>> -> memref<80xi32, #tpu.memory_space<vmem>>
        %dma_start3A_377 = arith.constant 0 : i32
        %dma_start3A_378 = arith.constant 0 : i32
        %dma_start3A_379 = tpu.memref_slice %arg3[%arg0, %dma_start3A_377, %dma_start3A_378] : memref<2x10000x64xf32, #tpu.memory_space<hbm>> -> memref<1x10000x64xf32, #tpu.memory_space<hbm>>
        %dma_start3A_380 = tpu.memref_squeeze %dma_start3A_379 : memref<1x10000x64xf32, #tpu.memory_space<hbm>> -> memref<10000x64xf32, #tpu.memory_space<hbm>>
        %dma_start3A_381 = arith.constant 0 : i32
        %dma_start3A_382 = arith.constant 0 : i32
        %dma_start3A_383 = tpu.memref_slice %dma_start3A_380[%dma_start3A_381, %dma_start3A_382] : memref<10000x64xf32, #tpu.memory_space<hbm>> -> memref<10000x64xf32, #tpu.memory_space<hbm>>
        tpu.enqueue_indirect_dma source(%dma_start3A_383 : memref<10000x64xf32, #tpu.memory_space<hbm>>) target(%dma_start3A_373 : memref<80x64xf32, #tpu.memory_space<vmem>>) offsets(%dma_start3A_376 : memref<80xi32, #tpu.memory_space<vmem>>) semaphore(%arg11 : memref<!tpu.dma_semaphore, #tpu.memory_space<semaphore_mem>>)
      } else {
      }
      %mul3A_207 = arith.constant 5 : i32
      %mul3A_208 = arith.muli %add3A_102, %mul3A_207 : i32
      %add3A_209 = arith.constant 2 : i32
      %add3A_210 = arith.addi %mul3A_208, %add3A_209 : i32
      %dma_wait3A_211 = arith.constant 0 : i32
      %dma_wait3A_212 = arith.constant 2 : i32
      %dma_wait3A_213 = arith.constant 0 : i32
      %dma_wait3A_214 = arith.constant 0 : i32
      %dma_wait3A_215 = tpu.memref_slice %arg7[%dma_wait3A_212, %dma_wait3A_213, %dma_wait3A_214] : memref<5x80x64xf32, #tpu.memory_space<vmem>> -> memref<1x80x64xf32, #tpu.memory_space<vmem>>
      %dma_wait3A_216 = tpu.memref_squeeze %dma_wait3A_215 : memref<1x80x64xf32, #tpu.memory_space<vmem>> -> memref<80x64xf32, #tpu.memory_space<vmem>>
      %dma_wait3A_217 = arith.constant 0 : i32
      %dma_wait3A_218 = tpu.memref_slice %arg5[%dma_wait3A_211, %dma_wait3A_217] : memref<250x80xi32, #tpu.memory_space<vmem>> -> memref<1x80xi32, #tpu.memory_space<vmem>>
      %dma_wait3A_219 = tpu.memref_squeeze %dma_wait3A_218 : memref<1x80xi32, #tpu.memory_space<vmem>> -> memref<80xi32, #tpu.memory_space<vmem>>
      %dma_wait3A_220 = arith.constant 0 : i32
      %dma_wait3A_221 = arith.constant 0 : i32
      %dma_wait3A_222 = tpu.memref_slice %arg3[%arg0, %dma_wait3A_220, %dma_wait3A_221] : memref<2x10000x64xf32, #tpu.memory_space<hbm>> -> memref<1x10000x64xf32, #tpu.memory_space<hbm>>
      %dma_wait3A_223 = tpu.memref_squeeze %dma_wait3A_222 : memref<1x10000x64xf32, #tpu.memory_space<hbm>> -> memref<10000x64xf32, #tpu.memory_space<hbm>>
      %dma_wait3A_224 = arith.constant 0 : i32
      %dma_wait3A_225 = arith.constant 0 : i32
      %dma_wait3A_226 = tpu.memref_slice %dma_wait3A_223[%dma_wait3A_224, %dma_wait3A_225] : memref<10000x64xf32, #tpu.memory_space<hbm>> -> memref<10000x64xf32, #tpu.memory_space<hbm>>
      tpu.wait_indirect_dma semaphore(%arg12 : memref<!tpu.dma_semaphore, #tpu.memory_space<semaphore_mem>>) src(%dma_wait3A_226 : memref<10000x64xf32, #tpu.memory_space<hbm>>) dst(%dma_wait3A_216 : memref<80x64xf32, #tpu.memory_space<vmem>>)
      %dma_start3A_227 = arith.constant 2 : i32
      %dma_start3A_228 = arith.constant 0 : i32
      %dma_start3A_229 = arith.constant 0 : i32
      %dma_start3A_230 = tpu.memref_slice %arg7[%dma_start3A_227, %dma_start3A_228, %dma_start3A_229] : memref<5x80x64xf32, #tpu.memory_space<vmem>> -> memref<1x80x64xf32, #tpu.memory_space<vmem>>
      %dma_start3A_231 = tpu.memref_squeeze %dma_start3A_230 : memref<1x80x64xf32, #tpu.memory_space<vmem>> -> memref<80x64xf32, #tpu.memory_space<vmem>>
      %dma_start3A_232 = arith.constant 0 : i32
      %dma_start3A_233 = tpu.memref_slice %arg6[%add3A_210, %dma_start3A_232] : memref<250x80xi32, #tpu.memory_space<vmem>> -> memref<1x80xi32, #tpu.memory_space<vmem>>
      %dma_start3A_234 = tpu.memref_squeeze %dma_start3A_233 : memref<1x80xi32, #tpu.memory_space<vmem>> -> memref<80xi32, #tpu.memory_space<vmem>>
      %dma_start3A_235 = arith.constant 0 : i32
      %dma_start3A_236 = arith.constant 0 : i32
      %dma_start3A_237 = tpu.memref_slice %arg9[%dma_start3A_235, %dma_start3A_236] : memref<10240x64xf32, #tpu.memory_space<vmem_shared>> -> memref<10240x64xf32, #tpu.memory_space<vmem_shared>>
      tpu.enqueue_indirect_dma source(%dma_start3A_231 : memref<80x64xf32, #tpu.memory_space<vmem>>) target(%dma_start3A_237 : memref<10240x64xf32, #tpu.memory_space<vmem_shared>>) offsets(%dma_start3A_234 : memref<80xi32, #tpu.memory_space<vmem>>) semaphore(%arg12 : memref<!tpu.dma_semaphore, #tpu.memory_space<semaphore_mem>>) {add = true}
      %dma_wait3A_238 = arith.constant 0 : i32
      %dma_wait3A_239 = arith.constant 2 : i32
      %dma_wait3A_240 = arith.constant 0 : i32
      %dma_wait3A_241 = arith.constant 0 : i32
      %dma_wait3A_242 = tpu.memref_slice %arg7[%dma_wait3A_239, %dma_wait3A_240, %dma_wait3A_241] : memref<5x80x64xf32, #tpu.memory_space<vmem>> -> memref<1x80x64xf32, #tpu.memory_space<vmem>>
      %dma_wait3A_243 = tpu.memref_squeeze %dma_wait3A_242 : memref<1x80x64xf32, #tpu.memory_space<vmem>> -> memref<80x64xf32, #tpu.memory_space<vmem>>
      %dma_wait3A_244 = arith.constant 0 : i32
      %dma_wait3A_245 = tpu.memref_slice %arg5[%dma_wait3A_238, %dma_wait3A_244] : memref<250x80xi32, #tpu.memory_space<vmem>> -> memref<1x80xi32, #tpu.memory_space<vmem>>
      %dma_wait3A_246 = tpu.memref_squeeze %dma_wait3A_245 : memref<1x80xi32, #tpu.memory_space<vmem>> -> memref<80xi32, #tpu.memory_space<vmem>>
      %dma_wait3A_247 = arith.constant 0 : i32
      %dma_wait3A_248 = arith.constant 0 : i32
      %dma_wait3A_249 = tpu.memref_slice %arg3[%arg0, %dma_wait3A_247, %dma_wait3A_248] : memref<2x10000x64xf32, #tpu.memory_space<hbm>> -> memref<1x10000x64xf32, #tpu.memory_space<hbm>>
      %dma_wait3A_250 = tpu.memref_squeeze %dma_wait3A_249 : memref<1x10000x64xf32, #tpu.memory_space<hbm>> -> memref<10000x64xf32, #tpu.memory_space<hbm>>
      %dma_wait3A_251 = arith.constant 0 : i32
      %dma_wait3A_252 = arith.constant 0 : i32
      %dma_wait3A_253 = tpu.memref_slice %dma_wait3A_250[%dma_wait3A_251, %dma_wait3A_252] : memref<10000x64xf32, #tpu.memory_space<hbm>> -> memref<10000x64xf32, #tpu.memory_space<hbm>>
      tpu.wait_indirect_dma semaphore(%arg12 : memref<!tpu.dma_semaphore, #tpu.memory_space<semaphore_mem>>) src(%dma_wait3A_253 : memref<10000x64xf32, #tpu.memory_space<hbm>>) dst(%dma_wait3A_243 : memref<80x64xf32, #tpu.memory_space<vmem>>)
      %add3A_254 = arith.constant 5 : i32
      %add3A_255 = arith.addi %add3A_210, %add3A_254 : i32
      %lt3A_256 = arith.constant 250 : i32
      %lt3A_257 = arith.cmpi slt, %add3A_255, %lt3A_256 : i32
      %convert_element_type3A_258 = arith.extui %lt3A_257 : i1 to i32
      %cond3A_259 = arith.constant 0 : i32
      %cond3A_260 = arith.cmpi ne, %convert_element_type3A_258, %cond3A_259 : i32
      scf.if %cond3A_260 {
        %dma_start3A_369 = arith.constant 2 : i32
        %dma_start3A_370 = arith.constant 0 : i32
        %dma_start3A_371 = arith.constant 0 : i32
        %dma_start3A_372 = tpu.memref_slice %arg7[%dma_start3A_369, %dma_start3A_370, %dma_start3A_371] : memref<5x80x64xf32, #tpu.memory_space<vmem>> -> memref<1x80x64xf32, #tpu.memory_space<vmem>>
        %dma_start3A_373 = tpu.memref_squeeze %dma_start3A_372 : memref<1x80x64xf32, #tpu.memory_space<vmem>> -> memref<80x64xf32, #tpu.memory_space<vmem>>
        %dma_start3A_374 = arith.constant 0 : i32
        %dma_start3A_375 = tpu.memref_slice %arg5[%add3A_255, %dma_start3A_374] : memref<250x80xi32, #tpu.memory_space<vmem>> -> memref<1x80xi32, #tpu.memory_space<vmem>>
        %dma_start3A_376 = tpu.memref_squeeze %dma_start3A_375 : memref<1x80xi32, #tpu.memory_space<vmem>> -> memref<80xi32, #tpu.memory_space<vmem>>
        %dma_start3A_377 = arith.constant 0 : i32
        %dma_start3A_378 = arith.constant 0 : i32
        %dma_start3A_379 = tpu.memref_slice %arg3[%arg0, %dma_start3A_377, %dma_start3A_378] : memref<2x10000x64xf32, #tpu.memory_space<hbm>> -> memref<1x10000x64xf32, #tpu.memory_space<hbm>>
        %dma_start3A_380 = tpu.memref_squeeze %dma_start3A_379 : memref<1x10000x64xf32, #tpu.memory_space<hbm>> -> memref<10000x64xf32, #tpu.memory_space<hbm>>
        %dma_start3A_381 = arith.constant 0 : i32
        %dma_start3A_382 = arith.constant 0 : i32
        %dma_start3A_383 = tpu.memref_slice %dma_start3A_380[%dma_start3A_381, %dma_start3A_382] : memref<10000x64xf32, #tpu.memory_space<hbm>> -> memref<10000x64xf32, #tpu.memory_space<hbm>>
        tpu.enqueue_indirect_dma source(%dma_start3A_383 : memref<10000x64xf32, #tpu.memory_space<hbm>>) target(%dma_start3A_373 : memref<80x64xf32, #tpu.memory_space<vmem>>) offsets(%dma_start3A_376 : memref<80xi32, #tpu.memory_space<vmem>>) semaphore(%arg12 : memref<!tpu.dma_semaphore, #tpu.memory_space<semaphore_mem>>)
      } else {
      }
      %mul3A_261 = arith.constant 5 : i32
      %mul3A_262 = arith.muli %add3A_102, %mul3A_261 : i32
      %add3A_263 = arith.constant 3 : i32
      %add3A_264 = arith.addi %mul3A_262, %add3A_263 : i32
      %dma_wait3A_265 = arith.constant 0 : i32
      %dma_wait3A_266 = arith.constant 3 : i32
      %dma_wait3A_267 = arith.constant 0 : i32
      %dma_wait3A_268 = arith.constant 0 : i32
      %dma_wait3A_269 = tpu.memref_slice %arg7[%dma_wait3A_266, %dma_wait3A_267, %dma_wait3A_268] : memref<5x80x64xf32, #tpu.memory_space<vmem>> -> memref<1x80x64xf32, #tpu.memory_space<vmem>>
      %dma_wait3A_270 = tpu.memref_squeeze %dma_wait3A_269 : memref<1x80x64xf32, #tpu.memory_space<vmem>> -> memref<80x64xf32, #tpu.memory_space<vmem>>
      %dma_wait3A_271 = arith.constant 0 : i32
      %dma_wait3A_272 = tpu.memref_slice %arg5[%dma_wait3A_265, %dma_wait3A_271] : memref<250x80xi32, #tpu.memory_space<vmem>> -> memref<1x80xi32, #tpu.memory_space<vmem>>
      %dma_wait3A_273 = tpu.memref_squeeze %dma_wait3A_272 : memref<1x80xi32, #tpu.memory_space<vmem>> -> memref<80xi32, #tpu.memory_space<vmem>>
      %dma_wait3A_274 = arith.constant 0 : i32
      %dma_wait3A_275 = arith.constant 0 : i32
      %dma_wait3A_276 = tpu.memref_slice %arg3[%arg0, %dma_wait3A_274, %dma_wait3A_275] : memref<2x10000x64xf32, #tpu.memory_space<hbm>> -> memref<1x10000x64xf32, #tpu.memory_space<hbm>>
      %dma_wait3A_277 = tpu.memref_squeeze %dma_wait3A_276 : memref<1x10000x64xf32, #tpu.memory_space<hbm>> -> memref<10000x64xf32, #tpu.memory_space<hbm>>
      %dma_wait3A_278 = arith.constant 0 : i32
      %dma_wait3A_279 = arith.constant 0 : i32
      %dma_wait3A_280 = tpu.memref_slice %dma_wait3A_277[%dma_wait3A_278, %dma_wait3A_279] : memref<10000x64xf32, #tpu.memory_space<hbm>> -> memref<10000x64xf32, #tpu.memory_space<hbm>>
      tpu.wait_indirect_dma semaphore(%arg13 : memref<!tpu.dma_semaphore, #tpu.memory_space<semaphore_mem>>) src(%dma_wait3A_280 : memref<10000x64xf32, #tpu.memory_space<hbm>>) dst(%dma_wait3A_270 : memref<80x64xf32, #tpu.memory_space<vmem>>)
      %dma_start3A_281 = arith.constant 3 : i32
      %dma_start3A_282 = arith.constant 0 : i32
      %dma_start3A_283 = arith.constant 0 : i32
      %dma_start3A_284 = tpu.memref_slice %arg7[%dma_start3A_281, %dma_start3A_282, %dma_start3A_283] : memref<5x80x64xf32, #tpu.memory_space<vmem>> -> memref<1x80x64xf32, #tpu.memory_space<vmem>>
      %dma_start3A_285 = tpu.memref_squeeze %dma_start3A_284 : memref<1x80x64xf32, #tpu.memory_space<vmem>> -> memref<80x64xf32, #tpu.memory_space<vmem>>
      %dma_start3A_286 = arith.constant 0 : i32
      %dma_start3A_287 = tpu.memref_slice %arg6[%add3A_264, %dma_start3A_286] : memref<250x80xi32, #tpu.memory_space<vmem>> -> memref<1x80xi32, #tpu.memory_space<vmem>>
      %dma_start3A_288 = tpu.memref_squeeze %dma_start3A_287 : memref<1x80xi32, #tpu.memory_space<vmem>> -> memref<80xi32, #tpu.memory_space<vmem>>
      %dma_start3A_289 = arith.constant 0 : i32
      %dma_start3A_290 = arith.constant 0 : i32
      %dma_start3A_291 = tpu.memref_slice %arg9[%dma_start3A_289, %dma_start3A_290] : memref<10240x64xf32, #tpu.memory_space<vmem_shared>> -> memref<10240x64xf32, #tpu.memory_space<vmem_shared>>
      tpu.enqueue_indirect_dma source(%dma_start3A_285 : memref<80x64xf32, #tpu.memory_space<vmem>>) target(%dma_start3A_291 : memref<10240x64xf32, #tpu.memory_space<vmem_shared>>) offsets(%dma_start3A_288 : memref<80xi32, #tpu.memory_space<vmem>>) semaphore(%arg13 : memref<!tpu.dma_semaphore, #tpu.memory_space<semaphore_mem>>) {add = true}
      %dma_wait3A_292 = arith.constant 0 : i32
      %dma_wait3A_293 = arith.constant 3 : i32
      %dma_wait3A_294 = arith.constant 0 : i32
      %dma_wait3A_295 = arith.constant 0 : i32
      %dma_wait3A_296 = tpu.memref_slice %arg7[%dma_wait3A_293, %dma_wait3A_294, %dma_wait3A_295] : memref<5x80x64xf32, #tpu.memory_space<vmem>> -> memref<1x80x64xf32, #tpu.memory_space<vmem>>
      %dma_wait3A_297 = tpu.memref_squeeze %dma_wait3A_296 : memref<1x80x64xf32, #tpu.memory_space<vmem>> -> memref<80x64xf32, #tpu.memory_space<vmem>>
      %dma_wait3A_298 = arith.constant 0 : i32
      %dma_wait3A_299 = tpu.memref_slice %arg5[%dma_wait3A_292, %dma_wait3A_298] : memref<250x80xi32, #tpu.memory_space<vmem>> -> memref<1x80xi32, #tpu.memory_space<vmem>>
      %dma_wait3A_300 = tpu.memref_squeeze %dma_wait3A_299 : memref<1x80xi32, #tpu.memory_space<vmem>> -> memref<80xi32, #tpu.memory_space<vmem>>
      %dma_wait3A_301 = arith.constant 0 : i32
      %dma_wait3A_302 = arith.constant 0 : i32
      %dma_wait3A_303 = tpu.memref_slice %arg3[%arg0, %dma_wait3A_301, %dma_wait3A_302] : memref<2x10000x64xf32, #tpu.memory_space<hbm>> -> memref<1x10000x64xf32, #tpu.memory_space<hbm>>
      %dma_wait3A_304 = tpu.memref_squeeze %dma_wait3A_303 : memref<1x10000x64xf32, #tpu.memory_space<hbm>> -> memref<10000x64xf32, #tpu.memory_space<hbm>>
      %dma_wait3A_305 = arith.constant 0 : i32
      %dma_wait3A_306 = arith.constant 0 : i32
      %dma_wait3A_307 = tpu.memref_slice %dma_wait3A_304[%dma_wait3A_305, %dma_wait3A_306] : memref<10000x64xf32, #tpu.memory_space<hbm>> -> memref<10000x64xf32, #tpu.memory_space<hbm>>
      tpu.wait_indirect_dma semaphore(%arg13 : memref<!tpu.dma_semaphore, #tpu.memory_space<semaphore_mem>>) src(%dma_wait3A_307 : memref<10000x64xf32, #tpu.memory_space<hbm>>) dst(%dma_wait3A_297 : memref<80x64xf32, #tpu.memory_space<vmem>>)
      %add3A_308 = arith.constant 5 : i32
      %add3A_309 = arith.addi %add3A_264, %add3A_308 : i32
      %lt3A_310 = arith.constant 250 : i32
      %lt3A_311 = arith.cmpi slt, %add3A_309, %lt3A_310 : i32
      %convert_element_type3A_312 = arith.extui %lt3A_311 : i1 to i32
      %cond3A_313 = arith.constant 0 : i32
      %cond3A_314 = arith.cmpi ne, %convert_element_type3A_312, %cond3A_313 : i32
      scf.if %cond3A_314 {
        %dma_start3A_369 = arith.constant 3 : i32
        %dma_start3A_370 = arith.constant 0 : i32
        %dma_start3A_371 = arith.constant 0 : i32
        %dma_start3A_372 = tpu.memref_slice %arg7[%dma_start3A_369, %dma_start3A_370, %dma_start3A_371] : memref<5x80x64xf32, #tpu.memory_space<vmem>> -> memref<1x80x64xf32, #tpu.memory_space<vmem>>
        %dma_start3A_373 = tpu.memref_squeeze %dma_start3A_372 : memref<1x80x64xf32, #tpu.memory_space<vmem>> -> memref<80x64xf32, #tpu.memory_space<vmem>>
        %dma_start3A_374 = arith.constant 0 : i32
        %dma_start3A_375 = tpu.memref_slice %arg5[%add3A_309, %dma_start3A_374] : memref<250x80xi32, #tpu.memory_space<vmem>> -> memref<1x80xi32, #tpu.memory_space<vmem>>
        %dma_start3A_376 = tpu.memref_squeeze %dma_start3A_375 : memref<1x80xi32, #tpu.memory_space<vmem>> -> memref<80xi32, #tpu.memory_space<vmem>>
        %dma_start3A_377 = arith.constant 0 : i32
        %dma_start3A_378 = arith.constant 0 : i32
        %dma_start3A_379 = tpu.memref_slice %arg3[%arg0, %dma_start3A_377, %dma_start3A_378] : memref<2x10000x64xf32, #tpu.memory_space<hbm>> -> memref<1x10000x64xf32, #tpu.memory_space<hbm>>
        %dma_start3A_380 = tpu.memref_squeeze %dma_start3A_379 : memref<1x10000x64xf32, #tpu.memory_space<hbm>> -> memref<10000x64xf32, #tpu.memory_space<hbm>>
        %dma_start3A_381 = arith.constant 0 : i32
        %dma_start3A_382 = arith.constant 0 : i32
        %dma_start3A_383 = tpu.memref_slice %dma_start3A_380[%dma_start3A_381, %dma_start3A_382] : memref<10000x64xf32, #tpu.memory_space<hbm>> -> memref<10000x64xf32, #tpu.memory_space<hbm>>
        tpu.enqueue_indirect_dma source(%dma_start3A_383 : memref<10000x64xf32, #tpu.memory_space<hbm>>) target(%dma_start3A_373 : memref<80x64xf32, #tpu.memory_space<vmem>>) offsets(%dma_start3A_376 : memref<80xi32, #tpu.memory_space<vmem>>) semaphore(%arg13 : memref<!tpu.dma_semaphore, #tpu.memory_space<semaphore_mem>>)
      } else {
      }
      %mul3A_315 = arith.constant 5 : i32
      %mul3A_316 = arith.muli %add3A_102, %mul3A_315 : i32
      %add3A_317 = arith.constant 4 : i32
      %add3A_318 = arith.addi %mul3A_316, %add3A_317 : i32
      %dma_wait3A_319 = arith.constant 0 : i32
      %dma_wait3A_320 = arith.constant 4 : i32
      %dma_wait3A_321 = arith.constant 0 : i32
      %dma_wait3A_322 = arith.constant 0 : i32
      %dma_wait3A_323 = tpu.memref_slice %arg7[%dma_wait3A_320, %dma_wait3A_321, %dma_wait3A_322] : memref<5x80x64xf32, #tpu.memory_space<vmem>> -> memref<1x80x64xf32, #tpu.memory_space<vmem>>
      %dma_wait3A_324 = tpu.memref_squeeze %dma_wait3A_323 : memref<1x80x64xf32, #tpu.memory_space<vmem>> -> memref<80x64xf32, #tpu.memory_space<vmem>>
      %dma_wait3A_325 = arith.constant 0 : i32
      %dma_wait3A_326 = tpu.memref_slice %arg5[%dma_wait3A_319, %dma_wait3A_325] : memref<250x80xi32, #tpu.memory_space<vmem>> -> memref<1x80xi32, #tpu.memory_space<vmem>>
      %dma_wait3A_327 = tpu.memref_squeeze %dma_wait3A_326 : memref<1x80xi32, #tpu.memory_space<vmem>> -> memref<80xi32, #tpu.memory_space<vmem>>
      %dma_wait3A_328 = arith.constant 0 : i32
      %dma_wait3A_329 = arith.constant 0 : i32
      %dma_wait3A_330 = tpu.memref_slice %arg3[%arg0, %dma_wait3A_328, %dma_wait3A_329] : memref<2x10000x64xf32, #tpu.memory_space<hbm>> -> memref<1x10000x64xf32, #tpu.memory_space<hbm>>
      %dma_wait3A_331 = tpu.memref_squeeze %dma_wait3A_330 : memref<1x10000x64xf32, #tpu.memory_space<hbm>> -> memref<10000x64xf32, #tpu.memory_space<hbm>>
      %dma_wait3A_332 = arith.constant 0 : i32
      %dma_wait3A_333 = arith.constant 0 : i32
      %dma_wait3A_334 = tpu.memref_slice %dma_wait3A_331[%dma_wait3A_332, %dma_wait3A_333] : memref<10000x64xf32, #tpu.memory_space<hbm>> -> memref<10000x64xf32, #tpu.memory_space<hbm>>
      tpu.wait_indirect_dma semaphore(%arg14 : memref<!tpu.dma_semaphore, #tpu.memory_space<semaphore_mem>>) src(%dma_wait3A_334 : memref<10000x64xf32, #tpu.memory_space<hbm>>) dst(%dma_wait3A_324 : memref<80x64xf32, #tpu.memory_space<vmem>>)
      %dma_start3A_335 = arith.constant 4 : i32
      %dma_start3A_336 = arith.constant 0 : i32
      %dma_start3A_337 = arith.constant 0 : i32
      %dma_start3A_338 = tpu.memref_slice %arg7[%dma_start3A_335, %dma_start3A_336, %dma_start3A_337] : memref<5x80x64xf32, #tpu.memory_space<vmem>> -> memref<1x80x64xf32, #tpu.memory_space<vmem>>
      %dma_start3A_339 = tpu.memref_squeeze %dma_start3A_338 : memref<1x80x64xf32, #tpu.memory_space<vmem>> -> memref<80x64xf32, #tpu.memory_space<vmem>>
      %dma_start3A_340 = arith.constant 0 : i32
      %dma_start3A_341 = tpu.memref_slice %arg6[%add3A_318, %dma_start3A_340] : memref<250x80xi32, #tpu.memory_space<vmem>> -> memref<1x80xi32, #tpu.memory_space<vmem>>
      %dma_start3A_342 = tpu.memref_squeeze %dma_start3A_341 : memref<1x80xi32, #tpu.memory_space<vmem>> -> memref<80xi32, #tpu.memory_space<vmem>>
      %dma_start3A_343 = arith.constant 0 : i32
      %dma_start3A_344 = arith.constant 0 : i32
      %dma_start3A_345 = tpu.memref_slice %arg9[%dma_start3A_343, %dma_start3A_344] : memref<10240x64xf32, #tpu.memory_space<vmem_shared>> -> memref<10240x64xf32, #tpu.memory_space<vmem_shared>>
      tpu.enqueue_indirect_dma source(%dma_start3A_339 : memref<80x64xf32, #tpu.memory_space<vmem>>) target(%dma_start3A_345 : memref<10240x64xf32, #tpu.memory_space<vmem_shared>>) offsets(%dma_start3A_342 : memref<80xi32, #tpu.memory_space<vmem>>) semaphore(%arg14 : memref<!tpu.dma_semaphore, #tpu.memory_space<semaphore_mem>>) {add = true}
      %dma_wait3A_346 = arith.constant 0 : i32
      %dma_wait3A_347 = arith.constant 4 : i32
      %dma_wait3A_348 = arith.constant 0 : i32
      %dma_wait3A_349 = arith.constant 0 : i32
      %dma_wait3A_350 = tpu.memref_slice %arg7[%dma_wait3A_347, %dma_wait3A_348, %dma_wait3A_349] : memref<5x80x64xf32, #tpu.memory_space<vmem>> -> memref<1x80x64xf32, #tpu.memory_space<vmem>>
      %dma_wait3A_351 = tpu.memref_squeeze %dma_wait3A_350 : memref<1x80x64xf32, #tpu.memory_space<vmem>> -> memref<80x64xf32, #tpu.memory_space<vmem>>
      %dma_wait3A_352 = arith.constant 0 : i32
      %dma_wait3A_353 = tpu.memref_slice %arg5[%dma_wait3A_346, %dma_wait3A_352] : memref<250x80xi32, #tpu.memory_space<vmem>> -> memref<1x80xi32, #tpu.memory_space<vmem>>
      %dma_wait3A_354 = tpu.memref_squeeze %dma_wait3A_353 : memref<1x80xi32, #tpu.memory_space<vmem>> -> memref<80xi32, #tpu.memory_space<vmem>>
      %dma_wait3A_355 = arith.constant 0 : i32
      %dma_wait3A_356 = arith.constant 0 : i32
      %dma_wait3A_357 = tpu.memref_slice %arg3[%arg0, %dma_wait3A_355, %dma_wait3A_356] : memref<2x10000x64xf32, #tpu.memory_space<hbm>> -> memref<1x10000x64xf32, #tpu.memory_space<hbm>>
      %dma_wait3A_358 = tpu.memref_squeeze %dma_wait3A_357 : memref<1x10000x64xf32, #tpu.memory_space<hbm>> -> memref<10000x64xf32, #tpu.memory_space<hbm>>
      %dma_wait3A_359 = arith.constant 0 : i32
      %dma_wait3A_360 = arith.constant 0 : i32
      %dma_wait3A_361 = tpu.memref_slice %dma_wait3A_358[%dma_wait3A_359, %dma_wait3A_360] : memref<10000x64xf32, #tpu.memory_space<hbm>> -> memref<10000x64xf32, #tpu.memory_space<hbm>>
      tpu.wait_indirect_dma semaphore(%arg14 : memref<!tpu.dma_semaphore, #tpu.memory_space<semaphore_mem>>) src(%dma_wait3A_361 : memref<10000x64xf32, #tpu.memory_space<hbm>>) dst(%dma_wait3A_351 : memref<80x64xf32, #tpu.memory_space<vmem>>)
      %add3A_362 = arith.constant 5 : i32
      %add3A_363 = arith.addi %add3A_318, %add3A_362 : i32
      %lt3A_364 = arith.constant 250 : i32
      %lt3A_365 = arith.cmpi slt, %add3A_363, %lt3A_364 : i32
      %convert_element_type3A_366 = arith.extui %lt3A_365 : i1 to i32
      %cond3A_367 = arith.constant 0 : i32
      %cond3A_368 = arith.cmpi ne, %convert_element_type3A_366, %cond3A_367 : i32
      scf.if %cond3A_368 {
        %dma_start3A_369 = arith.constant 4 : i32
        %dma_start3A_370 = arith.constant 0 : i32
        %dma_start3A_371 = arith.constant 0 : i32
        %dma_start3A_372 = tpu.memref_slice %arg7[%dma_start3A_369, %dma_start3A_370, %dma_start3A_371] : memref<5x80x64xf32, #tpu.memory_space<vmem>> -> memref<1x80x64xf32, #tpu.memory_space<vmem>>
        %dma_start3A_373 = tpu.memref_squeeze %dma_start3A_372 : memref<1x80x64xf32, #tpu.memory_space<vmem>> -> memref<80x64xf32, #tpu.memory_space<vmem>>
        %dma_start3A_374 = arith.constant 0 : i32
        %dma_start3A_375 = tpu.memref_slice %arg5[%add3A_363, %dma_start3A_374] : memref<250x80xi32, #tpu.memory_space<vmem>> -> memref<1x80xi32, #tpu.memory_space<vmem>>
        %dma_start3A_376 = tpu.memref_squeeze %dma_start3A_375 : memref<1x80xi32, #tpu.memory_space<vmem>> -> memref<80xi32, #tpu.memory_space<vmem>>
        %dma_start3A_377 = arith.constant 0 : i32
        %dma_start3A_378 = arith.constant 0 : i32
        %dma_start3A_379 = tpu.memref_slice %arg3[%arg0, %dma_start3A_377, %dma_start3A_378] : memref<2x10000x64xf32, #tpu.memory_space<hbm>> -> memref<1x10000x64xf32, #tpu.memory_space<hbm>>
        %dma_start3A_380 = tpu.memref_squeeze %dma_start3A_379 : memref<1x10000x64xf32, #tpu.memory_space<hbm>> -> memref<10000x64xf32, #tpu.memory_space<hbm>>
        %dma_start3A_381 = arith.constant 0 : i32
        %dma_start3A_382 = arith.constant 0 : i32
        %dma_start3A_383 = tpu.memref_slice %dma_start3A_380[%dma_start3A_381, %dma_start3A_382] : memref<10000x64xf32, #tpu.memory_space<hbm>> -> memref<10000x64xf32, #tpu.memory_space<hbm>>
        tpu.enqueue_indirect_dma source(%dma_start3A_383 : memref<10000x64xf32, #tpu.memory_space<hbm>>) target(%dma_start3A_373 : memref<80x64xf32, #tpu.memory_space<vmem>>) offsets(%dma_start3A_376 : memref<80xi32, #tpu.memory_space<vmem>>) semaphore(%arg14 : memref<!tpu.dma_semaphore, #tpu.memory_space<semaphore_mem>>)
      } else {
      }
    }
    %scan3A_94 = arith.constant 50 : i32
    %barrier3A_95 = arith.constant 0 : index
    tpu.barrier barrier_id(%barrier3A_95)
    %mul3A = arith.constant 640 : i32
    %mul3A_96 = arith.muli %arg1, %mul3A : i32
    %mul3A_97 = arith.constant 640 : i32
    %mul3A_98 = arith.muli %arg1, %mul3A_97 : i32
    "tpu.region"() ({
      %run_scoped3A_99 = tpu.sem_alloc : memref<!tpu.dma_semaphore, #tpu.memory_space<semaphore_mem>>
      %dma_start3A_100 = arith.constant 0 : i32
      %dma_start3A_101 = tpu.memref_slice %arg4[%arg0, %mul3A_98, %dma_start3A_100] : memref<2x10240x64xf32, #tpu.memory_space<hbm>> -> memref<1x640x64xf32, #tpu.memory_space<hbm>>
      %dma_start3A_102 = tpu.memref_squeeze %dma_start3A_101 : memref<1x640x64xf32, #tpu.memory_space<hbm>> -> memref<640x64xf32, #tpu.memory_space<hbm>>
      %dma_start3A_103 = arith.constant 0 : i32
      %dma_start3A_104 = tpu.memref_slice %arg9[%mul3A_96, %dma_start3A_103] : memref<10240x64xf32, #tpu.memory_space<vmem_shared>> -> memref<640x64xf32, #tpu.memory_space<vmem_shared>>
      tpu.enqueue_dma source(%dma_start3A_104 : memref<640x64xf32, #tpu.memory_space<vmem_shared>>) target(%dma_start3A_102 : memref<640x64xf32, #tpu.memory_space<hbm>>) target_semaphore(%run_scoped3A_99 : memref<!tpu.dma_semaphore, #tpu.memory_space<semaphore_mem>>)
      %dma_wait3A = arith.constant 0 : i32
      %dma_wait3A_105 = tpu.memref_slice %arg4[%arg0, %mul3A_98, %dma_wait3A] : memref<2x10240x64xf32, #tpu.memory_space<hbm>> -> memref<1x640x64xf32, #tpu.memory_space<hbm>>
      %dma_wait3A_106 = tpu.memref_squeeze %dma_wait3A_105 : memref<1x640x64xf32, #tpu.memory_space<hbm>> -> memref<640x64xf32, #tpu.memory_space<hbm>>
      %dma_wait3A_107 = arith.constant 0 : i32
      %dma_wait3A_108 = tpu.memref_slice %arg9[%mul3A_96, %dma_wait3A_107] : memref<10240x64xf32, #tpu.memory_space<vmem_shared>> -> memref<640x64xf32, #tpu.memory_space<vmem_shared>>
      tpu.wait_dma2 semaphore(%run_scoped3A_99 : memref<!tpu.dma_semaphore, #tpu.memory_space<semaphore_mem>>) src(%dma_wait3A_108 : memref<640x64xf32, #tpu.memory_space<vmem_shared>>) dst(%dma_wait3A_106 : memref<640x64xf32, #tpu.memory_space<hbm>>)
      tpu.yield
    }) : () -> ()
    return
  }
}

#map = affine_map<(d0, d1) -> (0, 0, 0, 0)>
#map1 = affine_map<(d0, d1) -> (0, 0, 0)>
module attributes {stable_mosaic.version = 14 : i64} {
  func.func @_sc_scatter_body(%arg0: i32, %arg1: i32, %arg2: memref<2x16x250x80xi32, #tpu.memory_space<hbm>>, %arg3: memref<2x10000x64xf32, #tpu.memory_space<hbm>>, %arg4: memref<2x10240x64xf32, #tpu.memory_space<hbm>>, %arg5: memref<250x80xi32, #tpu.memory_space<vmem>>, %arg6: memref<250x80xi32, #tpu.memory_space<vmem>>, %arg7: memref<5x80x64xf32, #tpu.memory_space<vmem>>, %arg8: memref<128x64xf32, #tpu.memory_space<vmem>>, %arg9: memref<10240x64xf32, #tpu.memory_space<vmem_shared>>, %arg10: memref<!tpu.dma_semaphore, #tpu.memory_space<semaphore_mem>>, %arg11: memref<!tpu.dma_semaphore, #tpu.memory_space<semaphore_mem>>, %arg12: memref<!tpu.dma_semaphore, #tpu.memory_space<semaphore_mem>>, %arg13: memref<!tpu.dma_semaphore, #tpu.memory_space<semaphore_mem>>, %arg14: memref<!tpu.dma_semaphore, #tpu.memory_space<semaphore_mem>>) attributes {dimension_semantics = [#tpu.dimension_semantics<core_parallel>, #tpu.dimension_semantics<subcore_parallel>], iteration_bounds = array<i64: 2, 16>, scalar_prefetch = 0 : i64, scratch_operands = 10 : i64, tpu.core_type = #tpu.core_type<sc_vector_subcore>, window_params = [{transform_indices = #map}, {transform_indices = #map1}, {transform_indices = #map1}]} {
    %run_scoped3A = arith.constant 0 : i32
    "tpu.region"() ({
      %run_scoped3A_99 = tpu.sem_alloc : memref<!tpu.dma_semaphore, #tpu.memory_space<semaphore_mem>>
      %dma_start3A_100 = arith.constant 0 : i32
      %dma_start3A_101 = arith.constant 0 : i32
      %dma_start3A_102 = tpu.memref_slice %arg2[%run_scoped3A, %arg1, %dma_start3A_100, %dma_start3A_101] : memref<2x16x250x80xi32, #tpu.memory_space<hbm>> -> memref<1x1x250x80xi32, #tpu.memory_space<hbm>>
      %dma_start3A_103 = tpu.memref_squeeze %dma_start3A_102 : memref<1x1x250x80xi32, #tpu.memory_space<hbm>> -> memref<250x80xi32, #tpu.memory_space<hbm>>
      %dma_start3A_104 = arith.constant 0 : i32
      %dma_start3A_105 = arith.constant 0 : i32
      %dma_start3A_106 = tpu.memref_slice %arg2[%run_scoped3A, %arg1, %dma_start3A_104, %dma_start3A_105] : memref<2x16x250x80xi32, #tpu.memory_space<hbm>> -> memref<1x1x250x80xi32, #tpu.memory_space<hbm>>
      %dma_start3A_107 = tpu.memref_squeeze %dma_start3A_106 : memref<1x1x250x80xi32, #tpu.memory_space<hbm>> -> memref<250x80xi32, #tpu.memory_space<hbm>>
      tpu.enqueue_dma source(%dma_start3A_107 : memref<250x80xi32, #tpu.memory_space<hbm>>) target(%arg5 : memref<250x80xi32, #tpu.memory_space<vmem>>) target_semaphore(%run_scoped3A_99 : memref<!tpu.dma_semaphore, #tpu.memory_space<semaphore_mem>>)
      %dma_wait3A = arith.constant 0 : i32
      %dma_wait3A_108 = arith.constant 0 : i32
      %dma_wait3A_109 = tpu.memref_slice %arg2[%run_scoped3A, %arg1, %dma_wait3A, %dma_wait3A_108] : memref<2x16x250x80xi32, #tpu.memory_space<hbm>> -> memref<1x1x250x80xi32, #tpu.memory_space<hbm>>
      %dma_wait3A_110 = tpu.memref_squeeze %dma_wait3A_109 : memref<1x1x250x80xi32, #tpu.memory_space<hbm>> -> memref<250x80xi32, #tpu.memory_space<hbm>>
      %dma_wait3A_111 = arith.constant 0 : i32
      %dma_wait3A_112 = arith.constant 0 : i32
      %dma_wait3A_113 = tpu.memref_slice %arg2[%run_scoped3A, %arg1, %dma_wait3A_111, %dma_wait3A_112] : memref<2x16x250x80xi32, #tpu.memory_space<hbm>> -> memref<1x1x250x80xi32, #tpu.memory_space<hbm>>
      %dma_wait3A_114 = tpu.memref_squeeze %dma_wait3A_113 : memref<1x1x250x80xi32, #tpu.memory_space<hbm>> -> memref<250x80xi32, #tpu.memory_space<hbm>>
      tpu.wait_dma2 semaphore(%run_scoped3A_99 : memref<!tpu.dma_semaphore, #tpu.memory_space<semaphore_mem>>) src(%dma_wait3A_114 : memref<250x80xi32, #tpu.memory_space<hbm>>) dst(%arg5 : memref<250x80xi32, #tpu.memory_space<vmem>>)
      tpu.yield
    }) : () -> ()
    %run_scoped3A_0 = arith.constant 1 : i32
    "tpu.region"() ({
      %run_scoped3A_99 = tpu.sem_alloc : memref<!tpu.dma_semaphore, #tpu.memory_space<semaphore_mem>>
      %dma_start3A_100 = arith.constant 0 : i32
      %dma_start3A_101 = arith.constant 0 : i32
      %dma_start3A_102 = tpu.memref_slice %arg2[%run_scoped3A_0, %arg1, %dma_start3A_100, %dma_start3A_101] : memref<2x16x250x80xi32, #tpu.memory_space<hbm>> -> memref<1x1x250x80xi32, #tpu.memory_space<hbm>>
      %dma_start3A_103 = tpu.memref_squeeze %dma_start3A_102 : memref<1x1x250x80xi32, #tpu.memory_space<hbm>> -> memref<250x80xi32, #tpu.memory_space<hbm>>
      %dma_start3A_104 = arith.constant 0 : i32
      %dma_start3A_105 = arith.constant 0 : i32
      %dma_start3A_106 = tpu.memref_slice %arg2[%run_scoped3A_0, %arg1, %dma_start3A_104, %dma_start3A_105] : memref<2x16x250x80xi32, #tpu.memory_space<hbm>> -> memref<1x1x250x80xi32, #tpu.memory_space<hbm>>
      %dma_start3A_107 = tpu.memref_squeeze %dma_start3A_106 : memref<1x1x250x80xi32, #tpu.memory_space<hbm>> -> memref<250x80xi32, #tpu.memory_space<hbm>>
      tpu.enqueue_dma source(%dma_start3A_107 : memref<250x80xi32, #tpu.memory_space<hbm>>) target(%arg6 : memref<250x80xi32, #tpu.memory_space<vmem>>) target_semaphore(%run_scoped3A_99 : memref<!tpu.dma_semaphore, #tpu.memory_space<semaphore_mem>>)
      %dma_wait3A = arith.constant 0 : i32
      %dma_wait3A_108 = arith.constant 0 : i32
      %dma_wait3A_109 = tpu.memref_slice %arg2[%run_scoped3A_0, %arg1, %dma_wait3A, %dma_wait3A_108] : memref<2x16x250x80xi32, #tpu.memory_space<hbm>> -> memref<1x1x250x80xi32, #tpu.memory_space<hbm>>
      %dma_wait3A_110 = tpu.memref_squeeze %dma_wait3A_109 : memref<1x1x250x80xi32, #tpu.memory_space<hbm>> -> memref<250x80xi32, #tpu.memory_space<hbm>>
      %dma_wait3A_111 = arith.constant 0 : i32
      %dma_wait3A_112 = arith.constant 0 : i32
      %dma_wait3A_113 = tpu.memref_slice %arg2[%run_scoped3A_0, %arg1, %dma_wait3A_111, %dma_wait3A_112] : memref<2x16x250x80xi32, #tpu.memory_space<hbm>> -> memref<1x1x250x80xi32, #tpu.memory_space<hbm>>
      %dma_wait3A_114 = tpu.memref_squeeze %dma_wait3A_113 : memref<1x1x250x80xi32, #tpu.memory_space<hbm>> -> memref<250x80xi32, #tpu.memory_space<hbm>>
      tpu.wait_dma2 semaphore(%run_scoped3A_99 : memref<!tpu.dma_semaphore, #tpu.memory_space<semaphore_mem>>) src(%dma_wait3A_114 : memref<250x80xi32, #tpu.memory_space<hbm>>) dst(%arg6 : memref<250x80xi32, #tpu.memory_space<vmem>>)
      tpu.yield
    }) : () -> ()
    %broadcast_in_dim3A = arith.constant 0.000000e+00 : f32
    %broadcast_in_dim3A_1 = vector.broadcast %broadcast_in_dim3A : f32 to vector<16xf32>
    %scan3A = arith.constant 0 : i32
    %scan3A_2 = arith.constant 128 : i32
    %scan3A_3 = arith.addi %scan3A, %scan3A_2 : i32
    %scan3A_4 = arith.constant 1 : i32
    scf.for %scan3A_99 = %scan3A to %scan3A_3 step %scan3A_4  : i32 {
      %mul3A_100 = arith.constant 1 : i32
      %mul3A_101 = arith.muli %scan3A_99, %mul3A_100 : i32
      %add3A = arith.constant 0 : i32
      %add3A_102 = arith.addi %add3A, %mul3A_101 : i32
      %swap3A = arith.index_cast %add3A_102 : i32 to index
      %swap3A_103 = arith.constant 0 : index
      %swap3A_104 = tpu.vector_load %arg8[%swap3A, %swap3A_103] {strides = array<i32>} : memref<128x64xf32, #tpu.memory_space<vmem>>, vector<1x16xf32>,
      %swap3A_105 = vector.shape_cast %swap3A_104 : vector<1x16xf32> to vector<16xf32>
      %swap3A_106 = vector.shape_cast %broadcast_in_dim3A_1 : vector<16xf32> to vector<1x16xf32>
      tpu.vector_store %arg8[%swap3A, %swap3A_103], %swap3A_106 {strides = array<i32>} : memref<128x64xf32, #tpu.memory_space<vmem>>, vector<1x16xf32>,
      %swap3A_107 = arith.index_cast %add3A_102 : i32 to index
      %swap3A_108 = arith.constant 16 : index
      %swap3A_109 = tpu.vector_load %arg8[%swap3A_107, %swap3A_108] {strides = array<i32>} : memref<128x64xf32, #tpu.memory_space<vmem>>, vector<1x16xf32>,
      %swap3A_110 = vector.shape_cast %swap3A_109 : vector<1x16xf32> to vector<16xf32>
      %swap3A_111 = vector.shape_cast %broadcast_in_dim3A_1 : vector<16xf32> to vector<1x16xf32>
      tpu.vector_store %arg8[%swap3A_107, %swap3A_108], %swap3A_111 {strides = array<i32>} : memref<128x64xf32, #tpu.memory_space<vmem>>, vector<1x16xf32>,
      %swap3A_112 = arith.index_cast %add3A_102 : i32 to index
      %swap3A_113 = arith.constant 32 : index
      %swap3A_114 = tpu.vector_load %arg8[%swap3A_112, %swap3A_113] {strides = array<i32>} : memref<128x64xf32, #tpu.memory_space<vmem>>, vector<1x16xf32>,
      %swap3A_115 = vector.shape_cast %swap3A_114 : vector<1x16xf32> to vector<16xf32>
      %swap3A_116 = vector.shape_cast %broadcast_in_dim3A_1 : vector<16xf32> to vector<1x16xf32>
      tpu.vector_store %arg8[%swap3A_112, %swap3A_113], %swap3A_116 {strides = array<i32>} : memref<128x64xf32, #tpu.memory_space<vmem>>, vector<1x16xf32>,
      %swap3A_117 = arith.index_cast %add3A_102 : i32 to index
      %swap3A_118 = arith.constant 48 : index
      %swap3A_119 = tpu.vector_load %arg8[%swap3A_117, %swap3A_118] {strides = array<i32>} : memref<128x64xf32, #tpu.memory_space<vmem>>, vector<1x16xf32>,
      %swap3A_120 = vector.shape_cast %swap3A_119 : vector<1x16xf32> to vector<16xf32>
      %swap3A_121 = vector.shape_cast %broadcast_in_dim3A_1 : vector<16xf32> to vector<1x16xf32>
      tpu.vector_store %arg8[%swap3A_117, %swap3A_118], %swap3A_121 {strides = array<i32>} : memref<128x64xf32, #tpu.memory_space<vmem>>, vector<1x16xf32>,
    }
    %scan3A_5 = arith.constant 128 : i32
    %scan3A_6 = arith.constant 0 : i32
    %scan3A_7 = arith.constant 5 : i32
    %scan3A_8 = arith.addi %scan3A_6, %scan3A_7 : i32
    %scan3A_9 = arith.constant 1 : i32
    scf.for %scan3A_99 = %scan3A_6 to %scan3A_8 step %scan3A_9  : i32 {
      %mul3A_100 = arith.constant 1 : i32
      %mul3A_101 = arith.muli %scan3A_99, %mul3A_100 : i32
      %add3A = arith.constant 0 : i32
      %add3A_102 = arith.addi %add3A, %mul3A_101 : i32
      %mul3A_103 = arith.constant 640 : i32
      %mul3A_104 = arith.muli %arg1, %mul3A_103 : i32
      %mul3A_105 = arith.constant 128 : i32
      %mul3A_106 = arith.muli %add3A_102, %mul3A_105 : i32
      %add3A_107 = arith.addi %mul3A_104, %mul3A_106 : i32
      "tpu.region"() ({
        %run_scoped3A_108 = tpu.sem_alloc : memref<!tpu.dma_semaphore, #tpu.memory_space<semaphore_mem>>
        %dma_start3A_109 = arith.constant 0 : i32
        %dma_start3A_110 = tpu.memref_slice %arg9[%add3A_107, %dma_start3A_109] : memref<10240x64xf32, #tpu.memory_space<vmem_shared>> -> memref<128x64xf32, #tpu.memory_space<vmem_shared>>
        %dma_start3A_111 = arith.constant 0 : i32
        %dma_start3A_112 = tpu.memref_slice %arg9[%add3A_107, %dma_start3A_111] : memref<10240x64xf32, #tpu.memory_space<vmem_shared>> -> memref<128x64xf32, #tpu.memory_space<vmem_shared>>
        tpu.enqueue_dma source(%arg8 : memref<128x64xf32, #tpu.memory_space<vmem>>) target(%dma_start3A_112 : memref<128x64xf32, #tpu.memory_space<vmem_shared>>) target_semaphore(%run_scoped3A_108 : memref<!tpu.dma_semaphore, #tpu.memory_space<semaphore_mem>>)
        %dma_wait3A = arith.constant 0 : i32
        %dma_wait3A_113 = tpu.memref_slice %arg9[%add3A_107, %dma_wait3A] : memref<10240x64xf32, #tpu.memory_space<vmem_shared>> -> memref<128x64xf32, #tpu.memory_space<vmem_shared>>
        %dma_wait3A_114 = arith.constant 0 : i32
        %dma_wait3A_115 = tpu.memref_slice %arg9[%add3A_107, %dma_wait3A_114] : memref<10240x64xf32, #tpu.memory_space<vmem_shared>> -> memref<128x64xf32, #tpu.memory_space<vmem_shared>>
        tpu.wait_dma2 semaphore(%run_scoped3A_108 : memref<!tpu.dma_semaphore, #tpu.memory_space<semaphore_mem>>) src(%arg8 : memref<128x64xf32, #tpu.memory_space<vmem>>) dst(%dma_wait3A_115 : memref<128x64xf32, #tpu.memory_space<vmem_shared>>)
        tpu.yield
      }) : () -> ()
    }
    %scan3A_10 = arith.constant 5 : i32
    %barrier3A = arith.constant 0 : index
    tpu.barrier barrier_id(%barrier3A)
    %dma_start3A = arith.constant 0 : i32
    %dma_start3A_11 = arith.constant 0 : i32
    %dma_start3A_12 = arith.constant 0 : i32
    %dma_start3A_13 = arith.constant 0 : i32
    %dma_start3A_14 = tpu.memref_slice %arg7[%dma_start3A_11, %dma_start3A_12, %dma_start3A_13] : memref<5x80x64xf32, #tpu.memory_space<vmem>> -> memref<1x80x64xf32, #tpu.memory_space<vmem>>
    %dma_start3A_15 = tpu.memref_squeeze %dma_start3A_14 : memref<1x80x64xf32, #tpu.memory_space<vmem>> -> memref<80x64xf32, #tpu.memory_space<vmem>>
    %dma_start3A_16 = arith.constant 0 : i32
    %dma_start3A_17 = tpu.memref_slice %arg5[%dma_start3A, %dma_start3A_16] : memref<250x80xi32, #tpu.memory_space<vmem>> -> memref<1x80xi32, #tpu.memory_space<vmem>>
    %dma_start3A_18 = tpu.memref_squeeze %dma_start3A_17 : memref<1x80xi32, #tpu.memory_space<vmem>> -> memref<80xi32, #tpu.memory_space<vmem>>
    %dma_start3A_19 = arith.constant 0 : i32
    %dma_start3A_20 = arith.constant 0 : i32
    %dma_start3A_21 = tpu.memref_slice %arg3[%arg0, %dma_start3A_19, %dma_start3A_20] : memref<2x10000x64xf32, #tpu.memory_space<hbm>> -> memref<1x10000x64xf32, #tpu.memory_space<hbm>>
    %dma_start3A_22 = tpu.memref_squeeze %dma_start3A_21 : memref<1x10000x64xf32, #tpu.memory_space<hbm>> -> memref<10000x64xf32, #tpu.memory_space<hbm>>
    %dma_start3A_23 = arith.constant 0 : i32
    %dma_start3A_24 = arith.constant 0 : i32
    %dma_start3A_25 = tpu.memref_slice %dma_start3A_22[%dma_start3A_23, %dma_start3A_24] : memref<10000x64xf32, #tpu.memory_space<hbm>> -> memref<10000x64xf32, #tpu.memory_space<hbm>>
    tpu.enqueue_indirect_dma source(%dma_start3A_25 : memref<10000x64xf32, #tpu.memory_space<hbm>>) target(%dma_start3A_15 : memref<80x64xf32, #tpu.memory_space<vmem>>) offsets(%dma_start3A_18 : memref<80xi32, #tpu.memory_space<vmem>>) semaphore(%arg10 : memref<!tpu.dma_semaphore, #tpu.memory_space<semaphore_mem>>)
    %dma_start3A_26 = arith.constant 1 : i32
    %dma_start3A_27 = arith.constant 1 : i32
    %dma_start3A_28 = arith.constant 0 : i32
    %dma_start3A_29 = arith.constant 0 : i32
    %dma_start3A_30 = tpu.memref_slice %arg7[%dma_start3A_27, %dma_start3A_28, %dma_start3A_29] : memref<5x80x64xf32, #tpu.memory_space<vmem>> -> memref<1x80x64xf32, #tpu.memory_space<vmem>>
    %dma_start3A_31 = tpu.memref_squeeze %dma_start3A_30 : memref<1x80x64xf32, #tpu.memory_space<vmem>> -> memref<80x64xf32, #tpu.memory_space<vmem>>
    %dma_start3A_32 = arith.constant 0 : i32
    %dma_start3A_33 = tpu.memref_slice %arg5[%dma_start3A_26, %dma_start3A_32] : memref<250x80xi32, #tpu.memory_space<vmem>> -> memref<1x80xi32, #tpu.memory_space<vmem>>
    %dma_start3A_34 = tpu.memref_squeeze %dma_start3A_33 : memref<1x80xi32, #tpu.memory_space<vmem>> -> memref<80xi32, #tpu.memory_space<vmem>>
    %dma_start3A_35 = arith.constant 0 : i32
    %dma_start3A_36 = arith.constant 0 : i32
    %dma_start3A_37 = tpu.memref_slice %arg3[%arg0, %dma_start3A_35, %dma_start3A_36] : memref<2x10000x64xf32, #tpu.memory_space<hbm>> -> memref<1x10000x64xf32, #tpu.memory_space<hbm>>
    %dma_start3A_38 = tpu.memref_squeeze %dma_start3A_37 : memref<1x10000x64xf32, #tpu.memory_space<hbm>> -> memref<10000x64xf32, #tpu.memory_space<hbm>>
    %dma_start3A_39 = arith.constant 0 : i32
    %dma_start3A_40 = arith.constant 0 : i32
    %dma_start3A_41 = tpu.memref_slice %dma_start3A_38[%dma_start3A_39, %dma_start3A_40] : memref<10000x64xf32, #tpu.memory_space<hbm>> -> memref<10000x64xf32, #tpu.memory_space<hbm>>
    tpu.enqueue_indirect_dma source(%dma_start3A_41 : memref<10000x64xf32, #tpu.memory_space<hbm>>) target(%dma_start3A_31 : memref<80x64xf32, #tpu.memory_space<vmem>>) offsets(%dma_start3A_34 : memref<80xi32, #tpu.memory_space<vmem>>) semaphore(%arg11 : memref<!tpu.dma_semaphore, #tpu.memory_space<semaphore_mem>>)
    %dma_start3A_42 = arith.constant 2 : i32
    %dma_start3A_43 = arith.constant 2 : i32
    %dma_start3A_44 = arith.constant 0 : i32
    %dma_start3A_45 = arith.constant 0 : i32
    %dma_start3A_46 = tpu.memref_slice %arg7[%dma_start3A_43, %dma_start3A_44, %dma_start3A_45] : memref<5x80x64xf32, #tpu.memory_space<vmem>> -> memref<1x80x64xf32, #tpu.memory_space<vmem>>
    %dma_start3A_47 = tpu.memref_squeeze %dma_start3A_46 : memref<1x80x64xf32, #tpu.memory_space<vmem>> -> memref<80x64xf32, #tpu.memory_space<vmem>>
    %dma_start3A_48 = arith.constant 0 : i32
    %dma_start3A_49 = tpu.memref_slice %arg5[%dma_start3A_42, %dma_start3A_48] : memref<250x80xi32, #tpu.memory_space<vmem>> -> memref<1x80xi32, #tpu.memory_space<vmem>>
    %dma_start3A_50 = tpu.memref_squeeze %dma_start3A_49 : memref<1x80xi32, #tpu.memory_space<vmem>> -> memref<80xi32, #tpu.memory_space<vmem>>
    %dma_start3A_51 = arith.constant 0 : i32
    %dma_start3A_52 = arith.constant 0 : i32
    %dma_start3A_53 = tpu.memref_slice %arg3[%arg0, %dma_start3A_51, %dma_start3A_52] : memref<2x10000x64xf32, #tpu.memory_space<hbm>> -> memref<1x10000x64xf32, #tpu.memory_space<hbm>>
    %dma_start3A_54 = tpu.memref_squeeze %dma_start3A_53 : memref<1x10000x64xf32, #tpu.memory_space<hbm>> -> memref<10000x64xf32, #tpu.memory_space<hbm>>
    %dma_start3A_55 = arith.constant 0 : i32
    %dma_start3A_56 = arith.constant 0 : i32
    %dma_start3A_57 = tpu.memref_slice %dma_start3A_54[%dma_start3A_55, %dma_start3A_56] : memref<10000x64xf32, #tpu.memory_space<hbm>> -> memref<10000x64xf32, #tpu.memory_space<hbm>>
    tpu.enqueue_indirect_dma source(%dma_start3A_57 : memref<10000x64xf32, #tpu.memory_space<hbm>>) target(%dma_start3A_47 : memref<80x64xf32, #tpu.memory_space<vmem>>) offsets(%dma_start3A_50 : memref<80xi32, #tpu.memory_space<vmem>>) semaphore(%arg12 : memref<!tpu.dma_semaphore, #tpu.memory_space<semaphore_mem>>)
    %dma_start3A_58 = arith.constant 3 : i32
    %dma_start3A_59 = arith.constant 3 : i32
    %dma_start3A_60 = arith.constant 0 : i32
    %dma_start3A_61 = arith.constant 0 : i32
    %dma_start3A_62 = tpu.memref_slice %arg7[%dma_start3A_59, %dma_start3A_60, %dma_start3A_61] : memref<5x80x64xf32, #tpu.memory_space<vmem>> -> memref<1x80x64xf32, #tpu.memory_space<vmem>>
    %dma_start3A_63 = tpu.memref_squeeze %dma_start3A_62 : memref<1x80x64xf32, #tpu.memory_space<vmem>> -> memref<80x64xf32, #tpu.memory_space<vmem>>
    %dma_start3A_64 = arith.constant 0 : i32
    %dma_start3A_65 = tpu.memref_slice %arg5[%dma_start3A_58, %dma_start3A_64] : memref<250x80xi32, #tpu.memory_space<vmem>> -> memref<1x80xi32, #tpu.memory_space<vmem>>
    %dma_start3A_66 = tpu.memref_squeeze %dma_start3A_65 : memref<1x80xi32, #tpu.memory_space<vmem>> -> memref<80xi32, #tpu.memory_space<vmem>>
    %dma_start3A_67 = arith.constant 0 : i32
    %dma_start3A_68 = arith.constant 0 : i32
    %dma_start3A_69 = tpu.memref_slice %arg3[%arg0, %dma_start3A_67, %dma_start3A_68] : memref<2x10000x64xf32, #tpu.memory_space<hbm>> -> memref<1x10000x64xf32, #tpu.memory_space<hbm>>
    %dma_start3A_70 = tpu.memref_squeeze %dma_start3A_69 : memref<1x10000x64xf32, #tpu.memory_space<hbm>> -> memref<10000x64xf32, #tpu.memory_space<hbm>>
    %dma_start3A_71 = arith.constant 0 : i32
    %dma_start3A_72 = arith.constant 0 : i32
    %dma_start3A_73 = tpu.memref_slice %dma_start3A_70[%dma_start3A_71, %dma_start3A_72] : memref<10000x64xf32, #tpu.memory_space<hbm>> -> memref<10000x64xf32, #tpu.memory_space<hbm>>
    tpu.enqueue_indirect_dma source(%dma_start3A_73 : memref<10000x64xf32, #tpu.memory_space<hbm>>) target(%dma_start3A_63 : memref<80x64xf32, #tpu.memory_space<vmem>>) offsets(%dma_start3A_66 : memref<80xi32, #tpu.memory_space<vmem>>) semaphore(%arg13 : memref<!tpu.dma_semaphore, #tpu.memory_space<semaphore_mem>>)
    %dma_start3A_74 = arith.constant 4 : i32
    %dma_start3A_75 = arith.constant 4 : i32
    %dma_start3A_76 = arith.constant 0 : i32
    %dma_start3A_77 = arith.constant 0 : i32
    %dma_start3A_78 = tpu.memref_slice %arg7[%dma_start3A_75, %dma_start3A_76, %dma_start3A_77] : memref<5x80x64xf32, #tpu.memory_space<vmem>> -> memref<1x80x64xf32, #tpu.memory_space<vmem>>
    %dma_start3A_79 = tpu.memref_squeeze %dma_start3A_78 : memref<1x80x64xf32, #tpu.memory_space<vmem>> -> memref<80x64xf32, #tpu.memory_space<vmem>>
    %dma_start3A_80 = arith.constant 0 : i32
    %dma_start3A_81 = tpu.memref_slice %arg5[%dma_start3A_74, %dma_start3A_80] : memref<250x80xi32, #tpu.memory_space<vmem>> -> memref<1x80xi32, #tpu.memory_space<vmem>>
    %dma_start3A_82 = tpu.memref_squeeze %dma_start3A_81 : memref<1x80xi32, #tpu.memory_space<vmem>> -> memref<80xi32, #tpu.memory_space<vmem>>
    %dma_start3A_83 = arith.constant 0 : i32
    %dma_start3A_84 = arith.constant 0 : i32
    %dma_start3A_85 = tpu.memref_slice %arg3[%arg0, %dma_start3A_83, %dma_start3A_84] : memref<2x10000x64xf32, #tpu.memory_space<hbm>> -> memref<1x10000x64xf32, #tpu.memory_space<hbm>>
    %dma_start3A_86 = tpu.memref_squeeze %dma_start3A_85 : memref<1x10000x64xf32, #tpu.memory_space<hbm>> -> memref<10000x64xf32, #tpu.memory_space<hbm>>
    %dma_start3A_87 = arith.constant 0 : i32
    %dma_start3A_88 = arith.constant 0 : i32
    %dma_start3A_89 = tpu.memref_slice %dma_start3A_86[%dma_start3A_87, %dma_start3A_88] : memref<10000x64xf32, #tpu.memory_space<hbm>> -> memref<10000x64xf32, #tpu.memory_space<hbm>>
    tpu.enqueue_indirect_dma source(%dma_start3A_89 : memref<10000x64xf32, #tpu.memory_space<hbm>>) target(%dma_start3A_79 : memref<80x64xf32, #tpu.memory_space<vmem>>) offsets(%dma_start3A_82 : memref<80xi32, #tpu.memory_space<vmem>>) semaphore(%arg14 : memref<!tpu.dma_semaphore, #tpu.memory_space<semaphore_mem>>)
    %scan3A_90 = arith.constant 0 : i32
    %scan3A_91 = arith.constant 50 : i32
    %scan3A_92 = arith.addi %scan3A_90, %scan3A_91 : i32
    %scan3A_93 = arith.constant 1 : i32
    scf.for %scan3A_99 = %scan3A_90 to %scan3A_92 step %scan3A_93  : i32 {
      %mul3A_100 = arith.constant 1 : i32
      %mul3A_101 = arith.muli %scan3A_99, %mul3A_100 : i32
      %add3A = arith.constant 0 : i32
      %add3A_102 = arith.addi %add3A, %mul3A_101 : i32
      %mul3A_103 = arith.constant 5 : i32
      %mul3A_104 = arith.muli %add3A_102, %mul3A_103 : i32
      %add3A_105 = arith.constant 0 : i32
      %add3A_106 = arith.addi %mul3A_104, %add3A_105 : i32
      %dma_wait3A = arith.constant 0 : i32
      %dma_wait3A_107 = arith.constant 0 : i32
      %dma_wait3A_108 = arith.constant 0 : i32
      %dma_wait3A_109 = arith.constant 0 : i32
      %dma_wait3A_110 = tpu.memref_slice %arg7[%dma_wait3A_107, %dma_wait3A_108, %dma_wait3A_109] : memref<5x80x64xf32, #tpu.memory_space<vmem>> -> memref<1x80x64xf32, #tpu.memory_space<vmem>>
      %dma_wait3A_111 = tpu.memref_squeeze %dma_wait3A_110 : memref<1x80x64xf32, #tpu.memory_space<vmem>> -> memref<80x64xf32, #tpu.memory_space<vmem>>
      %dma_wait3A_112 = arith.constant 0 : i32
      %dma_wait3A_113 = tpu.memref_slice %arg5[%dma_wait3A, %dma_wait3A_112] : memref<250x80xi32, #tpu.memory_space<vmem>> -> memref<1x80xi32, #tpu.memory_space<vmem>>
      %dma_wait3A_114 = tpu.memref_squeeze %dma_wait3A_113 : memref<1x80xi32, #tpu.memory_space<vmem>> -> memref<80xi32, #tpu.memory_space<vmem>>
      %dma_wait3A_115 = arith.constant 0 : i32
      %dma_wait3A_116 = arith.constant 0 : i32
      %dma_wait3A_117 = tpu.memref_slice %arg3[%arg0, %dma_wait3A_115, %dma_wait3A_116] : memref<2x10000x64xf32, #tpu.memory_space<hbm>> -> memref<1x10000x64xf32, #tpu.memory_space<hbm>>
      %dma_wait3A_118 = tpu.memref_squeeze %dma_wait3A_117 : memref<1x10000x64xf32, #tpu.memory_space<hbm>> -> memref<10000x64xf32, #tpu.memory_space<hbm>>
      %dma_wait3A_119 = arith.constant 0 : i32
      %dma_wait3A_120 = arith.constant 0 : i32
      %dma_wait3A_121 = tpu.memref_slice %dma_wait3A_118[%dma_wait3A_119, %dma_wait3A_120] : memref<10000x64xf32, #tpu.memory_space<hbm>> -> memref<10000x64xf32, #tpu.memory_space<hbm>>
      tpu.wait_indirect_dma semaphore(%arg10 : memref<!tpu.dma_semaphore, #tpu.memory_space<semaphore_mem>>) src(%dma_wait3A_121 : memref<10000x64xf32, #tpu.memory_space<hbm>>) dst(%dma_wait3A_111 : memref<80x64xf32, #tpu.memory_space<vmem>>)
      %dma_start3A_122 = arith.constant 0 : i32
      %dma_start3A_123 = arith.constant 0 : i32
      %dma_start3A_124 = arith.constant 0 : i32
      %dma_start3A_125 = tpu.memref_slice %arg7[%dma_start3A_122, %dma_start3A_123, %dma_start3A_124] : memref<5x80x64xf32, #tpu.memory_space<vmem>> -> memref<1x80x64xf32, #tpu.memory_space<vmem>>
      %dma_start3A_126 = tpu.memref_squeeze %dma_start3A_125 : memref<1x80x64xf32, #tpu.memory_space<vmem>> -> memref<80x64xf32, #tpu.memory_space<vmem>>
      %dma_start3A_127 = arith.constant 0 : i32
      %dma_start3A_128 = tpu.memref_slice %arg6[%add3A_106, %dma_start3A_127] : memref<250x80xi32, #tpu.memory_space<vmem>> -> memref<1x80xi32, #tpu.memory_space<vmem>>
      %dma_start3A_129 = tpu.memref_squeeze %dma_start3A_128 : memref<1x80xi32, #tpu.memory_space<vmem>> -> memref<80xi32, #tpu.memory_space<vmem>>
      %dma_start3A_130 = arith.constant 0 : i32
      %dma_start3A_131 = arith.constant 0 : i32
      %dma_start3A_132 = tpu.memref_slice %arg9[%dma_start3A_130, %dma_start3A_131] : memref<10240x64xf32, #tpu.memory_space<vmem_shared>> -> memref<10240x64xf32, #tpu.memory_space<vmem_shared>>
      tpu.enqueue_indirect_dma source(%dma_start3A_126 : memref<80x64xf32, #tpu.memory_space<vmem>>) target(%dma_start3A_132 : memref<10240x64xf32, #tpu.memory_space<vmem_shared>>) offsets(%dma_start3A_129 : memref<80xi32, #tpu.memory_space<vmem>>) semaphore(%arg10 : memref<!tpu.dma_semaphore, #tpu.memory_space<semaphore_mem>>) {add = true}
      %dma_wait3A_133 = arith.constant 0 : i32
      %dma_wait3A_134 = arith.constant 0 : i32
      %dma_wait3A_135 = arith.constant 0 : i32
      %dma_wait3A_136 = arith.constant 0 : i32
      %dma_wait3A_137 = tpu.memref_slice %arg7[%dma_wait3A_134, %dma_wait3A_135, %dma_wait3A_136] : memref<5x80x64xf32, #tpu.memory_space<vmem>> -> memref<1x80x64xf32, #tpu.memory_space<vmem>>
      %dma_wait3A_138 = tpu.memref_squeeze %dma_wait3A_137 : memref<1x80x64xf32, #tpu.memory_space<vmem>> -> memref<80x64xf32, #tpu.memory_space<vmem>>
      %dma_wait3A_139 = arith.constant 0 : i32
      %dma_wait3A_140 = tpu.memref_slice %arg5[%dma_wait3A_133, %dma_wait3A_139] : memref<250x80xi32, #tpu.memory_space<vmem>> -> memref<1x80xi32, #tpu.memory_space<vmem>>
      %dma_wait3A_141 = tpu.memref_squeeze %dma_wait3A_140 : memref<1x80xi32, #tpu.memory_space<vmem>> -> memref<80xi32, #tpu.memory_space<vmem>>
      %dma_wait3A_142 = arith.constant 0 : i32
      %dma_wait3A_143 = arith.constant 0 : i32
      %dma_wait3A_144 = tpu.memref_slice %arg3[%arg0, %dma_wait3A_142, %dma_wait3A_143] : memref<2x10000x64xf32, #tpu.memory_space<hbm>> -> memref<1x10000x64xf32, #tpu.memory_space<hbm>>
      %dma_wait3A_145 = tpu.memref_squeeze %dma_wait3A_144 : memref<1x10000x64xf32, #tpu.memory_space<hbm>> -> memref<10000x64xf32, #tpu.memory_space<hbm>>
      %dma_wait3A_146 = arith.constant 0 : i32
      %dma_wait3A_147 = arith.constant 0 : i32
      %dma_wait3A_148 = tpu.memref_slice %dma_wait3A_145[%dma_wait3A_146, %dma_wait3A_147] : memref<10000x64xf32, #tpu.memory_space<hbm>> -> memref<10000x64xf32, #tpu.memory_space<hbm>>
      tpu.wait_indirect_dma semaphore(%arg10 : memref<!tpu.dma_semaphore, #tpu.memory_space<semaphore_mem>>) src(%dma_wait3A_148 : memref<10000x64xf32, #tpu.memory_space<hbm>>) dst(%dma_wait3A_138 : memref<80x64xf32, #tpu.memory_space<vmem>>)
      %add3A_149 = arith.constant 5 : i32
      %add3A_150 = arith.addi %add3A_106, %add3A_149 : i32
      %lt3A = arith.constant 250 : i32
      %lt3A_151 = arith.cmpi slt, %add3A_150, %lt3A : i32
      %convert_element_type3A = arith.extui %lt3A_151 : i1 to i32
      %cond3A = arith.constant 0 : i32
      %cond3A_152 = arith.cmpi ne, %convert_element_type3A, %cond3A : i32
      scf.if %cond3A_152 {
        %dma_start3A_369 = arith.constant 0 : i32
        %dma_start3A_370 = arith.constant 0 : i32
        %dma_start3A_371 = arith.constant 0 : i32
        %dma_start3A_372 = tpu.memref_slice %arg7[%dma_start3A_369, %dma_start3A_370, %dma_start3A_371] : memref<5x80x64xf32, #tpu.memory_space<vmem>> -> memref<1x80x64xf32, #tpu.memory_space<vmem>>
        %dma_start3A_373 = tpu.memref_squeeze %dma_start3A_372 : memref<1x80x64xf32, #tpu.memory_space<vmem>> -> memref<80x64xf32, #tpu.memory_space<vmem>>
        %dma_start3A_374 = arith.constant 0 : i32
        %dma_start3A_375 = tpu.memref_slice %arg5[%add3A_150, %dma_start3A_374] : memref<250x80xi32, #tpu.memory_space<vmem>> -> memref<1x80xi32, #tpu.memory_space<vmem>>
        %dma_start3A_376 = tpu.memref_squeeze %dma_start3A_375 : memref<1x80xi32, #tpu.memory_space<vmem>> -> memref<80xi32, #tpu.memory_space<vmem>>
        %dma_start3A_377 = arith.constant 0 : i32
        %dma_start3A_378 = arith.constant 0 : i32
        %dma_start3A_379 = tpu.memref_slice %arg3[%arg0, %dma_start3A_377, %dma_start3A_378] : memref<2x10000x64xf32, #tpu.memory_space<hbm>> -> memref<1x10000x64xf32, #tpu.memory_space<hbm>>
        %dma_start3A_380 = tpu.memref_squeeze %dma_start3A_379 : memref<1x10000x64xf32, #tpu.memory_space<hbm>> -> memref<10000x64xf32, #tpu.memory_space<hbm>>
        %dma_start3A_381 = arith.constant 0 : i32
        %dma_start3A_382 = arith.constant 0 : i32
        %dma_start3A_383 = tpu.memref_slice %dma_start3A_380[%dma_start3A_381, %dma_start3A_382] : memref<10000x64xf32, #tpu.memory_space<hbm>> -> memref<10000x64xf32, #tpu.memory_space<hbm>>
        tpu.enqueue_indirect_dma source(%dma_start3A_383 : memref<10000x64xf32, #tpu.memory_space<hbm>>) target(%dma_start3A_373 : memref<80x64xf32, #tpu.memory_space<vmem>>) offsets(%dma_start3A_376 : memref<80xi32, #tpu.memory_space<vmem>>) semaphore(%arg10 : memref<!tpu.dma_semaphore, #tpu.memory_space<semaphore_mem>>)
      } else {
      }
      %mul3A_153 = arith.constant 5 : i32
      %mul3A_154 = arith.muli %add3A_102, %mul3A_153 : i32
      %add3A_155 = arith.constant 1 : i32
      %add3A_156 = arith.addi %mul3A_154, %add3A_155 : i32
      %dma_wait3A_157 = arith.constant 0 : i32
      %dma_wait3A_158 = arith.constant 1 : i32
      %dma_wait3A_159 = arith.constant 0 : i32
      %dma_wait3A_160 = arith.constant 0 : i32
      %dma_wait3A_161 = tpu.memref_slice %arg7[%dma_wait3A_158, %dma_wait3A_159, %dma_wait3A_160] : memref<5x80x64xf32, #tpu.memory_space<vmem>> -> memref<1x80x64xf32, #tpu.memory_space<vmem>>
      %dma_wait3A_162 = tpu.memref_squeeze %dma_wait3A_161 : memref<1x80x64xf32, #tpu.memory_space<vmem>> -> memref<80x64xf32, #tpu.memory_space<vmem>>
      %dma_wait3A_163 = arith.constant 0 : i32
      %dma_wait3A_164 = tpu.memref_slice %arg5[%dma_wait3A_157, %dma_wait3A_163] : memref<250x80xi32, #tpu.memory_space<vmem>> -> memref<1x80xi32, #tpu.memory_space<vmem>>
      %dma_wait3A_165 = tpu.memref_squeeze %dma_wait3A_164 : memref<1x80xi32, #tpu.memory_space<vmem>> -> memref<80xi32, #tpu.memory_space<vmem>>
      %dma_wait3A_166 = arith.constant 0 : i32
      %dma_wait3A_167 = arith.constant 0 : i32
      %dma_wait3A_168 = tpu.memref_slice %arg3[%arg0, %dma_wait3A_166, %dma_wait3A_167] : memref<2x10000x64xf32, #tpu.memory_space<hbm>> -> memref<1x10000x64xf32, #tpu.memory_space<hbm>>
      %dma_wait3A_169 = tpu.memref_squeeze %dma_wait3A_168 : memref<1x10000x64xf32, #tpu.memory_space<hbm>> -> memref<10000x64xf32, #tpu.memory_space<hbm>>
      %dma_wait3A_170 = arith.constant 0 : i32
      %dma_wait3A_171 = arith.constant 0 : i32
      %dma_wait3A_172 = tpu.memref_slice %dma_wait3A_169[%dma_wait3A_170, %dma_wait3A_171] : memref<10000x64xf32, #tpu.memory_space<hbm>> -> memref<10000x64xf32, #tpu.memory_space<hbm>>
      tpu.wait_indirect_dma semaphore(%arg11 : memref<!tpu.dma_semaphore, #tpu.memory_space<semaphore_mem>>) src(%dma_wait3A_172 : memref<10000x64xf32, #tpu.memory_space<hbm>>) dst(%dma_wait3A_162 : memref<80x64xf32, #tpu.memory_space<vmem>>)
      %dma_start3A_173 = arith.constant 1 : i32
      %dma_start3A_174 = arith.constant 0 : i32
      %dma_start3A_175 = arith.constant 0 : i32
      %dma_start3A_176 = tpu.memref_slice %arg7[%dma_start3A_173, %dma_start3A_174, %dma_start3A_175] : memref<5x80x64xf32, #tpu.memory_space<vmem>> -> memref<1x80x64xf32, #tpu.memory_space<vmem>>
      %dma_start3A_177 = tpu.memref_squeeze %dma_start3A_176 : memref<1x80x64xf32, #tpu.memory_space<vmem>> -> memref<80x64xf32, #tpu.memory_space<vmem>>
      %dma_start3A_178 = arith.constant 0 : i32
      %dma_start3A_179 = tpu.memref_slice %arg6[%add3A_156, %dma_start3A_178] : memref<250x80xi32, #tpu.memory_space<vmem>> -> memref<1x80xi32, #tpu.memory_space<vmem>>
      %dma_start3A_180 = tpu.memref_squeeze %dma_start3A_179 : memref<1x80xi32, #tpu.memory_space<vmem>> -> memref<80xi32, #tpu.memory_space<vmem>>
      %dma_start3A_181 = arith.constant 0 : i32
      %dma_start3A_182 = arith.constant 0 : i32
      %dma_start3A_183 = tpu.memref_slice %arg9[%dma_start3A_181, %dma_start3A_182] : memref<10240x64xf32, #tpu.memory_space<vmem_shared>> -> memref<10240x64xf32, #tpu.memory_space<vmem_shared>>
      tpu.enqueue_indirect_dma source(%dma_start3A_177 : memref<80x64xf32, #tpu.memory_space<vmem>>) target(%dma_start3A_183 : memref<10240x64xf32, #tpu.memory_space<vmem_shared>>) offsets(%dma_start3A_180 : memref<80xi32, #tpu.memory_space<vmem>>) semaphore(%arg11 : memref<!tpu.dma_semaphore, #tpu.memory_space<semaphore_mem>>) {add = true}
      %dma_wait3A_184 = arith.constant 0 : i32
      %dma_wait3A_185 = arith.constant 1 : i32
      %dma_wait3A_186 = arith.constant 0 : i32
      %dma_wait3A_187 = arith.constant 0 : i32
      %dma_wait3A_188 = tpu.memref_slice %arg7[%dma_wait3A_185, %dma_wait3A_186, %dma_wait3A_187] : memref<5x80x64xf32, #tpu.memory_space<vmem>> -> memref<1x80x64xf32, #tpu.memory_space<vmem>>
      %dma_wait3A_189 = tpu.memref_squeeze %dma_wait3A_188 : memref<1x80x64xf32, #tpu.memory_space<vmem>> -> memref<80x64xf32, #tpu.memory_space<vmem>>
      %dma_wait3A_190 = arith.constant 0 : i32
      %dma_wait3A_191 = tpu.memref_slice %arg5[%dma_wait3A_184, %dma_wait3A_190] : memref<250x80xi32, #tpu.memory_space<vmem>> -> memref<1x80xi32, #tpu.memory_space<vmem>>
      %dma_wait3A_192 = tpu.memref_squeeze %dma_wait3A_191 : memref<1x80xi32, #tpu.memory_space<vmem>> -> memref<80xi32, #tpu.memory_space<vmem>>
      %dma_wait3A_193 = arith.constant 0 : i32
      %dma_wait3A_194 = arith.constant 0 : i32
      %dma_wait3A_195 = tpu.memref_slice %arg3[%arg0, %dma_wait3A_193, %dma_wait3A_194] : memref<2x10000x64xf32, #tpu.memory_space<hbm>> -> memref<1x10000x64xf32, #tpu.memory_space<hbm>>
      %dma_wait3A_196 = tpu.memref_squeeze %dma_wait3A_195 : memref<1x10000x64xf32, #tpu.memory_space<hbm>> -> memref<10000x64xf32, #tpu.memory_space<hbm>>
      %dma_wait3A_197 = arith.constant 0 : i32
      %dma_wait3A_198 = arith.constant 0 : i32
      %dma_wait3A_199 = tpu.memref_slice %dma_wait3A_196[%dma_wait3A_197, %dma_wait3A_198] : memref<10000x64xf32, #tpu.memory_space<hbm>> -> memref<10000x64xf32, #tpu.memory_space<hbm>>
      tpu.wait_indirect_dma semaphore(%arg11 : memref<!tpu.dma_semaphore, #tpu.memory_space<semaphore_mem>>) src(%dma_wait3A_199 : memref<10000x64xf32, #tpu.memory_space<hbm>>) dst(%dma_wait3A_189 : memref<80x64xf32, #tpu.memory_space<vmem>>)
      %add3A_200 = arith.constant 5 : i32
      %add3A_201 = arith.addi %add3A_156, %add3A_200 : i32
      %lt3A_202 = arith.constant 250 : i32
      %lt3A_203 = arith.cmpi slt, %add3A_201, %lt3A_202 : i32
      %convert_element_type3A_204 = arith.extui %lt3A_203 : i1 to i32
      %cond3A_205 = arith.constant 0 : i32
      %cond3A_206 = arith.cmpi ne, %convert_element_type3A_204, %cond3A_205 : i32
      scf.if %cond3A_206 {
        %dma_start3A_369 = arith.constant 1 : i32
        %dma_start3A_370 = arith.constant 0 : i32
        %dma_start3A_371 = arith.constant 0 : i32
        %dma_start3A_372 = tpu.memref_slice %arg7[%dma_start3A_369, %dma_start3A_370, %dma_start3A_371] : memref<5x80x64xf32, #tpu.memory_space<vmem>> -> memref<1x80x64xf32, #tpu.memory_space<vmem>>
        %dma_start3A_373 = tpu.memref_squeeze %dma_start3A_372 : memref<1x80x64xf32, #tpu.memory_space<vmem>> -> memref<80x64xf32, #tpu.memory_space<vmem>>
        %dma_start3A_374 = arith.constant 0 : i32
        %dma_start3A_375 = tpu.memref_slice %arg5[%add3A_201, %dma_start3A_374] : memref<250x80xi32, #tpu.memory_space<vmem>> -> memref<1x80xi32, #tpu.memory_space<vmem>>
        %dma_start3A_376 = tpu.memref_squeeze %dma_start3A_375 : memref<1x80xi32, #tpu.memory_space<vmem>> -> memref<80xi32, #tpu.memory_space<vmem>>
        %dma_start3A_377 = arith.constant 0 : i32
        %dma_start3A_378 = arith.constant 0 : i32
        %dma_start3A_379 = tpu.memref_slice %arg3[%arg0, %dma_start3A_377, %dma_start3A_378] : memref<2x10000x64xf32, #tpu.memory_space<hbm>> -> memref<1x10000x64xf32, #tpu.memory_space<hbm>>
        %dma_start3A_380 = tpu.memref_squeeze %dma_start3A_379 : memref<1x10000x64xf32, #tpu.memory_space<hbm>> -> memref<10000x64xf32, #tpu.memory_space<hbm>>
        %dma_start3A_381 = arith.constant 0 : i32
        %dma_start3A_382 = arith.constant 0 : i32
        %dma_start3A_383 = tpu.memref_slice %dma_start3A_380[%dma_start3A_381, %dma_start3A_382] : memref<10000x64xf32, #tpu.memory_space<hbm>> -> memref<10000x64xf32, #tpu.memory_space<hbm>>
        tpu.enqueue_indirect_dma source(%dma_start3A_383 : memref<10000x64xf32, #tpu.memory_space<hbm>>) target(%dma_start3A_373 : memref<80x64xf32, #tpu.memory_space<vmem>>) offsets(%dma_start3A_376 : memref<80xi32, #tpu.memory_space<vmem>>) semaphore(%arg11 : memref<!tpu.dma_semaphore, #tpu.memory_space<semaphore_mem>>)
      } else {
      }
      %mul3A_207 = arith.constant 5 : i32
      %mul3A_208 = arith.muli %add3A_102, %mul3A_207 : i32
      %add3A_209 = arith.constant 2 : i32
      %add3A_210 = arith.addi %mul3A_208, %add3A_209 : i32
      %dma_wait3A_211 = arith.constant 0 : i32
      %dma_wait3A_212 = arith.constant 2 : i32
      %dma_wait3A_213 = arith.constant 0 : i32
      %dma_wait3A_214 = arith.constant 0 : i32
      %dma_wait3A_215 = tpu.memref_slice %arg7[%dma_wait3A_212, %dma_wait3A_213, %dma_wait3A_214] : memref<5x80x64xf32, #tpu.memory_space<vmem>> -> memref<1x80x64xf32, #tpu.memory_space<vmem>>
      %dma_wait3A_216 = tpu.memref_squeeze %dma_wait3A_215 : memref<1x80x64xf32, #tpu.memory_space<vmem>> -> memref<80x64xf32, #tpu.memory_space<vmem>>
      %dma_wait3A_217 = arith.constant 0 : i32
      %dma_wait3A_218 = tpu.memref_slice %arg5[%dma_wait3A_211, %dma_wait3A_217] : memref<250x80xi32, #tpu.memory_space<vmem>> -> memref<1x80xi32, #tpu.memory_space<vmem>>
      %dma_wait3A_219 = tpu.memref_squeeze %dma_wait3A_218 : memref<1x80xi32, #tpu.memory_space<vmem>> -> memref<80xi32, #tpu.memory_space<vmem>>
      %dma_wait3A_220 = arith.constant 0 : i32
      %dma_wait3A_221 = arith.constant 0 : i32
      %dma_wait3A_222 = tpu.memref_slice %arg3[%arg0, %dma_wait3A_220, %dma_wait3A_221] : memref<2x10000x64xf32, #tpu.memory_space<hbm>> -> memref<1x10000x64xf32, #tpu.memory_space<hbm>>
      %dma_wait3A_223 = tpu.memref_squeeze %dma_wait3A_222 : memref<1x10000x64xf32, #tpu.memory_space<hbm>> -> memref<10000x64xf32, #tpu.memory_space<hbm>>
      %dma_wait3A_224 = arith.constant 0 : i32
      %dma_wait3A_225 = arith.constant 0 : i32
      %dma_wait3A_226 = tpu.memref_slice %dma_wait3A_223[%dma_wait3A_224, %dma_wait3A_225] : memref<10000x64xf32, #tpu.memory_space<hbm>> -> memref<10000x64xf32, #tpu.memory_space<hbm>>
      tpu.wait_indirect_dma semaphore(%arg12 : memref<!tpu.dma_semaphore, #tpu.memory_space<semaphore_mem>>) src(%dma_wait3A_226 : memref<10000x64xf32, #tpu.memory_space<hbm>>) dst(%dma_wait3A_216 : memref<80x64xf32, #tpu.memory_space<vmem>>)
      %dma_start3A_227 = arith.constant 2 : i32
      %dma_start3A_228 = arith.constant 0 : i32
      %dma_start3A_229 = arith.constant 0 : i32
      %dma_start3A_230 = tpu.memref_slice %arg7[%dma_start3A_227, %dma_start3A_228, %dma_start3A_229] : memref<5x80x64xf32, #tpu.memory_space<vmem>> -> memref<1x80x64xf32, #tpu.memory_space<vmem>>
      %dma_start3A_231 = tpu.memref_squeeze %dma_start3A_230 : memref<1x80x64xf32, #tpu.memory_space<vmem>> -> memref<80x64xf32, #tpu.memory_space<vmem>>
      %dma_start3A_232 = arith.constant 0 : i32
      %dma_start3A_233 = tpu.memref_slice %arg6[%add3A_210, %dma_start3A_232] : memref<250x80xi32, #tpu.memory_space<vmem>> -> memref<1x80xi32, #tpu.memory_space<vmem>>
      %dma_start3A_234 = tpu.memref_squeeze %dma_start3A_233 : memref<1x80xi32, #tpu.memory_space<vmem>> -> memref<80xi32, #tpu.memory_space<vmem>>
      %dma_start3A_235 = arith.constant 0 : i32
      %dma_start3A_236 = arith.constant 0 : i32
      %dma_start3A_237 = tpu.memref_slice %arg9[%dma_start3A_235, %dma_start3A_236] : memref<10240x64xf32, #tpu.memory_space<vmem_shared>> -> memref<10240x64xf32, #tpu.memory_space<vmem_shared>>
      tpu.enqueue_indirect_dma source(%dma_start3A_231 : memref<80x64xf32, #tpu.memory_space<vmem>>) target(%dma_start3A_237 : memref<10240x64xf32, #tpu.memory_space<vmem_shared>>) offsets(%dma_start3A_234 : memref<80xi32, #tpu.memory_space<vmem>>) semaphore(%arg12 : memref<!tpu.dma_semaphore, #tpu.memory_space<semaphore_mem>>) {add = true}
      %dma_wait3A_238 = arith.constant 0 : i32
      %dma_wait3A_239 = arith.constant 2 : i32
      %dma_wait3A_240 = arith.constant 0 : i32
      %dma_wait3A_241 = arith.constant 0 : i32
      %dma_wait3A_242 = tpu.memref_slice %arg7[%dma_wait3A_239, %dma_wait3A_240, %dma_wait3A_241] : memref<5x80x64xf32, #tpu.memory_space<vmem>> -> memref<1x80x64xf32, #tpu.memory_space<vmem>>
      %dma_wait3A_243 = tpu.memref_squeeze %dma_wait3A_242 : memref<1x80x64xf32, #tpu.memory_space<vmem>> -> memref<80x64xf32, #tpu.memory_space<vmem>>
      %dma_wait3A_244 = arith.constant 0 : i32
      %dma_wait3A_245 = tpu.memref_slice %arg5[%dma_wait3A_238, %dma_wait3A_244] : memref<250x80xi32, #tpu.memory_space<vmem>> -> memref<1x80xi32, #tpu.memory_space<vmem>>
      %dma_wait3A_246 = tpu.memref_squeeze %dma_wait3A_245 : memref<1x80xi32, #tpu.memory_space<vmem>> -> memref<80xi32, #tpu.memory_space<vmem>>
      %dma_wait3A_247 = arith.constant 0 : i32
      %dma_wait3A_248 = arith.constant 0 : i32
      %dma_wait3A_249 = tpu.memref_slice %arg3[%arg0, %dma_wait3A_247, %dma_wait3A_248] : memref<2x10000x64xf32, #tpu.memory_space<hbm>> -> memref<1x10000x64xf32, #tpu.memory_space<hbm>>
      %dma_wait3A_250 = tpu.memref_squeeze %dma_wait3A_249 : memref<1x10000x64xf32, #tpu.memory_space<hbm>> -> memref<10000x64xf32, #tpu.memory_space<hbm>>
      %dma_wait3A_251 = arith.constant 0 : i32
      %dma_wait3A_252 = arith.constant 0 : i32
      %dma_wait3A_253 = tpu.memref_slice %dma_wait3A_250[%dma_wait3A_251, %dma_wait3A_252] : memref<10000x64xf32, #tpu.memory_space<hbm>> -> memref<10000x64xf32, #tpu.memory_space<hbm>>
      tpu.wait_indirect_dma semaphore(%arg12 : memref<!tpu.dma_semaphore, #tpu.memory_space<semaphore_mem>>) src(%dma_wait3A_253 : memref<10000x64xf32, #tpu.memory_space<hbm>>) dst(%dma_wait3A_243 : memref<80x64xf32, #tpu.memory_space<vmem>>)
      %add3A_254 = arith.constant 5 : i32
      %add3A_255 = arith.addi %add3A_210, %add3A_254 : i32
      %lt3A_256 = arith.constant 250 : i32
      %lt3A_257 = arith.cmpi slt, %add3A_255, %lt3A_256 : i32
      %convert_element_type3A_258 = arith.extui %lt3A_257 : i1 to i32
      %cond3A_259 = arith.constant 0 : i32
      %cond3A_260 = arith.cmpi ne, %convert_element_type3A_258, %cond3A_259 : i32
      scf.if %cond3A_260 {
        %dma_start3A_369 = arith.constant 2 : i32
        %dma_start3A_370 = arith.constant 0 : i32
        %dma_start3A_371 = arith.constant 0 : i32
        %dma_start3A_372 = tpu.memref_slice %arg7[%dma_start3A_369, %dma_start3A_370, %dma_start3A_371] : memref<5x80x64xf32, #tpu.memory_space<vmem>> -> memref<1x80x64xf32, #tpu.memory_space<vmem>>
        %dma_start3A_373 = tpu.memref_squeeze %dma_start3A_372 : memref<1x80x64xf32, #tpu.memory_space<vmem>> -> memref<80x64xf32, #tpu.memory_space<vmem>>
        %dma_start3A_374 = arith.constant 0 : i32
        %dma_start3A_375 = tpu.memref_slice %arg5[%add3A_255, %dma_start3A_374] : memref<250x80xi32, #tpu.memory_space<vmem>> -> memref<1x80xi32, #tpu.memory_space<vmem>>
        %dma_start3A_376 = tpu.memref_squeeze %dma_start3A_375 : memref<1x80xi32, #tpu.memory_space<vmem>> -> memref<80xi32, #tpu.memory_space<vmem>>
        %dma_start3A_377 = arith.constant 0 : i32
        %dma_start3A_378 = arith.constant 0 : i32
        %dma_start3A_379 = tpu.memref_slice %arg3[%arg0, %dma_start3A_377, %dma_start3A_378] : memref<2x10000x64xf32, #tpu.memory_space<hbm>> -> memref<1x10000x64xf32, #tpu.memory_space<hbm>>
        %dma_start3A_380 = tpu.memref_squeeze %dma_start3A_379 : memref<1x10000x64xf32, #tpu.memory_space<hbm>> -> memref<10000x64xf32, #tpu.memory_space<hbm>>
        %dma_start3A_381 = arith.constant 0 : i32
        %dma_start3A_382 = arith.constant 0 : i32
        %dma_start3A_383 = tpu.memref_slice %dma_start3A_380[%dma_start3A_381, %dma_start3A_382] : memref<10000x64xf32, #tpu.memory_space<hbm>> -> memref<10000x64xf32, #tpu.memory_space<hbm>>
        tpu.enqueue_indirect_dma source(%dma_start3A_383 : memref<10000x64xf32, #tpu.memory_space<hbm>>) target(%dma_start3A_373 : memref<80x64xf32, #tpu.memory_space<vmem>>) offsets(%dma_start3A_376 : memref<80xi32, #tpu.memory_space<vmem>>) semaphore(%arg12 : memref<!tpu.dma_semaphore, #tpu.memory_space<semaphore_mem>>)
      } else {
      }
      %mul3A_261 = arith.constant 5 : i32
      %mul3A_262 = arith.muli %add3A_102, %mul3A_261 : i32
      %add3A_263 = arith.constant 3 : i32
      %add3A_264 = arith.addi %mul3A_262, %add3A_263 : i32
      %dma_wait3A_265 = arith.constant 0 : i32
      %dma_wait3A_266 = arith.constant 3 : i32
      %dma_wait3A_267 = arith.constant 0 : i32
      %dma_wait3A_268 = arith.constant 0 : i32
      %dma_wait3A_269 = tpu.memref_slice %arg7[%dma_wait3A_266, %dma_wait3A_267, %dma_wait3A_268] : memref<5x80x64xf32, #tpu.memory_space<vmem>> -> memref<1x80x64xf32, #tpu.memory_space<vmem>>
      %dma_wait3A_270 = tpu.memref_squeeze %dma_wait3A_269 : memref<1x80x64xf32, #tpu.memory_space<vmem>> -> memref<80x64xf32, #tpu.memory_space<vmem>>
      %dma_wait3A_271 = arith.constant 0 : i32
      %dma_wait3A_272 = tpu.memref_slice %arg5[%dma_wait3A_265, %dma_wait3A_271] : memref<250x80xi32, #tpu.memory_space<vmem>> -> memref<1x80xi32, #tpu.memory_space<vmem>>
      %dma_wait3A_273 = tpu.memref_squeeze %dma_wait3A_272 : memref<1x80xi32, #tpu.memory_space<vmem>> -> memref<80xi32, #tpu.memory_space<vmem>>
      %dma_wait3A_274 = arith.constant 0 : i32
      %dma_wait3A_275 = arith.constant 0 : i32
      %dma_wait3A_276 = tpu.memref_slice %arg3[%arg0, %dma_wait3A_274, %dma_wait3A_275] : memref<2x10000x64xf32, #tpu.memory_space<hbm>> -> memref<1x10000x64xf32, #tpu.memory_space<hbm>>
      %dma_wait3A_277 = tpu.memref_squeeze %dma_wait3A_276 : memref<1x10000x64xf32, #tpu.memory_space<hbm>> -> memref<10000x64xf32, #tpu.memory_space<hbm>>
      %dma_wait3A_278 = arith.constant 0 : i32
      %dma_wait3A_279 = arith.constant 0 : i32
      %dma_wait3A_280 = tpu.memref_slice %dma_wait3A_277[%dma_wait3A_278, %dma_wait3A_279] : memref<10000x64xf32, #tpu.memory_space<hbm>> -> memref<10000x64xf32, #tpu.memory_space<hbm>>
      tpu.wait_indirect_dma semaphore(%arg13 : memref<!tpu.dma_semaphore, #tpu.memory_space<semaphore_mem>>) src(%dma_wait3A_280 : memref<10000x64xf32, #tpu.memory_space<hbm>>) dst(%dma_wait3A_270 : memref<80x64xf32, #tpu.memory_space<vmem>>)
      %dma_start3A_281 = arith.constant 3 : i32
      %dma_start3A_282 = arith.constant 0 : i32
      %dma_start3A_283 = arith.constant 0 : i32
      %dma_start3A_284 = tpu.memref_slice %arg7[%dma_start3A_281, %dma_start3A_282, %dma_start3A_283] : memref<5x80x64xf32, #tpu.memory_space<vmem>> -> memref<1x80x64xf32, #tpu.memory_space<vmem>>
      %dma_start3A_285 = tpu.memref_squeeze %dma_start3A_284 : memref<1x80x64xf32, #tpu.memory_space<vmem>> -> memref<80x64xf32, #tpu.memory_space<vmem>>
      %dma_start3A_286 = arith.constant 0 : i32
      %dma_start3A_287 = tpu.memref_slice %arg6[%add3A_264, %dma_start3A_286] : memref<250x80xi32, #tpu.memory_space<vmem>> -> memref<1x80xi32, #tpu.memory_space<vmem>>
      %dma_start3A_288 = tpu.memref_squeeze %dma_start3A_287 : memref<1x80xi32, #tpu.memory_space<vmem>> -> memref<80xi32, #tpu.memory_space<vmem>>
      %dma_start3A_289 = arith.constant 0 : i32
      %dma_start3A_290 = arith.constant 0 : i32
      %dma_start3A_291 = tpu.memref_slice %arg9[%dma_start3A_289, %dma_start3A_290] : memref<10240x64xf32, #tpu.memory_space<vmem_shared>> -> memref<10240x64xf32, #tpu.memory_space<vmem_shared>>
      tpu.enqueue_indirect_dma source(%dma_start3A_285 : memref<80x64xf32, #tpu.memory_space<vmem>>) target(%dma_start3A_291 : memref<10240x64xf32, #tpu.memory_space<vmem_shared>>) offsets(%dma_start3A_288 : memref<80xi32, #tpu.memory_space<vmem>>) semaphore(%arg13 : memref<!tpu.dma_semaphore, #tpu.memory_space<semaphore_mem>>) {add = true}
      %dma_wait3A_292 = arith.constant 0 : i32
      %dma_wait3A_293 = arith.constant 3 : i32
      %dma_wait3A_294 = arith.constant 0 : i32
      %dma_wait3A_295 = arith.constant 0 : i32
      %dma_wait3A_296 = tpu.memref_slice %arg7[%dma_wait3A_293, %dma_wait3A_294, %dma_wait3A_295] : memref<5x80x64xf32, #tpu.memory_space<vmem>> -> memref<1x80x64xf32, #tpu.memory_space<vmem>>
      %dma_wait3A_297 = tpu.memref_squeeze %dma_wait3A_296 : memref<1x80x64xf32, #tpu.memory_space<vmem>> -> memref<80x64xf32, #tpu.memory_space<vmem>>
      %dma_wait3A_298 = arith.constant 0 : i32
      %dma_wait3A_299 = tpu.memref_slice %arg5[%dma_wait3A_292, %dma_wait3A_298] : memref<250x80xi32, #tpu.memory_space<vmem>> -> memref<1x80xi32, #tpu.memory_space<vmem>>
      %dma_wait3A_300 = tpu.memref_squeeze %dma_wait3A_299 : memref<1x80xi32, #tpu.memory_space<vmem>> -> memref<80xi32, #tpu.memory_space<vmem>>
      %dma_wait3A_301 = arith.constant 0 : i32
      %dma_wait3A_302 = arith.constant 0 : i32
      %dma_wait3A_303 = tpu.memref_slice %arg3[%arg0, %dma_wait3A_301, %dma_wait3A_302] : memref<2x10000x64xf32, #tpu.memory_space<hbm>> -> memref<1x10000x64xf32, #tpu.memory_space<hbm>>
      %dma_wait3A_304 = tpu.memref_squeeze %dma_wait3A_303 : memref<1x10000x64xf32, #tpu.memory_space<hbm>> -> memref<10000x64xf32, #tpu.memory_space<hbm>>
      %dma_wait3A_305 = arith.constant 0 : i32
      %dma_wait3A_306 = arith.constant 0 : i32
      %dma_wait3A_307 = tpu.memref_slice %dma_wait3A_304[%dma_wait3A_305, %dma_wait3A_306] : memref<10000x64xf32, #tpu.memory_space<hbm>> -> memref<10000x64xf32, #tpu.memory_space<hbm>>
      tpu.wait_indirect_dma semaphore(%arg13 : memref<!tpu.dma_semaphore, #tpu.memory_space<semaphore_mem>>) src(%dma_wait3A_307 : memref<10000x64xf32, #tpu.memory_space<hbm>>) dst(%dma_wait3A_297 : memref<80x64xf32, #tpu.memory_space<vmem>>)
      %add3A_308 = arith.constant 5 : i32
      %add3A_309 = arith.addi %add3A_264, %add3A_308 : i32
      %lt3A_310 = arith.constant 250 : i32
      %lt3A_311 = arith.cmpi slt, %add3A_309, %lt3A_310 : i32
      %convert_element_type3A_312 = arith.extui %lt3A_311 : i1 to i32
      %cond3A_313 = arith.constant 0 : i32
      %cond3A_314 = arith.cmpi ne, %convert_element_type3A_312, %cond3A_313 : i32
      scf.if %cond3A_314 {
        %dma_start3A_369 = arith.constant 3 : i32
        %dma_start3A_370 = arith.constant 0 : i32
        %dma_start3A_371 = arith.constant 0 : i32
        %dma_start3A_372 = tpu.memref_slice %arg7[%dma_start3A_369, %dma_start3A_370, %dma_start3A_371] : memref<5x80x64xf32, #tpu.memory_space<vmem>> -> memref<1x80x64xf32, #tpu.memory_space<vmem>>
        %dma_start3A_373 = tpu.memref_squeeze %dma_start3A_372 : memref<1x80x64xf32, #tpu.memory_space<vmem>> -> memref<80x64xf32, #tpu.memory_space<vmem>>
        %dma_start3A_374 = arith.constant 0 : i32
        %dma_start3A_375 = tpu.memref_slice %arg5[%add3A_309, %dma_start3A_374] : memref<250x80xi32, #tpu.memory_space<vmem>> -> memref<1x80xi32, #tpu.memory_space<vmem>>
        %dma_start3A_376 = tpu.memref_squeeze %dma_start3A_375 : memref<1x80xi32, #tpu.memory_space<vmem>> -> memref<80xi32, #tpu.memory_space<vmem>>
        %dma_start3A_377 = arith.constant 0 : i32
        %dma_start3A_378 = arith.constant 0 : i32
        %dma_start3A_379 = tpu.memref_slice %arg3[%arg0, %dma_start3A_377, %dma_start3A_378] : memref<2x10000x64xf32, #tpu.memory_space<hbm>> -> memref<1x10000x64xf32, #tpu.memory_space<hbm>>
        %dma_start3A_380 = tpu.memref_squeeze %dma_start3A_379 : memref<1x10000x64xf32, #tpu.memory_space<hbm>> -> memref<10000x64xf32, #tpu.memory_space<hbm>>
        %dma_start3A_381 = arith.constant 0 : i32
        %dma_start3A_382 = arith.constant 0 : i32
        %dma_start3A_383 = tpu.memref_slice %dma_start3A_380[%dma_start3A_381, %dma_start3A_382] : memref<10000x64xf32, #tpu.memory_space<hbm>> -> memref<10000x64xf32, #tpu.memory_space<hbm>>
        tpu.enqueue_indirect_dma source(%dma_start3A_383 : memref<10000x64xf32, #tpu.memory_space<hbm>>) target(%dma_start3A_373 : memref<80x64xf32, #tpu.memory_space<vmem>>) offsets(%dma_start3A_376 : memref<80xi32, #tpu.memory_space<vmem>>) semaphore(%arg13 : memref<!tpu.dma_semaphore, #tpu.memory_space<semaphore_mem>>)
      } else {
      }
      %mul3A_315 = arith.constant 5 : i32
      %mul3A_316 = arith.muli %add3A_102, %mul3A_315 : i32
      %add3A_317 = arith.constant 4 : i32
      %add3A_318 = arith.addi %mul3A_316, %add3A_317 : i32
      %dma_wait3A_319 = arith.constant 0 : i32
      %dma_wait3A_320 = arith.constant 4 : i32
      %dma_wait3A_321 = arith.constant 0 : i32
      %dma_wait3A_322 = arith.constant 0 : i32
      %dma_wait3A_323 = tpu.memref_slice %arg7[%dma_wait3A_320, %dma_wait3A_321, %dma_wait3A_322] : memref<5x80x64xf32, #tpu.memory_space<vmem>> -> memref<1x80x64xf32, #tpu.memory_space<vmem>>
      %dma_wait3A_324 = tpu.memref_squeeze %dma_wait3A_323 : memref<1x80x64xf32, #tpu.memory_space<vmem>> -> memref<80x64xf32, #tpu.memory_space<vmem>>
      %dma_wait3A_325 = arith.constant 0 : i32
      %dma_wait3A_326 = tpu.memref_slice %arg5[%dma_wait3A_319, %dma_wait3A_325] : memref<250x80xi32, #tpu.memory_space<vmem>> -> memref<1x80xi32, #tpu.memory_space<vmem>>
      %dma_wait3A_327 = tpu.memref_squeeze %dma_wait3A_326 : memref<1x80xi32, #tpu.memory_space<vmem>> -> memref<80xi32, #tpu.memory_space<vmem>>
      %dma_wait3A_328 = arith.constant 0 : i32
      %dma_wait3A_329 = arith.constant 0 : i32
      %dma_wait3A_330 = tpu.memref_slice %arg3[%arg0, %dma_wait3A_328, %dma_wait3A_329] : memref<2x10000x64xf32, #tpu.memory_space<hbm>> -> memref<1x10000x64xf32, #tpu.memory_space<hbm>>
      %dma_wait3A_331 = tpu.memref_squeeze %dma_wait3A_330 : memref<1x10000x64xf32, #tpu.memory_space<hbm>> -> memref<10000x64xf32, #tpu.memory_space<hbm>>
      %dma_wait3A_332 = arith.constant 0 : i32
      %dma_wait3A_333 = arith.constant 0 : i32
      %dma_wait3A_334 = tpu.memref_slice %dma_wait3A_331[%dma_wait3A_332, %dma_wait3A_333] : memref<10000x64xf32, #tpu.memory_space<hbm>> -> memref<10000x64xf32, #tpu.memory_space<hbm>>
      tpu.wait_indirect_dma semaphore(%arg14 : memref<!tpu.dma_semaphore, #tpu.memory_space<semaphore_mem>>) src(%dma_wait3A_334 : memref<10000x64xf32, #tpu.memory_space<hbm>>) dst(%dma_wait3A_324 : memref<80x64xf32, #tpu.memory_space<vmem>>)
      %dma_start3A_335 = arith.constant 4 : i32
      %dma_start3A_336 = arith.constant 0 : i32
      %dma_start3A_337 = arith.constant 0 : i32
      %dma_start3A_338 = tpu.memref_slice %arg7[%dma_start3A_335, %dma_start3A_336, %dma_start3A_337] : memref<5x80x64xf32, #tpu.memory_space<vmem>> -> memref<1x80x64xf32, #tpu.memory_space<vmem>>
      %dma_start3A_339 = tpu.memref_squeeze %dma_start3A_338 : memref<1x80x64xf32, #tpu.memory_space<vmem>> -> memref<80x64xf32, #tpu.memory_space<vmem>>
      %dma_start3A_340 = arith.constant 0 : i32
      %dma_start3A_341 = tpu.memref_slice %arg6[%add3A_318, %dma_start3A_340] : memref<250x80xi32, #tpu.memory_space<vmem>> -> memref<1x80xi32, #tpu.memory_space<vmem>>
      %dma_start3A_342 = tpu.memref_squeeze %dma_start3A_341 : memref<1x80xi32, #tpu.memory_space<vmem>> -> memref<80xi32, #tpu.memory_space<vmem>>
      %dma_start3A_343 = arith.constant 0 : i32
      %dma_start3A_344 = arith.constant 0 : i32
      %dma_start3A_345 = tpu.memref_slice %arg9[%dma_start3A_343, %dma_start3A_344] : memref<10240x64xf32, #tpu.memory_space<vmem_shared>> -> memref<10240x64xf32, #tpu.memory_space<vmem_shared>>
      tpu.enqueue_indirect_dma source(%dma_start3A_339 : memref<80x64xf32, #tpu.memory_space<vmem>>) target(%dma_start3A_345 : memref<10240x64xf32, #tpu.memory_space<vmem_shared>>) offsets(%dma_start3A_342 : memref<80xi32, #tpu.memory_space<vmem>>) semaphore(%arg14 : memref<!tpu.dma_semaphore, #tpu.memory_space<semaphore_mem>>) {add = true}
      %dma_wait3A_346 = arith.constant 0 : i32
      %dma_wait3A_347 = arith.constant 4 : i32
      %dma_wait3A_348 = arith.constant 0 : i32
      %dma_wait3A_349 = arith.constant 0 : i32
      %dma_wait3A_350 = tpu.memref_slice %arg7[%dma_wait3A_347, %dma_wait3A_348, %dma_wait3A_349] : memref<5x80x64xf32, #tpu.memory_space<vmem>> -> memref<1x80x64xf32, #tpu.memory_space<vmem>>
      %dma_wait3A_351 = tpu.memref_squeeze %dma_wait3A_350 : memref<1x80x64xf32, #tpu.memory_space<vmem>> -> memref<80x64xf32, #tpu.memory_space<vmem>>
      %dma_wait3A_352 = arith.constant 0 : i32
      %dma_wait3A_353 = tpu.memref_slice %arg5[%dma_wait3A_346, %dma_wait3A_352] : memref<250x80xi32, #tpu.memory_space<vmem>> -> memref<1x80xi32, #tpu.memory_space<vmem>>
      %dma_wait3A_354 = tpu.memref_squeeze %dma_wait3A_353 : memref<1x80xi32, #tpu.memory_space<vmem>> -> memref<80xi32, #tpu.memory_space<vmem>>
      %dma_wait3A_355 = arith.constant 0 : i32
      %dma_wait3A_356 = arith.constant 0 : i32
      %dma_wait3A_357 = tpu.memref_slice %arg3[%arg0, %dma_wait3A_355, %dma_wait3A_356] : memref<2x10000x64xf32, #tpu.memory_space<hbm>> -> memref<1x10000x64xf32, #tpu.memory_space<hbm>>
      %dma_wait3A_358 = tpu.memref_squeeze %dma_wait3A_357 : memref<1x10000x64xf32, #tpu.memory_space<hbm>> -> memref<10000x64xf32, #tpu.memory_space<hbm>>
      %dma_wait3A_359 = arith.constant 0 : i32
      %dma_wait3A_360 = arith.constant 0 : i32
      %dma_wait3A_361 = tpu.memref_slice %dma_wait3A_358[%dma_wait3A_359, %dma_wait3A_360] : memref<10000x64xf32, #tpu.memory_space<hbm>> -> memref<10000x64xf32, #tpu.memory_space<hbm>>
      tpu.wait_indirect_dma semaphore(%arg14 : memref<!tpu.dma_semaphore, #tpu.memory_space<semaphore_mem>>) src(%dma_wait3A_361 : memref<10000x64xf32, #tpu.memory_space<hbm>>) dst(%dma_wait3A_351 : memref<80x64xf32, #tpu.memory_space<vmem>>)
      %add3A_362 = arith.constant 5 : i32
      %add3A_363 = arith.addi %add3A_318, %add3A_362 : i32
      %lt3A_364 = arith.constant 250 : i32
      %lt3A_365 = arith.cmpi slt, %add3A_363, %lt3A_364 : i32
      %convert_element_type3A_366 = arith.extui %lt3A_365 : i1 to i32
      %cond3A_367 = arith.constant 0 : i32
      %cond3A_368 = arith.cmpi ne, %convert_element_type3A_366, %cond3A_367 : i32
      scf.if %cond3A_368 {
        %dma_start3A_369 = arith.constant 4 : i32
        %dma_start3A_370 = arith.constant 0 : i32
        %dma_start3A_371 = arith.constant 0 : i32
        %dma_start3A_372 = tpu.memref_slice %arg7[%dma_start3A_369, %dma_start3A_370, %dma_start3A_371] : memref<5x80x64xf32, #tpu.memory_space<vmem>> -> memref<1x80x64xf32, #tpu.memory_space<vmem>>
        %dma_start3A_373 = tpu.memref_squeeze %dma_start3A_372 : memref<1x80x64xf32, #tpu.memory_space<vmem>> -> memref<80x64xf32, #tpu.memory_space<vmem>>
        %dma_start3A_374 = arith.constant 0 : i32
        %dma_start3A_375 = tpu.memref_slice %arg5[%add3A_363, %dma_start3A_374] : memref<250x80xi32, #tpu.memory_space<vmem>> -> memref<1x80xi32, #tpu.memory_space<vmem>>
        %dma_start3A_376 = tpu.memref_squeeze %dma_start3A_375 : memref<1x80xi32, #tpu.memory_space<vmem>> -> memref<80xi32, #tpu.memory_space<vmem>>
        %dma_start3A_377 = arith.constant 0 : i32
        %dma_start3A_378 = arith.constant 0 : i32
        %dma_start3A_379 = tpu.memref_slice %arg3[%arg0, %dma_start3A_377, %dma_start3A_378] : memref<2x10000x64xf32, #tpu.memory_space<hbm>> -> memref<1x10000x64xf32, #tpu.memory_space<hbm>>
        %dma_start3A_380 = tpu.memref_squeeze %dma_start3A_379 : memref<1x10000x64xf32, #tpu.memory_space<hbm>> -> memref<10000x64xf32, #tpu.memory_space<hbm>>
        %dma_start3A_381 = arith.constant 0 : i32
        %dma_start3A_382 = arith.constant 0 : i32
        %dma_start3A_383 = tpu.memref_slice %dma_start3A_380[%dma_start3A_381, %dma_start3A_382] : memref<10000x64xf32, #tpu.memory_space<hbm>> -> memref<10000x64xf32, #tpu.memory_space<hbm>>
        tpu.enqueue_indirect_dma source(%dma_start3A_383 : memref<10000x64xf32, #tpu.memory_space<hbm>>) target(%dma_start3A_373 : memref<80x64xf32, #tpu.memory_space<vmem>>) offsets(%dma_start3A_376 : memref<80xi32, #tpu.memory_space<vmem>>) semaphore(%arg14 : memref<!tpu.dma_semaphore, #tpu.memory_space<semaphore_mem>>)
      } else {
      }
    }
    %scan3A_94 = arith.constant 50 : i32
    %barrier3A_95 = arith.constant 0 : index
    tpu.barrier barrier_id(%barrier3A_95)
    %mul3A = arith.constant 640 : i32
    %mul3A_96 = arith.muli %arg1, %mul3A : i32
    %mul3A_97 = arith.constant 640 : i32
    %mul3A_98 = arith.muli %arg1, %mul3A_97 : i32
    "tpu.region"() ({
      %run_scoped3A_99 = tpu.sem_alloc : memref<!tpu.dma_semaphore, #tpu.memory_space<semaphore_mem>>
      %dma_start3A_100 = arith.constant 0 : i32
      %dma_start3A_101 = tpu.memref_slice %arg4[%arg0, %mul3A_98, %dma_start3A_100] : memref<2x10240x64xf32, #tpu.memory_space<hbm>> -> memref<1x640x64xf32, #tpu.memory_space<hbm>>
      %dma_start3A_102 = tpu.memref_squeeze %dma_start3A_101 : memref<1x640x64xf32, #tpu.memory_space<hbm>> -> memref<640x64xf32, #tpu.memory_space<hbm>>
      %dma_start3A_103 = arith.constant 0 : i32
      %dma_start3A_104 = tpu.memref_slice %arg9[%mul3A_96, %dma_start3A_103] : memref<10240x64xf32, #tpu.memory_space<vmem_shared>> -> memref<640x64xf32, #tpu.memory_space<vmem_shared>>
      tpu.enqueue_dma source(%dma_start3A_104 : memref<640x64xf32, #tpu.memory_space<vmem_shared>>) target(%dma_start3A_102 : memref<640x64xf32, #tpu.memory_space<hbm>>) target_semaphore(%run_scoped3A_99 : memref<!tpu.dma_semaphore, #tpu.memory_space<semaphore_mem>>)
      %dma_wait3A = arith.constant 0 : i32
      %dma_wait3A_105 = tpu.memref_slice %arg4[%arg0, %mul3A_98, %dma_wait3A] : memref<2x10240x64xf32, #tpu.memory_space<hbm>> -> memref<1x640x64xf32, #tpu.memory_space<hbm>>
      %dma_wait3A_106 = tpu.memref_squeeze %dma_wait3A_105 : memref<1x640x64xf32, #tpu.memory_space<hbm>> -> memref<640x64xf32, #tpu.memory_space<hbm>>
      %dma_wait3A_107 = arith.constant 0 : i32
      %dma_wait3A_108 = tpu.memref_slice %arg9[%mul3A_96, %dma_wait3A_107] : memref<10240x64xf32, #tpu.memory_space<vmem_shared>> -> memref<640x64xf32, #tpu.memory_space<vmem_shared>>
      tpu.wait_dma2 semaphore(%run_scoped3A_99 : memref<!tpu.dma_semaphore, #tpu.memory_space<semaphore_mem>>) src(%dma_wait3A_108 : memref<640x64xf32, #tpu.memory_space<vmem_shared>>) dst(%dma_wait3A_106 : memref<640x64xf32, #tpu.memory_space<hbm>>)
      tpu.yield
    }) : () -> ()
    return
  }
}

module attributes {stable_mosaic.version = 14 : i64} {
  func.func @_tc_dinv_body(%arg0: i32, %arg1: memref<32x1024xf32, #tpu.memory_space<vmem>>, %arg2: memref<1024x1xf32, #tpu.memory_space<vmem>>) attributes {dimension_semantics = [#tpu.dimension_semantics<arbitrary>], iteration_bounds = array<i64: 10>, scalar_prefetch = 0 : i64, scratch_operands = 0 : i64, tpu.core_type = #tpu.core_type<tc>, window_params = [{transform_indices = @transform_0, window_bounds = array<i64: 32, 1024>}, {transform_indices = @transform_1, window_bounds = array<i64: 1024, 1>}]} {
    %broadcast_in_dim3A = arith.constant 1.000000e+00 : f32
    %broadcast_in_dim3A_0 = vector.broadcast %broadcast_in_dim3A : f32 to vector<32x1xf32>
    %get3A = arith.constant 0 : index
    %get3A_1 = arith.constant 0 : index
    %get3A_2 = vector.load %arg1[%get3A, %get3A_1] : memref<32x1024xf32, #tpu.memory_space<vmem>>, vector<32x1024xf32>
    %dot_general3A = arith.constant dense<0.000000e+00> : vector<1024x1xf32>
    %dot_general3A_3 = tpu.matmul %get3A_2, %broadcast_in_dim3A_0, %dot_general3A {dimension_numbers = #tpu.dot_dimension_numbers<[0], [0], [1], [1], [0, 1, 1, 1], [], []>, precision = #tpu.contract_precision<fp32>, transpose_lhs_hint = false} : vector<32x1024xf32>, vector<32x1xf32>, vector<1024x1xf32> -> vector<1024x1xf32>
    %add3A = arith.constant 1.000000e+00 : f32
    %add3A_4 = vector.broadcast %add3A : f32 to vector<1024x1xf32>
    %add3A_5 = arith.addf %dot_general3A_3, %add3A_4 : vector<1024x1xf32>
    %rsqrt3A = math.rsqrt %add3A_5 : vector<1024x1xf32>
    %swap3A = arith.constant 0 : index
    %swap3A_6 = arith.constant 0 : index
    %swap3A_7 = vector.load %arg2[%swap3A, %swap3A_6] : memref<1024x1xf32, #tpu.memory_space<vmem>>, vector<1024x1xf32>
    tpu.vector_store %arg2[%swap3A, %swap3A_6], %rsqrt3A {strides = array<i32>} : memref<1024x1xf32, #tpu.memory_space<vmem>>, vector<1024x1xf32>,
    return
  }
  func.func @transform_0(%arg0: i32) -> (i32, i32) {
    %c0_i32 = arith.constant 0 : i32
    %c0_i32_0 = arith.constant 0 : i32
    return %c0_i32, %arg0 : i32, i32
  }
  func.func @transform_1(%arg0: i32) -> (i32, i32) {
    %c0_i32 = arith.constant 0 : i32
    %c0_i32_0 = arith.constant 0 : i32
    return %arg0, %c0_i32 : i32, i32
  }
}

module attributes {stable_mosaic.version = 14 : i64} {
  func.func @_tc_pre_body(%arg0: i32, %arg1: memref<2000x128xf32, #tpu.memory_space<vmem>>, %arg2: memref<2000x1xf32, #tpu.memory_space<vmem>>, %arg3: memref<128x128xf32, #tpu.memory_space<vmem>>, %arg4: memref<2x2000x64xf32, #tpu.memory_space<vmem>>) attributes {dimension_semantics = [#tpu.dimension_semantics<arbitrary>], iteration_bounds = array<i64: 5>, scalar_prefetch = 0 : i64, scratch_operands = 0 : i64, tpu.core_type = #tpu.core_type<tc>, window_params = [{transform_indices = @transform_0, window_bounds = array<i64: 2000, 128>}, {transform_indices = @transform_1, window_bounds = array<i64: 2000, 1>}, {pipeline_mode = #tpu.pipeline_mode<synchronous>, transform_indices = @transform_2, window_bounds = array<i64: 128, 128>}, {transform_indices = @transform_3, window_bounds = array<i64: 2, 2000, 64>}]} {
    %get3A = arith.constant 0 : index
    %get3A_0 = arith.constant 0 : index
    %get3A_1 = vector.load %arg1[%get3A, %get3A_0] : memref<2000x128xf32, #tpu.memory_space<vmem>>, vector<2000x128xf32>
    %mul3A = arith.mulf %get3A_1, %get3A_1 : vector<2000x128xf32>
    %reduce_sum3A = arith.constant dense<0.000000e+00> : vector<2000xf32>
    %reduce_sum3A_2 = vector.multi_reduction <add>, %mul3A, %reduce_sum3A [1] : vector<2000x128xf32> to vector<2000xf32>
    %broadcast_in_dim3A = vector.shape_cast %reduce_sum3A_2 : vector<2000xf32> to vector<2000x1xf32>
    %sqrt3A = math.sqrt %broadcast_in_dim3A : vector<2000x1xf32>
    %max3A = arith.constant 1.000000e-15 : f32
    %max3A_3 = vector.broadcast %max3A : f32 to vector<2000x1xf32>
    %max3A_4 = arith.maximumf %sqrt3A, %max3A_3 : vector<2000x1xf32>
    %jit3A = arith.constant -0.99999988 : f32
    %jit3A_5 = arith.constant 0.99999988 : f32
    %max3A_6 = vector.broadcast %jit3A : f32 to vector<2000x1xf32>
    %max3A_7 = arith.maximumf %max3A_6, %max3A_4 : vector<2000x1xf32>
    %min3A = vector.broadcast %jit3A_5 : f32 to vector<2000x1xf32>
    %min3A_8 = arith.minimumf %min3A, %max3A_7 : vector<2000x1xf32>
    %add3A = arith.constant 1.000000e+00 : f32
    %add3A_9 = vector.broadcast %add3A : f32 to vector<2000x1xf32>
    %add3A_10 = arith.addf %add3A_9, %min3A_8 : vector<2000x1xf32>
    %sub3A = arith.constant 1.000000e+00 : f32
    %sub3A_11 = vector.broadcast %sub3A : f32 to vector<2000x1xf32>
    %sub3A_12 = arith.subf %sub3A_11, %min3A_8 : vector<2000x1xf32>
    %div3A = arith.divf %add3A_10, %sub3A_12 : vector<2000x1xf32>
    %log3A = math.log %div3A : vector<2000x1xf32>
    %mul3A_13 = arith.constant 5.000000e-01 : f32
    %mul3A_14 = vector.broadcast %mul3A_13 : f32 to vector<2000x1xf32>
    %mul3A_15 = arith.mulf %mul3A_14, %log3A : vector<2000x1xf32>
    %mul3A_16 = vector.broadcast %mul3A_15 : vector<2000x1xf32> to vector<2000x128xf32>
    %mul3A_17 = arith.mulf %mul3A_16, %get3A_1 : vector<2000x128xf32>
    %div3A_18 = vector.broadcast %max3A_4 : vector<2000x1xf32> to vector<2000x128xf32>
    %div3A_19 = arith.divf %mul3A_17, %div3A_18 : vector<2000x128xf32>
    %get3A_20 = arith.constant 0 : index
    %get3A_21 = arith.constant 0 : index
    %get3A_22 = vector.load %arg2[%get3A_20, %get3A_21] : memref<2000x1xf32, #tpu.memory_space<vmem>>, vector<2000x1xf32>
    %get3A_23 = arith.constant 0 : index
    %get3A_24 = arith.constant 0 : index
    %get3A_25 = vector.load %arg3[%get3A_23, %get3A_24] : memref<128x128xf32, #tpu.memory_space<vmem>>, vector<128x128xf32>
    %dot_general3A = arith.constant dense<0.000000e+00> : vector<2000x128xf32>
    %dot_general3A_26 = tpu.matmul %div3A_19, %get3A_25, %dot_general3A {dimension_numbers = #tpu.dot_dimension_numbers<[1], [0], [0], [1], [0, 0, 1, 1], [], []>, transpose_lhs_hint = false} : vector<2000x128xf32>, vector<128x128xf32>, vector<2000x128xf32> -> vector<2000x128xf32>
    %mul3A_27 = vector.broadcast %get3A_22 : vector<2000x1xf32> to vector<2000x128xf32>
    %mul3A_28 = arith.mulf %mul3A_27, %dot_general3A_26 : vector<2000x128xf32>
    %slice3A = vector.extract_strided_slice %mul3A_28 {offsets = [0, 0], sizes = [2000, 64], strides = [1, 1]} : vector<2000x128xf32> to vector<2000x64xf32>
    %swap3A = arith.constant 0 : index
    %swap3A_29 = arith.constant 0 : index
    %swap3A_30 = arith.constant 0 : index
    %swap3A_31 = vector.load %arg4[%swap3A, %swap3A_29, %swap3A_30] : memref<2x2000x64xf32, #tpu.memory_space<vmem>>, vector<1x2000x64xf32>
    %swap3A_32 = vector.shape_cast %swap3A_31 : vector<1x2000x64xf32> to vector<2000x64xf32>
    %swap3A_33 = vector.shape_cast %slice3A : vector<2000x64xf32> to vector<1x2000x64xf32>
    tpu.vector_store %arg4[%swap3A, %swap3A_29, %swap3A_30], %swap3A_33 {strides = array<i32>} : memref<2x2000x64xf32, #tpu.memory_space<vmem>>, vector<1x2000x64xf32>,
    %slice3A_34 = vector.extract_strided_slice %mul3A_28 {offsets = [0, 64], sizes = [2000, 64], strides = [1, 1]} : vector<2000x128xf32> to vector<2000x64xf32>
    %swap3A_35 = arith.constant 1 : index
    %swap3A_36 = arith.constant 0 : index
    %swap3A_37 = arith.constant 0 : index
    %swap3A_38 = vector.load %arg4[%swap3A_35, %swap3A_36, %swap3A_37] : memref<2x2000x64xf32, #tpu.memory_space<vmem>>, vector<1x2000x64xf32>
    %swap3A_39 = vector.shape_cast %swap3A_38 : vector<1x2000x64xf32> to vector<2000x64xf32>
    %swap3A_40 = vector.shape_cast %slice3A_34 : vector<2000x64xf32> to vector<1x2000x64xf32>
    tpu.vector_store %arg4[%swap3A_35, %swap3A_36, %swap3A_37], %swap3A_40 {strides = array<i32>} : memref<2x2000x64xf32, #tpu.memory_space<vmem>>, vector<1x2000x64xf32>,
    return
  }
  func.func @transform_0(%arg0: i32) -> (i32, i32) {
    %c0_i32 = arith.constant 0 : i32
    %c0_i32_0 = arith.constant 0 : i32
    return %arg0, %c0_i32 : i32, i32
  }
  func.func @transform_1(%arg0: i32) -> (i32, i32) {
    %c0_i32 = arith.constant 0 : i32
    %c0_i32_0 = arith.constant 0 : i32
    return %arg0, %c0_i32 : i32, i32
  }
  func.func @transform_2(%arg0: i32) -> (i32, i32) {
    %c0_i32 = arith.constant 0 : i32
    %c0_i32_0 = arith.constant 0 : i32
    %c0_i32_1 = arith.constant 0 : i32
    return %c0_i32, %c0_i32_0 : i32, i32
  }
  func.func @transform_3(%arg0: i32) -> (i32, i32, i32) {
    %c0_i32 = arith.constant 0 : i32
    %c0_i32_0 = arith.constant 0 : i32
    %c0_i32_1 = arith.constant 0 : i32
    return %c0_i32, %arg0, %c0_i32_0 : i32, i32, i32
  }
}

module attributes {stable_mosaic.version = 14 : i64} {
  func.func @_tc_layer_body(%arg0: i32, %arg1: memref<2x2000x64xf32, #tpu.memory_space<vmem>>, %arg2: memref<2x2000x64xf32, #tpu.memory_space<vmem>>, %arg3: memref<2000x1xf32, #tpu.memory_space<vmem>>, %arg4: memref<128x128xf32, #tpu.memory_space<vmem>>, %arg5: memref<2000x128xf32, #tpu.memory_space<vmem>>, %arg6: memref<2x2000x64xf32, #tpu.memory_space<vmem>>) attributes {dimension_semantics = [#tpu.dimension_semantics<arbitrary>], iteration_bounds = array<i64: 5>, scalar_prefetch = 0 : i64, scratch_operands = 0 : i64, tpu.core_type = #tpu.core_type<tc>, window_params = [{transform_indices = @transform_0, window_bounds = array<i64: 2, 2000, 64>}, {transform_indices = @transform_1, window_bounds = array<i64: 2, 2000, 64>}, {transform_indices = @transform_2, window_bounds = array<i64: 2000, 1>}, {pipeline_mode = #tpu.pipeline_mode<synchronous>, transform_indices = @transform_3, window_bounds = array<i64: 128, 128>}, {transform_indices = @transform_4, window_bounds = array<i64: 2000, 128>}, {transform_indices = @transform_5, window_bounds = array<i64: 2, 2000, 64>}]} {
    %get3A = arith.constant 0 : index
    %get3A_0 = arith.constant 0 : index
    %get3A_1 = vector.load %arg3[%get3A, %get3A_0] : memref<2000x1xf32, #tpu.memory_space<vmem>>, vector<2000x1xf32>
    %get3A_2 = arith.constant 0 : index
    %get3A_3 = arith.constant 0 : index
    %get3A_4 = arith.constant 0 : index
    %get3A_5 = vector.load %arg1[%get3A_2, %get3A_3, %get3A_4] : memref<2x2000x64xf32, #tpu.memory_space<vmem>>, vector<1x2000x64xf32>
    %get3A_6 = vector.shape_cast %get3A_5 : vector<1x2000x64xf32> to vector<2000x64xf32>
    %get3A_7 = arith.constant 1 : index
    %get3A_8 = arith.constant 0 : index
    %get3A_9 = arith.constant 0 : index
    %get3A_10 = vector.load %arg1[%get3A_7, %get3A_8, %get3A_9] : memref<2x2000x64xf32, #tpu.memory_space<vmem>>, vector<1x2000x64xf32>
    %get3A_11 = vector.shape_cast %get3A_10 : vector<1x2000x64xf32> to vector<2000x64xf32>
    %concatenate3A = tpu.concatenate %get3A_6, %get3A_11 in 1 : vector<2000x64xf32>, vector<2000x64xf32> -> vector<2000x128xf32>
    %get3A_12 = arith.constant 0 : index
    %get3A_13 = arith.constant 0 : index
    %get3A_14 = arith.constant 0 : index
    %get3A_15 = vector.load %arg2[%get3A_12, %get3A_13, %get3A_14] : memref<2x2000x64xf32, #tpu.memory_space<vmem>>, vector<1x2000x64xf32>
    %get3A_16 = vector.shape_cast %get3A_15 : vector<1x2000x64xf32> to vector<2000x64xf32>
    %get3A_17 = arith.constant 1 : index
    %get3A_18 = arith.constant 0 : index
    %get3A_19 = arith.constant 0 : index
    %get3A_20 = vector.load %arg2[%get3A_17, %get3A_18, %get3A_19] : memref<2x2000x64xf32, #tpu.memory_space<vmem>>, vector<1x2000x64xf32>
    %get3A_21 = vector.shape_cast %get3A_20 : vector<1x2000x64xf32> to vector<2000x64xf32>
    %concatenate3A_22 = tpu.concatenate %get3A_16, %get3A_21 in 1 : vector<2000x64xf32>, vector<2000x64xf32> -> vector<2000x128xf32>
    %add3A = arith.addf %concatenate3A, %concatenate3A_22 : vector<2000x128xf32>
    %mul3A = vector.broadcast %get3A_1 : vector<2000x1xf32> to vector<2000x128xf32>
    %mul3A_23 = arith.mulf %mul3A, %add3A : vector<2000x128xf32>
    %max3A = arith.constant 0.000000e+00 : f32
    %max3A_24 = vector.broadcast %max3A : f32 to vector<2000x128xf32>
    %max3A_25 = arith.maximumf %mul3A_23, %max3A_24 : vector<2000x128xf32>
    %swap3A = arith.constant 0 : index
    %swap3A_26 = arith.constant 0 : index
    %swap3A_27 = vector.load %arg5[%swap3A, %swap3A_26] : memref<2000x128xf32, #tpu.memory_space<vmem>>, vector<2000x128xf32>
    tpu.vector_store %arg5[%swap3A, %swap3A_26], %max3A_25 {strides = array<i32>} : memref<2000x128xf32, #tpu.memory_space<vmem>>, vector<2000x128xf32>,
    %get3A_28 = arith.constant 0 : index
    %get3A_29 = arith.constant 0 : index
    %get3A_30 = vector.load %arg4[%get3A_28, %get3A_29] : memref<128x128xf32, #tpu.memory_space<vmem>>, vector<128x128xf32>
    %dot_general3A = arith.constant dense<0.000000e+00> : vector<2000x128xf32>
    %dot_general3A_31 = tpu.matmul %max3A_25, %get3A_30, %dot_general3A {dimension_numbers = #tpu.dot_dimension_numbers<[1], [0], [0], [1], [0, 0, 1, 1], [], []>, transpose_lhs_hint = false} : vector<2000x128xf32>, vector<128x128xf32>, vector<2000x128xf32> -> vector<2000x128xf32>
    %mul3A_32 = vector.broadcast %get3A_1 : vector<2000x1xf32> to vector<2000x128xf32>
    %mul3A_33 = arith.mulf %mul3A_32, %dot_general3A_31 : vector<2000x128xf32>
    %slice3A = vector.extract_strided_slice %mul3A_33 {offsets = [0, 0], sizes = [2000, 64], strides = [1, 1]} : vector<2000x128xf32> to vector<2000x64xf32>
    %swap3A_34 = arith.constant 0 : index
    %swap3A_35 = arith.constant 0 : index
    %swap3A_36 = arith.constant 0 : index
    %swap3A_37 = vector.load %arg6[%swap3A_34, %swap3A_35, %swap3A_36] : memref<2x2000x64xf32, #tpu.memory_space<vmem>>, vector<1x2000x64xf32>
    %swap3A_38 = vector.shape_cast %swap3A_37 : vector<1x2000x64xf32> to vector<2000x64xf32>
    %swap3A_39 = vector.shape_cast %slice3A : vector<2000x64xf32> to vector<1x2000x64xf32>
    tpu.vector_store %arg6[%swap3A_34, %swap3A_35, %swap3A_36], %swap3A_39 {strides = array<i32>} : memref<2x2000x64xf32, #tpu.memory_space<vmem>>, vector<1x2000x64xf32>,
    %slice3A_40 = vector.extract_strided_slice %mul3A_33 {offsets = [0, 64], sizes = [2000, 64], strides = [1, 1]} : vector<2000x128xf32> to vector<2000x64xf32>
    %swap3A_41 = arith.constant 1 : index
    %swap3A_42 = arith.constant 0 : index
    %swap3A_43 = arith.constant 0 : index
    %swap3A_44 = vector.load %arg6[%swap3A_41, %swap3A_42, %swap3A_43] : memref<2x2000x64xf32, #tpu.memory_space<vmem>>, vector<1x2000x64xf32>
    %swap3A_45 = vector.shape_cast %swap3A_44 : vector<1x2000x64xf32> to vector<2000x64xf32>
    %swap3A_46 = vector.shape_cast %slice3A_40 : vector<2000x64xf32> to vector<1x2000x64xf32>
    tpu.vector_store %arg6[%swap3A_41, %swap3A_42, %swap3A_43], %swap3A_46 {strides = array<i32>} : memref<2x2000x64xf32, #tpu.memory_space<vmem>>, vector<1x2000x64xf32>,
    return
  }
  func.func @transform_0(%arg0: i32) -> (i32, i32, i32) {
    %c0_i32 = arith.constant 0 : i32
    %c0_i32_0 = arith.constant 0 : i32
    %c0_i32_1 = arith.constant 0 : i32
    return %c0_i32, %arg0, %c0_i32_0 : i32, i32, i32
  }
  func.func @transform_1(%arg0: i32) -> (i32, i32, i32) {
    %c0_i32 = arith.constant 0 : i32
    %c0_i32_0 = arith.constant 0 : i32
    %c0_i32_1 = arith.constant 0 : i32
    return %c0_i32, %arg0, %c0_i32_0 : i32, i32, i32
  }
  func.func @transform_2(%arg0: i32) -> (i32, i32) {
    %c0_i32 = arith.constant 0 : i32
    %c0_i32_0 = arith.constant 0 : i32
    return %arg0, %c0_i32 : i32, i32
  }
  func.func @transform_3(%arg0: i32) -> (i32, i32) {
    %c0_i32 = arith.constant 0 : i32
    %c0_i32_0 = arith.constant 0 : i32
    %c0_i32_1 = arith.constant 0 : i32
    return %c0_i32, %c0_i32_0 : i32, i32
  }
  func.func @transform_4(%arg0: i32) -> (i32, i32) {
    %c0_i32 = arith.constant 0 : i32
    %c0_i32_0 = arith.constant 0 : i32
    return %arg0, %c0_i32 : i32, i32
  }
  func.func @transform_5(%arg0: i32) -> (i32, i32, i32) {
    %c0_i32 = arith.constant 0 : i32
    %c0_i32_0 = arith.constant 0 : i32
    %c0_i32_1 = arith.constant 0 : i32
    return %c0_i32, %arg0, %c0_i32_0 : i32, i32, i32
  }
}

module attributes {stable_mosaic.version = 14 : i64} {
  func.func @_tc_final_body(%arg0: i32, %arg1: memref<2x2000x64xf32, #tpu.memory_space<vmem>>, %arg2: memref<2x2000x64xf32, #tpu.memory_space<vmem>>, %arg3: memref<2000x1xf32, #tpu.memory_space<vmem>>, %arg4: memref<2000x128xf32, #tpu.memory_space<vmem>>, %arg5: memref<2000x128xf32, #tpu.memory_space<vmem>>, %arg6: memref<1x1x2000xi32, #tpu.memory_space<vmem>>, %arg7: memref<384x384xf32, #tpu.memory_space<vmem>>, %arg8: memref<384x384xf32, #tpu.memory_space<vmem>>, %arg9: memref<2000x384xf32, #tpu.memory_space<vmem>>, %arg10: memref<64x384xf32, #tpu.memory_space<vmem>>, %arg11: memref<64x384xf32, #tpu.memory_space<vmem>>) attributes {dimension_semantics = [#tpu.dimension_semantics<arbitrary>], iteration_bounds = array<i64: 6>, scalar_prefetch = 0 : i64, scratch_operands = 0 : i64, tpu.core_type = #tpu.core_type<tc>, window_params = [{transform_indices = @transform_0, window_bounds = array<i64: 2, 2000, 64>}, {transform_indices = @transform_1, window_bounds = array<i64: 2, 2000, 64>}, {transform_indices = @transform_2, window_bounds = array<i64: 2000, 1>}, {transform_indices = @transform_3, window_bounds = array<i64: 2000, 128>}, {transform_indices = @transform_4, window_bounds = array<i64: 2000, 128>}, {transform_indices = @transform_5, window_bounds = array<i64: 1, 1, 2000>}, {pipeline_mode = #tpu.pipeline_mode<synchronous>, transform_indices = @transform_6, window_bounds = array<i64: 384, 384>}, {pipeline_mode = #tpu.pipeline_mode<synchronous>, transform_indices = @transform_7, window_bounds = array<i64: 384, 384>}, {transform_indices = @transform_8, window_bounds = array<i64: 2000, 384>}, {pipeline_mode = #tpu.pipeline_mode<synchronous>, transform_indices = @transform_9, window_bounds = array<i64: 64, 384>}, {pipeline_mode = #tpu.pipeline_mode<synchronous>, transform_indices = @transform_10, window_bounds = array<i64: 64, 384>}]} {
    %lt3A = arith.constant 5 : i32
    %lt3A_0 = arith.cmpi slt, %arg0, %lt3A : i32
    %convert_element_type3A = arith.extui %lt3A_0 : i1 to i32
    %cond3A = arith.constant 0 : i32
    %cond3A_1 = arith.cmpi ne, %convert_element_type3A, %cond3A : i32
    scf.if %cond3A_1 {
      %get3A = arith.constant 0 : index
      %get3A_6 = arith.constant 0 : index
      %get3A_7 = vector.load %arg3[%get3A, %get3A_6] : memref<2000x1xf32, #tpu.memory_space<vmem>>, vector<2000x1xf32>
      %get3A_8 = arith.constant 0 : index
      %get3A_9 = arith.constant 0 : index
      %get3A_10 = arith.constant 0 : index
      %get3A_11 = vector.load %arg1[%get3A_8, %get3A_9, %get3A_10] : memref<2x2000x64xf32, #tpu.memory_space<vmem>>, vector<1x2000x64xf32>
      %get3A_12 = vector.shape_cast %get3A_11 : vector<1x2000x64xf32> to vector<2000x64xf32>
      %get3A_13 = arith.constant 1 : index
      %get3A_14 = arith.constant 0 : index
      %get3A_15 = arith.constant 0 : index
      %get3A_16 = vector.load %arg1[%get3A_13, %get3A_14, %get3A_15] : memref<2x2000x64xf32, #tpu.memory_space<vmem>>, vector<1x2000x64xf32>
      %get3A_17 = vector.shape_cast %get3A_16 : vector<1x2000x64xf32> to vector<2000x64xf32>
      %concatenate3A = tpu.concatenate %get3A_12, %get3A_17 in 1 : vector<2000x64xf32>, vector<2000x64xf32> -> vector<2000x128xf32>
      %get3A_18 = arith.constant 0 : index
      %get3A_19 = arith.constant 0 : index
      %get3A_20 = arith.constant 0 : index
      %get3A_21 = vector.load %arg2[%get3A_18, %get3A_19, %get3A_20] : memref<2x2000x64xf32, #tpu.memory_space<vmem>>, vector<1x2000x64xf32>
      %get3A_22 = vector.shape_cast %get3A_21 : vector<1x2000x64xf32> to vector<2000x64xf32>
      %get3A_23 = arith.constant 1 : index
      %get3A_24 = arith.constant 0 : index
      %get3A_25 = arith.constant 0 : index
      %get3A_26 = vector.load %arg2[%get3A_23, %get3A_24, %get3A_25] : memref<2x2000x64xf32, #tpu.memory_space<vmem>>, vector<1x2000x64xf32>
      %get3A_27 = vector.shape_cast %get3A_26 : vector<1x2000x64xf32> to vector<2000x64xf32>
      %concatenate3A_28 = tpu.concatenate %get3A_22, %get3A_27 in 1 : vector<2000x64xf32>, vector<2000x64xf32> -> vector<2000x128xf32>
      %add3A = arith.addf %concatenate3A, %concatenate3A_28 : vector<2000x128xf32>
      %mul3A = vector.broadcast %get3A_7 : vector<2000x1xf32> to vector<2000x128xf32>
      %mul3A_29 = arith.mulf %mul3A, %add3A : vector<2000x128xf32>
      %max3A = arith.constant 0.000000e+00 : f32
      %max3A_30 = vector.broadcast %max3A : f32 to vector<2000x128xf32>
      %max3A_31 = arith.maximumf %mul3A_29, %max3A_30 : vector<2000x128xf32>
      %get3A_32 = arith.constant 0 : index
      %get3A_33 = arith.constant 0 : index
      %get3A_34 = vector.load %arg4[%get3A_32, %get3A_33] : memref<2000x128xf32, #tpu.memory_space<vmem>>, vector<2000x128xf32>
      %get3A_35 = arith.constant 0 : index
      %get3A_36 = arith.constant 0 : index
      %get3A_37 = vector.load %arg5[%get3A_35, %get3A_36] : memref<2000x128xf32, #tpu.memory_space<vmem>>, vector<2000x128xf32>
      %concatenate3A_38 = tpu.concatenate %get3A_34, %get3A_37, %max3A_31 in 1 : vector<2000x128xf32>, vector<2000x128xf32>, vector<2000x128xf32> -> vector<2000x384xf32>
      %get3A_39 = arith.constant 0 : index
      %get3A_40 = arith.constant 0 : index
      %get3A_41 = vector.load %arg7[%get3A_39, %get3A_40] : memref<384x384xf32, #tpu.memory_space<vmem>>, vector<384x384xf32>
      %dot_general3A = arith.constant dense<0.000000e+00> : vector<2000x384xf32>
      %dot_general3A_42 = tpu.matmul %concatenate3A_38, %get3A_41, %dot_general3A {dimension_numbers = #tpu.dot_dimension_numbers<[1], [0], [0], [1], [0, 0, 1, 1], [], []>, transpose_lhs_hint = false} : vector<2000x384xf32>, vector<384x384xf32>, vector<2000x384xf32> -> vector<2000x384xf32>
      %max3A_43 = arith.constant 0.000000e+00 : f32
      %max3A_44 = vector.broadcast %max3A_43 : f32 to vector<2000x384xf32>
      %max3A_45 = arith.maximumf %dot_general3A_42, %max3A_44 : vector<2000x384xf32>
      %get3A_46 = arith.constant 0 : index
      %get3A_47 = arith.constant 0 : index
      %get3A_48 = vector.load %arg8[%get3A_46, %get3A_47] : memref<384x384xf32, #tpu.memory_space<vmem>>, vector<384x384xf32>
      %dot_general3A_49 = arith.constant dense<0.000000e+00> : vector<2000x384xf32>
      %dot_general3A_50 = tpu.matmul %max3A_45, %get3A_48, %dot_general3A_49 {dimension_numbers = #tpu.dot_dimension_numbers<[1], [0], [0], [1], [0, 0, 1, 1], [], []>, transpose_lhs_hint = false} : vector<2000x384xf32>, vector<384x384xf32>, vector<2000x384xf32> -> vector<2000x384xf32>
      %mul3A_51 = arith.mulf %dot_general3A_50, %dot_general3A_50 : vector<2000x384xf32>
      %reduce_sum3A = arith.constant dense<0.000000e+00> : vector<2000xf32>
      %reduce_sum3A_52 = vector.multi_reduction <add>, %mul3A_51, %reduce_sum3A [1] : vector<2000x384xf32> to vector<2000xf32>
      %broadcast_in_dim3A = vector.shape_cast %reduce_sum3A_52 : vector<2000xf32> to vector<2000x1xf32>
      %sqrt3A = math.sqrt %broadcast_in_dim3A : vector<2000x1xf32>
      %max3A_53 = arith.constant 1.000000e-15 : f32
      %max3A_54 = vector.broadcast %max3A_53 : f32 to vector<2000x1xf32>
      %max3A_55 = arith.maximumf %sqrt3A, %max3A_54 : vector<2000x1xf32>
      %tanh3A = math.tanh %max3A_55 : vector<2000x1xf32>
      %mul3A_56 = vector.broadcast %tanh3A : vector<2000x1xf32> to vector<2000x384xf32>
      %mul3A_57 = arith.mulf %mul3A_56, %dot_general3A_50 : vector<2000x384xf32>
      %div3A = vector.broadcast %max3A_55 : vector<2000x1xf32> to vector<2000x384xf32>
      %div3A_58 = arith.divf %mul3A_57, %div3A : vector<2000x384xf32>
      %mul3A_59 = arith.mulf %div3A_58, %div3A_58 : vector<2000x384xf32>
      %reduce_sum3A_60 = arith.constant dense<0.000000e+00> : vector<2000xf32>
      %reduce_sum3A_61 = vector.multi_reduction <add>, %mul3A_59, %reduce_sum3A_60 [1] : vector<2000x384xf32> to vector<2000xf32>
      %broadcast_in_dim3A_62 = vector.shape_cast %reduce_sum3A_61 : vector<2000xf32> to vector<2000x1xf32>
      %sqrt3A_63 = math.sqrt %broadcast_in_dim3A_62 : vector<2000x1xf32>
      %max3A_64 = arith.constant 1.000000e-15 : f32
      %max3A_65 = vector.broadcast %max3A_64 : f32 to vector<2000x1xf32>
      %max3A_66 = arith.maximumf %sqrt3A_63, %max3A_65 : vector<2000x1xf32>
      %gt3A = arith.constant 0.995999991 : f32
      %gt3A_67 = vector.broadcast %gt3A : f32 to vector<2000x1xf32>
      %gt3A_68 = arith.cmpf ogt, %max3A_66, %gt3A_67 : vector<2000x1xf32>
      %div3A_69 = arith.constant 0.995999991 : f32
      %div3A_70 = vector.broadcast %div3A_69 : f32 to vector<2000x1xf32>
      %div3A_71 = arith.divf %div3A_70, %max3A_66 : vector<2000x1xf32>
      %mul3A_72 = vector.broadcast %div3A_71 : vector<2000x1xf32> to vector<2000x384xf32>
      %mul3A_73 = arith.mulf %div3A_58, %mul3A_72 : vector<2000x384xf32>
      %broadcast_in_dim3A_74 = vector.shape_cast %gt3A_68 : vector<2000x1xi1> to vector<2000x1xi1>
      %broadcast_in_dim3A_75 = vector.broadcast %broadcast_in_dim3A_74 : vector<2000x1xi1> to vector<2000x384xi1>
      %select_n3A = arith.select %broadcast_in_dim3A_75, %mul3A_73, %div3A_58 : vector<2000x384xi1>, vector<2000x384xf32>
      %swap3A = arith.constant 0 : index
      %swap3A_76 = arith.constant 0 : index
      %swap3A_77 = vector.load %arg9[%swap3A, %swap3A_76] : memref<2000x384xf32, #tpu.memory_space<vmem>>, vector<2000x384xf32>
      tpu.vector_store %arg9[%swap3A, %swap3A_76], %select_n3A {strides = array<i32>} : memref<2000x384xf32, #tpu.memory_space<vmem>>, vector<2000x384xf32>,
      %get3A_78 = arith.constant 0 : index
      %get3A_79 = arith.constant 0 : index
      %get3A_80 = arith.constant 0 : index
      %get3A_81 = vector.load %arg6[%get3A_78, %get3A_79, %get3A_80] : memref<1x1x2000xi32, #tpu.memory_space<vmem>>, vector<1x1x2000xi32>
      %get3A_82 = vector.shape_cast %get3A_81 : vector<1x1x2000xi32> to vector<1x2000xi32>
      %iota3A = tpu.iota {dimensions = array<i32: 0>} : vector<64x2000xi32>
      %eq3A_83 = vector.broadcast %get3A_82 : vector<1x2000xi32> to vector<64x2000xi32>
      %eq3A_84 = arith.cmpi eq, %iota3A, %eq3A_83 : vector<64x2000xi32>
      %convert_element_type3A_85 = arith.extui %eq3A_84 : vector<64x2000xi1> to vector<64x2000xi32>
      %convert_element_type3A_86 = arith.sitofp %convert_element_type3A_85 : vector<64x2000xi32> to vector<64x2000xf32>
      %dot_general3A_87 = arith.constant dense<0.000000e+00> : vector<64x384xf32>
      %dot_general3A_88 = tpu.matmul %convert_element_type3A_86, %concatenate3A_38, %dot_general3A_87 {dimension_numbers = #tpu.dot_dimension_numbers<[1], [0], [0], [1], [0, 0, 1, 1], [], []>, transpose_lhs_hint = false} : vector<64x2000xf32>, vector<2000x384xf32>, vector<64x384xf32> -> vector<64x384xf32>
      %eq3A_89 = arith.constant 0 : i32
      %eq3A_90 = arith.cmpi eq, %arg0, %eq3A_89 : i32
      %convert_element_type3A_91 = arith.extui %eq3A_90 : i1 to i32
      %cond3A_92 = arith.constant 0 : i32
      %cond3A_93 = arith.cmpi ne, %convert_element_type3A_91, %cond3A_92 : i32
      scf.if %cond3A_93 {
        %swap3A_99 = arith.constant 0 : index
        %swap3A_100 = arith.constant 0 : index
        %swap3A_101 = vector.load %arg10[%swap3A_99, %swap3A_100] : memref<64x384xf32, #tpu.memory_space<vmem>>, vector<64x384xf32>
        tpu.vector_store %arg10[%swap3A_99, %swap3A_100], %dot_general3A_88 {strides = array<i32>} : memref<64x384xf32, #tpu.memory_space<vmem>>, vector<64x384xf32>,
      } else {
      }
      %gt3A_94 = arith.constant 0 : i32
      %gt3A_95 = arith.cmpi sgt, %arg0, %gt3A_94 : i32
      %convert_element_type3A_96 = arith.extui %gt3A_95 : i1 to i32
      %cond3A_97 = arith.constant 0 : i32
      %cond3A_98 = arith.cmpi ne, %convert_element_type3A_96, %cond3A_97 : i32
      scf.if %cond3A_98 {
        %get3A_99 = arith.constant 0 : index
        %get3A_100 = arith.constant 0 : index
        %get3A_101 = vector.load %arg10[%get3A_99, %get3A_100] : memref<64x384xf32, #tpu.memory_space<vmem>>, vector<64x384xf32>
        %add3A_102 = arith.addf %get3A_101, %dot_general3A_88 : vector<64x384xf32>
        %swap3A_103 = arith.constant 0 : index
        %swap3A_104 = arith.constant 0 : index
        %swap3A_105 = vector.load %arg10[%swap3A_103, %swap3A_104] : memref<64x384xf32, #tpu.memory_space<vmem>>, vector<64x384xf32>
        tpu.vector_store %arg10[%swap3A_103, %swap3A_104], %add3A_102 {strides = array<i32>} : memref<64x384xf32, #tpu.memory_space<vmem>>, vector<64x384xf32>,
      } else {
      }
    } else {
    }
    %eq3A = arith.constant 5 : i32
    %eq3A_2 = arith.cmpi eq, %arg0, %eq3A : i32
    %convert_element_type3A_3 = arith.extui %eq3A_2 : i1 to i32
    %cond3A_4 = arith.constant 0 : i32
    %cond3A_5 = arith.cmpi ne, %convert_element_type3A_3, %cond3A_4 : i32
    scf.if %cond3A_5 {
      %get3A = arith.constant 0 : index
      %get3A_6 = arith.constant 0 : index
      %get3A_7 = vector.load %arg10[%get3A, %get3A_6] : memref<64x384xf32, #tpu.memory_space<vmem>>, vector<64x384xf32>
      %get3A_8 = arith.constant 0 : index
      %get3A_9 = arith.constant 0 : index
      %get3A_10 = vector.load %arg7[%get3A_8, %get3A_9] : memref<384x384xf32, #tpu.memory_space<vmem>>, vector<384x384xf32>
      %dot_general3A = arith.constant dense<0.000000e+00> : vector<64x384xf32>
      %dot_general3A_11 = tpu.matmul %get3A_7, %get3A_10, %dot_general3A {dimension_numbers = #tpu.dot_dimension_numbers<[1], [0], [0], [1], [0, 0, 1, 1], [], []>, transpose_lhs_hint = false} : vector<64x384xf32>, vector<384x384xf32>, vector<64x384xf32> -> vector<64x384xf32>
      %max3A = arith.constant 0.000000e+00 : f32
      %max3A_12 = vector.broadcast %max3A : f32 to vector<64x384xf32>
      %max3A_13 = arith.maximumf %dot_general3A_11, %max3A_12 : vector<64x384xf32>
      %get3A_14 = arith.constant 0 : index
      %get3A_15 = arith.constant 0 : index
      %get3A_16 = vector.load %arg8[%get3A_14, %get3A_15] : memref<384x384xf32, #tpu.memory_space<vmem>>, vector<384x384xf32>
      %dot_general3A_17 = arith.constant dense<0.000000e+00> : vector<64x384xf32>
      %dot_general3A_18 = tpu.matmul %max3A_13, %get3A_16, %dot_general3A_17 {dimension_numbers = #tpu.dot_dimension_numbers<[1], [0], [0], [1], [0, 0, 1, 1], [], []>, transpose_lhs_hint = false} : vector<64x384xf32>, vector<384x384xf32>, vector<64x384xf32> -> vector<64x384xf32>
      %mul3A = arith.mulf %dot_general3A_18, %dot_general3A_18 : vector<64x384xf32>
      %reduce_sum3A = arith.constant dense<0.000000e+00> : vector<64xf32>
      %reduce_sum3A_19 = vector.multi_reduction <add>, %mul3A, %reduce_sum3A [1] : vector<64x384xf32> to vector<64xf32>
      %broadcast_in_dim3A = vector.shape_cast %reduce_sum3A_19 : vector<64xf32> to vector<64x1xf32>
      %sqrt3A = math.sqrt %broadcast_in_dim3A : vector<64x1xf32>
      %max3A_20 = arith.constant 1.000000e-15 : f32
      %max3A_21 = vector.broadcast %max3A_20 : f32 to vector<64x1xf32>
      %max3A_22 = arith.maximumf %sqrt3A, %max3A_21 : vector<64x1xf32>
      %tanh3A = math.tanh %max3A_22 : vector<64x1xf32>
      %mul3A_23 = vector.broadcast %tanh3A : vector<64x1xf32> to vector<64x384xf32>
      %mul3A_24 = arith.mulf %mul3A_23, %dot_general3A_18 : vector<64x384xf32>
      %div3A = vector.broadcast %max3A_22 : vector<64x1xf32> to vector<64x384xf32>
      %div3A_25 = arith.divf %mul3A_24, %div3A : vector<64x384xf32>
      %mul3A_26 = arith.mulf %div3A_25, %div3A_25 : vector<64x384xf32>
      %reduce_sum3A_27 = arith.constant dense<0.000000e+00> : vector<64xf32>
      %reduce_sum3A_28 = vector.multi_reduction <add>, %mul3A_26, %reduce_sum3A_27 [1] : vector<64x384xf32> to vector<64xf32>
      %broadcast_in_dim3A_29 = vector.shape_cast %reduce_sum3A_28 : vector<64xf32> to vector<64x1xf32>
      %sqrt3A_30 = math.sqrt %broadcast_in_dim3A_29 : vector<64x1xf32>
      %max3A_31 = arith.constant 1.000000e-15 : f32
      %max3A_32 = vector.broadcast %max3A_31 : f32 to vector<64x1xf32>
      %max3A_33 = arith.maximumf %sqrt3A_30, %max3A_32 : vector<64x1xf32>
      %gt3A = arith.constant 0.995999991 : f32
      %gt3A_34 = vector.broadcast %gt3A : f32 to vector<64x1xf32>
      %gt3A_35 = arith.cmpf ogt, %max3A_33, %gt3A_34 : vector<64x1xf32>
      %div3A_36 = arith.constant 0.995999991 : f32
      %div3A_37 = vector.broadcast %div3A_36 : f32 to vector<64x1xf32>
      %div3A_38 = arith.divf %div3A_37, %max3A_33 : vector<64x1xf32>
      %mul3A_39 = vector.broadcast %div3A_38 : vector<64x1xf32> to vector<64x384xf32>
      %mul3A_40 = arith.mulf %div3A_25, %mul3A_39 : vector<64x384xf32>
      %broadcast_in_dim3A_41 = vector.shape_cast %gt3A_35 : vector<64x1xi1> to vector<64x1xi1>
      %broadcast_in_dim3A_42 = vector.broadcast %broadcast_in_dim3A_41 : vector<64x1xi1> to vector<64x384xi1>
      %select_n3A = arith.select %broadcast_in_dim3A_42, %mul3A_40, %div3A_25 : vector<64x384xi1>, vector<64x384xf32>
      %swap3A = arith.constant 0 : index
      %swap3A_43 = arith.constant 0 : index
      %swap3A_44 = vector.load %arg11[%swap3A, %swap3A_43] : memref<64x384xf32, #tpu.memory_space<vmem>>, vector<64x384xf32>
      tpu.vector_store %arg11[%swap3A, %swap3A_43], %select_n3A {strides = array<i32>} : memref<64x384xf32, #tpu.memory_space<vmem>>, vector<64x384xf32>,
    } else {
    }
    return
  }
  func.func @transform_0(%arg0: i32) -> (i32, i32, i32) {
    %min3A = arith.constant 4 : i32
    %min3A_0 = arith.minsi %arg0, %min3A : i32
    %c0_i32 = arith.constant 0 : i32
    %c0_i32_1 = arith.constant 0 : i32
    %c0_i32_2 = arith.constant 0 : i32
    return %c0_i32, %min3A_0, %c0_i32_1 : i32, i32, i32
  }
  func.func @transform_1(%arg0: i32) -> (i32, i32, i32) {
    %min3A = arith.constant 4 : i32
    %min3A_0 = arith.minsi %arg0, %min3A : i32
    %c0_i32 = arith.constant 0 : i32
    %c0_i32_1 = arith.constant 0 : i32
    %c0_i32_2 = arith.constant 0 : i32
    return %c0_i32, %min3A_0, %c0_i32_1 : i32, i32, i32
  }
  func.func @transform_2(%arg0: i32) -> (i32, i32) {
    %min3A = arith.constant 4 : i32
    %min3A_0 = arith.minsi %arg0, %min3A : i32
    %c0_i32 = arith.constant 0 : i32
    %c0_i32_1 = arith.constant 0 : i32
    return %min3A_0, %c0_i32 : i32, i32
  }
  func.func @transform_3(%arg0: i32) -> (i32, i32) {
    %min3A = arith.constant 4 : i32
    %min3A_0 = arith.minsi %arg0, %min3A : i32
    %c0_i32 = arith.constant 0 : i32
    %c0_i32_1 = arith.constant 0 : i32
    return %min3A_0, %c0_i32 : i32, i32
  }
  func.func @transform_4(%arg0: i32) -> (i32, i32) {
    %min3A = arith.constant 4 : i32
    %min3A_0 = arith.minsi %arg0, %min3A : i32
    %c0_i32 = arith.constant 0 : i32
    %c0_i32_1 = arith.constant 0 : i32
    return %min3A_0, %c0_i32 : i32, i32
  }
  func.func @transform_5(%arg0: i32) -> (i32, i32, i32) {
    %min3A = arith.constant 4 : i32
    %min3A_0 = arith.minsi %arg0, %min3A : i32
    %c0_i32 = arith.constant 0 : i32
    %c0_i32_1 = arith.constant 0 : i32
    %c0_i32_2 = arith.constant 0 : i32
    return %min3A_0, %c0_i32, %c0_i32_1 : i32, i32, i32
  }
  func.func @transform_6(%arg0: i32) -> (i32, i32) {
    %c0_i32 = arith.constant 0 : i32
    %c0_i32_0 = arith.constant 0 : i32
    %c0_i32_1 = arith.constant 0 : i32
    return %c0_i32, %c0_i32_0 : i32, i32
  }
  func.func @transform_7(%arg0: i32) -> (i32, i32) {
    %c0_i32 = arith.constant 0 : i32
    %c0_i32_0 = arith.constant 0 : i32
    %c0_i32_1 = arith.constant 0 : i32
    return %c0_i32, %c0_i32_0 : i32, i32
  }
  func.func @transform_8(%arg0: i32) -> (i32, i32) {
    %min3A = arith.constant 4 : i32
    %min3A_0 = arith.minsi %arg0, %min3A : i32
    %c0_i32 = arith.constant 0 : i32
    %c0_i32_1 = arith.constant 0 : i32
    return %min3A_0, %c0_i32 : i32, i32
  }
  func.func @transform_9(%arg0: i32) -> (i32, i32) {
    %c0_i32 = arith.constant 0 : i32
    %c0_i32_0 = arith.constant 0 : i32
    %c0_i32_1 = arith.constant 0 : i32
    return %c0_i32, %c0_i32_0 : i32, i32
  }
  func.func @transform_10(%arg0: i32) -> (i32, i32) {
    %c0_i32 = arith.constant 0 : i32
    %c0_i32_0 = arith.constant 0 : i32
    %c0_i32_1 = arith.constant 0 : i32
    return %c0_i32, %c0_i32_0 : i32, i32
  }
}

</mosaic_0001>

<sc_bundles>
// kernel: kernel.11.cloned.1.call-start
scs
__scs_entry_jumppad:
0x0: {  	(pc) =	sbr.rel $0x88, $3  }
0x1: {  	(tag) =	ssettag $0x0;
	lr =	simm.s32 $0x1  }
0x2: {  	[smem:$0x3F99] =	sst lr;
	_ =	strace $0xD0000000  }
0x3: {  	_ = 	snop  }
0x4: {  	_ = 	snop  }
0x5: {  	_ = 	snop  }
0x6: {  	_ = 	snop  }
0x7: {  	_ = 	snop  }
__scs_overlays_trampoline_lowered:
0x8: {  	[smem:$0x3FA8] =	sst s0  }
0x9: {  	[smem:$0x3FA9] =	sst s1  }
0xa: {  	[smem:$0x3FAA] =	sst s2  }
0xb: {  	[smem:$0x3FAB] =	sst s3  }
0xc: {  	[smem:$0x3FAC] =	sst s4  }
0xd: {  	[smem:$0x3FAD] =	sst s5  }
0xe: {  	[smem:$0x3FAE] =	sst s6  }
0xf: {  	[smem:$0x3FAF] =	sst s7  }
0x10: {  	[smem:$0x3FB0] =	sst s8  }
0x11: {  	[smem:$0x3FB1] =	sst s9;
	s0 =	simm.s32 @!p0 $0x0  }
0x12: {  	s1 =	sld [smem:$0x3F97];
	s0 =	simm.s32 @p0 $0x1  }
0x13: {  	[smem:$0x3FB2] =	sst s0;
	s0 =	simm.s32 @!p1 $0x0  }
0x14: {  	s2 =	sld [smem:$0x3F96];
	s0 =	simm.s32 @p1 $0x1  }
0x15: {  	[smem:$0x3FB3] =	sst s0;
	s0 =	simm.s32 @!p2 $0x0  }
0x16: {  	s3 =	sld [smem:$0x3FDB];
	s0 =	simm.s32 @p2 $0x1  }
0x17: {  	s4 =	simm.s32 $0x1BF5;
	[smem:$0x3FB5] =	sst s0  }
0x18: {  	s0 =	sld [smem:$0x3F98];
	_ =	swait.ge [sflag:s4], $0x0  }
0x19: {  	s7 =	sld [smem:$0x3F99]  }
0x1a: {  	s8 =	sadd.s32 $0xFFFFE003, lr  }
0x1b: {  	s9 =	sadd.s32 $0xFFFFFEF7, lr;
	s5 =	simm.s32 $0xFFFFFFFF;
	p2 =	slt.u32 s8, $0xFFFFF086  }
0x1c: {  	p1 =	slt.u32 s9, $0xF7A;
	s5 =	simm.s32 @!p2 $0x0  }
0x1d: {  	s5 =	simm.s32 @p1 $0x1;
	p0 =	seq.s32 s7, s2  }
0x1e: {  	s7 =	smul.u32 @!p0 $0xF7A, s2;
	p2 =	seq.s32 @!p0 s5, $0x0  }
0x1f: {  	s9 =	smul.u32 $0xF7A, s1;
	s8 =	simm.s32 @!p0 $0x1BF5;
	p2 =	por !p2, p0  }
0x20: {  	[sflag:s8] =	ssyncset.s32 @!p0 $0xFFFFF086;
	s6 =	sadd.s32 @!p0 s3, s7;
	s7 =	simm.s32 @!p0 $0x108  }
0x21: {  	s3 =	sadd.s32 s3, s9;
	s6 =	sadd.s32 @!p0 $0x88, s6;
	s7 =	simm.s32 @p2 $0x1082  }
0x22: {  	[simem:s7], [sflag:s8] =	dma.local @!p0 [hbm:s6], $0xF7A  }
0x23: {  	s9 =	sor.u32 $0xD0000000, s2;
	s6 =	simm.s32 $0x108;
	_ =	swait.ge @!p0 [sflag:s8], $0x0  }
0x24: {  	s3 =	sadd.s32 $0x88, s3;
	s6 =	simm.s32 @!p1 $0x1082;
	[sflag:s4] =	ssyncset.s32 $0xFFFFF086  }
0x25: {  	[simem:s6], [sflag:s4] =	dma.local [hbm:s3], $0xF7A  }
0x26: {  	[smem:$0x3F99] =	sst s1;
	(tag) =	ssettag s2;
	_ =	strace s9  }
0x27: {  	s1 =	sld [smem:$0x3FA9]  }
0x28: {  	s2 =	sld [smem:$0x3FAA]  }
0x29: {  	s4 =	sld [smem:$0x3FAC]  }
0x2a: {  	p0 =	seq.s32 s5, $0x0;
	s5 =	sld [smem:$0x3FAD]  }
0x2b: {  	s6 =	sld [smem:$0x3FAE]  }
0x2c: {  	s7 =	sld [smem:$0x3FAF]  }
0x2d: {  	s3 =	simm.s32 $0x108;
	s8 =	sld [smem:$0x3FB0]  }
0x2e: {  	s3 =	simm.s32 @!p0 $0x1082;
	s9 =	sld [smem:$0x3FB1]  }
0x2f: {  	lr =	sadd.s32 s0, s3;
	s0 =	sld [smem:$0x3FA8]  }
0x30: {  	s3 =	sld [smem:$0x3FAB]  }
0x31: {  	[smem:$0x3FB4] =	sst s10  }
0x32: {  	s10 =	sld [smem:$0x3FB2];
	_ =	sdelay $0x3  }
0x33: {  	p0 =	seq.s32 s10, $0x1;
	s10 =	sld [smem:$0x3FB4];
	_ =	sdelay $0x3  }
0x34: {  	[smem:$0x3FB4] =	sst s10  }
0x35: {  	s10 =	sld [smem:$0x3FB3];
	_ =	sdelay $0x3  }
0x36: {  	p1 =	seq.s32 s10, $0x1;
	s10 =	sld [smem:$0x3FB4];
	_ =	sdelay $0x3  }
0x37: {  	[smem:$0x3FB4] =	sst s10  }
0x38: {  	s10 =	sld [smem:$0x3FB5]  }
0x39: {  	_ = 	snop;
	(pc) =	sbr.ind lr, $3  }
0x3a: {  	_ = 	snop  }
0x3b: {  	_ = 	snop  }
0x3c: {  	p2 =	seq.s32 s10, $0x1;
	s10 =	sld [smem:$0x3FB4]  }
0x3d: {  	_ =	shalt  }
0x3e: {  	_ =	shalt  }
0x3f: {  	_ =	shalt  }
0x40: {  	_ =	shalt  }
0x41: {  	_ =	shalt  }
0x42: {  	_ =	shalt  }
0x43: {  	_ =	shalt  }
0x44: {  	_ =	shalt  }
0x45: {  	_ =	shalt  }
0x46: {  	_ =	shalt  }
0x47: {  	_ =	shalt  }
0x48: {  	_ =	shalt  }
0x49: {  	_ =	shalt  }
0x4a: {  	_ =	shalt  }
0x4b: {  	_ =	shalt  }
0x4c: {  	_ =	shalt  }
0x4d: {  	_ =	shalt  }
0x4e: {  	_ =	shalt  }
0x4f: {  	_ =	shalt  }
0x50: {  	_ =	shalt  }
0x51: {  	_ =	shalt  }
0x52: {  	_ =	shalt  }
0x53: {  	_ =	shalt  }
0x54: {  	_ =	shalt  }
0x55: {  	_ =	shalt  }
0x56: {  	_ =	shalt  }
0x57: {  	_ =	shalt  }
0x58: {  	_ =	shalt  }
0x59: {  	_ =	shalt  }
0x5a: {  	_ =	shalt  }
0x5b: {  	_ =	shalt  }
0x5c: {  	_ =	shalt  }
0x5d: {  	_ =	shalt  }
0x5e: {  	_ =	shalt  }
0x5f: {  	_ =	shalt  }
0x60: {  	_ =	shalt  }
0x61: {  	_ =	shalt  }
0x62: {  	_ =	shalt  }
0x63: {  	_ =	shalt  }
0x64: {  	_ =	shalt  }
0x65: {  	_ =	shalt  }
0x66: {  	_ =	shalt  }
0x67: {  	_ =	shalt  }
0x68: {  	_ =	shalt  }
0x69: {  	_ =	shalt  }
0x6a: {  	_ =	shalt  }
0x6b: {  	_ =	shalt  }
0x6c: {  	_ =	shalt  }
0x6d: {  	_ =	shalt  }
0x6e: {  	_ =	shalt  }
0x6f: {  	_ =	shalt  }
0x70: {  	_ =	shalt  }
0x71: {  	_ =	shalt  }
0x72: {  	_ =	shalt  }
0x73: {  	_ =	shalt  }
0x74: {  	_ =	shalt  }
0x75: {  	_ =	shalt  }
0x76: {  	_ =	shalt  }
0x77: {  	_ =	shalt  }
0x78: {  	_ =	shalt  }
0x79: {  	_ =	shalt  }
0x7a: {  	_ =	shalt  }
0x7b: {  	_ =	shalt  }
0x7c: {  	_ =	shalt  }
0x7d: {  	_ =	shalt  }
0x7e: {  	_ =	shalt  }
0x7f: {  	_ =	shalt  }
0x80: {  	_ =	shalt  }
0x81: {  	_ =	shalt  }
0x82: {  	_ =	shalt  }
0x83: {  	_ =	shalt  }
0x84: {  	_ =	shalt  }
0x85: {  	_ =	shalt  }
0x86: {  	_ =	shalt  }
0x87: {  	_ =	shalt  }
.Lfunc_end0:
.L_simem_size_0:
called_computation_lowered:
.L_overlay_start_0:
0x88: {  	s2 =	sld [smem:$0x3FD9]  }
0x89: {  	s3 =	sld [smem:$0x3FFE];
	_ =	sdelay $0x1  }
0x8a: {  	s1 =	srdreg.scid  }
0x8b: {  	s0 =	sand.u32 $0x1, s1  }
0x8c: {  	s14 =	sshll.u32 s0, $0xA;
	s2 =	sadd.s32 s3, s2  }
0x8d: {  	s2 =	sadd.s32 s2, s14  }
0x8e: {  	[smem:$0x3FC0] =	sst s2  }
0x8f: {  	_ = 	snop  }
0x90: {  	s2 =	sld [smem:$0x3FD0];
	_ =	sdelay $0x2  }
0x91: {  	s15 =	simm.s32 $0xA;
	s4 =	simm.s32 $0x10  }
0x92: {  	[smem:s4], [sflag:s15] =	dma.local [hbm:s2], $0x1  }
0x93: {  	_ =	swait.eq [sflag:s15], $0x1  }
0x94: {  	[sflag:s15] =	ssyncset.done $0x0  }
0x95: {  	[sflag:s15] =	ssyncadd.s32 $0xFFFFFFFF  }
0x96: {  	s16 =	sld [smem:$0x11];
	(tm) =	ssettm $0x1  }
0x97: {  	s17 =	sld [smem:$0x3FFB];
	_ =	sdelay $0x3  }
0x98: {  	_ =	strace s17  }
0x99: {  	s3 =	sld [smem:$0x3FFC];
	_ =	sdelay $0x3  }
0x9a: {  	_ =	strace s3  }
0x9b: {  	s3 =	sld [smem:$0x3FFD];
	_ =	sdelay $0x3  }
0x9c: {  	_ =	strace s3  }
0x9d: {  	_ =	strace $0x8FFFFFFF  }
0x9e: {  	s18 =	sld [smem:$0x3FDB];
	_ =	sdelay $0x1  }
0x9f: {  	s19 =	simm.s32 $_scs_section_size  }
0xa0: {  	s5 =	simm.s32 $_size__tile_overlayer_lowered;
	s6 =	simm.s32 $_tile_overlayer_lowered  }
0xa1: {  	s22 =	simm.s32 $0x1BFF;
	s21 =	sshll.u32 s6, $0x1;
	s3 =	sadd.s32 s19, s18  }
0xa2: {  	s7 =	simm.s32 $0x0;
	s20 =	sshll.u32 s5, $0x1;
	s5 =	sadd.s32 s21, s3  }
0xa3: {  	[timem:s7], [sflag:s22] =	dma.local [hbm:s5], s20  }
0xa4: {  	_ =	swait.ge [sflag:s22], s20  }
0xa5: {  	s4 =	ssub.s32 $0x0, s20;
	[sflag:s22] =	ssyncset.done $0x0  }
0xa6: {  	[sflag:s22] =	ssyncadd.s32 s4;
	_ =	sdelay $0x1  }
0xa7: {  	s23 =	simm.s32 $0x1B8B  }
0xa8: {  	_ =	swait.ge [sflag:s23], $0x1  }
0xa9: {  	[sflag:s23] =	ssyncset.done $0x0  }
0xaa: {  	s25 =	simm.s32 $0x1B8E;
	s24 =	sld [smem:$0x3FFE];
	[sflag:s23] =	ssyncadd.s32 $0xFFFFFFFF  }
0xab: {  	s26 =	simm.s32 $execute0_lowered;
	[smem:$0x3FD2] =	sst s25  }
0xac: {  	s5 =	sshll.u32 s26, $0x1;
	_ =	strace $0x80000046;
	[dreg:$0x1] =	wrdreg $0xFFFFFFFF  }
0xad: {  	s28 =	simm.s32 $_size_execute0_lowered;
	s3 =	sadd.s32 s3, s5;
	[dreg:$0x0] =	wrdreg $0x0  }
0xae: {  	s5 =	sshll.u32 s28, $0x1;
	[dreg:$0x2] =	wrdreg s3  }
0xaf: {  	[dreg:$0x3] =	wrdreg s5  }
0xb0: {  	[dreg:$0x4] =	wrdreg $0xC0  }
0xb1: {  	_ =	task [dreg:s7], $0x5FFFF  }
0xb2: {  	[dreg:$0x1] =	wrdreg $0xFFFFFFFF  }
0xb3: {  	[dreg:$0x0] =	wrdreg $0x60  }
0xb4: {  	[dreg:$0x2] =	wrdreg s16  }
0xb5: {  	[dreg:$0x3] =	wrdreg s24  }
0xb6: {  	[dreg:$0x4] =	wrdreg $0x9  }
0xb7: {  	_ =	task.clear_ibuf [dreg:s7], $0x5FFFF;
	_ =	strace $0x90000046  }
0xb8: {  	s29 =	simm.s32 $0x9;
	_ =	strace $0x80000048  }
0xb9: {  	_ =	swait.ge [sflag:s29], $0x1  }
0xba: {  	[sflag:s29] =	ssyncadd.s32 $0xFFFFFFFF  }
0xbb: {  	_ =	strace $0x90000048  }
0xbc: {  	_ =	sfence  }
0xbd: {  	s30 =	sld [smem:$0x0];
	_ =	sdelay $0x2  }
0xbe: {  	s31 =	sshll.u32 s1, $0xD;
	s1 =	sshrl.u32 s1, $0x2  }
0xbf: {  	s3 =	sand.u32 $0x4000, s31;
	s1 =	sadd.s32 s1, s30  }
0xc0: {  	s0 =	sor.u32 s3, s0;
	s1 =	sshll.u32 s1, $0x11  }
0xc1: {  	s0 =	sor.u32 s1, s0  }
0xc2: {  	s0 =	sadd.s32 $0x8F2B, s0  }
0xc3: {  	[sflag:s0] =	ssyncadd.remote.s32 $0x1  }
0xc4: {  	_ =	sfence.sel $0xFFFF  }
0xc5: {  	[dreg:$0x0] =	wrdreg $0xFFFFFFFF;
	(pc) =	sbr.abs _section_cstart, $3  }
0xc6: {  	[dreg:$0x1] =	wrdreg $0xFFFFFFFF  }
0xc7: {  	_ =	task.clear_ibuf [dreg:s7], $0x2FFFF;
	_ =	strace $0x9FFFFFFF  }
0xc8: {  	(tm) =	ssettm $0x7FFFFFFF  }
0xc9: {  	_ =	shalt  }
tec
execute0_lowered:
.L_overlay_start_1:
0x0: {  	(tag) =	ssettag $0x1  }
0x1: {  	s0 =	srdreg.scid;
	s4 =	rddreg [dreg:$0x0]  }
0x2: {  	s5 =	rddreg [dreg:$0x1];
	s3 =	sand.u32 $0x1, s0  }
0x3: {  	s2 =	simm.s32 $0x0;
	s0 =	stileid.u32;
	s1 =	sshll.u32 s3, $0x4  }
0x4: {  	s9 =	simm.s32 $0x400;
	s10 =	simm.s32 $0x0;
	s6 =	sor.u32 s0, s1  }
0x5: {  	[smem:$0x7FF] =	sst s2;
	s8 =	sshll.u32 s0, $0x7;
	s7 =	sshrl.u32 s6, $0x3  }
0x6: {  	s3 =	ssub.s32 $0x2, s3;
	s1 =	rddreg [dreg:$0x2];
	s7 =	smul.u32 $0x14000, s7  }
0x7: {  	s8 =	sand.u32 $0x380, s8;
	_ =	strace $0x80000047;
	s30 =	sshrl.u32 s3, $0x1  }
0x8: {  	s6 =	sshll.u32 s6, $0xB;
	s31 =	ssub.s32 s3, s30;
	s7 =	sor.u32 s8, s7  }
0x9: {  	s4 =	sadd.s32 s6, s4;
	s6 =	simm.s32 $0x1;
	s7 =	sshrl.u32 s7, $0x3  }
0xa: {  	s3 =	sadd.s32 $0x10000, s4;
	s8 =	simm.s32 $0x80;
	s5 =	sadd.s32 s7, s5  }
0xb: {  	v0 =	vimm.f32 $0.0e+00;
	v1 =	vimm.f32 $1.000000000e+00;
	s7 =	simm.s32 $0x4000;
	s4 =	sadd.s32 $0x3400, s5;
	s5 =	smax.u32 s31, $0x1  }
.LBB2_1:
0xc: {  	[tilespmem:s2], [sflag:$0x1] =	stream.linear.gather [hbm4b:s3+s2], $0x3E80, $0x38;
	[tilespmem:$0x6800] =	vst v63  }
0xd: {  	_ =	swait.ge [sflag:s6], $0x3E80  }
0xe: {  	[sflag:s6] =	ssyncset.done $0x0  }
0xf: {  	s11 =	simm.s32 $0x0;
	[sflag:s6] =	ssyncadd.s32 $0xFFFFC180  }
.LBB2_2:
0x10: {  	p0 =	sne.s32 s11, $0x9FC0  }
.Ltmp0:
0x11: {  	_ = 	snop;
	(pc) =	sbr.rel @p0 .LBB2_2-.Ltmp0, $3  }
0x12: {  	_ =	sdelay $0x1  }
0x13: {  	s12 =	sshra.s32 s11, $0x2  }
0x14: {  	s11 =	sadd.s32 $0x40, s11;
	[tilespmem:s12+$0x4000] =	vst v0  }
0x15: {  	s11 =	simm.s32 $0x0  }
.LBB2_4:
0x16: {  	s12 =	sshra.s32 s11, $0x2  }
0x17: {  	v2 =	vld [tilespmem:s12+$0x0];
	_ =	sdelay $0x7  }
0x18: {  	[tilespmem:v2+s7+$0x0] =	vst.idx.add.f32.msk $0xffff, v1  }
0x19: {  	v2 =	vld [tilespmem:s12+$0x10];
	_ =	sdelay $0x7  }
0x1a: {  	[tilespmem:v2+s7+$0x0] =	vst.idx.add.f32.msk $0xffff, v1  }
0x1b: {  	v2 =	vld [tilespmem:s12+$0x20];
	_ =	sdelay $0x7  }
0x1c: {  	[tilespmem:v2+s7+$0x0] =	vst.idx.add.f32.msk $0xffff, v1  }
0x1d: {  	v2 =	vld [tilespmem:s12+$0x30];
	_ =	sdelay $0x7  }
0x1e: {  	[tilespmem:v2+s7+$0x0] =	vst.idx.add.f32.msk $0xffff, v1  }
0x1f: {  	v2 =	vld [tilespmem:s12+$0x40];
	_ =	sdelay $0x2  }
0x20: {  	p0 =	sne.s32 s11, $0xF800  }
.Ltmp1:
0x21: {  	_ = 	snop;
	(pc) =	sbr.rel @p0 .LBB2_4-.Ltmp1, $2  }
0x22: {  	_ =	sdelay $0x2  }
0x23: {  	s11 =	sadd.s32 $0x200, s11;
	[tilespmem:v2+s7+$0x0] =	vst.idx.add.f32.msk $0xffff, v1  }
0x24: {  	s10 =	sadd.s32 $0x1, s10  }
0x25: {  	p0 =	sne.s32 s10, s5  }
.Ltmp2:
0x26: {  	_ = 	snop;
	(pc) =	sbr.rel @p0 .LBB2_1-.Ltmp2, $4  }
0x27: {  	[hbm4b:s4+s8] =	stream.strided.scatter [tilespmem:s7], [sflag:$0x1], $0x2800, s9, s8, $0x38;
	[tilespmem:$0x6800] =	vst v63  }
0x28: {  	_ =	swait.ge [sflag:s6], $0x2800  }
0x29: {  	[sflag:s6] =	ssyncset.done $0x0  }
0x2a: {  	[sflag:s6] =	ssyncadd.s32 $0xFFFFD800  }
0x2b: {  	_ =	sfence.sel $0x180000  }
0x2c: {  	[bflag:$0x0] =	sbarrier.arrive $0xFFFF  }
0x2d: {  	p0 =	sne.s32 s0, $0x0;
	_ =	strace $0x90000047  }
0x2e: {  	s0 =	sadd.s32 @!p0 $0x100000, s1;
	[bflag:$0x2] =	sbarrier.arrive $0xFFFF  }
0x2f: {  	[sflag:s0] =	ssyncadd.tile.s32 @!p0 $0x1;
	_ =	shalt  }
.Lfunc_end2:
_tile_overlayer_lowered:
.L_overlay_start_2:
0x30: {  	(tag) =	ssettag $0x2  }
0x31: {  	s0 =	rddreg [dreg:$0x0];
	s2 =	stileid.u32  }
0x32: {  	s1 =	rddreg [dreg:$0x1];
	p0 =	sne.s32 s2, $0x0  }
0x33: {  	s3 =	rddreg [dreg:$0x2];
	[bflag:$0x3] =	sbarrier.arrive $0xFFFF;
	s2 =	simm.s32 @!p0 $0x1C01  }
0x34: {  	[timem:s3], [sflag:s2] =	dma.local @!p0 [hbm:s0], s1  }
0x35: {  	s0 =	simm.s32 @!p0 $0x1  }
0x36: {  	_ =	swait.ge @!p0 [sflag:s0], s1  }
0x37: {  	s1 =	ssub.s32 @!p0 $0x0, s1;
	[sflag:s0] =	ssyncset.done @!p0 $0x0  }
0x38: {  	[sflag:s0] =	ssyncadd.s32 @!p0 s1  }
0x39: {  	[bflag:$0x3] =	sbarrier.arrive $0xFFFF  }
0x3a: {  	_ =	shalt  }

// kernel: kernel.14.cloned.1.call-start
scs
__scs_entry_jumppad:
0x0: {  	(pc) =	sbr.rel $0x88, $3  }
0x1: {  	(tag) =	ssettag $0x0;
	lr =	simm.s32 $0x1  }
0x2: {  	[smem:$0x3F99] =	sst lr;
	_ =	strace $0xD0000000  }
0x3: {  	_ = 	snop  }
0x4: {  	_ = 	snop  }
0x5: {  	_ = 	snop  }
0x6: {  	_ = 	snop  }
0x7: {  	_ = 	snop  }
__scs_overlays_trampoline_lowered:
0x8: {  	[smem:$0x3FA8] =	sst s0  }
0x9: {  	[smem:$0x3FA9] =	sst s1  }
0xa: {  	[smem:$0x3FAA] =	sst s2  }
0xb: {  	[smem:$0x3FAB] =	sst s3  }
0xc: {  	[smem:$0x3FAC] =	sst s4  }
0xd: {  	[smem:$0x3FAD] =	sst s5  }
0xe: {  	[smem:$0x3FAE] =	sst s6  }
0xf: {  	[smem:$0x3FAF] =	sst s7  }
0x10: {  	[smem:$0x3FB0] =	sst s8  }
0x11: {  	[smem:$0x3FB1] =	sst s9;
	s0 =	simm.s32 @!p0 $0x0  }
0x12: {  	s1 =	sld [smem:$0x3F97];
	s0 =	simm.s32 @p0 $0x1  }
0x13: {  	[smem:$0x3FB2] =	sst s0;
	s0 =	simm.s32 @!p1 $0x0  }
0x14: {  	s2 =	sld [smem:$0x3F96];
	s0 =	simm.s32 @p1 $0x1  }
0x15: {  	[smem:$0x3FB3] =	sst s0;
	s0 =	simm.s32 @!p2 $0x0  }
0x16: {  	s3 =	sld [smem:$0x3FDB];
	s0 =	simm.s32 @p2 $0x1  }
0x17: {  	s4 =	simm.s32 $0x1BF5;
	[smem:$0x3FB5] =	sst s0  }
0x18: {  	s0 =	sld [smem:$0x3F98];
	_ =	swait.ge [sflag:s4], $0x0  }
0x19: {  	s7 =	sld [smem:$0x3F99]  }
0x1a: {  	s8 =	sadd.s32 $0xFFFFE003, lr  }
0x1b: {  	s9 =	sadd.s32 $0xFFFFFEF7, lr;
	s5 =	simm.s32 $0xFFFFFFFF;
	p2 =	slt.u32 s8, $0xFFFFF086  }
0x1c: {  	p1 =	slt.u32 s9, $0xF7A;
	s5 =	simm.s32 @!p2 $0x0  }
0x1d: {  	s5 =	simm.s32 @p1 $0x1;
	p0 =	seq.s32 s7, s2  }
0x1e: {  	s7 =	smul.u32 @!p0 $0xF7A, s2;
	p2 =	seq.s32 @!p0 s5, $0x0  }
0x1f: {  	s9 =	smul.u32 $0xF7A, s1;
	s8 =	simm.s32 @!p0 $0x1BF5;
	p2 =	por !p2, p0  }
0x20: {  	[sflag:s8] =	ssyncset.s32 @!p0 $0xFFFFF086;
	s6 =	sadd.s32 @!p0 s3, s7;
	s7 =	simm.s32 @!p0 $0x108  }
0x21: {  	s3 =	sadd.s32 s3, s9;
	s6 =	sadd.s32 @!p0 $0x88, s6;
	s7 =	simm.s32 @p2 $0x1082  }
0x22: {  	[simem:s7], [sflag:s8] =	dma.local @!p0 [hbm:s6], $0xF7A  }
0x23: {  	s9 =	sor.u32 $0xD0000000, s2;
	s6 =	simm.s32 $0x108;
	_ =	swait.ge @!p0 [sflag:s8], $0x0  }
0x24: {  	s3 =	sadd.s32 $0x88, s3;
	s6 =	simm.s32 @!p1 $0x1082;
	[sflag:s4] =	ssyncset.s32 $0xFFFFF086  }
0x25: {  	[simem:s6], [sflag:s4] =	dma.local [hbm:s3], $0xF7A  }
0x26: {  	[smem:$0x3F99] =	sst s1;
	(tag) =	ssettag s2;
	_ =	strace s9  }
0x27: {  	s1 =	sld [smem:$0x3FA9]  }
0x28: {  	s2 =	sld [smem:$0x3FAA]  }
0x29: {  	s4 =	sld [smem:$0x3FAC]  }
0x2a: {  	p0 =	seq.s32 s5, $0x0;
	s5 =	sld [smem:$0x3FAD]  }
0x2b: {  	s6 =	sld [smem:$0x3FAE]  }
0x2c: {  	s7 =	sld [smem:$0x3FAF]  }
0x2d: {  	s3 =	simm.s32 $0x108;
	s8 =	sld [smem:$0x3FB0]  }
0x2e: {  	s3 =	simm.s32 @!p0 $0x1082;
	s9 =	sld [smem:$0x3FB1]  }
0x2f: {  	lr =	sadd.s32 s0, s3;
	s0 =	sld [smem:$0x3FA8]  }
0x30: {  	s3 =	sld [smem:$0x3FAB]  }
0x31: {  	[smem:$0x3FB4] =	sst s10  }
0x32: {  	s10 =	sld [smem:$0x3FB2];
	_ =	sdelay $0x3  }
0x33: {  	p0 =	seq.s32 s10, $0x1;
	s10 =	sld [smem:$0x3FB4];
	_ =	sdelay $0x3  }
0x34: {  	[smem:$0x3FB4] =	sst s10  }
0x35: {  	s10 =	sld [smem:$0x3FB3];
	_ =	sdelay $0x3  }
0x36: {  	p1 =	seq.s32 s10, $0x1;
	s10 =	sld [smem:$0x3FB4];
	_ =	sdelay $0x3  }
0x37: {  	[smem:$0x3FB4] =	sst s10  }
0x38: {  	s10 =	sld [smem:$0x3FB5]  }
0x39: {  	_ = 	snop;
	(pc) =	sbr.ind lr, $3  }
0x3a: {  	_ = 	snop  }
0x3b: {  	_ = 	snop  }
0x3c: {  	p2 =	seq.s32 s10, $0x1;
	s10 =	sld [smem:$0x3FB4]  }
0x3d: {  	_ =	shalt  }
0x3e: {  	_ =	shalt  }
0x3f: {  	_ =	shalt  }
0x40: {  	_ =	shalt  }
0x41: {  	_ =	shalt  }
0x42: {  	_ =	shalt  }
0x43: {  	_ =	shalt  }
0x44: {  	_ =	shalt  }
0x45: {  	_ =	shalt  }
0x46: {  	_ =	shalt  }
0x47: {  	_ =	shalt  }
0x48: {  	_ =	shalt  }
0x49: {  	_ =	shalt  }
0x4a: {  	_ =	shalt  }
0x4b: {  	_ =	shalt  }
0x4c: {  	_ =	shalt  }
0x4d: {  	_ =	shalt  }
0x4e: {  	_ =	shalt  }
0x4f: {  	_ =	shalt  }
0x50: {  	_ =	shalt  }
0x51: {  	_ =	shalt  }
0x52: {  	_ =	shalt  }
0x53: {  	_ =	shalt  }
0x54: {  	_ =	shalt  }
0x55: {  	_ =	shalt  }
0x56: {  	_ =	shalt  }
0x57: {  	_ =	shalt  }
0x58: {  	_ =	shalt  }
0x59: {  	_ =	shalt  }
0x5a: {  	_ =	shalt  }
0x5b: {  	_ =	shalt  }
0x5c: {  	_ =	shalt  }
0x5d: {  	_ =	shalt  }
0x5e: {  	_ =	shalt  }
0x5f: {  	_ =	shalt  }
0x60: {  	_ =	shalt  }
0x61: {  	_ =	shalt  }
0x62: {  	_ =	shalt  }
0x63: {  	_ =	shalt  }
0x64: {  	_ =	shalt  }
0x65: {  	_ =	shalt  }
0x66: {  	_ =	shalt  }
0x67: {  	_ =	shalt  }
0x68: {  	_ =	shalt  }
0x69: {  	_ =	shalt  }
0x6a: {  	_ =	shalt  }
0x6b: {  	_ =	shalt  }
0x6c: {  	_ =	shalt  }
0x6d: {  	_ =	shalt  }
0x6e: {  	_ =	shalt  }
0x6f: {  	_ =	shalt  }
0x70: {  	_ =	shalt  }
0x71: {  	_ =	shalt  }
0x72: {  	_ =	shalt  }
0x73: {  	_ =	shalt  }
0x74: {  	_ =	shalt  }
0x75: {  	_ =	shalt  }
0x76: {  	_ =	shalt  }
0x77: {  	_ =	shalt  }
0x78: {  	_ =	shalt  }
0x79: {  	_ =	shalt  }
0x7a: {  	_ =	shalt  }
0x7b: {  	_ =	shalt  }
0x7c: {  	_ =	shalt  }
0x7d: {  	_ =	shalt  }
0x7e: {  	_ =	shalt  }
0x7f: {  	_ =	shalt  }
0x80: {  	_ =	shalt  }
0x81: {  	_ =	shalt  }
0x82: {  	_ =	shalt  }
0x83: {  	_ =	shalt  }
0x84: {  	_ =	shalt  }
0x85: {  	_ =	shalt  }
0x86: {  	_ =	shalt  }
0x87: {  	_ =	shalt  }
.Lfunc_end0:
.L_simem_size_0:
called_computation.1_lowered:
.L_overlay_start_0:
0x88: {  	s2 =	sld [smem:$0x3FD9]  }
0x89: {  	s3 =	sld [smem:$0x3FFE];
	_ =	sdelay $0x1  }
0x8a: {  	s1 =	srdreg.scid  }
0x8b: {  	s0 =	sand.u32 $0x1, s1  }
0x8c: {  	s14 =	sshll.u32 s0, $0xA;
	s2 =	sadd.s32 s3, s2  }
0x8d: {  	s2 =	sadd.s32 s2, s14  }
0x8e: {  	[smem:$0x3FC0] =	sst s2  }
0x8f: {  	_ = 	snop  }
0x90: {  	s2 =	sld [smem:$0x3FD0];
	_ =	sdelay $0x2  }
0x91: {  	s15 =	simm.s32 $0xA;
	s4 =	simm.s32 $0x10  }
0x92: {  	[smem:s4], [sflag:s15] =	dma.local [hbm:s2], $0x1  }
0x93: {  	_ =	swait.eq [sflag:s15], $0x1  }
0x94: {  	[sflag:s15] =	ssyncset.done $0x0  }
0x95: {  	[sflag:s15] =	ssyncadd.s32 $0xFFFFFFFF  }
0x96: {  	s16 =	sld [smem:$0x11];
	(tm) =	ssettm $0x1  }
0x97: {  	s17 =	sld [smem:$0x3FFB];
	_ =	sdelay $0x3  }
0x98: {  	_ =	strace s17  }
0x99: {  	s3 =	sld [smem:$0x3FFC];
	_ =	sdelay $0x3  }
0x9a: {  	_ =	strace s3  }
0x9b: {  	s3 =	sld [smem:$0x3FFD];
	_ =	sdelay $0x3  }
0x9c: {  	_ =	strace s3  }
0x9d: {  	_ =	strace $0x8FFFFFFF  }
0x9e: {  	s18 =	sld [smem:$0x3FDB];
	_ =	sdelay $0x1  }
0x9f: {  	s19 =	simm.s32 $_scs_section_size  }
0xa0: {  	s5 =	simm.s32 $_size__tile_overlayer_lowered;
	s6 =	simm.s32 $_tile_overlayer_lowered  }
0xa1: {  	s22 =	simm.s32 $0x1BFF;
	s21 =	sshll.u32 s6, $0x1;
	s3 =	sadd.s32 s19, s18  }
0xa2: {  	s7 =	simm.s32 $0x0;
	s20 =	sshll.u32 s5, $0x1;
	s5 =	sadd.s32 s21, s3  }
0xa3: {  	[timem:s7], [sflag:s22] =	dma.local [hbm:s5], s20  }
0xa4: {  	_ =	swait.ge [sflag:s22], s20  }
0xa5: {  	s4 =	ssub.s32 $0x0, s20;
	[sflag:s22] =	ssyncset.done $0x0  }
0xa6: {  	[sflag:s22] =	ssyncadd.s32 s4;
	_ =	sdelay $0x1  }
0xa7: {  	s23 =	simm.s32 $0x1B8B  }
0xa8: {  	_ =	swait.ge [sflag:s23], $0x1  }
0xa9: {  	[sflag:s23] =	ssyncset.done $0x0  }
0xaa: {  	s25 =	simm.s32 $0x1B8E;
	s24 =	sld [smem:$0x3FFE];
	[sflag:s23] =	ssyncadd.s32 $0xFFFFFFFF  }
0xab: {  	s26 =	simm.s32 $execute0_lowered;
	[smem:$0x3FD2] =	sst s25  }
0xac: {  	s5 =	sshll.u32 s26, $0x1;
	_ =	strace $0x80000049;
	[dreg:$0x1] =	wrdreg $0xFFFFFFFF  }
0xad: {  	s28 =	simm.s32 $_size_execute0_lowered;
	s3 =	sadd.s32 s3, s5;
	[dreg:$0x0] =	wrdreg $0x0  }
0xae: {  	s5 =	sshll.u32 s28, $0x1;
	[dreg:$0x2] =	wrdreg s3  }
0xaf: {  	[dreg:$0x3] =	wrdreg s5  }
0xb0: {  	[dreg:$0x4] =	wrdreg $0xC0  }
0xb1: {  	_ =	task [dreg:s7], $0x5FFFF  }
0xb2: {  	[dreg:$0x1] =	wrdreg $0xFFFFFFFF  }
0xb3: {  	[dreg:$0x0] =	wrdreg $0x60  }
0xb4: {  	[dreg:$0x2] =	wrdreg s24  }
0xb5: {  	[dreg:$0x3] =	wrdreg s16  }
0xb6: {  	[dreg:$0x4] =	wrdreg $0x120400  }
0xb7: {  	[dreg:$0x5] =	wrdreg $0x9  }
0xb8: {  	_ =	task.clear_ibuf [dreg:s7], $0x6FFFF;
	_ =	strace $0x90000049  }
0xb9: {  	s29 =	simm.s32 $0x9;
	_ =	strace $0x8000004B  }
0xba: {  	_ =	swait.ge [sflag:s29], $0x1  }
0xbb: {  	[sflag:s29] =	ssyncadd.s32 $0xFFFFFFFF  }
0xbc: {  	_ =	strace $0x9000004B  }
0xbd: {  	_ =	sfence  }
0xbe: {  	s30 =	sld [smem:$0x0];
	_ =	sdelay $0x2  }
0xbf: {  	s31 =	sshll.u32 s1, $0xD;
	s1 =	sshrl.u32 s1, $0x2  }
0xc0: {  	s3 =	sand.u32 $0x4000, s31;
	s1 =	sadd.s32 s1, s30  }
0xc1: {  	s0 =	sor.u32 s3, s0;
	s1 =	sshll.u32 s1, $0x11  }
0xc2: {  	s0 =	sor.u32 s1, s0  }
0xc3: {  	s0 =	sadd.s32 $0x8F2B, s0  }
0xc4: {  	[sflag:s0] =	ssyncadd.remote.s32 $0x1  }
0xc5: {  	_ =	sfence.sel $0xFFFF  }
0xc6: {  	[dreg:$0x0] =	wrdreg $0xFFFFFFFF;
	(pc) =	sbr.abs _section_cstart, $3  }
0xc7: {  	[dreg:$0x1] =	wrdreg $0xFFFFFFFF  }
0xc8: {  	_ =	task.clear_ibuf [dreg:s7], $0x2FFFF;
	_ =	strace $0x9FFFFFFF  }
0xc9: {  	(tm) =	ssettm $0x7FFFFFFF  }
tec
execute0_lowered:
.L_overlay_start_1:
0x0: {  	(tag) =	ssettag $0x1  }
0x1: {  	s0 =	rddreg [dreg:$0x0]  }
0x2: {  	s1 =	rddreg [dreg:$0x1];
	s10 =	stileid.u32  }
0x3: {  	s3 =	srdreg.scid;
	s2 =	rddreg [dreg:$0x2]  }
0x4: {  	s14 =	simm.s32 $0x6;
	s16 =	simm.s32 $0x10040;
	s17 =	simm.s32 $0x50  }
0x5: {  	s18 =	simm.s32 $0x9C40;
	s19 =	simm.s32 $0xB040;
	s21 =	simm.s32 $0xC440  }
0x6: {  	s28 =	simm.s32 $0x1;
	s29 =	simm.s32 $0x2;
	s4 =	smul.u32 $0x4E20, s10  }
0x7: {  	s30 =	simm.s32 $0x3;
	s31 =	simm.s32 $0x4;
	s9 =	smul.u32 $0xA000, s10  }
0x8: {  	s5 =	sand.u32 $0x1, s3;
	s3 =	simm.s32 $0x0;
	s10 =	smul.u32 $0x28000, s10  }
0x9: {  	s6 =	smul.u32 $0xA0000, s5;
	[smem:$0x7FF] =	sst s3;
	s23 =	ssub.s32 $0x2, s5  }
0xa: {  	s24 =	smul.u32 $0x13880, s5;
	_ =	strace $0x8000004A;
	s4 =	sshrl.u32 s4, $0x3  }
0xb: {  	s8 =	sshrl.u32 s23, $0x1;
	s25 =	sshrl.u32 s10, $0x2;
	s26 =	sadd.s32 s9, s2  }
0xc: {  	s7 =	sadd.s32 s4, s0;
	s22 =	sadd.s32 s9, s6;
	s11 =	ssub.s32 s23, s8  }
0xd: {  	s6 =	sadd.s32 s25, s2;
	s23 =	simm.s32 $0xD840;
	s25 =	sshrl.u32 s26, $0x3  }
0xe: {  	s26 =	simm.s32 $0xEC40;
	s4 =	sshrl.u32 s22, $0x3;
	s5 =	sadd.s32 $0x17040, s7  }
0xf: {  	s9 =	smax.u32 s11, $0x1;
	s10 =	sadd.s32 $0x2000, s6;
	s11 =	sadd.s32 $0x4000, s6  }
0x10: {  	s12 =	sadd.s32 $0x6000, s6;
	s13 =	sadd.s32 $0x8000, s6;
	s0 =	sadd.s32 s4, s0  }
0x11: {  	s4 =	sadd.s32 $0xD400, s7;
	s7 =	sadd.s32 s1, s24;
	s1 =	simm.s32 $0x5  }
0x12: {  	v0 =	vimm.f32 $0.0e+00;
	s24 =	simm.s32 $0x9BF0;
	s8 =	sadd.s32 $0x6F000, s0;
	s0 =	simm.s32 $0x0  }
.LBB2_1:
0x13: {  	[tilespmem:s3], [sflag:$0x6] =	stream.linear.gather [hbm4b:s4+s3], $0x4E20, $0x38;
	[tilespmem:$0x1C040] =	vst v63  }
0x14: {  	_ =	swait.ge [sflag:s14], $0x4E20  }
0x15: {  	[sflag:s14] =	ssyncset.done $0x0  }
0x16: {  	s15 =	simm.s32 $0x4E20;
	[sflag:s14] =	ssyncadd.s32 $0xFFFFB1E0  }
0x17: {  	[tilespmem:s15], [sflag:$0x6] =	stream.linear.gather [hbm4b:s5+s3], $0x4E20, $0x38;
	[tilespmem:$0x1C040] =	vst v63  }
0x18: {  	_ =	swait.ge [sflag:s14], $0x4E20  }
0x19: {  	[sflag:s14] =	ssyncset.done $0x0  }
0x1a: {  	s20 =	simm.s32 $0x100;
	s15 =	simm.s32 $0x0;
	[sflag:s14] =	ssyncadd.s32 $0xFFFFB1E0  }
.LBB2_2:
0x1b: {  	p0 =	sne.s32 s20, $0x7F00;
	[tilespmem:s15+$0x10070] =	vst v0;
	s22 =	smov.u32 s20;
	s20 =	sadd.s32 $0x100, s20  }
.Ltmp0:
0x1c: {  	[tilespmem:s15+$0x10060] =	vst v0;
	(pc) =	sbr.rel @p0 .LBB2_2-.Ltmp0, $3  }
0x1d: {  	[tilespmem:s15+$0x10040] =	vst v0  }
0x1e: {  	[tilespmem:s15+$0x10050] =	vst v0;
	_ =	sdelay $0x1  }
0x1f: {  	s15 =	sshra.s32 s22, $0x2  }
0x20: {  	[tilespmem:s15+$0x10070] =	vst v0  }
0x21: {  	[tilespmem:s15+$0x10060] =	vst v0  }
0x22: {  	[tilespmem:s15+$0x10040] =	vst v0  }
0x23: {  	[tilespmem:s15+$0x10050] =	vst v0  }
0x24: {  	[spmem:s6] =	stream.linear.scatter [tilespmem:s16], [sflag:$0x6], $0x2000, $0x38;
	[tilespmem:$0x1C040] =	vst v63  }
0x25: {  	_ =	swait.ge [sflag:s14], $0x2000  }
0x26: {  	[sflag:s14] =	ssyncset.done $0x0  }
0x27: {  	[sflag:s14] =	ssyncadd.s32 $0xFFFFE000  }
0x28: {  	[spmem:s10] =	stream.linear.scatter [tilespmem:s16], [sflag:$0x6], $0x2000, $0x38;
	[tilespmem:$0x1C040] =	vst v63  }
0x29: {  	_ =	swait.ge [sflag:s14], $0x2000  }
0x2a: {  	[sflag:s14] =	ssyncset.done $0x0  }
0x2b: {  	[sflag:s14] =	ssyncadd.s32 $0xFFFFE000  }
0x2c: {  	[spmem:s11] =	stream.linear.scatter [tilespmem:s16], [sflag:$0x6], $0x2000, $0x38;
	[tilespmem:$0x1C040] =	vst v63  }
0x2d: {  	_ =	swait.ge [sflag:s14], $0x2000  }
0x2e: {  	[sflag:s14] =	ssyncset.done $0x0  }
0x2f: {  	[sflag:s14] =	ssyncadd.s32 $0xFFFFE000  }
0x30: {  	[spmem:s12] =	stream.linear.scatter [tilespmem:s16], [sflag:$0x6], $0x2000, $0x38;
	[tilespmem:$0x1C040] =	vst v63  }
0x31: {  	_ =	swait.ge [sflag:s14], $0x2000  }
0x32: {  	[sflag:s14] =	ssyncset.done $0x0  }
0x33: {  	[sflag:s14] =	ssyncadd.s32 $0xFFFFE000  }
0x34: {  	[spmem:s13] =	stream.linear.scatter [tilespmem:s16], [sflag:$0x6], $0x2000, $0x38;
	[tilespmem:$0x1C040] =	vst v63  }
0x35: {  	_ =	swait.ge [sflag:s14], $0x2000  }
0x36: {  	[sflag:s14] =	ssyncset.done $0x0  }
0x37: {  	[sflag:s14] =	ssyncadd.s32 $0xFFFFE000  }
0x38: {  	s22 =	simm.s32 $0x0;
	[bflag:$0x0] =	sbarrier.arrive $0xFFFF  }
0x39: {  	[tilespmem:s18], [sflag:$0x1] =	stream.indirect.gather [hbm4b:s7+s17], $0x40, s22, s17, $0xb8;
	[tilespmem:$0x1C040] =	vst v63  }
0x3a: {  	_ = 	snop  }
0x3b: {  	[tilespmem:s19], [sflag:$0x2] =	stream.indirect.gather [hbm4b:s7+s17], $0x40, s17, s17, $0xb8;
	[tilespmem:$0x1C040] =	vst v63  }
0x3c: {  	s20 =	simm.s32 $0xA0  }
0x3d: {  	[tilespmem:s21], [sflag:$0x3] =	stream.indirect.gather [hbm4b:s7+s17], $0x40, s20, s17, $0xb8;
	[tilespmem:$0x1C040] =	vst v63  }
0x3e: {  	s22 =	simm.s32 $0xF0  }
0x3f: {  	[tilespmem:s23], [sflag:$0x4] =	stream.indirect.gather [hbm4b:s7+s17], $0x40, s22, s17, $0xb8;
	[tilespmem:$0x1C040] =	vst v63  }
0x40: {  	s20 =	simm.s32 $0x140  }
0x41: {  	[tilespmem:s26], [sflag:$0x5] =	stream.indirect.gather [hbm4b:s7+s17], $0x40, s20, s17, $0xb8;
	[tilespmem:$0x1C040] =	vst v63  }
0x42: {  	_ =	swait.ge [sflag:s28], $0x1400  }
0x43: {  	[sflag:s28] =	ssyncset.done $0x0  }
0x44: {  	s22 =	simm.s32 $0x4E20;
	[sflag:s28] =	ssyncadd.s32 $0xFFFFEC00  }
0x45: {  	[spmem:s2] =	stream.indirect.scatter.add.f32 [tilespmem:s18], [sflag:$0x1], $0x40, s22, s17, $0xb8;
	[tilespmem:$0x1C040] =	vst v63  }
0x46: {  	_ =	swait.ge [sflag:s28], $0x1400  }
0x47: {  	[sflag:s28] =	ssyncset.done $0x0  }
0x48: {  	s20 =	simm.s32 $0x190;
	[sflag:s28] =	ssyncadd.s32 $0xFFFFEC00  }
0x49: {  	[tilespmem:s18], [sflag:$0x1] =	stream.indirect.gather [hbm4b:s7+s17], $0x40, s20, s17, $0xb8;
	[tilespmem:$0x1C040] =	vst v63  }
0x4a: {  	_ =	swait.ge [sflag:s29], $0x1400  }
0x4b: {  	[sflag:s29] =	ssyncset.done $0x0  }
0x4c: {  	s22 =	simm.s32 $0x4E70;
	[sflag:s29] =	ssyncadd.s32 $0xFFFFEC00  }
0x4d: {  	[spmem:s2] =	stream.indirect.scatter.add.f32 [tilespmem:s19], [sflag:$0x2], $0x40, s22, s17, $0xb8;
	[tilespmem:$0x1C040] =	vst v63  }
0x4e: {  	_ =	swait.ge [sflag:s29], $0x1400  }
0x4f: {  	[sflag:s29] =	ssyncset.done $0x0  }
0x50: {  	s20 =	simm.s32 $0x1E0;
	[sflag:s29] =	ssyncadd.s32 $0xFFFFEC00  }
0x51: {  	[tilespmem:s19], [sflag:$0x2] =	stream.indirect.gather [hbm4b:s7+s17], $0x40, s20, s17, $0xb8;
	[tilespmem:$0x1C040] =	vst v63  }
0x52: {  	_ =	swait.ge [sflag:s30], $0x1400  }
0x53: {  	[sflag:s30] =	ssyncset.done $0x0  }
0x54: {  	s22 =	simm.s32 $0x4EC0;
	[sflag:s30] =	ssyncadd.s32 $0xFFFFEC00  }
0x55: {  	[spmem:s2] =	stream.indirect.scatter.add.f32 [tilespmem:s21], [sflag:$0x3], $0x40, s22, s17, $0xb8;
	[tilespmem:$0x1C040] =	vst v63  }
0x56: {  	_ =	swait.ge [sflag:s30], $0x1400  }
0x57: {  	[sflag:s30] =	ssyncset.done $0x0  }
0x58: {  	s20 =	simm.s32 $0x230;
	[sflag:s30] =	ssyncadd.s32 $0xFFFFEC00  }
0x59: {  	[tilespmem:s21], [sflag:$0x3] =	stream.indirect.gather [hbm4b:s7+s17], $0x40, s20, s17, $0xb8;
	[tilespmem:$0x1C040] =	vst v63  }
0x5a: {  	_ =	swait.ge [sflag:s31], $0x1400  }
0x5b: {  	[sflag:s31] =	ssyncset.done $0x0  }
0x5c: {  	s22 =	simm.s32 $0x4F10;
	[sflag:s31] =	ssyncadd.s32 $0xFFFFEC00  }
0x5d: {  	[spmem:s2] =	stream.indirect.scatter.add.f32 [tilespmem:s23], [sflag:$0x4], $0x40, s22, s17, $0xb8;
	[tilespmem:$0x1C040] =	vst v63  }
0x5e: {  	_ =	swait.ge [sflag:s31], $0x1400  }
0x5f: {  	[sflag:s31] =	ssyncset.done $0x0  }
0x60: {  	s20 =	simm.s32 $0x280;
	[sflag:s31] =	ssyncadd.s32 $0xFFFFEC00  }
0x61: {  	[tilespmem:s23], [sflag:$0x4] =	stream.indirect.gather [hbm4b:s7+s17], $0x40, s20, s17, $0xb8;
	[tilespmem:$0x1C040] =	vst v63  }
0x62: {  	_ =	swait.ge [sflag:s1], $0x1400  }
0x63: {  	[sflag:s1] =	ssyncset.done $0x0  }
0x64: {  	s22 =	simm.s32 $0x4F60;
	[sflag:s1] =	ssyncadd.s32 $0xFFFFEC00  }
0x65: {  	[spmem:s2] =	stream.indirect.scatter.add.f32 [tilespmem:s26], [sflag:$0x5], $0x40, s22, s17, $0xb8;
	[tilespmem:$0x1C040] =	vst v63  }
0x66: {  	_ =	swait.ge [sflag:s1], $0x1400  }
0x67: {  	[sflag:s1] =	ssyncset.done $0x0  }
0x68: {  	s15 =	simm.s32 $0x640;
	s20 =	simm.s32 $0x2D0;
	[sflag:s1] =	ssyncadd.s32 $0xFFFFEC00  }
.LBB2_4:
0x69: {  	[tilespmem:s26], [sflag:$0x5] =	stream.indirect.gather [hbm4b:s7+s17], $0x40, s20, s17, $0xb8;
	[tilespmem:$0x1C040] =	vst v63  }
0x6a: {  	s20 =	smov.u32 s15  }
0x6b: {  	p0 =	sne.s32 s15, $0x12C00;
	s15 =	sadd.s32 $0x640, s15;
	_ =	swait.ge [sflag:s28], $0x1400  }
0x6c: {  	s20 =	sshra.s32 s20, $0x2;
	[sflag:s28] =	ssyncset.done $0x0  }
0x6d: {  	s22 =	sadd.s32 $0x4E20, s20;
	[sflag:s28] =	ssyncadd.s32 $0xFFFFEC00  }
0x6e: {  	[spmem:s2] =	stream.indirect.scatter.add.f32 [tilespmem:s18], [sflag:$0x1], $0x40, s22, s17, $0xb8;
	[tilespmem:$0x1C040] =	vst v63  }
0x6f: {  	_ =	swait.ge [sflag:s28], $0x1400  }
0x70: {  	[sflag:s28] =	ssyncset.done $0x0  }
0x71: {  	s22 =	sadd.s32 $0x190, s20;
	[sflag:s28] =	ssyncadd.s32 $0xFFFFEC00  }
0x72: {  	[tilespmem:s18], [sflag:$0x1] =	stream.indirect.gather [hbm4b:s7+s17], $0x40, s22, s17, $0xb8;
	[tilespmem:$0x1C040] =	vst v63  }
0x73: {  	_ =	swait.ge [sflag:s29], $0x1400  }
0x74: {  	[sflag:s29] =	ssyncset.done $0x0  }
0x75: {  	s22 =	sadd.s32 $0x4E70, s20;
	[sflag:s29] =	ssyncadd.s32 $0xFFFFEC00  }
0x76: {  	[spmem:s2] =	stream.indirect.scatter.add.f32 [tilespmem:s19], [sflag:$0x2], $0x40, s22, s17, $0xb8;
	[tilespmem:$0x1C040] =	vst v63  }
0x77: {  	_ =	swait.ge [sflag:s29], $0x1400  }
0x78: {  	[sflag:s29] =	ssyncset.done $0x0  }
0x79: {  	s22 =	sadd.s32 $0x1E0, s20;
	[sflag:s29] =	ssyncadd.s32 $0xFFFFEC00  }
0x7a: {  	[tilespmem:s19], [sflag:$0x2] =	stream.indirect.gather [hbm4b:s7+s17], $0x40, s22, s17, $0xb8;
	[tilespmem:$0x1C040] =	vst v63  }
0x7b: {  	_ =	swait.ge [sflag:s30], $0x1400  }
0x7c: {  	[sflag:s30] =	ssyncset.done $0x0  }
0x7d: {  	s22 =	sadd.s32 $0x4EC0, s20;
	[sflag:s30] =	ssyncadd.s32 $0xFFFFEC00  }
0x7e: {  	[spmem:s2] =	stream.indirect.scatter.add.f32 [tilespmem:s21], [sflag:$0x3], $0x40, s22, s17, $0xb8;
	[tilespmem:$0x1C040] =	vst v63  }
0x7f: {  	_ =	swait.ge [sflag:s30], $0x1400  }
0x80: {  	[sflag:s30] =	ssyncset.done $0x0  }
0x81: {  	s22 =	sadd.s32 $0x230, s20;
	[sflag:s30] =	ssyncadd.s32 $0xFFFFEC00  }
0x82: {  	[tilespmem:s21], [sflag:$0x3] =	stream.indirect.gather [hbm4b:s7+s17], $0x40, s22, s17, $0xb8;
	[tilespmem:$0x1C040] =	vst v63  }
0x83: {  	_ =	swait.ge [sflag:s31], $0x1400  }
0x84: {  	[sflag:s31] =	ssyncset.done $0x0  }
0x85: {  	s22 =	sadd.s32 $0x4F10, s20;
	[sflag:s31] =	ssyncadd.s32 $0xFFFFEC00  }
0x86: {  	[spmem:s2] =	stream.indirect.scatter.add.f32 [tilespmem:s23], [sflag:$0x4], $0x40, s22, s17, $0xb8;
	[tilespmem:$0x1C040] =	vst v63  }
0x87: {  	_ =	swait.ge [sflag:s31], $0x1400  }
0x88: {  	[sflag:s31] =	ssyncset.done $0x0  }
0x89: {  	s22 =	sadd.s32 $0x280, s20;
	[sflag:s31] =	ssyncadd.s32 $0xFFFFEC00  }
0x8a: {  	[tilespmem:s23], [sflag:$0x4] =	stream.indirect.gather [hbm4b:s7+s17], $0x40, s22, s17, $0xb8;
	[tilespmem:$0x1C040] =	vst v63  }
0x8b: {  	_ =	swait.ge [sflag:s1], $0x1400  }
0x8c: {  	[sflag:s1] =	ssyncset.done $0x0  }
.Ltmp1:
0x8d: {  	s22 =	sadd.s32 $0x4F60, s20;
	[sflag:s1] =	ssyncadd.s32 $0xFFFFEC00;
	(pc) =	sbr.rel @p0 .LBB2_4-.Ltmp1, $4  }
0x8e: {  	[spmem:s2] =	stream.indirect.scatter.add.f32 [tilespmem:s26], [sflag:$0x5], $0x40, s22, s17, $0xb8;
	[tilespmem:$0x1C040] =	vst v63  }
0x8f: {  	_ =	swait.ge [sflag:s1], $0x1400  }
0x90: {  	[sflag:s1] =	ssyncset.done $0x0  }
0x91: {  	s20 =	sadd.s32 $0x2D0, s20;
	[sflag:s1] =	ssyncadd.s32 $0xFFFFEC00  }
0x92: {  	[tilespmem:s26], [sflag:$0x5] =	stream.indirect.gather [hbm4b:s7+s17], $0x40, s20, s17, $0xb8;
	[tilespmem:$0x1C040] =	vst v63  }
0x93: {  	_ =	swait.ge [sflag:s28], $0x1400  }
0x94: {  	[sflag:s28] =	ssyncset.done $0x0  }
0x95: {  	s15 =	simm.s32 $0x9AB0;
	[sflag:s28] =	ssyncadd.s32 $0xFFFFEC00  }
0x96: {  	[spmem:s2] =	stream.indirect.scatter.add.f32 [tilespmem:s18], [sflag:$0x1], $0x40, s15, s17, $0xb8;
	[tilespmem:$0x1C040] =	vst v63  }
0x97: {  	_ =	swait.ge [sflag:s28], $0x1400  }
0x98: {  	[sflag:s28] =	ssyncset.done $0x0  }
0x99: {  	[sflag:s28] =	ssyncadd.s32 $0xFFFFEC00  }
0x9a: {  	_ =	swait.ge [sflag:s29], $0x1400  }
0x9b: {  	[sflag:s29] =	ssyncset.done $0x0  }
0x9c: {  	s20 =	simm.s32 $0x9B00;
	[sflag:s29] =	ssyncadd.s32 $0xFFFFEC00  }
0x9d: {  	[spmem:s2] =	stream.indirect.scatter.add.f32 [tilespmem:s19], [sflag:$0x2], $0x40, s20, s17, $0xb8;
	[tilespmem:$0x1C040] =	vst v63  }
0x9e: {  	_ =	swait.ge [sflag:s29], $0x1400  }
0x9f: {  	[sflag:s29] =	ssyncset.done $0x0  }
0xa0: {  	[sflag:s29] =	ssyncadd.s32 $0xFFFFEC00  }
0xa1: {  	_ =	swait.ge [sflag:s30], $0x1400  }
0xa2: {  	[sflag:s30] =	ssyncset.done $0x0  }
0xa3: {  	s22 =	simm.s32 $0x9B50;
	[sflag:s30] =	ssyncadd.s32 $0xFFFFEC00  }
0xa4: {  	[spmem:s2] =	stream.indirect.scatter.add.f32 [tilespmem:s21], [sflag:$0x3], $0x40, s22, s17, $0xb8;
	[tilespmem:$0x1C040] =	vst v63  }
0xa5: {  	_ =	swait.ge [sflag:s30], $0x1400  }
0xa6: {  	[sflag:s30] =	ssyncset.done $0x0  }
0xa7: {  	[sflag:s30] =	ssyncadd.s32 $0xFFFFEC00  }
0xa8: {  	_ =	swait.ge [sflag:s31], $0x1400  }
0xa9: {  	[sflag:s31] =	ssyncset.done $0x0  }
0xaa: {  	s20 =	simm.s32 $0x9BA0;
	[sflag:s31] =	ssyncadd.s32 $0xFFFFEC00  }
0xab: {  	[spmem:s2] =	stream.indirect.scatter.add.f32 [tilespmem:s23], [sflag:$0x4], $0x40, s20, s17, $0xb8;
	[tilespmem:$0x1C040] =	vst v63  }
0xac: {  	_ =	swait.ge [sflag:s31], $0x1400  }
0xad: {  	[sflag:s31] =	ssyncset.done $0x0  }
0xae: {  	[sflag:s31] =	ssyncadd.s32 $0xFFFFEC00  }
0xaf: {  	_ =	swait.ge [sflag:s1], $0x1400  }
0xb0: {  	[sflag:s1] =	ssyncset.done $0x0  }
0xb1: {  	[sflag:s1] =	ssyncadd.s32 $0xFFFFEC00  }
0xb2: {  	[spmem:s2] =	stream.indirect.scatter.add.f32 [tilespmem:s26], [sflag:$0x5], $0x40, s24, s17, $0xb8;
	[tilespmem:$0x1C040] =	vst v63  }
0xb3: {  	_ =	swait.ge [sflag:s1], $0x1400  }
0xb4: {  	s0 =	sadd.s32 $0x1, s0;
	s22 =	stileid.u32;
	[sflag:s1] =	ssyncset.done $0x0  }
0xb5: {  	p0 =	sne.s32 s0, s9;
	s15 =	sshll.u32 s22, $0x6;
	[sflag:s1] =	ssyncadd.s32 $0xFFFFEC00  }
.Ltmp2:
0xb6: {  	s15 =	sor.u32 $0x1C06, s15;
	[bflag:$0x0] =	sbarrier.arrive $0xFFFF;
	(pc) =	sbr.rel @p0 .LBB2_1-.Ltmp2, $4  }
0xb7: {  	[hbm:s8], [sflag:s15] =	dma.local [spmem:s25], $0x1400  }
0xb8: {  	_ =	swait.ge [sflag:s14], $0x1400  }
0xb9: {  	[sflag:s14] =	ssyncset.done $0x0  }
0xba: {  	[sflag:s14] =	ssyncadd.s32 $0xFFFFEC00  }
0xbb: {  	_ =	sfence.sel $0x180000  }
0xbc: {  	[bflag:$0x0] =	sbarrier.arrive $0xFFFF  }
0xbd: {  	_ =	strace $0x9000004A  }
0xbe: {  	s0 =	stileid.u32;
	[bflag:$0x2] =	sbarrier.arrive $0xFFFF  }
0xbf: {  	p0 =	sne.s32 s0, $0x0;
	s0 =	rddreg [dreg:$0x3]  }
0xc0: {  	s0 =	sadd.s32 @!p0 $0x100000, s0  }
0xc1: {  	[sflag:s0] =	ssyncadd.tile.s32 @!p0 $0x1;
	_ =	shalt  }
.Lfunc_end2:
_tile_overlayer_lowered:
.L_overlay_start_2:
0xc2: {  	(tag) =	ssettag $0x2  }
0xc3: {  	s0 =	rddreg [dreg:$0x0];
	s2 =	stileid.u32  }
0xc4: {  	s1 =	rddreg [dreg:$0x1];
	p0 =	sne.s32 s2, $0x0  }
0xc5: {  	s3 =	rddreg [dreg:$0x2];
	[bflag:$0x3] =	sbarrier.arrive $0xFFFF;
	s2 =	simm.s32 @!p0 $0x1C06  }
0xc6: {  	[timem:s3], [sflag:s2] =	dma.local @!p0 [hbm:s0], s1  }
0xc7: {  	s0 =	simm.s32 @!p0 $0x6  }
0xc8: {  	_ =	swait.ge @!p0 [sflag:s0], s1  }
0xc9: {  	s1 =	ssub.s32 @!p0 $0x0, s1;
	[sflag:s0] =	ssyncset.done @!p0 $0x0  }
0xca: {  	[sflag:s0] =	ssyncadd.s32 @!p0 s1  }
0xcb: {  	[bflag:$0x3] =	sbarrier.arrive $0xFFFF  }
0xcc: {  	_ =	shalt  }

// kernel: kernel.17.cloned.1.call-start
scs
__scs_entry_jumppad:
0x0: {  	(pc) =	sbr.rel $0x88, $3  }
0x1: {  	(tag) =	ssettag $0x0;
	lr =	simm.s32 $0x1  }
0x2: {  	[smem:$0x3F99] =	sst lr;
	_ =	strace $0xD0000000  }
0x3: {  	_ = 	snop  }
0x4: {  	_ = 	snop  }
0x5: {  	_ = 	snop  }
0x6: {  	_ = 	snop  }
0x7: {  	_ = 	snop  }
__scs_overlays_trampoline_lowered:
0x8: {  	[smem:$0x3FA8] =	sst s0  }
0x9: {  	[smem:$0x3FA9] =	sst s1  }
0xa: {  	[smem:$0x3FAA] =	sst s2  }
0xb: {  	[smem:$0x3FAB] =	sst s3  }
0xc: {  	[smem:$0x3FAC] =	sst s4  }
0xd: {  	[smem:$0x3FAD] =	sst s5  }
0xe: {  	[smem:$0x3FAE] =	sst s6  }
0xf: {  	[smem:$0x3FAF] =	sst s7  }
0x10: {  	[smem:$0x3FB0] =	sst s8  }
0x11: {  	[smem:$0x3FB1] =	sst s9;
	s0 =	simm.s32 @!p0 $0x0  }
0x12: {  	s1 =	sld [smem:$0x3F97];
	s0 =	simm.s32 @p0 $0x1  }
0x13: {  	[smem:$0x3FB2] =	sst s0;
	s0 =	simm.s32 @!p1 $0x0  }
0x14: {  	s2 =	sld [smem:$0x3F96];
	s0 =	simm.s32 @p1 $0x1  }
0x15: {  	[smem:$0x3FB3] =	sst s0;
	s0 =	simm.s32 @!p2 $0x0  }
0x16: {  	s3 =	sld [smem:$0x3FDB];
	s0 =	simm.s32 @p2 $0x1  }
0x17: {  	s4 =	simm.s32 $0x1BF5;
	[smem:$0x3FB5] =	sst s0  }
0x18: {  	s0 =	sld [smem:$0x3F98];
	_ =	swait.ge [sflag:s4], $0x0  }
0x19: {  	s7 =	sld [smem:$0x3F99]  }
0x1a: {  	s8 =	sadd.s32 $0xFFFFE003, lr  }
0x1b: {  	s9 =	sadd.s32 $0xFFFFFEF7, lr;
	s5 =	simm.s32 $0xFFFFFFFF;
	p2 =	slt.u32 s8, $0xFFFFF086  }
0x1c: {  	p1 =	slt.u32 s9, $0xF7A;
	s5 =	simm.s32 @!p2 $0x0  }
0x1d: {  	s5 =	simm.s32 @p1 $0x1;
	p0 =	seq.s32 s7, s2  }
0x1e: {  	s7 =	smul.u32 @!p0 $0xF7A, s2;
	p2 =	seq.s32 @!p0 s5, $0x0  }
0x1f: {  	s9 =	smul.u32 $0xF7A, s1;
	s8 =	simm.s32 @!p0 $0x1BF5;
	p2 =	por !p2, p0  }
0x20: {  	[sflag:s8] =	ssyncset.s32 @!p0 $0xFFFFF086;
	s6 =	sadd.s32 @!p0 s3, s7;
	s7 =	simm.s32 @!p0 $0x108  }
0x21: {  	s3 =	sadd.s32 s3, s9;
	s6 =	sadd.s32 @!p0 $0x88, s6;
	s7 =	simm.s32 @p2 $0x1082  }
0x22: {  	[simem:s7], [sflag:s8] =	dma.local @!p0 [hbm:s6], $0xF7A  }
0x23: {  	s9 =	sor.u32 $0xD0000000, s2;
	s6 =	simm.s32 $0x108;
	_ =	swait.ge @!p0 [sflag:s8], $0x0  }
0x24: {  	s3 =	sadd.s32 $0x88, s3;
	s6 =	simm.s32 @!p1 $0x1082;
	[sflag:s4] =	ssyncset.s32 $0xFFFFF086  }
0x25: {  	[simem:s6], [sflag:s4] =	dma.local [hbm:s3], $0xF7A  }
0x26: {  	[smem:$0x3F99] =	sst s1;
	(tag) =	ssettag s2;
	_ =	strace s9  }
0x27: {  	s1 =	sld [smem:$0x3FA9]  }
0x28: {  	s2 =	sld [smem:$0x3FAA]  }
0x29: {  	s4 =	sld [smem:$0x3FAC]  }
0x2a: {  	p0 =	seq.s32 s5, $0x0;
	s5 =	sld [smem:$0x3FAD]  }
0x2b: {  	s6 =	sld [smem:$0x3FAE]  }
0x2c: {  	s7 =	sld [smem:$0x3FAF]  }
0x2d: {  	s3 =	simm.s32 $0x108;
	s8 =	sld [smem:$0x3FB0]  }
0x2e: {  	s3 =	simm.s32 @!p0 $0x1082;
	s9 =	sld [smem:$0x3FB1]  }
0x2f: {  	lr =	sadd.s32 s0, s3;
	s0 =	sld [smem:$0x3FA8]  }
0x30: {  	s3 =	sld [smem:$0x3FAB]  }
0x31: {  	[smem:$0x3FB4] =	sst s10  }
0x32: {  	s10 =	sld [smem:$0x3FB2];
	_ =	sdelay $0x3  }
0x33: {  	p0 =	seq.s32 s10, $0x1;
	s10 =	sld [smem:$0x3FB4];
	_ =	sdelay $0x3  }
0x34: {  	[smem:$0x3FB4] =	sst s10  }
0x35: {  	s10 =	sld [smem:$0x3FB3];
	_ =	sdelay $0x3  }
0x36: {  	p1 =	seq.s32 s10, $0x1;
	s10 =	sld [smem:$0x3FB4];
	_ =	sdelay $0x3  }
0x37: {  	[smem:$0x3FB4] =	sst s10  }
0x38: {  	s10 =	sld [smem:$0x3FB5]  }
0x39: {  	_ = 	snop;
	(pc) =	sbr.ind lr, $3  }
0x3a: {  	_ = 	snop  }
0x3b: {  	_ = 	snop  }
0x3c: {  	p2 =	seq.s32 s10, $0x1;
	s10 =	sld [smem:$0x3FB4]  }
0x3d: {  	_ =	shalt  }
0x3e: {  	_ =	shalt  }
0x3f: {  	_ =	shalt  }
0x40: {  	_ =	shalt  }
0x41: {  	_ =	shalt  }
0x42: {  	_ =	shalt  }
0x43: {  	_ =	shalt  }
0x44: {  	_ =	shalt  }
0x45: {  	_ =	shalt  }
0x46: {  	_ =	shalt  }
0x47: {  	_ =	shalt  }
0x48: {  	_ =	shalt  }
0x49: {  	_ =	shalt  }
0x4a: {  	_ =	shalt  }
0x4b: {  	_ =	shalt  }
0x4c: {  	_ =	shalt  }
0x4d: {  	_ =	shalt  }
0x4e: {  	_ =	shalt  }
0x4f: {  	_ =	shalt  }
0x50: {  	_ =	shalt  }
0x51: {  	_ =	shalt  }
0x52: {  	_ =	shalt  }
0x53: {  	_ =	shalt  }
0x54: {  	_ =	shalt  }
0x55: {  	_ =	shalt  }
0x56: {  	_ =	shalt  }
0x57: {  	_ =	shalt  }
0x58: {  	_ =	shalt  }
0x59: {  	_ =	shalt  }
0x5a: {  	_ =	shalt  }
0x5b: {  	_ =	shalt  }
0x5c: {  	_ =	shalt  }
0x5d: {  	_ =	shalt  }
0x5e: {  	_ =	shalt  }
0x5f: {  	_ =	shalt  }
0x60: {  	_ =	shalt  }
0x61: {  	_ =	shalt  }
0x62: {  	_ =	shalt  }
0x63: {  	_ =	shalt  }
0x64: {  	_ =	shalt  }
0x65: {  	_ =	shalt  }
0x66: {  	_ =	shalt  }
0x67: {  	_ =	shalt  }
0x68: {  	_ =	shalt  }
0x69: {  	_ =	shalt  }
0x6a: {  	_ =	shalt  }
0x6b: {  	_ =	shalt  }
0x6c: {  	_ =	shalt  }
0x6d: {  	_ =	shalt  }
0x6e: {  	_ =	shalt  }
0x6f: {  	_ =	shalt  }
0x70: {  	_ =	shalt  }
0x71: {  	_ =	shalt  }
0x72: {  	_ =	shalt  }
0x73: {  	_ =	shalt  }
0x74: {  	_ =	shalt  }
0x75: {  	_ =	shalt  }
0x76: {  	_ =	shalt  }
0x77: {  	_ =	shalt  }
0x78: {  	_ =	shalt  }
0x79: {  	_ =	shalt  }
0x7a: {  	_ =	shalt  }
0x7b: {  	_ =	shalt  }
0x7c: {  	_ =	shalt  }
0x7d: {  	_ =	shalt  }
0x7e: {  	_ =	shalt  }
0x7f: {  	_ =	shalt  }
0x80: {  	_ =	shalt  }
0x81: {  	_ =	shalt  }
0x82: {  	_ =	shalt  }
0x83: {  	_ =	shalt  }
0x84: {  	_ =	shalt  }
0x85: {  	_ =	shalt  }
0x86: {  	_ =	shalt  }
0x87: {  	_ =	shalt  }
.Lfunc_end0:
.L_simem_size_0:
called_computation.2_lowered:
.L_overlay_start_0:
0x88: {  	s2 =	sld [smem:$0x3FD9]  }
0x89: {  	s3 =	sld [smem:$0x3FFE];
	_ =	sdelay $0x1  }
0x8a: {  	s1 =	srdreg.scid  }
0x8b: {  	s0 =	sand.u32 $0x1, s1  }
0x8c: {  	s14 =	sshll.u32 s0, $0xA;
	s2 =	sadd.s32 s3, s2  }
0x8d: {  	s2 =	sadd.s32 s2, s14  }
0x8e: {  	[smem:$0x3FC0] =	sst s2  }
0x8f: {  	_ = 	snop  }
0x90: {  	s2 =	sld [smem:$0x3FD0];
	_ =	sdelay $0x2  }
0x91: {  	s15 =	simm.s32 $0xA;
	s4 =	simm.s32 $0x10  }
0x92: {  	[smem:s4], [sflag:s15] =	dma.local [hbm:s2], $0x1  }
0x93: {  	_ =	swait.eq [sflag:s15], $0x1  }
0x94: {  	[sflag:s15] =	ssyncset.done $0x0  }
0x95: {  	[sflag:s15] =	ssyncadd.s32 $0xFFFFFFFF  }
0x96: {  	s16 =	sld [smem:$0x11];
	(tm) =	ssettm $0x1  }
0x97: {  	s17 =	sld [smem:$0x3FFB];
	_ =	sdelay $0x3  }
0x98: {  	_ =	strace s17  }
0x99: {  	s3 =	sld [smem:$0x3FFC];
	_ =	sdelay $0x3  }
0x9a: {  	_ =	strace s3  }
0x9b: {  	s3 =	sld [smem:$0x3FFD];
	_ =	sdelay $0x3  }
0x9c: {  	_ =	strace s3  }
0x9d: {  	_ =	strace $0x8FFFFFFF  }
0x9e: {  	s18 =	sld [smem:$0x3FDB];
	_ =	sdelay $0x1  }
0x9f: {  	s19 =	simm.s32 $_scs_section_size  }
0xa0: {  	s5 =	simm.s32 $_size__tile_overlayer_lowered;
	s6 =	simm.s32 $_tile_overlayer_lowered  }
0xa1: {  	s22 =	simm.s32 $0x1BFF;
	s21 =	sshll.u32 s6, $0x1;
	s3 =	sadd.s32 s19, s18  }
0xa2: {  	s7 =	simm.s32 $0x0;
	s20 =	sshll.u32 s5, $0x1;
	s5 =	sadd.s32 s21, s3  }
0xa3: {  	[timem:s7], [sflag:s22] =	dma.local [hbm:s5], s20  }
0xa4: {  	_ =	swait.ge [sflag:s22], s20  }
0xa5: {  	s4 =	ssub.s32 $0x0, s20;
	[sflag:s22] =	ssyncset.done $0x0  }
0xa6: {  	[sflag:s22] =	ssyncadd.s32 s4;
	_ =	sdelay $0x1  }
0xa7: {  	s23 =	simm.s32 $0x1B8B  }
0xa8: {  	_ =	swait.ge [sflag:s23], $0x1  }
0xa9: {  	[sflag:s23] =	ssyncset.done $0x0  }
0xaa: {  	s25 =	simm.s32 $0x1B8E;
	s24 =	sld [smem:$0x3FFE];
	[sflag:s23] =	ssyncadd.s32 $0xFFFFFFFF  }
0xab: {  	s26 =	simm.s32 $execute0_lowered;
	[smem:$0x3FD2] =	sst s25  }
0xac: {  	s5 =	sshll.u32 s26, $0x1;
	_ =	strace $0x8000004C;
	[dreg:$0x1] =	wrdreg $0xFFFFFFFF  }
0xad: {  	s28 =	simm.s32 $_size_execute0_lowered;
	s3 =	sadd.s32 s3, s5;
	[dreg:$0x0] =	wrdreg $0x0  }
0xae: {  	s5 =	sshll.u32 s28, $0x1;
	[dreg:$0x2] =	wrdreg s3  }
0xaf: {  	[dreg:$0x3] =	wrdreg s5  }
0xb0: {  	[dreg:$0x4] =	wrdreg $0xC0  }
0xb1: {  	_ =	task [dreg:s7], $0x5FFFF  }
0xb2: {  	[dreg:$0x1] =	wrdreg $0xFFFFFFFF  }
0xb3: {  	[dreg:$0x0] =	wrdreg $0x60  }
0xb4: {  	[dreg:$0x2] =	wrdreg s24  }
0xb5: {  	[dreg:$0x3] =	wrdreg s16  }
0xb6: {  	[dreg:$0x4] =	wrdreg $0x120400  }
0xb7: {  	[dreg:$0x5] =	wrdreg $0x9  }
0xb8: {  	_ =	task.clear_ibuf [dreg:s7], $0x6FFFF;
	_ =	strace $0x9000004C  }
0xb9: {  	s29 =	simm.s32 $0x9;
	_ =	strace $0x8000004E  }
0xba: {  	_ =	swait.ge [sflag:s29], $0x1  }
0xbb: {  	[sflag:s29] =	ssyncadd.s32 $0xFFFFFFFF  }
0xbc: {  	_ =	strace $0x9000004E  }
0xbd: {  	_ =	sfence  }
0xbe: {  	s30 =	sld [smem:$0x0];
	_ =	sdelay $0x2  }
0xbf: {  	s31 =	sshll.u32 s1, $0xD;
	s1 =	sshrl.u32 s1, $0x2  }
0xc0: {  	s3 =	sand.u32 $0x4000, s31;
	s1 =	sadd.s32 s1, s30  }
0xc1: {  	s0 =	sor.u32 s3, s0;
	s1 =	sshll.u32 s1, $0x11  }
0xc2: {  	s0 =	sor.u32 s1, s0  }
0xc3: {  	s0 =	sadd.s32 $0x8F2B, s0  }
0xc4: {  	[sflag:s0] =	ssyncadd.remote.s32 $0x1  }
0xc5: {  	_ =	sfence.sel $0xFFFF  }
0xc6: {  	[dreg:$0x0] =	wrdreg $0xFFFFFFFF;
	(pc) =	sbr.abs _section_cstart, $3  }
0xc7: {  	[dreg:$0x1] =	wrdreg $0xFFFFFFFF  }
0xc8: {  	_ =	task.clear_ibuf [dreg:s7], $0x2FFFF;
	_ =	strace $0x9FFFFFFF  }
0xc9: {  	(tm) =	ssettm $0x7FFFFFFF  }
tec
execute0_lowered:
.L_overlay_start_1:
0x0: {  	(tag) =	ssettag $0x1  }
0x1: {  	s0 =	rddreg [dreg:$0x0]  }
0x2: {  	s1 =	rddreg [dreg:$0x1];
	s10 =	stileid.u32  }
0x3: {  	s3 =	srdreg.scid;
	s2 =	rddreg [dreg:$0x2]  }
0x4: {  	s14 =	simm.s32 $0x6;
	s16 =	simm.s32 $0x10040;
	s17 =	simm.s32 $0x50  }
0x5: {  	s18 =	simm.s32 $0x9C40;
	s19 =	simm.s32 $0xB040;
	s21 =	simm.s32 $0xC440  }
0x6: {  	s28 =	simm.s32 $0x1;
	s29 =	simm.s32 $0x2;
	s4 =	smul.u32 $0x4E20, s10  }
0x7: {  	s30 =	simm.s32 $0x3;
	s31 =	simm.s32 $0x4;
	s9 =	smul.u32 $0xA000, s10  }
0x8: {  	s5 =	sand.u32 $0x1, s3;
	s3 =	simm.s32 $0x0;
	s10 =	smul.u32 $0x28000, s10  }
0x9: {  	s6 =	smul.u32 $0xA0000, s5;
	[smem:$0x7FF] =	sst s3;
	s23 =	ssub.s32 $0x2, s5  }
0xa: {  	s24 =	smul.u32 $0x13880, s5;
	_ =	strace $0x8000004D;
	s4 =	sshrl.u32 s4, $0x3  }
0xb: {  	s8 =	sshrl.u32 s23, $0x1;
	s25 =	sshrl.u32 s10, $0x2;
	s26 =	sadd.s32 s9, s2  }
0xc: {  	s7 =	sadd.s32 s4, s0;
	s22 =	sadd.s32 s9, s6;
	s11 =	ssub.s32 s23, s8  }
0xd: {  	s6 =	sadd.s32 s25, s2;
	s23 =	simm.s32 $0xD840;
	s25 =	sshrl.u32 s26, $0x3  }
0xe: {  	s26 =	simm.s32 $0xEC40;
	s4 =	sshrl.u32 s22, $0x3;
	s5 =	sadd.s32 $0x17040, s7  }
0xf: {  	s9 =	smax.u32 s11, $0x1;
	s10 =	sadd.s32 $0x2000, s6;
	s11 =	sadd.s32 $0x4000, s6  }
0x10: {  	s12 =	sadd.s32 $0x6000, s6;
	s13 =	sadd.s32 $0x8000, s6;
	s0 =	sadd.s32 s4, s0  }
0x11: {  	s4 =	sadd.s32 $0xD400, s7;
	s7 =	sadd.s32 s1, s24;
	s1 =	simm.s32 $0x5  }
0x12: {  	v0 =	vimm.f32 $0.0e+00;
	s24 =	simm.s32 $0x9BF0;
	s8 =	sadd.s32 $0x6F000, s0;
	s0 =	simm.s32 $0x0  }
.LBB2_1:
0x13: {  	[tilespmem:s3], [sflag:$0x6] =	stream.linear.gather [hbm4b:s4+s3], $0x4E20, $0x38;
	[tilespmem:$0x1C040] =	vst v63  }
0x14: {  	_ =	swait.ge [sflag:s14], $0x4E20  }
0x15: {  	[sflag:s14] =	ssyncset.done $0x0  }
0x16: {  	s15 =	simm.s32 $0x4E20;
	[sflag:s14] =	ssyncadd.s32 $0xFFFFB1E0  }
0x17: {  	[tilespmem:s15], [sflag:$0x6] =	stream.linear.gather [hbm4b:s5+s3], $0x4E20, $0x38;
	[tilespmem:$0x1C040] =	vst v63  }
0x18: {  	_ =	swait.ge [sflag:s14], $0x4E20  }
0x19: {  	[sflag:s14] =	ssyncset.done $0x0  }
0x1a: {  	s20 =	simm.s32 $0x100;
	s15 =	simm.s32 $0x0;
	[sflag:s14] =	ssyncadd.s32 $0xFFFFB1E0  }
.LBB2_2:
0x1b: {  	p0 =	sne.s32 s20, $0x7F00;
	[tilespmem:s15+$0x10070] =	vst v0;
	s22 =	smov.u32 s20;
	s20 =	sadd.s32 $0x100, s20  }
.Ltmp0:
0x1c: {  	[tilespmem:s15+$0x10060] =	vst v0;
	(pc) =	sbr.rel @p0 .LBB2_2-.Ltmp0, $3  }
0x1d: {  	[tilespmem:s15+$0x10040] =	vst v0  }
0x1e: {  	[tilespmem:s15+$0x10050] =	vst v0;
	_ =	sdelay $0x1  }
0x1f: {  	s15 =	sshra.s32 s22, $0x2  }
0x20: {  	[tilespmem:s15+$0x10070] =	vst v0  }
0x21: {  	[tilespmem:s15+$0x10060] =	vst v0  }
0x22: {  	[tilespmem:s15+$0x10040] =	vst v0  }
0x23: {  	[tilespmem:s15+$0x10050] =	vst v0  }
0x24: {  	[spmem:s6] =	stream.linear.scatter [tilespmem:s16], [sflag:$0x6], $0x2000, $0x38;
	[tilespmem:$0x1C040] =	vst v63  }
0x25: {  	_ =	swait.ge [sflag:s14], $0x2000  }
0x26: {  	[sflag:s14] =	ssyncset.done $0x0  }
0x27: {  	[sflag:s14] =	ssyncadd.s32 $0xFFFFE000  }
0x28: {  	[spmem:s10] =	stream.linear.scatter [tilespmem:s16], [sflag:$0x6], $0x2000, $0x38;
	[tilespmem:$0x1C040] =	vst v63  }
0x29: {  	_ =	swait.ge [sflag:s14], $0x2000  }
0x2a: {  	[sflag:s14] =	ssyncset.done $0x0  }
0x2b: {  	[sflag:s14] =	ssyncadd.s32 $0xFFFFE000  }
0x2c: {  	[spmem:s11] =	stream.linear.scatter [tilespmem:s16], [sflag:$0x6], $0x2000, $0x38;
	[tilespmem:$0x1C040] =	vst v63  }
0x2d: {  	_ =	swait.ge [sflag:s14], $0x2000  }
0x2e: {  	[sflag:s14] =	ssyncset.done $0x0  }
0x2f: {  	[sflag:s14] =	ssyncadd.s32 $0xFFFFE000  }
0x30: {  	[spmem:s12] =	stream.linear.scatter [tilespmem:s16], [sflag:$0x6], $0x2000, $0x38;
	[tilespmem:$0x1C040] =	vst v63  }
0x31: {  	_ =	swait.ge [sflag:s14], $0x2000  }
0x32: {  	[sflag:s14] =	ssyncset.done $0x0  }
0x33: {  	[sflag:s14] =	ssyncadd.s32 $0xFFFFE000  }
0x34: {  	[spmem:s13] =	stream.linear.scatter [tilespmem:s16], [sflag:$0x6], $0x2000, $0x38;
	[tilespmem:$0x1C040] =	vst v63  }
0x35: {  	_ =	swait.ge [sflag:s14], $0x2000  }
0x36: {  	[sflag:s14] =	ssyncset.done $0x0  }
0x37: {  	[sflag:s14] =	ssyncadd.s32 $0xFFFFE000  }
0x38: {  	s22 =	simm.s32 $0x0;
	[bflag:$0x0] =	sbarrier.arrive $0xFFFF  }
0x39: {  	[tilespmem:s18], [sflag:$0x1] =	stream.indirect.gather [hbm4b:s7+s17], $0x40, s22, s17, $0xb8;
	[tilespmem:$0x1C040] =	vst v63  }
0x3a: {  	_ = 	snop  }
0x3b: {  	[tilespmem:s19], [sflag:$0x2] =	stream.indirect.gather [hbm4b:s7+s17], $0x40, s17, s17, $0xb8;
	[tilespmem:$0x1C040] =	vst v63  }
0x3c: {  	s20 =	simm.s32 $0xA0  }
0x3d: {  	[tilespmem:s21], [sflag:$0x3] =	stream.indirect.gather [hbm4b:s7+s17], $0x40, s20, s17, $0xb8;
	[tilespmem:$0x1C040] =	vst v63  }
0x3e: {  	s22 =	simm.s32 $0xF0  }
0x3f: {  	[tilespmem:s23], [sflag:$0x4] =	stream.indirect.gather [hbm4b:s7+s17], $0x40, s22, s17, $0xb8;
	[tilespmem:$0x1C040] =	vst v63  }
0x40: {  	s20 =	simm.s32 $0x140  }
0x41: {  	[tilespmem:s26], [sflag:$0x5] =	stream.indirect.gather [hbm4b:s7+s17], $0x40, s20, s17, $0xb8;
	[tilespmem:$0x1C040] =	vst v63  }
0x42: {  	_ =	swait.ge [sflag:s28], $0x1400  }
0x43: {  	[sflag:s28] =	ssyncset.done $0x0  }
0x44: {  	s22 =	simm.s32 $0x4E20;
	[sflag:s28] =	ssyncadd.s32 $0xFFFFEC00  }
0x45: {  	[spmem:s2] =	stream.indirect.scatter.add.f32 [tilespmem:s18], [sflag:$0x1], $0x40, s22, s17, $0xb8;
	[tilespmem:$0x1C040] =	vst v63  }
0x46: {  	_ =	swait.ge [sflag:s28], $0x1400  }
0x47: {  	[sflag:s28] =	ssyncset.done $0x0  }
0x48: {  	s20 =	simm.s32 $0x190;
	[sflag:s28] =	ssyncadd.s32 $0xFFFFEC00  }
0x49: {  	[tilespmem:s18], [sflag:$0x1] =	stream.indirect.gather [hbm4b:s7+s17], $0x40, s20, s17, $0xb8;
	[tilespmem:$0x1C040] =	vst v63  }
0x4a: {  	_ =	swait.ge [sflag:s29], $0x1400  }
0x4b: {  	[sflag:s29] =	ssyncset.done $0x0  }
0x4c: {  	s22 =	simm.s32 $0x4E70;
	[sflag:s29] =	ssyncadd.s32 $0xFFFFEC00  }
0x4d: {  	[spmem:s2] =	stream.indirect.scatter.add.f32 [tilespmem:s19], [sflag:$0x2], $0x40, s22, s17, $0xb8;
	[tilespmem:$0x1C040] =	vst v63  }
0x4e: {  	_ =	swait.ge [sflag:s29], $0x1400  }
0x4f: {  	[sflag:s29] =	ssyncset.done $0x0  }
0x50: {  	s20 =	simm.s32 $0x1E0;
	[sflag:s29] =	ssyncadd.s32 $0xFFFFEC00  }
0x51: {  	[tilespmem:s19], [sflag:$0x2] =	stream.indirect.gather [hbm4b:s7+s17], $0x40, s20, s17, $0xb8;
	[tilespmem:$0x1C040] =	vst v63  }
0x52: {  	_ =	swait.ge [sflag:s30], $0x1400  }
0x53: {  	[sflag:s30] =	ssyncset.done $0x0  }
0x54: {  	s22 =	simm.s32 $0x4EC0;
	[sflag:s30] =	ssyncadd.s32 $0xFFFFEC00  }
0x55: {  	[spmem:s2] =	stream.indirect.scatter.add.f32 [tilespmem:s21], [sflag:$0x3], $0x40, s22, s17, $0xb8;
	[tilespmem:$0x1C040] =	vst v63  }
0x56: {  	_ =	swait.ge [sflag:s30], $0x1400  }
0x57: {  	[sflag:s30] =	ssyncset.done $0x0  }
0x58: {  	s20 =	simm.s32 $0x230;
	[sflag:s30] =	ssyncadd.s32 $0xFFFFEC00  }
0x59: {  	[tilespmem:s21], [sflag:$0x3] =	stream.indirect.gather [hbm4b:s7+s17], $0x40, s20, s17, $0xb8;
	[tilespmem:$0x1C040] =	vst v63  }
0x5a: {  	_ =	swait.ge [sflag:s31], $0x1400  }
0x5b: {  	[sflag:s31] =	ssyncset.done $0x0  }
0x5c: {  	s22 =	simm.s32 $0x4F10;
	[sflag:s31] =	ssyncadd.s32 $0xFFFFEC00  }
0x5d: {  	[spmem:s2] =	stream.indirect.scatter.add.f32 [tilespmem:s23], [sflag:$0x4], $0x40, s22, s17, $0xb8;
	[tilespmem:$0x1C040] =	vst v63  }
0x5e: {  	_ =	swait.ge [sflag:s31], $0x1400  }
0x5f: {  	[sflag:s31] =	ssyncset.done $0x0  }
0x60: {  	s20 =	simm.s32 $0x280;
	[sflag:s31] =	ssyncadd.s32 $0xFFFFEC00  }
0x61: {  	[tilespmem:s23], [sflag:$0x4] =	stream.indirect.gather [hbm4b:s7+s17], $0x40, s20, s17, $0xb8;
	[tilespmem:$0x1C040] =	vst v63  }
0x62: {  	_ =	swait.ge [sflag:s1], $0x1400  }
0x63: {  	[sflag:s1] =	ssyncset.done $0x0  }
0x64: {  	s22 =	simm.s32 $0x4F60;
	[sflag:s1] =	ssyncadd.s32 $0xFFFFEC00  }
0x65: {  	[spmem:s2] =	stream.indirect.scatter.add.f32 [tilespmem:s26], [sflag:$0x5], $0x40, s22, s17, $0xb8;
	[tilespmem:$0x1C040] =	vst v63  }
0x66: {  	_ =	swait.ge [sflag:s1], $0x1400  }
0x67: {  	[sflag:s1] =	ssyncset.done $0x0  }
0x68: {  	s15 =	simm.s32 $0x640;
	s20 =	simm.s32 $0x2D0;
	[sflag:s1] =	ssyncadd.s32 $0xFFFFEC00  }
.LBB2_4:
0x69: {  	[tilespmem:s26], [sflag:$0x5] =	stream.indirect.gather [hbm4b:s7+s17], $0x40, s20, s17, $0xb8;
	[tilespmem:$0x1C040] =	vst v63  }
0x6a: {  	s20 =	smov.u32 s15  }
0x6b: {  	p0 =	sne.s32 s15, $0x12C00;
	s15 =	sadd.s32 $0x640, s15;
	_ =	swait.ge [sflag:s28], $0x1400  }
0x6c: {  	s20 =	sshra.s32 s20, $0x2;
	[sflag:s28] =	ssyncset.done $0x0  }
0x6d: {  	s22 =	sadd.s32 $0x4E20, s20;
	[sflag:s28] =	ssyncadd.s32 $0xFFFFEC00  }
0x6e: {  	[spmem:s2] =	stream.indirect.scatter.add.f32 [tilespmem:s18], [sflag:$0x1], $0x40, s22, s17, $0xb8;
	[tilespmem:$0x1C040] =	vst v63  }
0x6f: {  	_ =	swait.ge [sflag:s28], $0x1400  }
0x70: {  	[sflag:s28] =	ssyncset.done $0x0  }
0x71: {  	s22 =	sadd.s32 $0x190, s20;
	[sflag:s28] =	ssyncadd.s32 $0xFFFFEC00  }
0x72: {  	[tilespmem:s18], [sflag:$0x1] =	stream.indirect.gather [hbm4b:s7+s17], $0x40, s22, s17, $0xb8;
	[tilespmem:$0x1C040] =	vst v63  }
0x73: {  	_ =	swait.ge [sflag:s29], $0x1400  }
0x74: {  	[sflag:s29] =	ssyncset.done $0x0  }
0x75: {  	s22 =	sadd.s32 $0x4E70, s20;
	[sflag:s29] =	ssyncadd.s32 $0xFFFFEC00  }
0x76: {  	[spmem:s2] =	stream.indirect.scatter.add.f32 [tilespmem:s19], [sflag:$0x2], $0x40, s22, s17, $0xb8;
	[tilespmem:$0x1C040] =	vst v63  }
0x77: {  	_ =	swait.ge [sflag:s29], $0x1400  }
0x78: {  	[sflag:s29] =	ssyncset.done $0x0  }
0x79: {  	s22 =	sadd.s32 $0x1E0, s20;
	[sflag:s29] =	ssyncadd.s32 $0xFFFFEC00  }
0x7a: {  	[tilespmem:s19], [sflag:$0x2] =	stream.indirect.gather [hbm4b:s7+s17], $0x40, s22, s17, $0xb8;
	[tilespmem:$0x1C040] =	vst v63  }
0x7b: {  	_ =	swait.ge [sflag:s30], $0x1400  }
0x7c: {  	[sflag:s30] =	ssyncset.done $0x0  }
0x7d: {  	s22 =	sadd.s32 $0x4EC0, s20;
	[sflag:s30] =	ssyncadd.s32 $0xFFFFEC00  }
0x7e: {  	[spmem:s2] =	stream.indirect.scatter.add.f32 [tilespmem:s21], [sflag:$0x3], $0x40, s22, s17, $0xb8;
	[tilespmem:$0x1C040] =	vst v63  }
0x7f: {  	_ =	swait.ge [sflag:s30], $0x1400  }
0x80: {  	[sflag:s30] =	ssyncset.done $0x0  }
0x81: {  	s22 =	sadd.s32 $0x230, s20;
	[sflag:s30] =	ssyncadd.s32 $0xFFFFEC00  }
0x82: {  	[tilespmem:s21], [sflag:$0x3] =	stream.indirect.gather [hbm4b:s7+s17], $0x40, s22, s17, $0xb8;
	[tilespmem:$0x1C040] =	vst v63  }
0x83: {  	_ =	swait.ge [sflag:s31], $0x1400  }
0x84: {  	[sflag:s31] =	ssyncset.done $0x0  }
0x85: {  	s22 =	sadd.s32 $0x4F10, s20;
	[sflag:s31] =	ssyncadd.s32 $0xFFFFEC00  }
0x86: {  	[spmem:s2] =	stream.indirect.scatter.add.f32 [tilespmem:s23], [sflag:$0x4], $0x40, s22, s17, $0xb8;
	[tilespmem:$0x1C040] =	vst v63  }
0x87: {  	_ =	swait.ge [sflag:s31], $0x1400  }
0x88: {  	[sflag:s31] =	ssyncset.done $0x0  }
0x89: {  	s22 =	sadd.s32 $0x280, s20;
	[sflag:s31] =	ssyncadd.s32 $0xFFFFEC00  }
0x8a: {  	[tilespmem:s23], [sflag:$0x4] =	stream.indirect.gather [hbm4b:s7+s17], $0x40, s22, s17, $0xb8;
	[tilespmem:$0x1C040] =	vst v63  }
0x8b: {  	_ =	swait.ge [sflag:s1], $0x1400  }
0x8c: {  	[sflag:s1] =	ssyncset.done $0x0  }
.Ltmp1:
0x8d: {  	s22 =	sadd.s32 $0x4F60, s20;
	[sflag:s1] =	ssyncadd.s32 $0xFFFFEC00;
	(pc) =	sbr.rel @p0 .LBB2_4-.Ltmp1, $4  }
0x8e: {  	[spmem:s2] =	stream.indirect.scatter.add.f32 [tilespmem:s26], [sflag:$0x5], $0x40, s22, s17, $0xb8;
	[tilespmem:$0x1C040] =	vst v63  }
0x8f: {  	_ =	swait.ge [sflag:s1], $0x1400  }
0x90: {  	[sflag:s1] =	ssyncset.done $0x0  }
0x91: {  	s20 =	sadd.s32 $0x2D0, s20;
	[sflag:s1] =	ssyncadd.s32 $0xFFFFEC00  }
0x92: {  	[tilespmem:s26], [sflag:$0x5] =	stream.indirect.gather [hbm4b:s7+s17], $0x40, s20, s17, $0xb8;
	[tilespmem:$0x1C040] =	vst v63  }
0x93: {  	_ =	swait.ge [sflag:s28], $0x1400  }
0x94: {  	[sflag:s28] =	ssyncset.done $0x0  }
0x95: {  	s15 =	simm.s32 $0x9AB0;
	[sflag:s28] =	ssyncadd.s32 $0xFFFFEC00  }
0x96: {  	[spmem:s2] =	stream.indirect.scatter.add.f32 [tilespmem:s18], [sflag:$0x1], $0x40, s15, s17, $0xb8;
	[tilespmem:$0x1C040] =	vst v63  }
0x97: {  	_ =	swait.ge [sflag:s28], $0x1400  }
0x98: {  	[sflag:s28] =	ssyncset.done $0x0  }
0x99: {  	[sflag:s28] =	ssyncadd.s32 $0xFFFFEC00  }
0x9a: {  	_ =	swait.ge [sflag:s29], $0x1400  }
0x9b: {  	[sflag:s29] =	ssyncset.done $0x0  }
0x9c: {  	s20 =	simm.s32 $0x9B00;
	[sflag:s29] =	ssyncadd.s32 $0xFFFFEC00  }
0x9d: {  	[spmem:s2] =	stream.indirect.scatter.add.f32 [tilespmem:s19], [sflag:$0x2], $0x40, s20, s17, $0xb8;
	[tilespmem:$0x1C040] =	vst v63  }
0x9e: {  	_ =	swait.ge [sflag:s29], $0x1400  }
0x9f: {  	[sflag:s29] =	ssyncset.done $0x0  }
0xa0: {  	[sflag:s29] =	ssyncadd.s32 $0xFFFFEC00  }
0xa1: {  	_ =	swait.ge [sflag:s30], $0x1400  }
0xa2: {  	[sflag:s30] =	ssyncset.done $0x0  }
0xa3: {  	s22 =	simm.s32 $0x9B50;
	[sflag:s30] =	ssyncadd.s32 $0xFFFFEC00  }
0xa4: {  	[spmem:s2] =	stream.indirect.scatter.add.f32 [tilespmem:s21], [sflag:$0x3], $0x40, s22, s17, $0xb8;
	[tilespmem:$0x1C040] =	vst v63  }
0xa5: {  	_ =	swait.ge [sflag:s30], $0x1400  }
0xa6: {  	[sflag:s30] =	ssyncset.done $0x0  }
0xa7: {  	[sflag:s30] =	ssyncadd.s32 $0xFFFFEC00  }
0xa8: {  	_ =	swait.ge [sflag:s31], $0x1400  }
0xa9: {  	[sflag:s31] =	ssyncset.done $0x0  }
0xaa: {  	s20 =	simm.s32 $0x9BA0;
	[sflag:s31] =	ssyncadd.s32 $0xFFFFEC00  }
0xab: {  	[spmem:s2] =	stream.indirect.scatter.add.f32 [tilespmem:s23], [sflag:$0x4], $0x40, s20, s17, $0xb8;
	[tilespmem:$0x1C040] =	vst v63  }
0xac: {  	_ =	swait.ge [sflag:s31], $0x1400  }
0xad: {  	[sflag:s31] =	ssyncset.done $0x0  }
0xae: {  	[sflag:s31] =	ssyncadd.s32 $0xFFFFEC00  }
0xaf: {  	_ =	swait.ge [sflag:s1], $0x1400  }
0xb0: {  	[sflag:s1] =	ssyncset.done $0x0  }
0xb1: {  	[sflag:s1] =	ssyncadd.s32 $0xFFFFEC00  }
0xb2: {  	[spmem:s2] =	stream.indirect.scatter.add.f32 [tilespmem:s26], [sflag:$0x5], $0x40, s24, s17, $0xb8;
	[tilespmem:$0x1C040] =	vst v63  }
0xb3: {  	_ =	swait.ge [sflag:s1], $0x1400  }
0xb4: {  	s0 =	sadd.s32 $0x1, s0;
	s22 =	stileid.u32;
	[sflag:s1] =	ssyncset.done $0x0  }
0xb5: {  	p0 =	sne.s32 s0, s9;
	s15 =	sshll.u32 s22, $0x6;
	[sflag:s1] =	ssyncadd.s32 $0xFFFFEC00  }
.Ltmp2:
0xb6: {  	s15 =	sor.u32 $0x1C06, s15;
	[bflag:$0x0] =	sbarrier.arrive $0xFFFF;
	(pc) =	sbr.rel @p0 .LBB2_1-.Ltmp2, $4  }
0xb7: {  	[hbm:s8], [sflag:s15] =	dma.local [spmem:s25], $0x1400  }
0xb8: {  	_ =	swait.ge [sflag:s14], $0x1400  }
0xb9: {  	[sflag:s14] =	ssyncset.done $0x0  }
0xba: {  	[sflag:s14] =	ssyncadd.s32 $0xFFFFEC00  }
0xbb: {  	_ =	sfence.sel $0x180000  }
0xbc: {  	[bflag:$0x0] =	sbarrier.arrive $0xFFFF  }
0xbd: {  	_ =	strace $0x9000004D  }
0xbe: {  	s0 =	stileid.u32;
	[bflag:$0x2] =	sbarrier.arrive $0xFFFF  }
0xbf: {  	p0 =	sne.s32 s0, $0x0;
	s0 =	rddreg [dreg:$0x3]  }
0xc0: {  	s0 =	sadd.s32 @!p0 $0x100000, s0  }
0xc1: {  	[sflag:s0] =	ssyncadd.tile.s32 @!p0 $0x1;
	_ =	shalt  }
.Lfunc_end2:
_tile_overlayer_lowered:
.L_overlay_start_2:
0xc2: {  	(tag) =	ssettag $0x2  }
0xc3: {  	s0 =	rddreg [dreg:$0x0];
	s2 =	stileid.u32  }
0xc4: {  	s1 =	rddreg [dreg:$0x1];
	p0 =	sne.s32 s2, $0x0  }
0xc5: {  	s3 =	rddreg [dreg:$0x2];
	[bflag:$0x3] =	sbarrier.arrive $0xFFFF;
	s2 =	simm.s32 @!p0 $0x1C06  }
0xc6: {  	[timem:s3], [sflag:s2] =	dma.local @!p0 [hbm:s0], s1  }
0xc7: {  	s0 =	simm.s32 @!p0 $0x6  }
0xc8: {  	_ =	swait.ge @!p0 [sflag:s0], s1  }
0xc9: {  	s1 =	ssub.s32 @!p0 $0x0, s1;
	[sflag:s0] =	ssyncset.done @!p0 $0x0  }
0xca: {  	[sflag:s0] =	ssyncadd.s32 @!p0 s1  }
0xcb: {  	[bflag:$0x3] =	sbarrier.arrive $0xFFFF  }
0xcc: {  	_ =	shalt  }

// kernel: kernel.20.cloned.1.call-start
scs
__scs_entry_jumppad:
0x0: {  	(pc) =	sbr.rel $0x88, $3  }
0x1: {  	(tag) =	ssettag $0x0;
	lr =	simm.s32 $0x1  }
0x2: {  	[smem:$0x3F99] =	sst lr;
	_ =	strace $0xD0000000  }
0x3: {  	_ = 	snop  }
0x4: {  	_ = 	snop  }
0x5: {  	_ = 	snop  }
0x6: {  	_ = 	snop  }
0x7: {  	_ = 	snop  }
__scs_overlays_trampoline_lowered:
0x8: {  	[smem:$0x3FA8] =	sst s0  }
0x9: {  	[smem:$0x3FA9] =	sst s1  }
0xa: {  	[smem:$0x3FAA] =	sst s2  }
0xb: {  	[smem:$0x3FAB] =	sst s3  }
0xc: {  	[smem:$0x3FAC] =	sst s4  }
0xd: {  	[smem:$0x3FAD] =	sst s5  }
0xe: {  	[smem:$0x3FAE] =	sst s6  }
0xf: {  	[smem:$0x3FAF] =	sst s7  }
0x10: {  	[smem:$0x3FB0] =	sst s8  }
0x11: {  	[smem:$0x3FB1] =	sst s9;
	s0 =	simm.s32 @!p0 $0x0  }
0x12: {  	s1 =	sld [smem:$0x3F97];
	s0 =	simm.s32 @p0 $0x1  }
0x13: {  	[smem:$0x3FB2] =	sst s0;
	s0 =	simm.s32 @!p1 $0x0  }
0x14: {  	s2 =	sld [smem:$0x3F96];
	s0 =	simm.s32 @p1 $0x1  }
0x15: {  	[smem:$0x3FB3] =	sst s0;
	s0 =	simm.s32 @!p2 $0x0  }
0x16: {  	s3 =	sld [smem:$0x3FDB];
	s0 =	simm.s32 @p2 $0x1  }
0x17: {  	s4 =	simm.s32 $0x1BF5;
	[smem:$0x3FB5] =	sst s0  }
0x18: {  	s0 =	sld [smem:$0x3F98];
	_ =	swait.ge [sflag:s4], $0x0  }
0x19: {  	s7 =	sld [smem:$0x3F99]  }
0x1a: {  	s8 =	sadd.s32 $0xFFFFE003, lr  }
0x1b: {  	s9 =	sadd.s32 $0xFFFFFEF7, lr;
	s5 =	simm.s32 $0xFFFFFFFF;
	p2 =	slt.u32 s8, $0xFFFFF086  }
0x1c: {  	p1 =	slt.u32 s9, $0xF7A;
	s5 =	simm.s32 @!p2 $0x0  }
0x1d: {  	s5 =	simm.s32 @p1 $0x1;
	p0 =	seq.s32 s7, s2  }
0x1e: {  	s7 =	smul.u32 @!p0 $0xF7A, s2;
	p2 =	seq.s32 @!p0 s5, $0x0  }
0x1f: {  	s9 =	smul.u32 $0xF7A, s1;
	s8 =	simm.s32 @!p0 $0x1BF5;
	p2 =	por !p2, p0  }
0x20: {  	[sflag:s8] =	ssyncset.s32 @!p0 $0xFFFFF086;
	s6 =	sadd.s32 @!p0 s3, s7;
	s7 =	simm.s32 @!p0 $0x108  }
0x21: {  	s3 =	sadd.s32 s3, s9;
	s6 =	sadd.s32 @!p0 $0x88, s6;
	s7 =	simm.s32 @p2 $0x1082  }
0x22: {  	[simem:s7], [sflag:s8] =	dma.local @!p0 [hbm:s6], $0xF7A  }
0x23: {  	s9 =	sor.u32 $0xD0000000, s2;
	s6 =	simm.s32 $0x108;
	_ =	swait.ge @!p0 [sflag:s8], $0x0  }
0x24: {  	s3 =	sadd.s32 $0x88, s3;
	s6 =	simm.s32 @!p1 $0x1082;
	[sflag:s4] =	ssyncset.s32 $0xFFFFF086  }
0x25: {  	[simem:s6], [sflag:s4] =	dma.local [hbm:s3], $0xF7A  }
0x26: {  	[smem:$0x3F99] =	sst s1;
	(tag) =	ssettag s2;
	_ =	strace s9  }
0x27: {  	s1 =	sld [smem:$0x3FA9]  }
0x28: {  	s2 =	sld [smem:$0x3FAA]  }
0x29: {  	s4 =	sld [smem:$0x3FAC]  }
0x2a: {  	p0 =	seq.s32 s5, $0x0;
	s5 =	sld [smem:$0x3FAD]  }
0x2b: {  	s6 =	sld [smem:$0x3FAE]  }
0x2c: {  	s7 =	sld [smem:$0x3FAF]  }
0x2d: {  	s3 =	simm.s32 $0x108;
	s8 =	sld [smem:$0x3FB0]  }
0x2e: {  	s3 =	simm.s32 @!p0 $0x1082;
	s9 =	sld [smem:$0x3FB1]  }
0x2f: {  	lr =	sadd.s32 s0, s3;
	s0 =	sld [smem:$0x3FA8]  }
0x30: {  	s3 =	sld [smem:$0x3FAB]  }
0x31: {  	[smem:$0x3FB4] =	sst s10  }
0x32: {  	s10 =	sld [smem:$0x3FB2];
	_ =	sdelay $0x3  }
0x33: {  	p0 =	seq.s32 s10, $0x1;
	s10 =	sld [smem:$0x3FB4];
	_ =	sdelay $0x3  }
0x34: {  	[smem:$0x3FB4] =	sst s10  }
0x35: {  	s10 =	sld [smem:$0x3FB3];
	_ =	sdelay $0x3  }
0x36: {  	p1 =	seq.s32 s10, $0x1;
	s10 =	sld [smem:$0x3FB4];
	_ =	sdelay $0x3  }
0x37: {  	[smem:$0x3FB4] =	sst s10  }
0x38: {  	s10 =	sld [smem:$0x3FB5]  }
0x39: {  	_ = 	snop;
	(pc) =	sbr.ind lr, $3  }
0x3a: {  	_ = 	snop  }
0x3b: {  	_ = 	snop  }
0x3c: {  	p2 =	seq.s32 s10, $0x1;
	s10 =	sld [smem:$0x3FB4]  }
0x3d: {  	_ =	shalt  }
0x3e: {  	_ =	shalt  }
0x3f: {  	_ =	shalt  }
0x40: {  	_ =	shalt  }
0x41: {  	_ =	shalt  }
0x42: {  	_ =	shalt  }
0x43: {  	_ =	shalt  }
0x44: {  	_ =	shalt  }
0x45: {  	_ =	shalt  }
0x46: {  	_ =	shalt  }
0x47: {  	_ =	shalt  }
0x48: {  	_ =	shalt  }
0x49: {  	_ =	shalt  }
0x4a: {  	_ =	shalt  }
0x4b: {  	_ =	shalt  }
0x4c: {  	_ =	shalt  }
0x4d: {  	_ =	shalt  }
0x4e: {  	_ =	shalt  }
0x4f: {  	_ =	shalt  }
0x50: {  	_ =	shalt  }
0x51: {  	_ =	shalt  }
0x52: {  	_ =	shalt  }
0x53: {  	_ =	shalt  }
0x54: {  	_ =	shalt  }
0x55: {  	_ =	shalt  }
0x56: {  	_ =	shalt  }
0x57: {  	_ =	shalt  }
0x58: {  	_ =	shalt  }
0x59: {  	_ =	shalt  }
0x5a: {  	_ =	shalt  }
0x5b: {  	_ =	shalt  }
0x5c: {  	_ =	shalt  }
0x5d: {  	_ =	shalt  }
0x5e: {  	_ =	shalt  }
0x5f: {  	_ =	shalt  }
0x60: {  	_ =	shalt  }
0x61: {  	_ =	shalt  }
0x62: {  	_ =	shalt  }
0x63: {  	_ =	shalt  }
0x64: {  	_ =	shalt  }
0x65: {  	_ =	shalt  }
0x66: {  	_ =	shalt  }
0x67: {  	_ =	shalt  }
0x68: {  	_ =	shalt  }
0x69: {  	_ =	shalt  }
0x6a: {  	_ =	shalt  }
0x6b: {  	_ =	shalt  }
0x6c: {  	_ =	shalt  }
0x6d: {  	_ =	shalt  }
0x6e: {  	_ =	shalt  }
0x6f: {  	_ =	shalt  }
0x70: {  	_ =	shalt  }
0x71: {  	_ =	shalt  }
0x72: {  	_ =	shalt  }
0x73: {  	_ =	shalt  }
0x74: {  	_ =	shalt  }
0x75: {  	_ =	shalt  }
0x76: {  	_ =	shalt  }
0x77: {  	_ =	shalt  }
0x78: {  	_ =	shalt  }
0x79: {  	_ =	shalt  }
0x7a: {  	_ =	shalt  }
0x7b: {  	_ =	shalt  }
0x7c: {  	_ =	shalt  }
0x7d: {  	_ =	shalt  }
0x7e: {  	_ =	shalt  }
0x7f: {  	_ =	shalt  }
0x80: {  	_ =	shalt  }
0x81: {  	_ =	shalt  }
0x82: {  	_ =	shalt  }
0x83: {  	_ =	shalt  }
0x84: {  	_ =	shalt  }
0x85: {  	_ =	shalt  }
0x86: {  	_ =	shalt  }
0x87: {  	_ =	shalt  }
.Lfunc_end0:
.L_simem_size_0:
called_computation.3_lowered:
.L_overlay_start_0:
0x88: {  	s2 =	sld [smem:$0x3FD9]  }
0x89: {  	s3 =	sld [smem:$0x3FFE];
	_ =	sdelay $0x1  }
0x8a: {  	s1 =	srdreg.scid  }
0x8b: {  	s0 =	sand.u32 $0x1, s1  }
0x8c: {  	s14 =	sshll.u32 s0, $0xA;
	s2 =	sadd.s32 s3, s2  }
0x8d: {  	s2 =	sadd.s32 s2, s14  }
0x8e: {  	[smem:$0x3FC0] =	sst s2  }
0x8f: {  	_ = 	snop  }
0x90: {  	s2 =	sld [smem:$0x3FD0];
	_ =	sdelay $0x2  }
0x91: {  	s15 =	simm.s32 $0xA;
	s4 =	simm.s32 $0x10  }
0x92: {  	[smem:s4], [sflag:s15] =	dma.local [hbm:s2], $0x1  }
0x93: {  	_ =	swait.eq [sflag:s15], $0x1  }
0x94: {  	[sflag:s15] =	ssyncset.done $0x0  }
0x95: {  	[sflag:s15] =	ssyncadd.s32 $0xFFFFFFFF  }
0x96: {  	s16 =	sld [smem:$0x11];
	(tm) =	ssettm $0x1  }
0x97: {  	s17 =	sld [smem:$0x3FFB];
	_ =	sdelay $0x3  }
0x98: {  	_ =	strace s17  }
0x99: {  	s3 =	sld [smem:$0x3FFC];
	_ =	sdelay $0x3  }
0x9a: {  	_ =	strace s3  }
0x9b: {  	s3 =	sld [smem:$0x3FFD];
	_ =	sdelay $0x3  }
0x9c: {  	_ =	strace s3  }
0x9d: {  	_ =	strace $0x8FFFFFFF  }
0x9e: {  	s18 =	sld [smem:$0x3FDB];
	_ =	sdelay $0x1  }
0x9f: {  	s19 =	simm.s32 $_scs_section_size  }
0xa0: {  	s5 =	simm.s32 $_size__tile_overlayer_lowered;
	s6 =	simm.s32 $_tile_overlayer_lowered  }
0xa1: {  	s22 =	simm.s32 $0x1BFF;
	s21 =	sshll.u32 s6, $0x1;
	s3 =	sadd.s32 s19, s18  }
0xa2: {  	s7 =	simm.s32 $0x0;
	s20 =	sshll.u32 s5, $0x1;
	s5 =	sadd.s32 s21, s3  }
0xa3: {  	[timem:s7], [sflag:s22] =	dma.local [hbm:s5], s20  }
0xa4: {  	_ =	swait.ge [sflag:s22], s20  }
0xa5: {  	s4 =	ssub.s32 $0x0, s20;
	[sflag:s22] =	ssyncset.done $0x0  }
0xa6: {  	[sflag:s22] =	ssyncadd.s32 s4;
	_ =	sdelay $0x1  }
0xa7: {  	s23 =	simm.s32 $0x1B8B  }
0xa8: {  	_ =	swait.ge [sflag:s23], $0x1  }
0xa9: {  	[sflag:s23] =	ssyncset.done $0x0  }
0xaa: {  	s25 =	simm.s32 $0x1B8E;
	s24 =	sld [smem:$0x3FFE];
	[sflag:s23] =	ssyncadd.s32 $0xFFFFFFFF  }
0xab: {  	s26 =	simm.s32 $execute0_lowered;
	[smem:$0x3FD2] =	sst s25  }
0xac: {  	s5 =	sshll.u32 s26, $0x1;
	_ =	strace $0x8000004F;
	[dreg:$0x1] =	wrdreg $0xFFFFFFFF  }
0xad: {  	s28 =	simm.s32 $_size_execute0_lowered;
	s3 =	sadd.s32 s3, s5;
	[dreg:$0x0] =	wrdreg $0x0  }
0xae: {  	s5 =	sshll.u32 s28, $0x1;
	[dreg:$0x2] =	wrdreg s3  }
0xaf: {  	[dreg:$0x3] =	wrdreg s5  }
0xb0: {  	[dreg:$0x4] =	wrdreg $0xC0  }
0xb1: {  	_ =	task [dreg:s7], $0x5FFFF  }
0xb2: {  	[dreg:$0x1] =	wrdreg $0xFFFFFFFF  }
0xb3: {  	[dreg:$0x0] =	wrdreg $0x60  }
0xb4: {  	[dreg:$0x2] =	wrdreg s24  }
0xb5: {  	[dreg:$0x3] =	wrdreg s16  }
0xb6: {  	[dreg:$0x4] =	wrdreg $0x120400  }
0xb7: {  	[dreg:$0x5] =	wrdreg $0x9  }
0xb8: {  	_ =	task.clear_ibuf [dreg:s7], $0x6FFFF;
	_ =	strace $0x9000004F  }
0xb9: {  	s29 =	simm.s32 $0x9;
	_ =	strace $0x80000051  }
0xba: {  	_ =	swait.ge [sflag:s29], $0x1  }
0xbb: {  	[sflag:s29] =	ssyncadd.s32 $0xFFFFFFFF  }
0xbc: {  	_ =	strace $0x90000051  }
0xbd: {  	_ =	sfence  }
0xbe: {  	s30 =	sld [smem:$0x0];
	_ =	sdelay $0x2  }
0xbf: {  	s31 =	sshll.u32 s1, $0xD;
	s1 =	sshrl.u32 s1, $0x2  }
0xc0: {  	s3 =	sand.u32 $0x4000, s31;
	s1 =	sadd.s32 s1, s30  }
0xc1: {  	s0 =	sor.u32 s3, s0;
	s1 =	sshll.u32 s1, $0x11  }
0xc2: {  	s0 =	sor.u32 s1, s0  }
0xc3: {  	s0 =	sadd.s32 $0x8F2B, s0  }
0xc4: {  	[sflag:s0] =	ssyncadd.remote.s32 $0x1  }
0xc5: {  	_ =	sfence.sel $0xFFFF  }
0xc6: {  	[dreg:$0x0] =	wrdreg $0xFFFFFFFF;
	(pc) =	sbr.abs _section_cstart, $3  }
0xc7: {  	[dreg:$0x1] =	wrdreg $0xFFFFFFFF  }
0xc8: {  	_ =	task.clear_ibuf [dreg:s7], $0x2FFFF;
	_ =	strace $0x9FFFFFFF  }
0xc9: {  	(tm) =	ssettm $0x7FFFFFFF  }
tec
execute0_lowered:
.L_overlay_start_1:
0x0: {  	(tag) =	ssettag $0x1  }
0x1: {  	s0 =	rddreg [dreg:$0x0]  }
0x2: {  	s1 =	rddreg [dreg:$0x1]  }
0x3: {  	s2 =	rddreg [dreg:$0x2]  }
0x4: {  	s8 =	stileid.u32;
	s4 =	srdreg.scid  }
0x5: {  	s3 =	simm.s32 $0x0;
	s14 =	simm.s32 $0x6;
	s16 =	simm.s32 $0x10040  }
0x6: {  	s17 =	simm.s32 $0x50;
	s18 =	simm.s32 $0x9C40;
	s19 =	simm.s32 $0xB040  }
0x7: {  	s21 =	simm.s32 $0xC440;
	s28 =	simm.s32 $0x1;
	s5 =	smul.u32 $0x4E20, s8  }
0x8: {  	s29 =	simm.s32 $0x2;
	s30 =	simm.s32 $0x3;
	s9 =	smul.u32 $0xA000, s8  }
0x9: {  	s31 =	simm.s32 $0x4;
	s4 =	sand.u32 $0x1, s4;
	s8 =	smul.u32 $0x28000, s8  }
0xa: {  	s15 =	simm.s32 $0x0;
	[smem:$0x7FF] =	sst s3;
	s6 =	smul.u32 $0x13880, s4  }
0xb: {  	_ =	strace $0x80000050;
	s7 =	smul.u32 $0xA0000, s4;
	s4 =	ssub.s32 $0x2, s4  }
0xc: {  	s5 =	sshrl.u32 s5, $0x3;
	s22 =	sshrl.u32 s4, $0x1;
	s24 =	sshrl.u32 s8, $0x2  }
0xd: {  	s26 =	sadd.s32 s9, s2;
	s5 =	sadd.s32 s5, s0;
	s0 =	sadd.s32 s6, s0  }
0xe: {  	s10 =	ssub.s32 s4, s22;
	s23 =	sadd.s32 s9, s7;
	s6 =	sadd.s32 s24, s2  }
0xf: {  	s24 =	simm.s32 $0x9BF0;
	s4 =	sadd.s32 $0xD400, s5;
	s5 =	sadd.s32 $0x17040, s5  }
0x10: {  	s25 =	sshrl.u32 s23, $0x3;
	s7 =	sadd.s32 $0x6F000, s0;
	s9 =	smax.u32 s10, $0x1  }
0x11: {  	s10 =	sadd.s32 $0x2000, s6;
	s11 =	sadd.s32 $0x4000, s6;
	s12 =	sadd.s32 $0x6000, s6  }
0x12: {  	s13 =	sadd.s32 $0x8000, s6;
	s23 =	simm.s32 $0xD840;
	s0 =	simm.s32 $0x5  }
0x13: {  	v0 =	vimm.f32 $0.0e+00;
	s8 =	sadd.s32 s1, s25;
	s25 =	sshrl.u32 s26, $0x3;
	s26 =	simm.s32 $0xEC40  }
.LBB2_1:
0x14: {  	[tilespmem:s3], [sflag:$0x6] =	stream.linear.gather [hbm4b:s4+s3], $0x4E20, $0x38;
	[tilespmem:$0x1C040] =	vst v63  }
0x15: {  	_ =	swait.ge [sflag:s14], $0x4E20  }
0x16: {  	[sflag:s14] =	ssyncset.done $0x0  }
0x17: {  	s1 =	simm.s32 $0x4E20;
	[sflag:s14] =	ssyncadd.s32 $0xFFFFB1E0  }
0x18: {  	[tilespmem:s1], [sflag:$0x6] =	stream.linear.gather [hbm4b:s5+s3], $0x4E20, $0x38;
	[tilespmem:$0x1C040] =	vst v63  }
0x19: {  	_ =	swait.ge [sflag:s14], $0x4E20  }
0x1a: {  	[sflag:s14] =	ssyncset.done $0x0  }
0x1b: {  	s20 =	simm.s32 $0x100;
	s1 =	simm.s32 $0x0;
	[sflag:s14] =	ssyncadd.s32 $0xFFFFB1E0  }
.LBB2_2:
0x1c: {  	p0 =	sne.s32 s20, $0x7F00;
	[tilespmem:s1+$0x10070] =	vst v0;
	s22 =	smov.u32 s20;
	s20 =	sadd.s32 $0x100, s20  }
.Ltmp0:
0x1d: {  	[tilespmem:s1+$0x10060] =	vst v0;
	(pc) =	sbr.rel @p0 .LBB2_2-.Ltmp0, $3  }
0x1e: {  	[tilespmem:s1+$0x10040] =	vst v0  }
0x1f: {  	[tilespmem:s1+$0x10050] =	vst v0;
	_ =	sdelay $0x1  }
0x20: {  	s1 =	sshra.s32 s22, $0x2  }
0x21: {  	[tilespmem:s1+$0x10070] =	vst v0  }
0x22: {  	[tilespmem:s1+$0x10060] =	vst v0  }
0x23: {  	[tilespmem:s1+$0x10040] =	vst v0  }
0x24: {  	[tilespmem:s1+$0x10050] =	vst v0  }
0x25: {  	[spmem:s6] =	stream.linear.scatter [tilespmem:s16], [sflag:$0x6], $0x2000, $0x38;
	[tilespmem:$0x1C040] =	vst v63  }
0x26: {  	_ =	swait.ge [sflag:s14], $0x2000  }
0x27: {  	[sflag:s14] =	ssyncset.done $0x0  }
0x28: {  	[sflag:s14] =	ssyncadd.s32 $0xFFFFE000  }
0x29: {  	[spmem:s10] =	stream.linear.scatter [tilespmem:s16], [sflag:$0x6], $0x2000, $0x38;
	[tilespmem:$0x1C040] =	vst v63  }
0x2a: {  	_ =	swait.ge [sflag:s14], $0x2000  }
0x2b: {  	[sflag:s14] =	ssyncset.done $0x0  }
0x2c: {  	[sflag:s14] =	ssyncadd.s32 $0xFFFFE000  }
0x2d: {  	[spmem:s11] =	stream.linear.scatter [tilespmem:s16], [sflag:$0x6], $0x2000, $0x38;
	[tilespmem:$0x1C040] =	vst v63  }
0x2e: {  	_ =	swait.ge [sflag:s14], $0x2000  }
0x2f: {  	[sflag:s14] =	ssyncset.done $0x0  }
0x30: {  	[sflag:s14] =	ssyncadd.s32 $0xFFFFE000  }
0x31: {  	[spmem:s12] =	stream.linear.scatter [tilespmem:s16], [sflag:$0x6], $0x2000, $0x38;
	[tilespmem:$0x1C040] =	vst v63  }
0x32: {  	_ =	swait.ge [sflag:s14], $0x2000  }
0x33: {  	[sflag:s14] =	ssyncset.done $0x0  }
0x34: {  	[sflag:s14] =	ssyncadd.s32 $0xFFFFE000  }
0x35: {  	[spmem:s13] =	stream.linear.scatter [tilespmem:s16], [sflag:$0x6], $0x2000, $0x38;
	[tilespmem:$0x1C040] =	vst v63  }
0x36: {  	_ =	swait.ge [sflag:s14], $0x2000  }
0x37: {  	[sflag:s14] =	ssyncset.done $0x0  }
0x38: {  	[sflag:s14] =	ssyncadd.s32 $0xFFFFE000  }
0x39: {  	s22 =	simm.s32 $0x0;
	[bflag:$0x0] =	sbarrier.arrive $0xFFFF  }
0x3a: {  	[tilespmem:s18], [sflag:$0x1] =	stream.indirect.gather [hbm4b:s7+s17], $0x40, s22, s17, $0xb8;
	[tilespmem:$0x1C040] =	vst v63  }
0x3b: {  	_ = 	snop  }
0x3c: {  	[tilespmem:s19], [sflag:$0x2] =	stream.indirect.gather [hbm4b:s7+s17], $0x40, s17, s17, $0xb8;
	[tilespmem:$0x1C040] =	vst v63  }
0x3d: {  	s20 =	simm.s32 $0xA0  }
0x3e: {  	[tilespmem:s21], [sflag:$0x3] =	stream.indirect.gather [hbm4b:s7+s17], $0x40, s20, s17, $0xb8;
	[tilespmem:$0x1C040] =	vst v63  }
0x3f: {  	s22 =	simm.s32 $0xF0  }
0x40: {  	[tilespmem:s23], [sflag:$0x4] =	stream.indirect.gather [hbm4b:s7+s17], $0x40, s22, s17, $0xb8;
	[tilespmem:$0x1C040] =	vst v63  }
0x41: {  	s20 =	simm.s32 $0x140  }
0x42: {  	[tilespmem:s26], [sflag:$0x5] =	stream.indirect.gather [hbm4b:s7+s17], $0x40, s20, s17, $0xb8;
	[tilespmem:$0x1C040] =	vst v63  }
0x43: {  	_ =	swait.ge [sflag:s28], $0x1400  }
0x44: {  	[sflag:s28] =	ssyncset.done $0x0  }
0x45: {  	s22 =	simm.s32 $0x4E20;
	[sflag:s28] =	ssyncadd.s32 $0xFFFFEC00  }
0x46: {  	[spmem:s2] =	stream.indirect.scatter.add.f32 [tilespmem:s18], [sflag:$0x1], $0x40, s22, s17, $0xb8;
	[tilespmem:$0x1C040] =	vst v63  }
0x47: {  	_ =	swait.ge [sflag:s28], $0x1400  }
0x48: {  	[sflag:s28] =	ssyncset.done $0x0  }
0x49: {  	s20 =	simm.s32 $0x190;
	[sflag:s28] =	ssyncadd.s32 $0xFFFFEC00  }
0x4a: {  	[tilespmem:s18], [sflag:$0x1] =	stream.indirect.gather [hbm4b:s7+s17], $0x40, s20, s17, $0xb8;
	[tilespmem:$0x1C040] =	vst v63  }
0x4b: {  	_ =	swait.ge [sflag:s29], $0x1400  }
0x4c: {  	[sflag:s29] =	ssyncset.done $0x0  }
0x4d: {  	s22 =	simm.s32 $0x4E70;
	[sflag:s29] =	ssyncadd.s32 $0xFFFFEC00  }
0x4e: {  	[spmem:s2] =	stream.indirect.scatter.add.f32 [tilespmem:s19], [sflag:$0x2], $0x40, s22, s17, $0xb8;
	[tilespmem:$0x1C040] =	vst v63  }
0x4f: {  	_ =	swait.ge [sflag:s29], $0x1400  }
0x50: {  	[sflag:s29] =	ssyncset.done $0x0  }
0x51: {  	s20 =	simm.s32 $0x1E0;
	[sflag:s29] =	ssyncadd.s32 $0xFFFFEC00  }
0x52: {  	[tilespmem:s19], [sflag:$0x2] =	stream.indirect.gather [hbm4b:s7+s17], $0x40, s20, s17, $0xb8;
	[tilespmem:$0x1C040] =	vst v63  }
0x53: {  	_ =	swait.ge [sflag:s30], $0x1400  }
0x54: {  	[sflag:s30] =	ssyncset.done $0x0  }
0x55: {  	s22 =	simm.s32 $0x4EC0;
	[sflag:s30] =	ssyncadd.s32 $0xFFFFEC00  }
0x56: {  	[spmem:s2] =	stream.indirect.scatter.add.f32 [tilespmem:s21], [sflag:$0x3], $0x40, s22, s17, $0xb8;
	[tilespmem:$0x1C040] =	vst v63  }
0x57: {  	_ =	swait.ge [sflag:s30], $0x1400  }
0x58: {  	[sflag:s30] =	ssyncset.done $0x0  }
0x59: {  	s20 =	simm.s32 $0x230;
	[sflag:s30] =	ssyncadd.s32 $0xFFFFEC00  }
0x5a: {  	[tilespmem:s21], [sflag:$0x3] =	stream.indirect.gather [hbm4b:s7+s17], $0x40, s20, s17, $0xb8;
	[tilespmem:$0x1C040] =	vst v63  }
0x5b: {  	_ =	swait.ge [sflag:s31], $0x1400  }
0x5c: {  	[sflag:s31] =	ssyncset.done $0x0  }
0x5d: {  	s22 =	simm.s32 $0x4F10;
	[sflag:s31] =	ssyncadd.s32 $0xFFFFEC00  }
0x5e: {  	[spmem:s2] =	stream.indirect.scatter.add.f32 [tilespmem:s23], [sflag:$0x4], $0x40, s22, s17, $0xb8;
	[tilespmem:$0x1C040] =	vst v63  }
0x5f: {  	_ =	swait.ge [sflag:s31], $0x1400  }
0x60: {  	[sflag:s31] =	ssyncset.done $0x0  }
0x61: {  	s20 =	simm.s32 $0x280;
	[sflag:s31] =	ssyncadd.s32 $0xFFFFEC00  }
0x62: {  	[tilespmem:s23], [sflag:$0x4] =	stream.indirect.gather [hbm4b:s7+s17], $0x40, s20, s17, $0xb8;
	[tilespmem:$0x1C040] =	vst v63  }
0x63: {  	_ =	swait.ge [sflag:s0], $0x1400  }
0x64: {  	[sflag:s0] =	ssyncset.done $0x0  }
0x65: {  	s22 =	simm.s32 $0x4F60;
	[sflag:s0] =	ssyncadd.s32 $0xFFFFEC00  }
0x66: {  	[spmem:s2] =	stream.indirect.scatter.add.f32 [tilespmem:s26], [sflag:$0x5], $0x40, s22, s17, $0xb8;
	[tilespmem:$0x1C040] =	vst v63  }
0x67: {  	_ =	swait.ge [sflag:s0], $0x1400  }
0x68: {  	[sflag:s0] =	ssyncset.done $0x0  }
0x69: {  	s1 =	simm.s32 $0x640;
	s20 =	simm.s32 $0x2D0;
	[sflag:s0] =	ssyncadd.s32 $0xFFFFEC00  }
.LBB2_4:
0x6a: {  	[tilespmem:s26], [sflag:$0x5] =	stream.indirect.gather [hbm4b:s7+s17], $0x40, s20, s17, $0xb8;
	[tilespmem:$0x1C040] =	vst v63  }
0x6b: {  	s20 =	smov.u32 s1  }
0x6c: {  	p0 =	sne.s32 s1, $0x12C00;
	s1 =	sadd.s32 $0x640, s1;
	_ =	swait.ge [sflag:s28], $0x1400  }
0x6d: {  	s20 =	sshra.s32 s20, $0x2;
	[sflag:s28] =	ssyncset.done $0x0  }
0x6e: {  	s22 =	sadd.s32 $0x4E20, s20;
	[sflag:s28] =	ssyncadd.s32 $0xFFFFEC00  }
0x6f: {  	[spmem:s2] =	stream.indirect.scatter.add.f32 [tilespmem:s18], [sflag:$0x1], $0x40, s22, s17, $0xb8;
	[tilespmem:$0x1C040] =	vst v63  }
0x70: {  	_ =	swait.ge [sflag:s28], $0x1400  }
0x71: {  	[sflag:s28] =	ssyncset.done $0x0  }
0x72: {  	s22 =	sadd.s32 $0x190, s20;
	[sflag:s28] =	ssyncadd.s32 $0xFFFFEC00  }
0x73: {  	[tilespmem:s18], [sflag:$0x1] =	stream.indirect.gather [hbm4b:s7+s17], $0x40, s22, s17, $0xb8;
	[tilespmem:$0x1C040] =	vst v63  }
0x74: {  	_ =	swait.ge [sflag:s29], $0x1400  }
0x75: {  	[sflag:s29] =	ssyncset.done $0x0  }
0x76: {  	s22 =	sadd.s32 $0x4E70, s20;
	[sflag:s29] =	ssyncadd.s32 $0xFFFFEC00  }
0x77: {  	[spmem:s2] =	stream.indirect.scatter.add.f32 [tilespmem:s19], [sflag:$0x2], $0x40, s22, s17, $0xb8;
	[tilespmem:$0x1C040] =	vst v63  }
0x78: {  	_ =	swait.ge [sflag:s29], $0x1400  }
0x79: {  	[sflag:s29] =	ssyncset.done $0x0  }
0x7a: {  	s22 =	sadd.s32 $0x1E0, s20;
	[sflag:s29] =	ssyncadd.s32 $0xFFFFEC00  }
0x7b: {  	[tilespmem:s19], [sflag:$0x2] =	stream.indirect.gather [hbm4b:s7+s17], $0x40, s22, s17, $0xb8;
	[tilespmem:$0x1C040] =	vst v63  }
0x7c: {  	_ =	swait.ge [sflag:s30], $0x1400  }
0x7d: {  	[sflag:s30] =	ssyncset.done $0x0  }
0x7e: {  	s22 =	sadd.s32 $0x4EC0, s20;
	[sflag:s30] =	ssyncadd.s32 $0xFFFFEC00  }
0x7f: {  	[spmem:s2] =	stream.indirect.scatter.add.f32 [tilespmem:s21], [sflag:$0x3], $0x40, s22, s17, $0xb8;
	[tilespmem:$0x1C040] =	vst v63  }
0x80: {  	_ =	swait.ge [sflag:s30], $0x1400  }
0x81: {  	[sflag:s30] =	ssyncset.done $0x0  }
0x82: {  	s22 =	sadd.s32 $0x230, s20;
	[sflag:s30] =	ssyncadd.s32 $0xFFFFEC00  }
0x83: {  	[tilespmem:s21], [sflag:$0x3] =	stream.indirect.gather [hbm4b:s7+s17], $0x40, s22, s17, $0xb8;
	[tilespmem:$0x1C040] =	vst v63  }
0x84: {  	_ =	swait.ge [sflag:s31], $0x1400  }
0x85: {  	[sflag:s31] =	ssyncset.done $0x0  }
0x86: {  	s22 =	sadd.s32 $0x4F10, s20;
	[sflag:s31] =	ssyncadd.s32 $0xFFFFEC00  }
0x87: {  	[spmem:s2] =	stream.indirect.scatter.add.f32 [tilespmem:s23], [sflag:$0x4], $0x40, s22, s17, $0xb8;
	[tilespmem:$0x1C040] =	vst v63  }
0x88: {  	_ =	swait.ge [sflag:s31], $0x1400  }
0x89: {  	[sflag:s31] =	ssyncset.done $0x0  }
0x8a: {  	s22 =	sadd.s32 $0x280, s20;
	[sflag:s31] =	ssyncadd.s32 $0xFFFFEC00  }
0x8b: {  	[tilespmem:s23], [sflag:$0x4] =	stream.indirect.gather [hbm4b:s7+s17], $0x40, s22, s17, $0xb8;
	[tilespmem:$0x1C040] =	vst v63  }
0x8c: {  	_ =	swait.ge [sflag:s0], $0x1400  }
0x8d: {  	[sflag:s0] =	ssyncset.done $0x0  }
.Ltmp1:
0x8e: {  	s22 =	sadd.s32 $0x4F60, s20;
	[sflag:s0] =	ssyncadd.s32 $0xFFFFEC00;
	(pc) =	sbr.rel @p0 .LBB2_4-.Ltmp1, $4  }
0x8f: {  	[spmem:s2] =	stream.indirect.scatter.add.f32 [tilespmem:s26], [sflag:$0x5], $0x40, s22, s17, $0xb8;
	[tilespmem:$0x1C040] =	vst v63  }
0x90: {  	_ =	swait.ge [sflag:s0], $0x1400  }
0x91: {  	[sflag:s0] =	ssyncset.done $0x0  }
0x92: {  	s20 =	sadd.s32 $0x2D0, s20;
	[sflag:s0] =	ssyncadd.s32 $0xFFFFEC00  }
0x93: {  	[tilespmem:s26], [sflag:$0x5] =	stream.indirect.gather [hbm4b:s7+s17], $0x40, s20, s17, $0xb8;
	[tilespmem:$0x1C040] =	vst v63  }
0x94: {  	_ =	swait.ge [sflag:s28], $0x1400  }
0x95: {  	[sflag:s28] =	ssyncset.done $0x0  }
0x96: {  	s1 =	simm.s32 $0x9AB0;
	[sflag:s28] =	ssyncadd.s32 $0xFFFFEC00  }
0x97: {  	[spmem:s2] =	stream.indirect.scatter.add.f32 [tilespmem:s18], [sflag:$0x1], $0x40, s1, s17, $0xb8;
	[tilespmem:$0x1C040] =	vst v63  }
0x98: {  	_ =	swait.ge [sflag:s28], $0x1400  }
0x99: {  	[sflag:s28] =	ssyncset.done $0x0  }
0x9a: {  	[sflag:s28] =	ssyncadd.s32 $0xFFFFEC00  }
0x9b: {  	_ =	swait.ge [sflag:s29], $0x1400  }
0x9c: {  	[sflag:s29] =	ssyncset.done $0x0  }
0x9d: {  	s20 =	simm.s32 $0x9B00;
	[sflag:s29] =	ssyncadd.s32 $0xFFFFEC00  }
0x9e: {  	[spmem:s2] =	stream.indirect.scatter.add.f32 [tilespmem:s19], [sflag:$0x2], $0x40, s20, s17, $0xb8;
	[tilespmem:$0x1C040] =	vst v63  }
0x9f: {  	_ =	swait.ge [sflag:s29], $0x1400  }
0xa0: {  	[sflag:s29] =	ssyncset.done $0x0  }
0xa1: {  	[sflag:s29] =	ssyncadd.s32 $0xFFFFEC00  }
0xa2: {  	_ =	swait.ge [sflag:s30], $0x1400  }
0xa3: {  	[sflag:s30] =	ssyncset.done $0x0  }
0xa4: {  	s22 =	simm.s32 $0x9B50;
	[sflag:s30] =	ssyncadd.s32 $0xFFFFEC00  }
0xa5: {  	[spmem:s2] =	stream.indirect.scatter.add.f32 [tilespmem:s21], [sflag:$0x3], $0x40, s22, s17, $0xb8;
	[tilespmem:$0x1C040] =	vst v63  }
0xa6: {  	_ =	swait.ge [sflag:s30], $0x1400  }
0xa7: {  	[sflag:s30] =	ssyncset.done $0x0  }
0xa8: {  	[sflag:s30] =	ssyncadd.s32 $0xFFFFEC00  }
0xa9: {  	_ =	swait.ge [sflag:s31], $0x1400  }
0xaa: {  	[sflag:s31] =	ssyncset.done $0x0  }
0xab: {  	s20 =	simm.s32 $0x9BA0;
	[sflag:s31] =	ssyncadd.s32 $0xFFFFEC00  }
0xac: {  	[spmem:s2] =	stream.indirect.scatter.add.f32 [tilespmem:s23], [sflag:$0x4], $0x40, s20, s17, $0xb8;
	[tilespmem:$0x1C040] =	vst v63  }
0xad: {  	_ =	swait.ge [sflag:s31], $0x1400  }
0xae: {  	[sflag:s31] =	ssyncset.done $0x0  }
0xaf: {  	[sflag:s31] =	ssyncadd.s32 $0xFFFFEC00  }
0xb0: {  	_ =	swait.ge [sflag:s0], $0x1400  }
0xb1: {  	[sflag:s0] =	ssyncset.done $0x0  }
0xb2: {  	[sflag:s0] =	ssyncadd.s32 $0xFFFFEC00  }
0xb3: {  	[spmem:s2] =	stream.indirect.scatter.add.f32 [tilespmem:s26], [sflag:$0x5], $0x40, s24, s17, $0xb8;
	[tilespmem:$0x1C040] =	vst v63  }
0xb4: {  	_ =	swait.ge [sflag:s0], $0x1400  }
0xb5: {  	s15 =	sadd.s32 $0x1, s15;
	s22 =	stileid.u32;
	[sflag:s0] =	ssyncset.done $0x0  }
0xb6: {  	p0 =	sne.s32 s15, s9;
	s1 =	sshll.u32 s22, $0x6;
	[sflag:s0] =	ssyncadd.s32 $0xFFFFEC00  }
.Ltmp2:
0xb7: {  	s1 =	sor.u32 $0x1C06, s1;
	[bflag:$0x0] =	sbarrier.arrive $0xFFFF;
	(pc) =	sbr.rel @p0 .LBB2_1-.Ltmp2, $4  }
0xb8: {  	[hbm:s8], [sflag:s1] =	dma.local [spmem:s25], $0x1400  }
0xb9: {  	_ =	swait.ge [sflag:s14], $0x1400  }
0xba: {  	[sflag:s14] =	ssyncset.done $0x0  }
0xbb: {  	[sflag:s14] =	ssyncadd.s32 $0xFFFFEC00  }
0xbc: {  	_ =	sfence.sel $0x180000  }
0xbd: {  	[bflag:$0x0] =	sbarrier.arrive $0xFFFF  }
0xbe: {  	_ =	strace $0x90000050  }
0xbf: {  	s0 =	stileid.u32;
	[bflag:$0x2] =	sbarrier.arrive $0xFFFF  }
0xc0: {  	p0 =	sne.s32 s0, $0x0;
	s0 =	rddreg [dreg:$0x3]  }
0xc1: {  	s0 =	sadd.s32 @!p0 $0x100000, s0  }
0xc2: {  	[sflag:s0] =	ssyncadd.tile.s32 @!p0 $0x1;
	_ =	shalt  }
.Lfunc_end2:
_tile_overlayer_lowered:
.L_overlay_start_2:
0xc3: {  	(tag) =	ssettag $0x2  }
0xc4: {  	s0 =	rddreg [dreg:$0x0];
	s2 =	stileid.u32  }
0xc5: {  	s1 =	rddreg [dreg:$0x1];
	p0 =	sne.s32 s2, $0x0  }
0xc6: {  	s3 =	rddreg [dreg:$0x2];
	[bflag:$0x3] =	sbarrier.arrive $0xFFFF;
	s2 =	simm.s32 @!p0 $0x1C06  }
0xc7: {  	[timem:s3], [sflag:s2] =	dma.local @!p0 [hbm:s0], s1  }
0xc8: {  	s0 =	simm.s32 @!p0 $0x6  }
0xc9: {  	_ =	swait.ge @!p0 [sflag:s0], s1  }
0xca: {  	s1 =	ssub.s32 @!p0 $0x0, s1;
	[sflag:s0] =	ssyncset.done @!p0 $0x0  }
0xcb: {  	[sflag:s0] =	ssyncadd.s32 @!p0 s1  }
0xcc: {  	[bflag:$0x3] =	sbarrier.arrive $0xFFFF  }
0xcd: {  	_ =	shalt  }

</sc_bundles>
